<compile_context>
chip_gen: v7x
topology: tpu7x:2x2x1
jax: 0.10.2.dev20260603
libtpu: 0.0.44.dev20260713+nightly
codegen_flags: <defaults>
</compile_context>

<pallas_src>
import functools

import jax
import jax.numpy as jnp
from jax import lax
from jax.experimental import pallas as pl
import jax.experimental.pallas.tpu as pltpu
from jax.experimental.pallas import tpu_sc as plsc

L0 = 128
NH = 8
DH = L0 // NH
N_TOK = 32768
N_ENS = 16

BT = 1024
BQ = 512
CH = 1024
NQ = N_TOK // BQ
NCH = N_TOK // CH
INV_SCALE = 1.0 / (DH ** 0.5)
NEG = -1e30


def _layer_norm(x, g, b):
    m = jnp.mean(x, axis=-1, keepdims=True)
    v = jnp.mean((x - m) ** 2, axis=-1, keepdims=True)
    return (x - m) * jax.lax.rsqrt(v + 1e-5) * g + b


def _qkv_kernel(x_ref, g_ref, b_ref, w1_ref, w2_ref, b2_ref,
                wq_ref, bq_ref, wk_ref, bk_ref, wv_ref, bv_ref,
                qt_ref, ko_ref, vt_ref):
    x = x_ref[...]
    xn = _layer_norm(x, g_ref[...], b_ref[...])
    h = jnp.dot(xn, w1_ref[...], preferred_element_type=jnp.float32)
    h = h * jax.nn.sigmoid(h)
    kqv = jnp.dot(h, w2_ref[...], preferred_element_type=jnp.float32) + b2_ref[...]
    k = kqv[:, :L0]
    q = kqv[:, L0:2 * L0]
    v = kqv[:, 2 * L0:]
    qt_ref[...] = (jax.lax.dot_general(
        wq_ref[...], k, (((0,), (1,)), ((), ())),
        preferred_element_type=jnp.float32) + bq_ref[...]).astype(jnp.bfloat16)
    ko_ref[...] = (jnp.dot(q, wk_ref[...], preferred_element_type=jnp.float32)
                   + bk_ref[...]).astype(jnp.bfloat16)
    vt_ref[...] = (jax.lax.dot_general(
        wv_ref[...], v, (((0,), (1,)), ((), ())),
        preferred_element_type=jnp.float32) + bv_ref[...]).astype(jnp.bfloat16)


def _qkv_pass(x, p):
    nb = N_TOK // BT
    wspec = lambda shape: pl.BlockSpec(shape, lambda i: (0, 0))
    out_t = jax.ShapeDtypeStruct((L0, N_TOK), jnp.bfloat16)
    out_n = jax.ShapeDtypeStruct((N_TOK, L0), jnp.bfloat16)
    return pl.pallas_call(
        _qkv_kernel,
        grid=(nb,),
        in_specs=[
            pl.BlockSpec((BT, L0), lambda i: (i, 0)),
            wspec((1, L0)), wspec((1, L0)),
            wspec((L0, 4 * L0)), wspec((4 * L0, 3 * L0)), wspec((1, 3 * L0)),
            wspec((L0, L0)), wspec((L0, 1)),
            wspec((L0, L0)), wspec((1, L0)),
            wspec((L0, L0)), wspec((L0, 1)),
        ],
        out_specs=[pl.BlockSpec((L0, BT), lambda i: (0, i)),
                   pl.BlockSpec((BT, L0), lambda i: (i, 0)),
                   pl.BlockSpec((L0, BT), lambda i: (0, i))],
        out_shape=[out_t, out_n, out_t],
    )(x,
      p['kqv_ln_g'].reshape(1, L0), p['kqv_ln_b'].reshape(1, L0),
      p['kqv_w1'], p['kqv_w2'], p['kqv_b2'].reshape(1, 3 * L0),
      p['wq'] * INV_SCALE, p['bq'].reshape(L0, 1) * INV_SCALE,
      p['wk'], p['bk'].reshape(1, L0),
      p['wv'], p['bv'].reshape(L0, 1))


def _attn_kernel(chlo_ref, nch_ref,
                 qt_ref, k_ref, vt_ref, eq_ref, ea_ref, x_ref,
                 wo_ref, bo_ref, g_ref, b_ref, w1_ref, w2_ref, b2_ref,
                 *rest, final):
    if final:
        (fg_ref, fb_ref, fw1_ref, fw2_ref, fb2_ref, o_ref,
         m_s, l_s, acc_s) = rest
    else:
        (o_ref, m_s, l_s, acc_s) = rest
    i = pl.program_id(0)

    m_s[...] = jnp.full((NH, 1, BQ), NEG, jnp.float32)
    l_s[...] = jnp.zeros((NH, 1, BQ), jnp.float32)
    acc_s[...] = jnp.zeros((NH, DH, BQ), jnp.float32)

    eq = eq_ref[0, 0, :]
    ones_row = jnp.ones((1, CH), jnp.bfloat16)
    base = chlo_ref[i]

    def body(t, carry):
        start = (base + t) * CH
        ek = ea_ref[0, pl.ds(start, CH)]
        bias = jnp.where(ek[:, None] == eq[None, :], 0.0, NEG)
        for h in range(NH):
            kh = k_ref[pl.ds(start, CH), h * DH:(h + 1) * DH]
            qth = qt_ref[h * DH:(h + 1) * DH, :]
            vth = vt_ref[h * DH:(h + 1) * DH, pl.ds(start, CH)]
            st = jax.lax.dot_general(
                kh, qth, (((1,), (0,)), ((), ())),
                preferred_element_type=jnp.float32) + bias
            m_prev = m_s[h]
            m_new = jnp.maximum(m_prev, jnp.max(st, axis=0, keepdims=True))
            alpha = jnp.exp(m_prev - m_new)
            p = jnp.exp(st - m_new).astype(jnp.bfloat16)
            l_s[h] = l_s[h] * alpha + jax.lax.dot_general(
                ones_row, p, (((1,), (0,)), ((), ())),
                preferred_element_type=jnp.float32)
            acc_s[h] = acc_s[h] * alpha + jax.lax.dot_general(
                vth, p, (((1,), (0,)), ((), ())),
                preferred_element_type=jnp.float32)
            m_s[h] = m_new
        return carry

    jax.lax.fori_loop(0, nch_ref[i], body, 0)

    bf = jnp.bfloat16
    ot = jnp.concatenate(
        [acc_s[h] / l_s[h] for h in range(NH)], axis=0)
    o = ot.T
    attn = (jnp.dot(o.astype(bf), wo_ref[...].astype(bf),
                    preferred_element_type=jnp.float32)
            + bo_ref[...] + x_ref[...])
    xn = _layer_norm(attn, g_ref[...], b_ref[...])
    hh = jnp.dot(xn.astype(bf), w1_ref[...].astype(bf),
                 preferred_element_type=jnp.float32)
    hh = hh * jax.nn.sigmoid(hh)
    ff = (jnp.dot(hh.astype(bf), w2_ref[...].astype(bf),
                  preferred_element_type=jnp.float32) + b2_ref[...])
    res = ff + 2.0 * attn
    if final:
        xn2 = _layer_norm(res, fg_ref[...], fb_ref[...])
        h2 = jnp.dot(xn2, fw1_ref[...], preferred_element_type=jnp.float32)
        h2 = h2 * jax.nn.sigmoid(h2)
        o_ref[...] = (jnp.dot(h2, fw2_ref[...], preferred_element_type=jnp.float32)
                      + fb2_ref[...])
    else:
        o_ref[...] = res


def _attn_pass(qt, k, vt, eidx, x, p, ch_lo, nch, fin=None):
    final = fin is not None
    eq = eidx.reshape(NQ, 1, BQ)
    ea = eidx.reshape(1, N_TOK)

    qmap = lambda i, *_: (i, 0)
    wmap = lambda i, *_: (0, 0)

    in_specs = [
        pl.BlockSpec((L0, BQ), lambda i, *_: (0, i)),
        pl.BlockSpec((N_TOK, L0), wmap),
        pl.BlockSpec((L0, N_TOK), wmap),
        pl.BlockSpec((1, 1, BQ), lambda i, *_: (i, 0, 0)),
        pl.BlockSpec((1, N_TOK), wmap),
        pl.BlockSpec((BQ, L0), qmap),
        pl.BlockSpec((L0, L0), wmap), pl.BlockSpec((1, L0), wmap),
        pl.BlockSpec((1, L0), wmap), pl.BlockSpec((1, L0), wmap),
        pl.BlockSpec((L0, 4 * L0), wmap), pl.BlockSpec((4 * L0, L0), wmap),
        pl.BlockSpec((1, L0), wmap),
    ]
    args = [qt, k, vt, eq, ea, x,
            p['wo'], p['bo'].reshape(1, L0),
            p['ff_ln_g'].reshape(1, L0), p['ff_ln_b'].reshape(1, L0),
            p['ff_w1'], p['ff_w2'], p['ff_b2'].reshape(1, L0)]
    if final:
        in_specs += [
            pl.BlockSpec((1, L0), wmap), pl.BlockSpec((1, L0), wmap),
            pl.BlockSpec((L0, 4 * L0), wmap), pl.BlockSpec((4 * L0, 1), wmap),
            pl.BlockSpec((1, 1), wmap),
        ]
        args += [fin['ln_g'].reshape(1, L0), fin['ln_b'].reshape(1, L0),
                 fin['w1'], fin['w2'], fin['b2'].reshape(1, 1)]
        out_shape = jax.ShapeDtypeStruct((N_TOK, 1), jnp.float32)
        out_spec = pl.BlockSpec((BQ, 1), qmap)
    else:
        out_shape = jax.ShapeDtypeStruct((N_TOK, L0), jnp.float32)
        out_spec = pl.BlockSpec((BQ, L0), qmap)

    grid_spec = pltpu.PrefetchScalarGridSpec(
        num_scalar_prefetch=2,
        grid=(NQ,),
        in_specs=in_specs,
        out_specs=out_spec,
        scratch_shapes=[
            pltpu.VMEM((NH, 1, BQ), jnp.float32),
            pltpu.VMEM((NH, 1, BQ), jnp.float32),
            pltpu.VMEM((NH, DH, BQ), jnp.float32),
        ],
    )
    return pl.pallas_call(
        functools.partial(_attn_kernel, final=final),
        grid_spec=grid_spec,
        out_shape=out_shape,
    )(ch_lo, nch, *args)


CH_SHIFT = CH.bit_length() - 1


def _sc_ranges_kernel(e_hbm, chlo_hbm, nch_hbm, data_v, tab_v, out_v, sem):
    wid = lax.axis_index("s") * 2 + lax.axis_index("c")

    @pl.when(wid == 0)
    def _():
        pltpu.async_copy(e_hbm, data_v, sem).wait()
        iot = lax.iota(jnp.int32, 16)

        def search(le):
            lo = jnp.zeros((16,), jnp.int32)
            hi = jnp.full((16,), N_TOK, jnp.int32)
            for _ in range(16):
                mid = jnp.minimum((lo + hi) >> 1, N_TOK - 1)
                vals = plsc.load_gather(data_v, [mid])
                pred = (vals <= iot) if le else (vals < iot)
                lo = jnp.where(pred, mid + 1, lo)
                hi = jnp.where(pred, hi, mid)
            return lo

        tab_v[pl.ds(0, 16)] = search(False)
        tab_v[pl.ds(16, 16)] = search(True)
        for g in range(NQ // 16):
            pos = (iot + g * 16) * BQ
            e_lo = plsc.load_gather(data_v, [pos])
            e_hi = plsc.load_gather(data_v, [pos + (BQ - 1)])
            s_lo = plsc.load_gather(tab_v, [e_lo])
            s_hi = plsc.load_gather(tab_v, [e_hi + 16])
            chlo = lax.shift_right_logical(s_lo, CH_SHIFT)
            nch = lax.shift_right_logical(s_hi - 1, CH_SHIFT) - chlo + 1
            out_v[pl.ds(g * 16, 16)] = chlo
            out_v[pl.ds(NQ + g * 16, 16)] = nch
        pltpu.sync_copy(out_v.at[pl.ds(0, NQ)], chlo_hbm)
        pltpu.sync_copy(out_v.at[pl.ds(NQ, NQ)], nch_hbm)


def _kv_ranges(eidx):
    f = functools.partial(
        pl.kernel,
        out_type=[jax.ShapeDtypeStruct((NQ,), jnp.int32),
                  jax.ShapeDtypeStruct((NQ,), jnp.int32)],
        mesh=plsc.VectorSubcoreMesh(core_axis_name="c", subcore_axis_name="s"),
        scratch_types=[
            pltpu.VMEM((N_TOK,), jnp.int32),
            pltpu.VMEM((2 * N_ENS,), jnp.int32),
            pltpu.VMEM((2 * NQ,), jnp.int32),
            pltpu.SemaphoreType.DMA,
        ],
        compiler_params=pltpu.CompilerParams(needs_layout_passes=False),
    )(_sc_ranges_kernel)
    return f(eidx)


def kernel(features, ensemble_index, p1, p2, fin):
    ch_lo, nch = _kv_ranges(ensemble_index)
    qt1, k1, vt1 = _qkv_pass(features, p1)
    h1 = _attn_pass(qt1, k1, vt1, ensemble_index, features, p1, ch_lo, nch)
    qt2, k2, vt2 = _qkv_pass(h1, p2)
    out = _attn_pass(qt2, k2, vt2, ensemble_index, h1, p2, ch_lo, nch, fin=fin)
    return out

# --- scband reference (transcript-rebuilt; emitter-appended) ---
"""Pipeline reference for scband-transformer-block-8186207666352 (READ-ONLY COPY).

The authoritative reference and input builder live on the scoring server;
editing this copy changes nothing except your own understanding.
"""

import jax, jax.numpy as jnp
import numpy as np

L0 = 128
NH = 8
N_TOK = 32768
N_ENS = 16


def _ln(x, g, b):
    m = jnp.mean(x, axis=-1, keepdims=True)
    v = jnp.var(x, axis=-1, keepdims=True)
    return (x - m) / jnp.sqrt(v + 1e-5) * g + b


def _ffblock(x, g, b, w1, w2, b2, residual):
    h = jax.nn.silu(_ln(x, g, b) @ w1)
    out = h @ w2 + b2
    if residual:
        out = out + x
    return out


def _mha(query, key, value, ensemble_index, P):
    Lq, E = query.shape
    dh = E // NH
    Q = (query @ P['wq'] + P['bq']).reshape(Lq, NH, dh).transpose(1, 0, 2)
    K = (key @ P['wk'] + P['bk']).reshape(key.shape[0], NH, dh).transpose(1, 0, 2)
    V = (value @ P['wv'] + P['bv']).reshape(value.shape[0], NH, dh).transpose(1, 0, 2)
    scale = jnp.sqrt(jnp.float32(dh))
    blk = 1024
    nb = Lq // blk
    Qb = Q.reshape(NH, nb, blk, dh).transpose(1, 0, 2, 3)
    eib = ensemble_index.reshape(nb, blk)

    def block(args):
        qb, eb = args
        s = jnp.einsum('hqd,hkd->hqk', qb, K) / scale
        m = eb[None, :, None] == ensemble_index[None, None, :]
        s = jnp.where(m, s, -jnp.inf)
        a = jax.nn.softmax(s, axis=-1)
        return jnp.einsum('hqk,hkd->hqd', a, V)

    ob = jax.lax.map(block, (Qb, eib))
    o = ob.transpose(1, 0, 2, 3).reshape(NH, Lq, dh).transpose(1, 0, 2).reshape(Lq, E)
    return o @ P['wo'] + P['bo']


def _eba(feats, ensemble_index, P):
    # EnsembleBasedAttention: per-ensemble self-attention expressed as masked
    # full attention (tokens attend only within their ensemble id). NOTE: torch
    # code calls self.attention(k, q, v), i.e. query=k, key=q, value=v -- we
    # preserve that quirk faithfully.
    kqv = _ffblock(feats, P['kqv_ln_g'], P['kqv_ln_b'], P['kqv_w1'], P['kqv_w2'], P['kqv_b2'], False)
    k, q, v = jnp.split(kqv, 3, axis=-1)
    attn = _mha(k, q, v, ensemble_index, P)
    attn = attn + feats
    h = _ffblock(attn, P['ff_ln_g'], P['ff_ln_b'], P['ff_w1'], P['ff_w2'], P['ff_b2'], True)
    h = h + attn
    return h


def _attn_layer_params(key, E):
    ks = jax.random.split(key, 8)
    s = 0.05
    return {
        'kqv_ln_g': jnp.ones((E,), jnp.float32),
        'kqv_ln_b': jnp.zeros((E,), jnp.float32),
        'kqv_w1': jax.random.normal(ks[0], (E, 4 * E), jnp.float32) * s,
        'kqv_w2': jax.random.normal(ks[1], (4 * E, 3 * E), jnp.float32) * s,
        'kqv_b2': jnp.zeros((3 * E,), jnp.float32),
        'wq': jax.random.normal(ks[2], (E, E), jnp.float32) * s,
        'wk': jax.random.normal(ks[3], (E, E), jnp.float32) * s,
        'wv': jax.random.normal(ks[4], (E, E), jnp.float32) * s,
        'bq': jnp.zeros((E,), jnp.float32),
        'bk': jnp.zeros((E,), jnp.float32),
        'bv': jnp.zeros((E,), jnp.float32),
        'wo': jax.random.normal(ks[5], (E, E), jnp.float32) * s,
        'bo': jnp.zeros((E,), jnp.float32),
        'ff_ln_g': jnp.ones((E,), jnp.float32),
        'ff_ln_b': jnp.zeros((E,), jnp.float32),
        'ff_w1': jax.random.normal(ks[6], (E, 4 * E), jnp.float32) * s,
        'ff_w2': jax.random.normal(ks[7], (4 * E, E), jnp.float32) * s,
        'ff_b2': jnp.zeros((E,), jnp.float32),
    }


def setup_inputs(seed: int = 0) -> dict:
    key = jax.random.key(seed)
    k1, k2, k3, k4, k5, k6 = jax.random.split(key, 6)
    features = jax.random.normal(k1, (N_TOK, 512), jnp.float32)
    ensemble_index = jnp.sort(jax.random.randint(k2, (N_TOK,), 0, N_ENS, jnp.int32))
    p1 = _attn_layer_params(k3, L0)
    p2 = _attn_layer_params(k4, L0)
    fin = {
        'ln_g': jnp.ones((L0,), jnp.float32),
        'ln_b': jnp.zeros((L0,), jnp.float32),
        'w1': jax.random.normal(k5, (L0, 4 * L0), jnp.float32) * 0.05,
        'w2': jax.random.normal(k6, (4 * L0, 1), jnp.float32) * 0.05,
        'b2': jnp.zeros((1,), jnp.float32),
    }
    return {'features': features, 'ensemble_index': ensemble_index, 'p1': p1, 'p2': p2, 'fin': fin}


def reference(features, ensemble_index, p1, p2, fin):
    # TransformerBlock.forward: split off l0 scalars, two ensemble-attention layers,
    # final FFBlock projecting to 1 output per token.
    feats = features[:, :L0]
    feats = _eba(feats, ensemble_index, p1)
    feats = _eba(feats, ensemble_index, p2)
    out = _ffblock(feats, fin['ln_g'], fin['ln_b'], fin['w1'], fin['w2'], fin['b2'], False)
    return out

if __name__ == "__main__":
    import jax
    _d = setup_inputs()
    print(jax.jit(kernel)(*tuple(_d.values())))

</pallas_src>

<mosaic_0001>
#map = affine_map<(d0, d1) -> (0)>
module attributes {stable_mosaic.version = 14 : i64} {
  func.func @_sc_ranges_kernel(%arg0: i32, %arg1: i32, %arg2: memref<32768xi32, #tpu.memory_space<hbm>>, %arg3: memref<64xi32, #tpu.memory_space<hbm>>, %arg4: memref<64xi32, #tpu.memory_space<hbm>>, %arg5: memref<32768xi32, #tpu.memory_space<vmem>>, %arg6: memref<32xi32, #tpu.memory_space<vmem>>, %arg7: memref<128xi32, #tpu.memory_space<vmem>>, %arg8: memref<!tpu.dma_semaphore, #tpu.memory_space<semaphore_mem>>) attributes {dimension_semantics = [#tpu.dimension_semantics<core_parallel>, #tpu.dimension_semantics<subcore_parallel>], iteration_bounds = array<i64: 2, 16>, scalar_prefetch = 0 : i64, scratch_operands = 4 : i64, tpu.core_type = #tpu.core_type<sc_vector_subcore>, window_params = [{transform_indices = #map}, {transform_indices = #map}, {transform_indices = #map}]} {
    %mul3A = arith.constant 2 : i32
    %mul3A_0 = arith.muli %arg1, %mul3A : i32
    %add3A = arith.addi %mul3A_0, %arg0 : i32
    %eq3A = arith.constant 0 : i32
    %eq3A_1 = arith.cmpi eq, %add3A, %eq3A : i32
    %convert_element_type3A = arith.extui %eq3A_1 : i1 to i32
    %cond3A = arith.constant 0 : i32
    %cond3A_2 = arith.cmpi ne, %convert_element_type3A, %cond3A : i32
    scf.if %cond3A_2 {
      tpu.enqueue_dma source(%arg2 : memref<32768xi32, #tpu.memory_space<hbm>>) target(%arg5 : memref<32768xi32, #tpu.memory_space<vmem>>) target_semaphore(%arg8 : memref<!tpu.dma_semaphore, #tpu.memory_space<semaphore_mem>>)
      tpu.wait_dma2 semaphore(%arg8 : memref<!tpu.dma_semaphore, #tpu.memory_space<semaphore_mem>>) src(%arg2 : memref<32768xi32, #tpu.memory_space<hbm>>) dst(%arg5 : memref<32768xi32, #tpu.memory_space<vmem>>)
      %iota3A = tpu.iota {dimensions = array<i32: 0>} : vector<16xi32>
      %broadcast_in_dim3A = arith.constant 0 : i32
      %broadcast_in_dim3A_3 = vector.broadcast %broadcast_in_dim3A : i32 to vector<16xi32>
      %broadcast_in_dim3A_4 = arith.constant 32768 : i32
      %broadcast_in_dim3A_5 = vector.broadcast %broadcast_in_dim3A_4 : i32 to vector<16xi32>
      %add3A_6 = arith.addi %broadcast_in_dim3A_3, %broadcast_in_dim3A_5 : vector<16xi32>
      %shift_right_arithmetic3A = arith.constant 1 : i32
      %shift_right_arithmetic3A_7 = vector.broadcast %shift_right_arithmetic3A : i32 to vector<16xi32>
      %shift_right_arithmetic3A_8 = arith.shrsi %add3A_6, %shift_right_arithmetic3A_7 : vector<16xi32>
      %min3A = arith.constant 32767 : i32
      %min3A_9 = vector.broadcast %min3A : i32 to vector<16xi32>
      %min3A_10 = arith.minsi %shift_right_arithmetic3A_8, %min3A_9 : vector<16xi32>
      %gather3A = tpu.vector_load_idx %arg5[%min3A_10] : memref<32768xi32, #tpu.memory_space<vmem>>[vector<16xi32>], vector<16xi32>,
      %lt3A = arith.cmpi slt, %gather3A, %iota3A : vector<16xi32>
      %add3A_11 = arith.constant 1 : i32
      %add3A_12 = vector.broadcast %add3A_11 : i32 to vector<16xi32>
      %add3A_13 = arith.addi %min3A_10, %add3A_12 : vector<16xi32>
      %select_n3A = arith.select %lt3A, %add3A_13, %broadcast_in_dim3A_3 : vector<16xi1>, vector<16xi32>
      %select_n3A_14 = arith.select %lt3A, %broadcast_in_dim3A_5, %min3A_10 : vector<16xi1>, vector<16xi32>
      %add3A_15 = arith.addi %select_n3A, %select_n3A_14 : vector<16xi32>
      %shift_right_arithmetic3A_16 = arith.constant 1 : i32
      %shift_right_arithmetic3A_17 = vector.broadcast %shift_right_arithmetic3A_16 : i32 to vector<16xi32>
      %shift_right_arithmetic3A_18 = arith.shrsi %add3A_15, %shift_right_arithmetic3A_17 : vector<16xi32>
      %min3A_19 = arith.constant 32767 : i32
      %min3A_20 = vector.broadcast %min3A_19 : i32 to vector<16xi32>
      %min3A_21 = arith.minsi %shift_right_arithmetic3A_18, %min3A_20 : vector<16xi32>
      %gather3A_22 = tpu.vector_load_idx %arg5[%min3A_21] : memref<32768xi32, #tpu.memory_space<vmem>>[vector<16xi32>], vector<16xi32>,
      %lt3A_23 = arith.cmpi slt, %gather3A_22, %iota3A : vector<16xi32>
      %add3A_24 = arith.constant 1 : i32
      %add3A_25 = vector.broadcast %add3A_24 : i32 to vector<16xi32>
      %add3A_26 = arith.addi %min3A_21, %add3A_25 : vector<16xi32>
      %select_n3A_27 = arith.select %lt3A_23, %add3A_26, %select_n3A : vector<16xi1>, vector<16xi32>
      %select_n3A_28 = arith.select %lt3A_23, %select_n3A_14, %min3A_21 : vector<16xi1>, vector<16xi32>
      %add3A_29 = arith.addi %select_n3A_27, %select_n3A_28 : vector<16xi32>
      %shift_right_arithmetic3A_30 = arith.constant 1 : i32
      %shift_right_arithmetic3A_31 = vector.broadcast %shift_right_arithmetic3A_30 : i32 to vector<16xi32>
      %shift_right_arithmetic3A_32 = arith.shrsi %add3A_29, %shift_right_arithmetic3A_31 : vector<16xi32>
      %min3A_33 = arith.constant 32767 : i32
      %min3A_34 = vector.broadcast %min3A_33 : i32 to vector<16xi32>
      %min3A_35 = arith.minsi %shift_right_arithmetic3A_32, %min3A_34 : vector<16xi32>
      %gather3A_36 = tpu.vector_load_idx %arg5[%min3A_35] : memref<32768xi32, #tpu.memory_space<vmem>>[vector<16xi32>], vector<16xi32>,
      %lt3A_37 = arith.cmpi slt, %gather3A_36, %iota3A : vector<16xi32>
      %add3A_38 = arith.constant 1 : i32
      %add3A_39 = vector.broadcast %add3A_38 : i32 to vector<16xi32>
      %add3A_40 = arith.addi %min3A_35, %add3A_39 : vector<16xi32>
      %select_n3A_41 = arith.select %lt3A_37, %add3A_40, %select_n3A_27 : vector<16xi1>, vector<16xi32>
      %select_n3A_42 = arith.select %lt3A_37, %select_n3A_28, %min3A_35 : vector<16xi1>, vector<16xi32>
      %add3A_43 = arith.addi %select_n3A_41, %select_n3A_42 : vector<16xi32>
      %shift_right_arithmetic3A_44 = arith.constant 1 : i32
      %shift_right_arithmetic3A_45 = vector.broadcast %shift_right_arithmetic3A_44 : i32 to vector<16xi32>
      %shift_right_arithmetic3A_46 = arith.shrsi %add3A_43, %shift_right_arithmetic3A_45 : vector<16xi32>
      %min3A_47 = arith.constant 32767 : i32
      %min3A_48 = vector.broadcast %min3A_47 : i32 to vector<16xi32>
      %min3A_49 = arith.minsi %shift_right_arithmetic3A_46, %min3A_48 : vector<16xi32>
      %gather3A_50 = tpu.vector_load_idx %arg5[%min3A_49] : memref<32768xi32, #tpu.memory_space<vmem>>[vector<16xi32>], vector<16xi32>,
      %lt3A_51 = arith.cmpi slt, %gather3A_50, %iota3A : vector<16xi32>
      %add3A_52 = arith.constant 1 : i32
      %add3A_53 = vector.broadcast %add3A_52 : i32 to vector<16xi32>
      %add3A_54 = arith.addi %min3A_49, %add3A_53 : vector<16xi32>
      %select_n3A_55 = arith.select %lt3A_51, %add3A_54, %select_n3A_41 : vector<16xi1>, vector<16xi32>
      %select_n3A_56 = arith.select %lt3A_51, %select_n3A_42, %min3A_49 : vector<16xi1>, vector<16xi32>
      %add3A_57 = arith.addi %select_n3A_55, %select_n3A_56 : vector<16xi32>
      %shift_right_arithmetic3A_58 = arith.constant 1 : i32
      %shift_right_arithmetic3A_59 = vector.broadcast %shift_right_arithmetic3A_58 : i32 to vector<16xi32>
      %shift_right_arithmetic3A_60 = arith.shrsi %add3A_57, %shift_right_arithmetic3A_59 : vector<16xi32>
      %min3A_61 = arith.constant 32767 : i32
      %min3A_62 = vector.broadcast %min3A_61 : i32 to vector<16xi32>
      %min3A_63 = arith.minsi %shift_right_arithmetic3A_60, %min3A_62 : vector<16xi32>
      %gather3A_64 = tpu.vector_load_idx %arg5[%min3A_63] : memref<32768xi32, #tpu.memory_space<vmem>>[vector<16xi32>], vector<16xi32>,
      %lt3A_65 = arith.cmpi slt, %gather3A_64, %iota3A : vector<16xi32>
      %add3A_66 = arith.constant 1 : i32
      %add3A_67 = vector.broadcast %add3A_66 : i32 to vector<16xi32>
      %add3A_68 = arith.addi %min3A_63, %add3A_67 : vector<16xi32>
      %select_n3A_69 = arith.select %lt3A_65, %add3A_68, %select_n3A_55 : vector<16xi1>, vector<16xi32>
      %select_n3A_70 = arith.select %lt3A_65, %select_n3A_56, %min3A_63 : vector<16xi1>, vector<16xi32>
      %add3A_71 = arith.addi %select_n3A_69, %select_n3A_70 : vector<16xi32>
      %shift_right_arithmetic3A_72 = arith.constant 1 : i32
      %shift_right_arithmetic3A_73 = vector.broadcast %shift_right_arithmetic3A_72 : i32 to vector<16xi32>
      %shift_right_arithmetic3A_74 = arith.shrsi %add3A_71, %shift_right_arithmetic3A_73 : vector<16xi32>
      %min3A_75 = arith.constant 32767 : i32
      %min3A_76 = vector.broadcast %min3A_75 : i32 to vector<16xi32>
      %min3A_77 = arith.minsi %shift_right_arithmetic3A_74, %min3A_76 : vector<16xi32>
      %gather3A_78 = tpu.vector_load_idx %arg5[%min3A_77] : memref<32768xi32, #tpu.memory_space<vmem>>[vector<16xi32>], vector<16xi32>,
      %lt3A_79 = arith.cmpi slt, %gather3A_78, %iota3A : vector<16xi32>
      %add3A_80 = arith.constant 1 : i32
      %add3A_81 = vector.broadcast %add3A_80 : i32 to vector<16xi32>
      %add3A_82 = arith.addi %min3A_77, %add3A_81 : vector<16xi32>
      %select_n3A_83 = arith.select %lt3A_79, %add3A_82, %select_n3A_69 : vector<16xi1>, vector<16xi32>
      %select_n3A_84 = arith.select %lt3A_79, %select_n3A_70, %min3A_77 : vector<16xi1>, vector<16xi32>
      %add3A_85 = arith.addi %select_n3A_83, %select_n3A_84 : vector<16xi32>
      %shift_right_arithmetic3A_86 = arith.constant 1 : i32
      %shift_right_arithmetic3A_87 = vector.broadcast %shift_right_arithmetic3A_86 : i32 to vector<16xi32>
      %shift_right_arithmetic3A_88 = arith.shrsi %add3A_85, %shift_right_arithmetic3A_87 : vector<16xi32>
      %min3A_89 = arith.constant 32767 : i32
      %min3A_90 = vector.broadcast %min3A_89 : i32 to vector<16xi32>
      %min3A_91 = arith.minsi %shift_right_arithmetic3A_88, %min3A_90 : vector<16xi32>
      %gather3A_92 = tpu.vector_load_idx %arg5[%min3A_91] : memref<32768xi32, #tpu.memory_space<vmem>>[vector<16xi32>], vector<16xi32>,
      %lt3A_93 = arith.cmpi slt, %gather3A_92, %iota3A : vector<16xi32>
      %add3A_94 = arith.constant 1 : i32
      %add3A_95 = vector.broadcast %add3A_94 : i32 to vector<16xi32>
      %add3A_96 = arith.addi %min3A_91, %add3A_95 : vector<16xi32>
      %select_n3A_97 = arith.select %lt3A_93, %add3A_96, %select_n3A_83 : vector<16xi1>, vector<16xi32>
      %select_n3A_98 = arith.select %lt3A_93, %select_n3A_84, %min3A_91 : vector<16xi1>, vector<16xi32>
      %add3A_99 = arith.addi %select_n3A_97, %select_n3A_98 : vector<16xi32>
      %shift_right_arithmetic3A_100 = arith.constant 1 : i32
      %shift_right_arithmetic3A_101 = vector.broadcast %shift_right_arithmetic3A_100 : i32 to vector<16xi32>
      %shift_right_arithmetic3A_102 = arith.shrsi %add3A_99, %shift_right_arithmetic3A_101 : vector<16xi32>
      %min3A_103 = arith.constant 32767 : i32
      %min3A_104 = vector.broadcast %min3A_103 : i32 to vector<16xi32>
      %min3A_105 = arith.minsi %shift_right_arithmetic3A_102, %min3A_104 : vector<16xi32>
      %gather3A_106 = tpu.vector_load_idx %arg5[%min3A_105] : memref<32768xi32, #tpu.memory_space<vmem>>[vector<16xi32>], vector<16xi32>,
      %lt3A_107 = arith.cmpi slt, %gather3A_106, %iota3A : vector<16xi32>
      %add3A_108 = arith.constant 1 : i32
      %add3A_109 = vector.broadcast %add3A_108 : i32 to vector<16xi32>
      %add3A_110 = arith.addi %min3A_105, %add3A_109 : vector<16xi32>
      %select_n3A_111 = arith.select %lt3A_107, %add3A_110, %select_n3A_97 : vector<16xi1>, vector<16xi32>
      %select_n3A_112 = arith.select %lt3A_107, %select_n3A_98, %min3A_105 : vector<16xi1>, vector<16xi32>
      %add3A_113 = arith.addi %select_n3A_111, %select_n3A_112 : vector<16xi32>
      %shift_right_arithmetic3A_114 = arith.constant 1 : i32
      %shift_right_arithmetic3A_115 = vector.broadcast %shift_right_arithmetic3A_114 : i32 to vector<16xi32>
      %shift_right_arithmetic3A_116 = arith.shrsi %add3A_113, %shift_right_arithmetic3A_115 : vector<16xi32>
      %min3A_117 = arith.constant 32767 : i32
      %min3A_118 = vector.broadcast %min3A_117 : i32 to vector<16xi32>
      %min3A_119 = arith.minsi %shift_right_arithmetic3A_116, %min3A_118 : vector<16xi32>
      %gather3A_120 = tpu.vector_load_idx %arg5[%min3A_119] : memref<32768xi32, #tpu.memory_space<vmem>>[vector<16xi32>], vector<16xi32>,
      %lt3A_121 = arith.cmpi slt, %gather3A_120, %iota3A : vector<16xi32>
      %add3A_122 = arith.constant 1 : i32
      %add3A_123 = vector.broadcast %add3A_122 : i32 to vector<16xi32>
      %add3A_124 = arith.addi %min3A_119, %add3A_123 : vector<16xi32>
      %select_n3A_125 = arith.select %lt3A_121, %add3A_124, %select_n3A_111 : vector<16xi1>, vector<16xi32>
      %select_n3A_126 = arith.select %lt3A_121, %select_n3A_112, %min3A_119 : vector<16xi1>, vector<16xi32>
      %add3A_127 = arith.addi %select_n3A_125, %select_n3A_126 : vector<16xi32>
      %shift_right_arithmetic3A_128 = arith.constant 1 : i32
      %shift_right_arithmetic3A_129 = vector.broadcast %shift_right_arithmetic3A_128 : i32 to vector<16xi32>
      %shift_right_arithmetic3A_130 = arith.shrsi %add3A_127, %shift_right_arithmetic3A_129 : vector<16xi32>
      %min3A_131 = arith.constant 32767 : i32
      %min3A_132 = vector.broadcast %min3A_131 : i32 to vector<16xi32>
      %min3A_133 = arith.minsi %shift_right_arithmetic3A_130, %min3A_132 : vector<16xi32>
      %gather3A_134 = tpu.vector_load_idx %arg5[%min3A_133] : memref<32768xi32, #tpu.memory_space<vmem>>[vector<16xi32>], vector<16xi32>,
      %lt3A_135 = arith.cmpi slt, %gather3A_134, %iota3A : vector<16xi32>
      %add3A_136 = arith.constant 1 : i32
      %add3A_137 = vector.broadcast %add3A_136 : i32 to vector<16xi32>
      %add3A_138 = arith.addi %min3A_133, %add3A_137 : vector<16xi32>
      %select_n3A_139 = arith.select %lt3A_135, %add3A_138, %select_n3A_125 : vector<16xi1>, vector<16xi32>
      %select_n3A_140 = arith.select %lt3A_135, %select_n3A_126, %min3A_133 : vector<16xi1>, vector<16xi32>
      %add3A_141 = arith.addi %select_n3A_139, %select_n3A_140 : vector<16xi32>
      %shift_right_arithmetic3A_142 = arith.constant 1 : i32
      %shift_right_arithmetic3A_143 = vector.broadcast %shift_right_arithmetic3A_142 : i32 to vector<16xi32>
      %shift_right_arithmetic3A_144 = arith.shrsi %add3A_141, %shift_right_arithmetic3A_143 : vector<16xi32>
      %min3A_145 = arith.constant 32767 : i32
      %min3A_146 = vector.broadcast %min3A_145 : i32 to vector<16xi32>
      %min3A_147 = arith.minsi %shift_right_arithmetic3A_144, %min3A_146 : vector<16xi32>
      %gather3A_148 = tpu.vector_load_idx %arg5[%min3A_147] : memref<32768xi32, #tpu.memory_space<vmem>>[vector<16xi32>], vector<16xi32>,
      %lt3A_149 = arith.cmpi slt, %gather3A_148, %iota3A : vector<16xi32>
      %add3A_150 = arith.constant 1 : i32
      %add3A_151 = vector.broadcast %add3A_150 : i32 to vector<16xi32>
      %add3A_152 = arith.addi %min3A_147, %add3A_151 : vector<16xi32>
      %select_n3A_153 = arith.select %lt3A_149, %add3A_152, %select_n3A_139 : vector<16xi1>, vector<16xi32>
      %select_n3A_154 = arith.select %lt3A_149, %select_n3A_140, %min3A_147 : vector<16xi1>, vector<16xi32>
      %add3A_155 = arith.addi %select_n3A_153, %select_n3A_154 : vector<16xi32>
      %shift_right_arithmetic3A_156 = arith.constant 1 : i32
      %shift_right_arithmetic3A_157 = vector.broadcast %shift_right_arithmetic3A_156 : i32 to vector<16xi32>
      %shift_right_arithmetic3A_158 = arith.shrsi %add3A_155, %shift_right_arithmetic3A_157 : vector<16xi32>
      %min3A_159 = arith.constant 32767 : i32
      %min3A_160 = vector.broadcast %min3A_159 : i32 to vector<16xi32>
      %min3A_161 = arith.minsi %shift_right_arithmetic3A_158, %min3A_160 : vector<16xi32>
      %gather3A_162 = tpu.vector_load_idx %arg5[%min3A_161] : memref<32768xi32, #tpu.memory_space<vmem>>[vector<16xi32>], vector<16xi32>,
      %lt3A_163 = arith.cmpi slt, %gather3A_162, %iota3A : vector<16xi32>
      %add3A_164 = arith.constant 1 : i32
      %add3A_165 = vector.broadcast %add3A_164 : i32 to vector<16xi32>
      %add3A_166 = arith.addi %min3A_161, %add3A_165 : vector<16xi32>
      %select_n3A_167 = arith.select %lt3A_163, %add3A_166, %select_n3A_153 : vector<16xi1>, vector<16xi32>
      %select_n3A_168 = arith.select %lt3A_163, %select_n3A_154, %min3A_161 : vector<16xi1>, vector<16xi32>
      %add3A_169 = arith.addi %select_n3A_167, %select_n3A_168 : vector<16xi32>
      %shift_right_arithmetic3A_170 = arith.constant 1 : i32
      %shift_right_arithmetic3A_171 = vector.broadcast %shift_right_arithmetic3A_170 : i32 to vector<16xi32>
      %shift_right_arithmetic3A_172 = arith.shrsi %add3A_169, %shift_right_arithmetic3A_171 : vector<16xi32>
      %min3A_173 = arith.constant 32767 : i32
      %min3A_174 = vector.broadcast %min3A_173 : i32 to vector<16xi32>
      %min3A_175 = arith.minsi %shift_right_arithmetic3A_172, %min3A_174 : vector<16xi32>
      %gather3A_176 = tpu.vector_load_idx %arg5[%min3A_175] : memref<32768xi32, #tpu.memory_space<vmem>>[vector<16xi32>], vector<16xi32>,
      %lt3A_177 = arith.cmpi slt, %gather3A_176, %iota3A : vector<16xi32>
      %add3A_178 = arith.constant 1 : i32
      %add3A_179 = vector.broadcast %add3A_178 : i32 to vector<16xi32>
      %add3A_180 = arith.addi %min3A_175, %add3A_179 : vector<16xi32>
      %select_n3A_181 = arith.select %lt3A_177, %add3A_180, %select_n3A_167 : vector<16xi1>, vector<16xi32>
      %select_n3A_182 = arith.select %lt3A_177, %select_n3A_168, %min3A_175 : vector<16xi1>, vector<16xi32>
      %add3A_183 = arith.addi %select_n3A_181, %select_n3A_182 : vector<16xi32>
      %shift_right_arithmetic3A_184 = arith.constant 1 : i32
      %shift_right_arithmetic3A_185 = vector.broadcast %shift_right_arithmetic3A_184 : i32 to vector<16xi32>
      %shift_right_arithmetic3A_186 = arith.shrsi %add3A_183, %shift_right_arithmetic3A_185 : vector<16xi32>
      %min3A_187 = arith.constant 32767 : i32
      %min3A_188 = vector.broadcast %min3A_187 : i32 to vector<16xi32>
      %min3A_189 = arith.minsi %shift_right_arithmetic3A_186, %min3A_188 : vector<16xi32>
      %gather3A_190 = tpu.vector_load_idx %arg5[%min3A_189] : memref<32768xi32, #tpu.memory_space<vmem>>[vector<16xi32>], vector<16xi32>,
      %lt3A_191 = arith.cmpi slt, %gather3A_190, %iota3A : vector<16xi32>
      %add3A_192 = arith.constant 1 : i32
      %add3A_193 = vector.broadcast %add3A_192 : i32 to vector<16xi32>
      %add3A_194 = arith.addi %min3A_189, %add3A_193 : vector<16xi32>
      %select_n3A_195 = arith.select %lt3A_191, %add3A_194, %select_n3A_181 : vector<16xi1>, vector<16xi32>
      %select_n3A_196 = arith.select %lt3A_191, %select_n3A_182, %min3A_189 : vector<16xi1>, vector<16xi32>
      %add3A_197 = arith.addi %select_n3A_195, %select_n3A_196 : vector<16xi32>
      %shift_right_arithmetic3A_198 = arith.constant 1 : i32
      %shift_right_arithmetic3A_199 = vector.broadcast %shift_right_arithmetic3A_198 : i32 to vector<16xi32>
      %shift_right_arithmetic3A_200 = arith.shrsi %add3A_197, %shift_right_arithmetic3A_199 : vector<16xi32>
      %min3A_201 = arith.constant 32767 : i32
      %min3A_202 = vector.broadcast %min3A_201 : i32 to vector<16xi32>
      %min3A_203 = arith.minsi %shift_right_arithmetic3A_200, %min3A_202 : vector<16xi32>
      %gather3A_204 = tpu.vector_load_idx %arg5[%min3A_203] : memref<32768xi32, #tpu.memory_space<vmem>>[vector<16xi32>], vector<16xi32>,
      %lt3A_205 = arith.cmpi slt, %gather3A_204, %iota3A : vector<16xi32>
      %add3A_206 = arith.constant 1 : i32
      %add3A_207 = vector.broadcast %add3A_206 : i32 to vector<16xi32>
      %add3A_208 = arith.addi %min3A_203, %add3A_207 : vector<16xi32>
      %select_n3A_209 = arith.select %lt3A_205, %add3A_208, %select_n3A_195 : vector<16xi1>, vector<16xi32>
      %select_n3A_210 = arith.select %lt3A_205, %select_n3A_196, %min3A_203 : vector<16xi1>, vector<16xi32>
      %add3A_211 = arith.addi %select_n3A_209, %select_n3A_210 : vector<16xi32>
      %shift_right_arithmetic3A_212 = arith.constant 1 : i32
      %shift_right_arithmetic3A_213 = vector.broadcast %shift_right_arithmetic3A_212 : i32 to vector<16xi32>
      %shift_right_arithmetic3A_214 = arith.shrsi %add3A_211, %shift_right_arithmetic3A_213 : vector<16xi32>
      %min3A_215 = arith.constant 32767 : i32
      %min3A_216 = vector.broadcast %min3A_215 : i32 to vector<16xi32>
      %min3A_217 = arith.minsi %shift_right_arithmetic3A_214, %min3A_216 : vector<16xi32>
      %gather3A_218 = tpu.vector_load_idx %arg5[%min3A_217] : memref<32768xi32, #tpu.memory_space<vmem>>[vector<16xi32>], vector<16xi32>,
      %lt3A_219 = arith.cmpi slt, %gather3A_218, %iota3A : vector<16xi32>
      %add3A_220 = arith.constant 1 : i32
      %add3A_221 = vector.broadcast %add3A_220 : i32 to vector<16xi32>
      %add3A_222 = arith.addi %min3A_217, %add3A_221 : vector<16xi32>
      %select_n3A_223 = arith.select %lt3A_219, %add3A_222, %select_n3A_209 : vector<16xi1>, vector<16xi32>
      %select_n3A_224 = arith.select %lt3A_219, %select_n3A_210, %min3A_217 : vector<16xi1>, vector<16xi32>
      %swap3A = arith.constant 0 : index
      %swap3A_225 = tpu.vector_load %arg6[%swap3A] {strides = array<i32>} : memref<32xi32, #tpu.memory_space<vmem>>, vector<16xi32>,
      tpu.vector_store %arg6[%swap3A], %select_n3A_223 {strides = array<i32>} : memref<32xi32, #tpu.memory_space<vmem>>, vector<16xi32>,
      %broadcast_in_dim3A_226 = arith.constant 0 : i32
      %broadcast_in_dim3A_227 = vector.broadcast %broadcast_in_dim3A_226 : i32 to vector<16xi32>
      %broadcast_in_dim3A_228 = arith.constant 32768 : i32
      %broadcast_in_dim3A_229 = vector.broadcast %broadcast_in_dim3A_228 : i32 to vector<16xi32>
      %add3A_230 = arith.addi %broadcast_in_dim3A_227, %broadcast_in_dim3A_229 : vector<16xi32>
      %shift_right_arithmetic3A_231 = arith.constant 1 : i32
      %shift_right_arithmetic3A_232 = vector.broadcast %shift_right_arithmetic3A_231 : i32 to vector<16xi32>
      %shift_right_arithmetic3A_233 = arith.shrsi %add3A_230, %shift_right_arithmetic3A_232 : vector<16xi32>
      %min3A_234 = arith.constant 32767 : i32
      %min3A_235 = vector.broadcast %min3A_234 : i32 to vector<16xi32>
      %min3A_236 = arith.minsi %shift_right_arithmetic3A_233, %min3A_235 : vector<16xi32>
      %gather3A_237 = tpu.vector_load_idx %arg5[%min3A_236] : memref<32768xi32, #tpu.memory_space<vmem>>[vector<16xi32>], vector<16xi32>,
      %le3A = arith.cmpi sle, %gather3A_237, %iota3A : vector<16xi32>
      %add3A_238 = arith.constant 1 : i32
      %add3A_239 = vector.broadcast %add3A_238 : i32 to vector<16xi32>
      %add3A_240 = arith.addi %min3A_236, %add3A_239 : vector<16xi32>
      %select_n3A_241 = arith.select %le3A, %add3A_240, %broadcast_in_dim3A_227 : vector<16xi1>, vector<16xi32>
      %select_n3A_242 = arith.select %le3A, %broadcast_in_dim3A_229, %min3A_236 : vector<16xi1>, vector<16xi32>
      %add3A_243 = arith.addi %select_n3A_241, %select_n3A_242 : vector<16xi32>
      %shift_right_arithmetic3A_244 = arith.constant 1 : i32
      %shift_right_arithmetic3A_245 = vector.broadcast %shift_right_arithmetic3A_244 : i32 to vector<16xi32>
      %shift_right_arithmetic3A_246 = arith.shrsi %add3A_243, %shift_right_arithmetic3A_245 : vector<16xi32>
      %min3A_247 = arith.constant 32767 : i32
      %min3A_248 = vector.broadcast %min3A_247 : i32 to vector<16xi32>
      %min3A_249 = arith.minsi %shift_right_arithmetic3A_246, %min3A_248 : vector<16xi32>
      %gather3A_250 = tpu.vector_load_idx %arg5[%min3A_249] : memref<32768xi32, #tpu.memory_space<vmem>>[vector<16xi32>], vector<16xi32>,
      %le3A_251 = arith.cmpi sle, %gather3A_250, %iota3A : vector<16xi32>
      %add3A_252 = arith.constant 1 : i32
      %add3A_253 = vector.broadcast %add3A_252 : i32 to vector<16xi32>
      %add3A_254 = arith.addi %min3A_249, %add3A_253 : vector<16xi32>
      %select_n3A_255 = arith.select %le3A_251, %add3A_254, %select_n3A_241 : vector<16xi1>, vector<16xi32>
      %select_n3A_256 = arith.select %le3A_251, %select_n3A_242, %min3A_249 : vector<16xi1>, vector<16xi32>
      %add3A_257 = arith.addi %select_n3A_255, %select_n3A_256 : vector<16xi32>
      %shift_right_arithmetic3A_258 = arith.constant 1 : i32
      %shift_right_arithmetic3A_259 = vector.broadcast %shift_right_arithmetic3A_258 : i32 to vector<16xi32>
      %shift_right_arithmetic3A_260 = arith.shrsi %add3A_257, %shift_right_arithmetic3A_259 : vector<16xi32>
      %min3A_261 = arith.constant 32767 : i32
      %min3A_262 = vector.broadcast %min3A_261 : i32 to vector<16xi32>
      %min3A_263 = arith.minsi %shift_right_arithmetic3A_260, %min3A_262 : vector<16xi32>
      %gather3A_264 = tpu.vector_load_idx %arg5[%min3A_263] : memref<32768xi32, #tpu.memory_space<vmem>>[vector<16xi32>], vector<16xi32>,
      %le3A_265 = arith.cmpi sle, %gather3A_264, %iota3A : vector<16xi32>
      %add3A_266 = arith.constant 1 : i32
      %add3A_267 = vector.broadcast %add3A_266 : i32 to vector<16xi32>
      %add3A_268 = arith.addi %min3A_263, %add3A_267 : vector<16xi32>
      %select_n3A_269 = arith.select %le3A_265, %add3A_268, %select_n3A_255 : vector<16xi1>, vector<16xi32>
      %select_n3A_270 = arith.select %le3A_265, %select_n3A_256, %min3A_263 : vector<16xi1>, vector<16xi32>
      %add3A_271 = arith.addi %select_n3A_269, %select_n3A_270 : vector<16xi32>
      %shift_right_arithmetic3A_272 = arith.constant 1 : i32
      %shift_right_arithmetic3A_273 = vector.broadcast %shift_right_arithmetic3A_272 : i32 to vector<16xi32>
      %shift_right_arithmetic3A_274 = arith.shrsi %add3A_271, %shift_right_arithmetic3A_273 : vector<16xi32>
      %min3A_275 = arith.constant 32767 : i32
      %min3A_276 = vector.broadcast %min3A_275 : i32 to vector<16xi32>
      %min3A_277 = arith.minsi %shift_right_arithmetic3A_274, %min3A_276 : vector<16xi32>
      %gather3A_278 = tpu.vector_load_idx %arg5[%min3A_277] : memref<32768xi32, #tpu.memory_space<vmem>>[vector<16xi32>], vector<16xi32>,
      %le3A_279 = arith.cmpi sle, %gather3A_278, %iota3A : vector<16xi32>
      %add3A_280 = arith.constant 1 : i32
      %add3A_281 = vector.broadcast %add3A_280 : i32 to vector<16xi32>
      %add3A_282 = arith.addi %min3A_277, %add3A_281 : vector<16xi32>
      %select_n3A_283 = arith.select %le3A_279, %add3A_282, %select_n3A_269 : vector<16xi1>, vector<16xi32>
      %select_n3A_284 = arith.select %le3A_279, %select_n3A_270, %min3A_277 : vector<16xi1>, vector<16xi32>
      %add3A_285 = arith.addi %select_n3A_283, %select_n3A_284 : vector<16xi32>
      %shift_right_arithmetic3A_286 = arith.constant 1 : i32
      %shift_right_arithmetic3A_287 = vector.broadcast %shift_right_arithmetic3A_286 : i32 to vector<16xi32>
      %shift_right_arithmetic3A_288 = arith.shrsi %add3A_285, %shift_right_arithmetic3A_287 : vector<16xi32>
      %min3A_289 = arith.constant 32767 : i32
      %min3A_290 = vector.broadcast %min3A_289 : i32 to vector<16xi32>
      %min3A_291 = arith.minsi %shift_right_arithmetic3A_288, %min3A_290 : vector<16xi32>
      %gather3A_292 = tpu.vector_load_idx %arg5[%min3A_291] : memref<32768xi32, #tpu.memory_space<vmem>>[vector<16xi32>], vector<16xi32>,
      %le3A_293 = arith.cmpi sle, %gather3A_292, %iota3A : vector<16xi32>
      %add3A_294 = arith.constant 1 : i32
      %add3A_295 = vector.broadcast %add3A_294 : i32 to vector<16xi32>
      %add3A_296 = arith.addi %min3A_291, %add3A_295 : vector<16xi32>
      %select_n3A_297 = arith.select %le3A_293, %add3A_296, %select_n3A_283 : vector<16xi1>, vector<16xi32>
      %select_n3A_298 = arith.select %le3A_293, %select_n3A_284, %min3A_291 : vector<16xi1>, vector<16xi32>
      %add3A_299 = arith.addi %select_n3A_297, %select_n3A_298 : vector<16xi32>
      %shift_right_arithmetic3A_300 = arith.constant 1 : i32
      %shift_right_arithmetic3A_301 = vector.broadcast %shift_right_arithmetic3A_300 : i32 to vector<16xi32>
      %shift_right_arithmetic3A_302 = arith.shrsi %add3A_299, %shift_right_arithmetic3A_301 : vector<16xi32>
      %min3A_303 = arith.constant 32767 : i32
      %min3A_304 = vector.broadcast %min3A_303 : i32 to vector<16xi32>
      %min3A_305 = arith.minsi %shift_right_arithmetic3A_302, %min3A_304 : vector<16xi32>
      %gather3A_306 = tpu.vector_load_idx %arg5[%min3A_305] : memref<32768xi32, #tpu.memory_space<vmem>>[vector<16xi32>], vector<16xi32>,
      %le3A_307 = arith.cmpi sle, %gather3A_306, %iota3A : vector<16xi32>
      %add3A_308 = arith.constant 1 : i32
      %add3A_309 = vector.broadcast %add3A_308 : i32 to vector<16xi32>
      %add3A_310 = arith.addi %min3A_305, %add3A_309 : vector<16xi32>
      %select_n3A_311 = arith.select %le3A_307, %add3A_310, %select_n3A_297 : vector<16xi1>, vector<16xi32>
      %select_n3A_312 = arith.select %le3A_307, %select_n3A_298, %min3A_305 : vector<16xi1>, vector<16xi32>
      %add3A_313 = arith.addi %select_n3A_311, %select_n3A_312 : vector<16xi32>
      %shift_right_arithmetic3A_314 = arith.constant 1 : i32
      %shift_right_arithmetic3A_315 = vector.broadcast %shift_right_arithmetic3A_314 : i32 to vector<16xi32>
      %shift_right_arithmetic3A_316 = arith.shrsi %add3A_313, %shift_right_arithmetic3A_315 : vector<16xi32>
      %min3A_317 = arith.constant 32767 : i32
      %min3A_318 = vector.broadcast %min3A_317 : i32 to vector<16xi32>
      %min3A_319 = arith.minsi %shift_right_arithmetic3A_316, %min3A_318 : vector<16xi32>
      %gather3A_320 = tpu.vector_load_idx %arg5[%min3A_319] : memref<32768xi32, #tpu.memory_space<vmem>>[vector<16xi32>], vector<16xi32>,
      %le3A_321 = arith.cmpi sle, %gather3A_320, %iota3A : vector<16xi32>
      %add3A_322 = arith.constant 1 : i32
      %add3A_323 = vector.broadcast %add3A_322 : i32 to vector<16xi32>
      %add3A_324 = arith.addi %min3A_319, %add3A_323 : vector<16xi32>
      %select_n3A_325 = arith.select %le3A_321, %add3A_324, %select_n3A_311 : vector<16xi1>, vector<16xi32>
      %select_n3A_326 = arith.select %le3A_321, %select_n3A_312, %min3A_319 : vector<16xi1>, vector<16xi32>
      %add3A_327 = arith.addi %select_n3A_325, %select_n3A_326 : vector<16xi32>
      %shift_right_arithmetic3A_328 = arith.constant 1 : i32
      %shift_right_arithmetic3A_329 = vector.broadcast %shift_right_arithmetic3A_328 : i32 to vector<16xi32>
      %shift_right_arithmetic3A_330 = arith.shrsi %add3A_327, %shift_right_arithmetic3A_329 : vector<16xi32>
      %min3A_331 = arith.constant 32767 : i32
      %min3A_332 = vector.broadcast %min3A_331 : i32 to vector<16xi32>
      %min3A_333 = arith.minsi %shift_right_arithmetic3A_330, %min3A_332 : vector<16xi32>
      %gather3A_334 = tpu.vector_load_idx %arg5[%min3A_333] : memref<32768xi32, #tpu.memory_space<vmem>>[vector<16xi32>], vector<16xi32>,
      %le3A_335 = arith.cmpi sle, %gather3A_334, %iota3A : vector<16xi32>
      %add3A_336 = arith.constant 1 : i32
      %add3A_337 = vector.broadcast %add3A_336 : i32 to vector<16xi32>
      %add3A_338 = arith.addi %min3A_333, %add3A_337 : vector<16xi32>
      %select_n3A_339 = arith.select %le3A_335, %add3A_338, %select_n3A_325 : vector<16xi1>, vector<16xi32>
      %select_n3A_340 = arith.select %le3A_335, %select_n3A_326, %min3A_333 : vector<16xi1>, vector<16xi32>
      %add3A_341 = arith.addi %select_n3A_339, %select_n3A_340 : vector<16xi32>
      %shift_right_arithmetic3A_342 = arith.constant 1 : i32
      %shift_right_arithmetic3A_343 = vector.broadcast %shift_right_arithmetic3A_342 : i32 to vector<16xi32>
      %shift_right_arithmetic3A_344 = arith.shrsi %add3A_341, %shift_right_arithmetic3A_343 : vector<16xi32>
      %min3A_345 = arith.constant 32767 : i32
      %min3A_346 = vector.broadcast %min3A_345 : i32 to vector<16xi32>
      %min3A_347 = arith.minsi %shift_right_arithmetic3A_344, %min3A_346 : vector<16xi32>
      %gather3A_348 = tpu.vector_load_idx %arg5[%min3A_347] : memref<32768xi32, #tpu.memory_space<vmem>>[vector<16xi32>], vector<16xi32>,
      %le3A_349 = arith.cmpi sle, %gather3A_348, %iota3A : vector<16xi32>
      %add3A_350 = arith.constant 1 : i32
      %add3A_351 = vector.broadcast %add3A_350 : i32 to vector<16xi32>
      %add3A_352 = arith.addi %min3A_347, %add3A_351 : vector<16xi32>
      %select_n3A_353 = arith.select %le3A_349, %add3A_352, %select_n3A_339 : vector<16xi1>, vector<16xi32>
      %select_n3A_354 = arith.select %le3A_349, %select_n3A_340, %min3A_347 : vector<16xi1>, vector<16xi32>
      %add3A_355 = arith.addi %select_n3A_353, %select_n3A_354 : vector<16xi32>
      %shift_right_arithmetic3A_356 = arith.constant 1 : i32
      %shift_right_arithmetic3A_357 = vector.broadcast %shift_right_arithmetic3A_356 : i32 to vector<16xi32>
      %shift_right_arithmetic3A_358 = arith.shrsi %add3A_355, %shift_right_arithmetic3A_357 : vector<16xi32>
      %min3A_359 = arith.constant 32767 : i32
      %min3A_360 = vector.broadcast %min3A_359 : i32 to vector<16xi32>
      %min3A_361 = arith.minsi %shift_right_arithmetic3A_358, %min3A_360 : vector<16xi32>
      %gather3A_362 = tpu.vector_load_idx %arg5[%min3A_361] : memref<32768xi32, #tpu.memory_space<vmem>>[vector<16xi32>], vector<16xi32>,
      %le3A_363 = arith.cmpi sle, %gather3A_362, %iota3A : vector<16xi32>
      %add3A_364 = arith.constant 1 : i32
      %add3A_365 = vector.broadcast %add3A_364 : i32 to vector<16xi32>
      %add3A_366 = arith.addi %min3A_361, %add3A_365 : vector<16xi32>
      %select_n3A_367 = arith.select %le3A_363, %add3A_366, %select_n3A_353 : vector<16xi1>, vector<16xi32>
      %select_n3A_368 = arith.select %le3A_363, %select_n3A_354, %min3A_361 : vector<16xi1>, vector<16xi32>
      %add3A_369 = arith.addi %select_n3A_367, %select_n3A_368 : vector<16xi32>
      %shift_right_arithmetic3A_370 = arith.constant 1 : i32
      %shift_right_arithmetic3A_371 = vector.broadcast %shift_right_arithmetic3A_370 : i32 to vector<16xi32>
      %shift_right_arithmetic3A_372 = arith.shrsi %add3A_369, %shift_right_arithmetic3A_371 : vector<16xi32>
      %min3A_373 = arith.constant 32767 : i32
      %min3A_374 = vector.broadcast %min3A_373 : i32 to vector<16xi32>
      %min3A_375 = arith.minsi %shift_right_arithmetic3A_372, %min3A_374 : vector<16xi32>
      %gather3A_376 = tpu.vector_load_idx %arg5[%min3A_375] : memref<32768xi32, #tpu.memory_space<vmem>>[vector<16xi32>], vector<16xi32>,
      %le3A_377 = arith.cmpi sle, %gather3A_376, %iota3A : vector<16xi32>
      %add3A_378 = arith.constant 1 : i32
      %add3A_379 = vector.broadcast %add3A_378 : i32 to vector<16xi32>
      %add3A_380 = arith.addi %min3A_375, %add3A_379 : vector<16xi32>
      %select_n3A_381 = arith.select %le3A_377, %add3A_380, %select_n3A_367 : vector<16xi1>, vector<16xi32>
      %select_n3A_382 = arith.select %le3A_377, %select_n3A_368, %min3A_375 : vector<16xi1>, vector<16xi32>
      %add3A_383 = arith.addi %select_n3A_381, %select_n3A_382 : vector<16xi32>
      %shift_right_arithmetic3A_384 = arith.constant 1 : i32
      %shift_right_arithmetic3A_385 = vector.broadcast %shift_right_arithmetic3A_384 : i32 to vector<16xi32>
      %shift_right_arithmetic3A_386 = arith.shrsi %add3A_383, %shift_right_arithmetic3A_385 : vector<16xi32>
      %min3A_387 = arith.constant 32767 : i32
      %min3A_388 = vector.broadcast %min3A_387 : i32 to vector<16xi32>
      %min3A_389 = arith.minsi %shift_right_arithmetic3A_386, %min3A_388 : vector<16xi32>
      %gather3A_390 = tpu.vector_load_idx %arg5[%min3A_389] : memref<32768xi32, #tpu.memory_space<vmem>>[vector<16xi32>], vector<16xi32>,
      %le3A_391 = arith.cmpi sle, %gather3A_390, %iota3A : vector<16xi32>
      %add3A_392 = arith.constant 1 : i32
      %add3A_393 = vector.broadcast %add3A_392 : i32 to vector<16xi32>
      %add3A_394 = arith.addi %min3A_389, %add3A_393 : vector<16xi32>
      %select_n3A_395 = arith.select %le3A_391, %add3A_394, %select_n3A_381 : vector<16xi1>, vector<16xi32>
      %select_n3A_396 = arith.select %le3A_391, %select_n3A_382, %min3A_389 : vector<16xi1>, vector<16xi32>
      %add3A_397 = arith.addi %select_n3A_395, %select_n3A_396 : vector<16xi32>
      %shift_right_arithmetic3A_398 = arith.constant 1 : i32
      %shift_right_arithmetic3A_399 = vector.broadcast %shift_right_arithmetic3A_398 : i32 to vector<16xi32>
      %shift_right_arithmetic3A_400 = arith.shrsi %add3A_397, %shift_right_arithmetic3A_399 : vector<16xi32>
      %min3A_401 = arith.constant 32767 : i32
      %min3A_402 = vector.broadcast %min3A_401 : i32 to vector<16xi32>
      %min3A_403 = arith.minsi %shift_right_arithmetic3A_400, %min3A_402 : vector<16xi32>
      %gather3A_404 = tpu.vector_load_idx %arg5[%min3A_403] : memref<32768xi32, #tpu.memory_space<vmem>>[vector<16xi32>], vector<16xi32>,
      %le3A_405 = arith.cmpi sle, %gather3A_404, %iota3A : vector<16xi32>
      %add3A_406 = arith.constant 1 : i32
      %add3A_407 = vector.broadcast %add3A_406 : i32 to vector<16xi32>
      %add3A_408 = arith.addi %min3A_403, %add3A_407 : vector<16xi32>
      %select_n3A_409 = arith.select %le3A_405, %add3A_408, %select_n3A_395 : vector<16xi1>, vector<16xi32>
      %select_n3A_410 = arith.select %le3A_405, %select_n3A_396, %min3A_403 : vector<16xi1>, vector<16xi32>
      %add3A_411 = arith.addi %select_n3A_409, %select_n3A_410 : vector<16xi32>
      %shift_right_arithmetic3A_412 = arith.constant 1 : i32
      %shift_right_arithmetic3A_413 = vector.broadcast %shift_right_arithmetic3A_412 : i32 to vector<16xi32>
      %shift_right_arithmetic3A_414 = arith.shrsi %add3A_411, %shift_right_arithmetic3A_413 : vector<16xi32>
      %min3A_415 = arith.constant 32767 : i32
      %min3A_416 = vector.broadcast %min3A_415 : i32 to vector<16xi32>
      %min3A_417 = arith.minsi %shift_right_arithmetic3A_414, %min3A_416 : vector<16xi32>
      %gather3A_418 = tpu.vector_load_idx %arg5[%min3A_417] : memref<32768xi32, #tpu.memory_space<vmem>>[vector<16xi32>], vector<16xi32>,
      %le3A_419 = arith.cmpi sle, %gather3A_418, %iota3A : vector<16xi32>
      %add3A_420 = arith.constant 1 : i32
      %add3A_421 = vector.broadcast %add3A_420 : i32 to vector<16xi32>
      %add3A_422 = arith.addi %min3A_417, %add3A_421 : vector<16xi32>
      %select_n3A_423 = arith.select %le3A_419, %add3A_422, %select_n3A_409 : vector<16xi1>, vector<16xi32>
      %select_n3A_424 = arith.select %le3A_419, %select_n3A_410, %min3A_417 : vector<16xi1>, vector<16xi32>
      %add3A_425 = arith.addi %select_n3A_423, %select_n3A_424 : vector<16xi32>
      %shift_right_arithmetic3A_426 = arith.constant 1 : i32
      %shift_right_arithmetic3A_427 = vector.broadcast %shift_right_arithmetic3A_426 : i32 to vector<16xi32>
      %shift_right_arithmetic3A_428 = arith.shrsi %add3A_425, %shift_right_arithmetic3A_427 : vector<16xi32>
      %min3A_429 = arith.constant 32767 : i32
      %min3A_430 = vector.broadcast %min3A_429 : i32 to vector<16xi32>
      %min3A_431 = arith.minsi %shift_right_arithmetic3A_428, %min3A_430 : vector<16xi32>
      %gather3A_432 = tpu.vector_load_idx %arg5[%min3A_431] : memref<32768xi32, #tpu.memory_space<vmem>>[vector<16xi32>], vector<16xi32>,
      %le3A_433 = arith.cmpi sle, %gather3A_432, %iota3A : vector<16xi32>
      %add3A_434 = arith.constant 1 : i32
      %add3A_435 = vector.broadcast %add3A_434 : i32 to vector<16xi32>
      %add3A_436 = arith.addi %min3A_431, %add3A_435 : vector<16xi32>
      %select_n3A_437 = arith.select %le3A_433, %add3A_436, %select_n3A_423 : vector<16xi1>, vector<16xi32>
      %select_n3A_438 = arith.select %le3A_433, %select_n3A_424, %min3A_431 : vector<16xi1>, vector<16xi32>
      %add3A_439 = arith.addi %select_n3A_437, %select_n3A_438 : vector<16xi32>
      %shift_right_arithmetic3A_440 = arith.constant 1 : i32
      %shift_right_arithmetic3A_441 = vector.broadcast %shift_right_arithmetic3A_440 : i32 to vector<16xi32>
      %shift_right_arithmetic3A_442 = arith.shrsi %add3A_439, %shift_right_arithmetic3A_441 : vector<16xi32>
      %min3A_443 = arith.constant 32767 : i32
      %min3A_444 = vector.broadcast %min3A_443 : i32 to vector<16xi32>
      %min3A_445 = arith.minsi %shift_right_arithmetic3A_442, %min3A_444 : vector<16xi32>
      %gather3A_446 = tpu.vector_load_idx %arg5[%min3A_445] : memref<32768xi32, #tpu.memory_space<vmem>>[vector<16xi32>], vector<16xi32>,
      %le3A_447 = arith.cmpi sle, %gather3A_446, %iota3A : vector<16xi32>
      %add3A_448 = arith.constant 1 : i32
      %add3A_449 = vector.broadcast %add3A_448 : i32 to vector<16xi32>
      %add3A_450 = arith.addi %min3A_445, %add3A_449 : vector<16xi32>
      %select_n3A_451 = arith.select %le3A_447, %add3A_450, %select_n3A_437 : vector<16xi1>, vector<16xi32>
      %select_n3A_452 = arith.select %le3A_447, %select_n3A_438, %min3A_445 : vector<16xi1>, vector<16xi32>
      %swap3A_453 = arith.constant 16 : index
      %swap3A_454 = tpu.vector_load %arg6[%swap3A_453] {strides = array<i32>} : memref<32xi32, #tpu.memory_space<vmem>>, vector<16xi32>,
      tpu.vector_store %arg6[%swap3A_453], %select_n3A_451 {strides = array<i32>} : memref<32xi32, #tpu.memory_space<vmem>>, vector<16xi32>,
      %add3A_455 = arith.constant 0 : i32
      %add3A_456 = vector.broadcast %add3A_455 : i32 to vector<16xi32>
      %add3A_457 = arith.addi %iota3A, %add3A_456 : vector<16xi32>
      %mul3A_458 = arith.constant 512 : i32
      %mul3A_459 = vector.broadcast %mul3A_458 : i32 to vector<16xi32>
      %mul3A_460 = arith.muli %add3A_457, %mul3A_459 : vector<16xi32>
      %gather3A_461 = tpu.vector_load_idx %arg5[%mul3A_460] : memref<32768xi32, #tpu.memory_space<vmem>>[vector<16xi32>], vector<16xi32>,
      %add3A_462 = arith.constant 511 : i32
      %add3A_463 = vector.broadcast %add3A_462 : i32 to vector<16xi32>
      %add3A_464 = arith.addi %mul3A_460, %add3A_463 : vector<16xi32>
      %gather3A_465 = tpu.vector_load_idx %arg5[%add3A_464] : memref<32768xi32, #tpu.memory_space<vmem>>[vector<16xi32>], vector<16xi32>,
      %gather3A_466 = tpu.vector_load_idx %arg6[%gather3A_461] : memref<32xi32, #tpu.memory_space<vmem>>[vector<16xi32>], vector<16xi32>,
      %add3A_467 = arith.constant 16 : i32
      %add3A_468 = vector.broadcast %add3A_467 : i32 to vector<16xi32>
      %add3A_469 = arith.addi %gather3A_465, %add3A_468 : vector<16xi32>
      %gather3A_470 = tpu.vector_load_idx %arg6[%add3A_469] : memref<32xi32, #tpu.memory_space<vmem>>[vector<16xi32>], vector<16xi32>,
      %shift_right_logical3A = arith.constant 10 : i32
      %shift_right_logical3A_471 = vector.broadcast %shift_right_logical3A : i32 to vector<16xi32>
      %shift_right_logical3A_472 = arith.shrui %gather3A_466, %shift_right_logical3A_471 : vector<16xi32>
      %sub3A = arith.constant 1 : i32
      %sub3A_473 = vector.broadcast %sub3A : i32 to vector<16xi32>
      %sub3A_474 = arith.subi %gather3A_470, %sub3A_473 : vector<16xi32>
      %shift_right_logical3A_475 = arith.constant 10 : i32
      %shift_right_logical3A_476 = vector.broadcast %shift_right_logical3A_475 : i32 to vector<16xi32>
      %shift_right_logical3A_477 = arith.shrui %sub3A_474, %shift_right_logical3A_476 : vector<16xi32>
      %sub3A_478 = arith.subi %shift_right_logical3A_477, %shift_right_logical3A_472 : vector<16xi32>
      %add3A_479 = arith.constant 1 : i32
      %add3A_480 = vector.broadcast %add3A_479 : i32 to vector<16xi32>
      %add3A_481 = arith.addi %sub3A_478, %add3A_480 : vector<16xi32>
      %swap3A_482 = arith.constant 0 : index
      %swap3A_483 = tpu.vector_load %arg7[%swap3A_482] {strides = array<i32>} : memref<128xi32, #tpu.memory_space<vmem>>, vector<16xi32>,
      tpu.vector_store %arg7[%swap3A_482], %shift_right_logical3A_472 {strides = array<i32>} : memref<128xi32, #tpu.memory_space<vmem>>, vector<16xi32>,
      %swap3A_484 = arith.constant 64 : index
      %swap3A_485 = tpu.vector_load %arg7[%swap3A_484] {strides = array<i32>} : memref<128xi32, #tpu.memory_space<vmem>>, vector<16xi32>,
      tpu.vector_store %arg7[%swap3A_484], %add3A_481 {strides = array<i32>} : memref<128xi32, #tpu.memory_space<vmem>>, vector<16xi32>,
      %add3A_486 = arith.constant 16 : i32
      %add3A_487 = vector.broadcast %add3A_486 : i32 to vector<16xi32>
      %add3A_488 = arith.addi %iota3A, %add3A_487 : vector<16xi32>
      %mul3A_489 = arith.constant 512 : i32
      %mul3A_490 = vector.broadcast %mul3A_489 : i32 to vector<16xi32>
      %mul3A_491 = arith.muli %add3A_488, %mul3A_490 : vector<16xi32>
      %gather3A_492 = tpu.vector_load_idx %arg5[%mul3A_491] : memref<32768xi32, #tpu.memory_space<vmem>>[vector<16xi32>], vector<16xi32>,
      %add3A_493 = arith.constant 511 : i32
      %add3A_494 = vector.broadcast %add3A_493 : i32 to vector<16xi32>
      %add3A_495 = arith.addi %mul3A_491, %add3A_494 : vector<16xi32>
      %gather3A_496 = tpu.vector_load_idx %arg5[%add3A_495] : memref<32768xi32, #tpu.memory_space<vmem>>[vector<16xi32>], vector<16xi32>,
      %gather3A_497 = tpu.vector_load_idx %arg6[%gather3A_492] : memref<32xi32, #tpu.memory_space<vmem>>[vector<16xi32>], vector<16xi32>,
      %add3A_498 = arith.constant 16 : i32
      %add3A_499 = vector.broadcast %add3A_498 : i32 to vector<16xi32>
      %add3A_500 = arith.addi %gather3A_496, %add3A_499 : vector<16xi32>
      %gather3A_501 = tpu.vector_load_idx %arg6[%add3A_500] : memref<32xi32, #tpu.memory_space<vmem>>[vector<16xi32>], vector<16xi32>,
      %shift_right_logical3A_502 = arith.constant 10 : i32
      %shift_right_logical3A_503 = vector.broadcast %shift_right_logical3A_502 : i32 to vector<16xi32>
      %shift_right_logical3A_504 = arith.shrui %gather3A_497, %shift_right_logical3A_503 : vector<16xi32>
      %sub3A_505 = arith.constant 1 : i32
      %sub3A_506 = vector.broadcast %sub3A_505 : i32 to vector<16xi32>
      %sub3A_507 = arith.subi %gather3A_501, %sub3A_506 : vector<16xi32>
      %shift_right_logical3A_508 = arith.constant 10 : i32
      %shift_right_logical3A_509 = vector.broadcast %shift_right_logical3A_508 : i32 to vector<16xi32>
      %shift_right_logical3A_510 = arith.shrui %sub3A_507, %shift_right_logical3A_509 : vector<16xi32>
      %sub3A_511 = arith.subi %shift_right_logical3A_510, %shift_right_logical3A_504 : vector<16xi32>
      %add3A_512 = arith.constant 1 : i32
      %add3A_513 = vector.broadcast %add3A_512 : i32 to vector<16xi32>
      %add3A_514 = arith.addi %sub3A_511, %add3A_513 : vector<16xi32>
      %swap3A_515 = arith.constant 16 : index
      %swap3A_516 = tpu.vector_load %arg7[%swap3A_515] {strides = array<i32>} : memref<128xi32, #tpu.memory_space<vmem>>, vector<16xi32>,
      tpu.vector_store %arg7[%swap3A_515], %shift_right_logical3A_504 {strides = array<i32>} : memref<128xi32, #tpu.memory_space<vmem>>, vector<16xi32>,
      %swap3A_517 = arith.constant 80 : index
      %swap3A_518 = tpu.vector_load %arg7[%swap3A_517] {strides = array<i32>} : memref<128xi32, #tpu.memory_space<vmem>>, vector<16xi32>,
      tpu.vector_store %arg7[%swap3A_517], %add3A_514 {strides = array<i32>} : memref<128xi32, #tpu.memory_space<vmem>>, vector<16xi32>,
      %add3A_519 = arith.constant 32 : i32
      %add3A_520 = vector.broadcast %add3A_519 : i32 to vector<16xi32>
      %add3A_521 = arith.addi %iota3A, %add3A_520 : vector<16xi32>
      %mul3A_522 = arith.constant 512 : i32
      %mul3A_523 = vector.broadcast %mul3A_522 : i32 to vector<16xi32>
      %mul3A_524 = arith.muli %add3A_521, %mul3A_523 : vector<16xi32>
      %gather3A_525 = tpu.vector_load_idx %arg5[%mul3A_524] : memref<32768xi32, #tpu.memory_space<vmem>>[vector<16xi32>], vector<16xi32>,
      %add3A_526 = arith.constant 511 : i32
      %add3A_527 = vector.broadcast %add3A_526 : i32 to vector<16xi32>
      %add3A_528 = arith.addi %mul3A_524, %add3A_527 : vector<16xi32>
      %gather3A_529 = tpu.vector_load_idx %arg5[%add3A_528] : memref<32768xi32, #tpu.memory_space<vmem>>[vector<16xi32>], vector<16xi32>,
      %gather3A_530 = tpu.vector_load_idx %arg6[%gather3A_525] : memref<32xi32, #tpu.memory_space<vmem>>[vector<16xi32>], vector<16xi32>,
      %add3A_531 = arith.constant 16 : i32
      %add3A_532 = vector.broadcast %add3A_531 : i32 to vector<16xi32>
      %add3A_533 = arith.addi %gather3A_529, %add3A_532 : vector<16xi32>
      %gather3A_534 = tpu.vector_load_idx %arg6[%add3A_533] : memref<32xi32, #tpu.memory_space<vmem>>[vector<16xi32>], vector<16xi32>,
      %shift_right_logical3A_535 = arith.constant 10 : i32
      %shift_right_logical3A_536 = vector.broadcast %shift_right_logical3A_535 : i32 to vector<16xi32>
      %shift_right_logical3A_537 = arith.shrui %gather3A_530, %shift_right_logical3A_536 : vector<16xi32>
      %sub3A_538 = arith.constant 1 : i32
      %sub3A_539 = vector.broadcast %sub3A_538 : i32 to vector<16xi32>
      %sub3A_540 = arith.subi %gather3A_534, %sub3A_539 : vector<16xi32>
      %shift_right_logical3A_541 = arith.constant 10 : i32
      %shift_right_logical3A_542 = vector.broadcast %shift_right_logical3A_541 : i32 to vector<16xi32>
      %shift_right_logical3A_543 = arith.shrui %sub3A_540, %shift_right_logical3A_542 : vector<16xi32>
      %sub3A_544 = arith.subi %shift_right_logical3A_543, %shift_right_logical3A_537 : vector<16xi32>
      %add3A_545 = arith.constant 1 : i32
      %add3A_546 = vector.broadcast %add3A_545 : i32 to vector<16xi32>
      %add3A_547 = arith.addi %sub3A_544, %add3A_546 : vector<16xi32>
      %swap3A_548 = arith.constant 32 : index
      %swap3A_549 = tpu.vector_load %arg7[%swap3A_548] {strides = array<i32>} : memref<128xi32, #tpu.memory_space<vmem>>, vector<16xi32>,
      tpu.vector_store %arg7[%swap3A_548], %shift_right_logical3A_537 {strides = array<i32>} : memref<128xi32, #tpu.memory_space<vmem>>, vector<16xi32>,
      %swap3A_550 = arith.constant 96 : index
      %swap3A_551 = tpu.vector_load %arg7[%swap3A_550] {strides = array<i32>} : memref<128xi32, #tpu.memory_space<vmem>>, vector<16xi32>,
      tpu.vector_store %arg7[%swap3A_550], %add3A_547 {strides = array<i32>} : memref<128xi32, #tpu.memory_space<vmem>>, vector<16xi32>,
      %add3A_552 = arith.constant 48 : i32
      %add3A_553 = vector.broadcast %add3A_552 : i32 to vector<16xi32>
      %add3A_554 = arith.addi %iota3A, %add3A_553 : vector<16xi32>
      %mul3A_555 = arith.constant 512 : i32
      %mul3A_556 = vector.broadcast %mul3A_555 : i32 to vector<16xi32>
      %mul3A_557 = arith.muli %add3A_554, %mul3A_556 : vector<16xi32>
      %gather3A_558 = tpu.vector_load_idx %arg5[%mul3A_557] : memref<32768xi32, #tpu.memory_space<vmem>>[vector<16xi32>], vector<16xi32>,
      %add3A_559 = arith.constant 511 : i32
      %add3A_560 = vector.broadcast %add3A_559 : i32 to vector<16xi32>
      %add3A_561 = arith.addi %mul3A_557, %add3A_560 : vector<16xi32>
      %gather3A_562 = tpu.vector_load_idx %arg5[%add3A_561] : memref<32768xi32, #tpu.memory_space<vmem>>[vector<16xi32>], vector<16xi32>,
      %gather3A_563 = tpu.vector_load_idx %arg6[%gather3A_558] : memref<32xi32, #tpu.memory_space<vmem>>[vector<16xi32>], vector<16xi32>,
      %add3A_564 = arith.constant 16 : i32
      %add3A_565 = vector.broadcast %add3A_564 : i32 to vector<16xi32>
      %add3A_566 = arith.addi %gather3A_562, %add3A_565 : vector<16xi32>
      %gather3A_567 = tpu.vector_load_idx %arg6[%add3A_566] : memref<32xi32, #tpu.memory_space<vmem>>[vector<16xi32>], vector<16xi32>,
      %shift_right_logical3A_568 = arith.constant 10 : i32
      %shift_right_logical3A_569 = vector.broadcast %shift_right_logical3A_568 : i32 to vector<16xi32>
      %shift_right_logical3A_570 = arith.shrui %gather3A_563, %shift_right_logical3A_569 : vector<16xi32>
      %sub3A_571 = arith.constant 1 : i32
      %sub3A_572 = vector.broadcast %sub3A_571 : i32 to vector<16xi32>
      %sub3A_573 = arith.subi %gather3A_567, %sub3A_572 : vector<16xi32>
      %shift_right_logical3A_574 = arith.constant 10 : i32
      %shift_right_logical3A_575 = vector.broadcast %shift_right_logical3A_574 : i32 to vector<16xi32>
      %shift_right_logical3A_576 = arith.shrui %sub3A_573, %shift_right_logical3A_575 : vector<16xi32>
      %sub3A_577 = arith.subi %shift_right_logical3A_576, %shift_right_logical3A_570 : vector<16xi32>
      %add3A_578 = arith.constant 1 : i32
      %add3A_579 = vector.broadcast %add3A_578 : i32 to vector<16xi32>
      %add3A_580 = arith.addi %sub3A_577, %add3A_579 : vector<16xi32>
      %swap3A_581 = arith.constant 48 : index
      %swap3A_582 = tpu.vector_load %arg7[%swap3A_581] {strides = array<i32>} : memref<128xi32, #tpu.memory_space<vmem>>, vector<16xi32>,
      tpu.vector_store %arg7[%swap3A_581], %shift_right_logical3A_570 {strides = array<i32>} : memref<128xi32, #tpu.memory_space<vmem>>, vector<16xi32>,
      %swap3A_583 = arith.constant 112 : index
      %swap3A_584 = tpu.vector_load %arg7[%swap3A_583] {strides = array<i32>} : memref<128xi32, #tpu.memory_space<vmem>>, vector<16xi32>,
      tpu.vector_store %arg7[%swap3A_583], %add3A_580 {strides = array<i32>} : memref<128xi32, #tpu.memory_space<vmem>>, vector<16xi32>,
      "tpu.region"() ({
        %run_scoped3A = tpu.sem_alloc : memref<!tpu.dma_semaphore, #tpu.memory_space<semaphore_mem>>
        %dma_start3A = arith.constant 0 : i32
        %dma_start3A_585 = tpu.memref_slice %arg7[%dma_start3A] : memref<128xi32, #tpu.memory_space<vmem>> -> memref<64xi32, #tpu.memory_space<vmem>>
        %dma_start3A_586 = arith.constant 0 : i32
        %dma_start3A_587 = tpu.memref_slice %arg7[%dma_start3A_586] : memref<128xi32, #tpu.memory_space<vmem>> -> memref<64xi32, #tpu.memory_space<vmem>>
        tpu.enqueue_dma source(%dma_start3A_587 : memref<64xi32, #tpu.memory_space<vmem>>) target(%arg3 : memref<64xi32, #tpu.memory_space<hbm>>) target_semaphore(%run_scoped3A : memref<!tpu.dma_semaphore, #tpu.memory_space<semaphore_mem>>)
        %dma_wait3A = arith.constant 0 : i32
        %dma_wait3A_588 = tpu.memref_slice %arg7[%dma_wait3A] : memref<128xi32, #tpu.memory_space<vmem>> -> memref<64xi32, #tpu.memory_space<vmem>>
        %dma_wait3A_589 = arith.constant 0 : i32
        %dma_wait3A_590 = tpu.memref_slice %arg7[%dma_wait3A_589] : memref<128xi32, #tpu.memory_space<vmem>> -> memref<64xi32, #tpu.memory_space<vmem>>
        tpu.wait_dma2 semaphore(%run_scoped3A : memref<!tpu.dma_semaphore, #tpu.memory_space<semaphore_mem>>) src(%dma_wait3A_590 : memref<64xi32, #tpu.memory_space<vmem>>) dst(%arg3 : memref<64xi32, #tpu.memory_space<hbm>>)
        tpu.yield
      }) : () -> ()
      "tpu.region"() ({
        %run_scoped3A = tpu.sem_alloc : memref<!tpu.dma_semaphore, #tpu.memory_space<semaphore_mem>>
        %dma_start3A = arith.constant 64 : i32
        %dma_start3A_585 = tpu.memref_slice %arg7[%dma_start3A] : memref<128xi32, #tpu.memory_space<vmem>> -> memref<64xi32, #tpu.memory_space<vmem>>
        %dma_start3A_586 = arith.constant 64 : i32
        %dma_start3A_587 = tpu.memref_slice %arg7[%dma_start3A_586] : memref<128xi32, #tpu.memory_space<vmem>> -> memref<64xi32, #tpu.memory_space<vmem>>
        tpu.enqueue_dma source(%dma_start3A_587 : memref<64xi32, #tpu.memory_space<vmem>>) target(%arg4 : memref<64xi32, #tpu.memory_space<hbm>>) target_semaphore(%run_scoped3A : memref<!tpu.dma_semaphore, #tpu.memory_space<semaphore_mem>>)
        %dma_wait3A = arith.constant 64 : i32
        %dma_wait3A_588 = tpu.memref_slice %arg7[%dma_wait3A] : memref<128xi32, #tpu.memory_space<vmem>> -> memref<64xi32, #tpu.memory_space<vmem>>
        %dma_wait3A_589 = arith.constant 64 : i32
        %dma_wait3A_590 = tpu.memref_slice %arg7[%dma_wait3A_589] : memref<128xi32, #tpu.memory_space<vmem>> -> memref<64xi32, #tpu.memory_space<vmem>>
        tpu.wait_dma2 semaphore(%run_scoped3A : memref<!tpu.dma_semaphore, #tpu.memory_space<semaphore_mem>>) src(%dma_wait3A_590 : memref<64xi32, #tpu.memory_space<vmem>>) dst(%arg4 : memref<64xi32, #tpu.memory_space<hbm>>)
        tpu.yield
      }) : () -> ()
    } else {
    }
    return
  }
}

module attributes {stable_mosaic.version = 14 : i64} {
  func.func @_qkv_kernel(%arg0: i32, %arg1: memref<1024x128xf32, #tpu.memory_space<vmem>>, %arg2: memref<1x128xf32, #tpu.memory_space<vmem>>, %arg3: memref<1x128xf32, #tpu.memory_space<vmem>>, %arg4: memref<128x512xf32, #tpu.memory_space<vmem>>, %arg5: memref<512x384xf32, #tpu.memory_space<vmem>>, %arg6: memref<1x384xf32, #tpu.memory_space<vmem>>, %arg7: memref<128x128xf32, #tpu.memory_space<vmem>>, %arg8: memref<128x1xf32, #tpu.memory_space<vmem>>, %arg9: memref<128x128xf32, #tpu.memory_space<vmem>>, %arg10: memref<1x128xf32, #tpu.memory_space<vmem>>, %arg11: memref<128x128xf32, #tpu.memory_space<vmem>>, %arg12: memref<128x1xf32, #tpu.memory_space<vmem>>, %arg13: memref<128x1024xbf16, #tpu.memory_space<vmem>>, %arg14: memref<1024x128xbf16, #tpu.memory_space<vmem>>, %arg15: memref<128x1024xbf16, #tpu.memory_space<vmem>>) attributes {dimension_semantics = [#tpu.dimension_semantics<arbitrary>], iteration_bounds = array<i64: 32>, scalar_prefetch = 0 : i64, scratch_operands = 0 : i64, tpu.core_type = #tpu.core_type<tc>, window_params = [{transform_indices = @transform_0, window_bounds = array<i64: 1024, 128>}, {pipeline_mode = #tpu.pipeline_mode<synchronous>, transform_indices = @transform_1, window_bounds = array<i64: 1, 128>}, {pipeline_mode = #tpu.pipeline_mode<synchronous>, transform_indices = @transform_2, window_bounds = array<i64: 1, 128>}, {pipeline_mode = #tpu.pipeline_mode<synchronous>, transform_indices = @transform_3, window_bounds = array<i64: 128, 512>}, {pipeline_mode = #tpu.pipeline_mode<synchronous>, transform_indices = @transform_4, window_bounds = array<i64: 512, 384>}, {pipeline_mode = #tpu.pipeline_mode<synchronous>, transform_indices = @transform_5, window_bounds = array<i64: 1, 384>}, {pipeline_mode = #tpu.pipeline_mode<synchronous>, transform_indices = @transform_6, window_bounds = array<i64: 128, 128>}, {pipeline_mode = #tpu.pipeline_mode<synchronous>, transform_indices = @transform_7, window_bounds = array<i64: 128, 1>}, {pipeline_mode = #tpu.pipeline_mode<synchronous>, transform_indices = @transform_8, window_bounds = array<i64: 128, 128>}, {pipeline_mode = #tpu.pipeline_mode<synchronous>, transform_indices = @transform_9, window_bounds = array<i64: 1, 128>}, {pipeline_mode = #tpu.pipeline_mode<synchronous>, transform_indices = @transform_10, window_bounds = array<i64: 128, 128>}, {pipeline_mode = #tpu.pipeline_mode<synchronous>, transform_indices = @transform_11, window_bounds = array<i64: 128, 1>}, {transform_indices = @transform_12, window_bounds = array<i64: 128, 1024>}, {transform_indices = @transform_13, window_bounds = array<i64: 1024, 128>}, {transform_indices = @transform_14, window_bounds = array<i64: 128, 1024>}]} {
    %get3A = arith.constant 0 : index
    %get3A_0 = arith.constant 0 : index
    %get3A_1 = vector.load %arg1[%get3A, %get3A_0] : memref<1024x128xf32, #tpu.memory_space<vmem>>, vector<1024x128xf32>
    %get3A_2 = arith.constant 0 : index
    %get3A_3 = arith.constant 0 : index
    %get3A_4 = vector.load %arg2[%get3A_2, %get3A_3] : memref<1x128xf32, #tpu.memory_space<vmem>>, vector<1x128xf32>
    %get3A_5 = arith.constant 0 : index
    %get3A_6 = arith.constant 0 : index
    %get3A_7 = vector.load %arg3[%get3A_5, %get3A_6] : memref<1x128xf32, #tpu.memory_space<vmem>>, vector<1x128xf32>
    %reduce_sum3A = arith.constant dense<0.000000e+00> : vector<1024xf32>
    %reduce_sum3A_8 = vector.multi_reduction <add>, %get3A_1, %reduce_sum3A [1] : vector<1024x128xf32> to vector<1024xf32>
    %broadcast_in_dim3A = vector.shape_cast %reduce_sum3A_8 : vector<1024xf32> to vector<1024x1xf32>
    %div3A = arith.constant 1.280000e+02 : f32
    %div3A_9 = vector.broadcast %div3A : f32 to vector<1024x1xf32>
    %div3A_10 = arith.divf %broadcast_in_dim3A, %div3A_9 : vector<1024x1xf32>
    %sub3A = vector.broadcast %div3A_10 : vector<1024x1xf32> to vector<1024x128xf32>
    %sub3A_11 = arith.subf %get3A_1, %sub3A : vector<1024x128xf32>
    %integer_pow3A = arith.mulf %sub3A_11, %sub3A_11 : vector<1024x128xf32>
    %reduce_sum3A_12 = arith.constant dense<0.000000e+00> : vector<1024xf32>
    %reduce_sum3A_13 = vector.multi_reduction <add>, %integer_pow3A, %reduce_sum3A_12 [1] : vector<1024x128xf32> to vector<1024xf32>
    %broadcast_in_dim3A_14 = vector.shape_cast %reduce_sum3A_13 : vector<1024xf32> to vector<1024x1xf32>
    %div3A_15 = arith.constant 1.280000e+02 : f32
    %div3A_16 = vector.broadcast %div3A_15 : f32 to vector<1024x1xf32>
    %div3A_17 = arith.divf %broadcast_in_dim3A_14, %div3A_16 : vector<1024x1xf32>
    %sub3A_18 = vector.broadcast %div3A_10 : vector<1024x1xf32> to vector<1024x128xf32>
    %sub3A_19 = arith.subf %get3A_1, %sub3A_18 : vector<1024x128xf32>
    %add3A = arith.constant 9.99999974E-6 : f32
    %add3A_20 = vector.broadcast %add3A : f32 to vector<1024x1xf32>
    %add3A_21 = arith.addf %div3A_17, %add3A_20 : vector<1024x1xf32>
    %rsqrt3A = math.rsqrt %add3A_21 : vector<1024x1xf32>
    %mul3A = vector.broadcast %rsqrt3A : vector<1024x1xf32> to vector<1024x128xf32>
    %mul3A_22 = arith.mulf %sub3A_19, %mul3A : vector<1024x128xf32>
    %mul3A_23 = vector.broadcast %get3A_4 : vector<1x128xf32> to vector<1024x128xf32>
    %mul3A_24 = arith.mulf %mul3A_22, %mul3A_23 : vector<1024x128xf32>
    %add3A_25 = vector.broadcast %get3A_7 : vector<1x128xf32> to vector<1024x128xf32>
    %add3A_26 = arith.addf %mul3A_24, %add3A_25 : vector<1024x128xf32>
    %get3A_27 = arith.constant 0 : index
    %get3A_28 = arith.constant 0 : index
    %get3A_29 = vector.load %arg4[%get3A_27, %get3A_28] : memref<128x512xf32, #tpu.memory_space<vmem>>, vector<128x512xf32>
    %dot_general3A = arith.constant dense<0.000000e+00> : vector<1024x512xf32>
    %dot_general3A_30 = tpu.matmul %add3A_26, %get3A_29, %dot_general3A {dimension_numbers = #tpu.dot_dimension_numbers<[1], [0], [0], [1], [0, 0, 1, 1], [], []>, transpose_lhs_hint = false} : vector<1024x128xf32>, vector<128x512xf32>, vector<1024x512xf32> -> vector<1024x512xf32>
    %logistic3A = arith.negf %dot_general3A_30 : vector<1024x512xf32>
    %logistic3A_31 = math.exp %logistic3A : vector<1024x512xf32>
    %logistic3A_32 = arith.constant 1.000000e+00 : f32
    %logistic3A_33 = vector.broadcast %logistic3A_32 : f32 to vector<1024x512xf32>
    %logistic3A_34 = arith.addf %logistic3A_33, %logistic3A_31 : vector<1024x512xf32>
    %logistic3A_35 = arith.divf %logistic3A_33, %logistic3A_34 : vector<1024x512xf32>
    %mul3A_36 = arith.mulf %dot_general3A_30, %logistic3A_35 : vector<1024x512xf32>
    %get3A_37 = arith.constant 0 : index
    %get3A_38 = arith.constant 0 : index
    %get3A_39 = vector.load %arg5[%get3A_37, %get3A_38] : memref<512x384xf32, #tpu.memory_space<vmem>>, vector<512x384xf32>
    %dot_general3A_40 = arith.constant dense<0.000000e+00> : vector<1024x384xf32>
    %dot_general3A_41 = tpu.matmul %mul3A_36, %get3A_39, %dot_general3A_40 {dimension_numbers = #tpu.dot_dimension_numbers<[1], [0], [0], [1], [0, 0, 1, 1], [], []>, transpose_lhs_hint = false} : vector<1024x512xf32>, vector<512x384xf32>, vector<1024x384xf32> -> vector<1024x384xf32>
    %get3A_42 = arith.constant 0 : index
    %get3A_43 = arith.constant 0 : index
    %get3A_44 = vector.load %arg6[%get3A_42, %get3A_43] : memref<1x384xf32, #tpu.memory_space<vmem>>, vector<1x384xf32>
    %add3A_45 = vector.broadcast %get3A_44 : vector<1x384xf32> to vector<1024x384xf32>
    %add3A_46 = arith.addf %dot_general3A_41, %add3A_45 : vector<1024x384xf32>
    %slice3A = vector.extract_strided_slice %add3A_46 {offsets = [0, 0], sizes = [1024, 128], strides = [1, 1]} : vector<1024x384xf32> to vector<1024x128xf32>
    %slice3A_47 = vector.extract_strided_slice %add3A_46 {offsets = [0, 128], sizes = [1024, 128], strides = [1, 1]} : vector<1024x384xf32> to vector<1024x128xf32>
    %slice3A_48 = vector.extract_strided_slice %add3A_46 {offsets = [0, 256], sizes = [1024, 128], strides = [1, 1]} : vector<1024x384xf32> to vector<1024x128xf32>
    %get3A_49 = arith.constant 0 : index
    %get3A_50 = arith.constant 0 : index
    %get3A_51 = vector.load %arg7[%get3A_49, %get3A_50] : memref<128x128xf32, #tpu.memory_space<vmem>>, vector<128x128xf32>
    %dot_general3A_52 = arith.constant dense<0.000000e+00> : vector<128x1024xf32>
    %dot_general3A_53 = tpu.matmul %get3A_51, %slice3A, %dot_general3A_52 {dimension_numbers = #tpu.dot_dimension_numbers<[0], [1], [1], [0], [0, 1, 1, 0], [], []>, transpose_lhs_hint = false} : vector<128x128xf32>, vector<1024x128xf32>, vector<128x1024xf32> -> vector<128x1024xf32>
    %get3A_54 = arith.constant 0 : index
    %get3A_55 = arith.constant 0 : index
    %get3A_56 = vector.load %arg8[%get3A_54, %get3A_55] : memref<128x1xf32, #tpu.memory_space<vmem>>, vector<128x1xf32>
    %add3A_57 = vector.broadcast %get3A_56 : vector<128x1xf32> to vector<128x1024xf32>
    %add3A_58 = arith.addf %dot_general3A_53, %add3A_57 : vector<128x1024xf32>
    %convert_element_type3A = arith.truncf %add3A_58 : vector<128x1024xf32> to vector<128x1024xbf16>
    %swap3A = arith.constant 0 : index
    %swap3A_59 = arith.constant 0 : index
    %swap3A_60 = vector.load %arg13[%swap3A, %swap3A_59] : memref<128x1024xbf16, #tpu.memory_space<vmem>>, vector<128x1024xbf16>
    tpu.vector_store %arg13[%swap3A, %swap3A_59], %convert_element_type3A {strides = array<i32>} : memref<128x1024xbf16, #tpu.memory_space<vmem>>, vector<128x1024xbf16>,
    %get3A_61 = arith.constant 0 : index
    %get3A_62 = arith.constant 0 : index
    %get3A_63 = vector.load %arg9[%get3A_61, %get3A_62] : memref<128x128xf32, #tpu.memory_space<vmem>>, vector<128x128xf32>
    %dot_general3A_64 = arith.constant dense<0.000000e+00> : vector<1024x128xf32>
    %dot_general3A_65 = tpu.matmul %slice3A_47, %get3A_63, %dot_general3A_64 {dimension_numbers = #tpu.dot_dimension_numbers<[1], [0], [0], [1], [0, 0, 1, 1], [], []>, transpose_lhs_hint = false} : vector<1024x128xf32>, vector<128x128xf32>, vector<1024x128xf32> -> vector<1024x128xf32>
    %get3A_66 = arith.constant 0 : index
    %get3A_67 = arith.constant 0 : index
    %get3A_68 = vector.load %arg10[%get3A_66, %get3A_67] : memref<1x128xf32, #tpu.memory_space<vmem>>, vector<1x128xf32>
    %add3A_69 = vector.broadcast %get3A_68 : vector<1x128xf32> to vector<1024x128xf32>
    %add3A_70 = arith.addf %dot_general3A_65, %add3A_69 : vector<1024x128xf32>
    %convert_element_type3A_71 = arith.truncf %add3A_70 : vector<1024x128xf32> to vector<1024x128xbf16>
    %swap3A_72 = arith.constant 0 : index
    %swap3A_73 = arith.constant 0 : index
    %swap3A_74 = vector.load %arg14[%swap3A_72, %swap3A_73] : memref<1024x128xbf16, #tpu.memory_space<vmem>>, vector<1024x128xbf16>
    tpu.vector_store %arg14[%swap3A_72, %swap3A_73], %convert_element_type3A_71 {strides = array<i32>} : memref<1024x128xbf16, #tpu.memory_space<vmem>>, vector<1024x128xbf16>,
    %get3A_75 = arith.constant 0 : index
    %get3A_76 = arith.constant 0 : index
    %get3A_77 = vector.load %arg11[%get3A_75, %get3A_76] : memref<128x128xf32, #tpu.memory_space<vmem>>, vector<128x128xf32>
    %dot_general3A_78 = arith.constant dense<0.000000e+00> : vector<128x1024xf32>
    %dot_general3A_79 = tpu.matmul %get3A_77, %slice3A_48, %dot_general3A_78 {dimension_numbers = #tpu.dot_dimension_numbers<[0], [1], [1], [0], [0, 1, 1, 0], [], []>, transpose_lhs_hint = false} : vector<128x128xf32>, vector<1024x128xf32>, vector<128x1024xf32> -> vector<128x1024xf32>
    %get3A_80 = arith.constant 0 : index
    %get3A_81 = arith.constant 0 : index
    %get3A_82 = vector.load %arg12[%get3A_80, %get3A_81] : memref<128x1xf32, #tpu.memory_space<vmem>>, vector<128x1xf32>
    %add3A_83 = vector.broadcast %get3A_82 : vector<128x1xf32> to vector<128x1024xf32>
    %add3A_84 = arith.addf %dot_general3A_79, %add3A_83 : vector<128x1024xf32>
    %convert_element_type3A_85 = arith.truncf %add3A_84 : vector<128x1024xf32> to vector<128x1024xbf16>
    %swap3A_86 = arith.constant 0 : index
    %swap3A_87 = arith.constant 0 : index
    %swap3A_88 = vector.load %arg15[%swap3A_86, %swap3A_87] : memref<128x1024xbf16, #tpu.memory_space<vmem>>, vector<128x1024xbf16>
    tpu.vector_store %arg15[%swap3A_86, %swap3A_87], %convert_element_type3A_85 {strides = array<i32>} : memref<128x1024xbf16, #tpu.memory_space<vmem>>, vector<128x1024xbf16>,
    return
  }
  func.func @transform_0(%arg0: i32) -> (i32, i32) {
    %c0_i32 = arith.constant 0 : i32
    %c0_i32_0 = arith.constant 0 : i32
    return %arg0, %c0_i32 : i32, i32
  }
  func.func @transform_1(%arg0: i32) -> (i32, i32) {
    %c0_i32 = arith.constant 0 : i32
    %c0_i32_0 = arith.constant 0 : i32
    %c0_i32_1 = arith.constant 0 : i32
    return %c0_i32, %c0_i32_0 : i32, i32
  }
  func.func @transform_2(%arg0: i32) -> (i32, i32) {
    %c0_i32 = arith.constant 0 : i32
    %c0_i32_0 = arith.constant 0 : i32
    %c0_i32_1 = arith.constant 0 : i32
    return %c0_i32, %c0_i32_0 : i32, i32
  }
  func.func @transform_3(%arg0: i32) -> (i32, i32) {
    %c0_i32 = arith.constant 0 : i32
    %c0_i32_0 = arith.constant 0 : i32
    %c0_i32_1 = arith.constant 0 : i32
    return %c0_i32, %c0_i32_0 : i32, i32
  }
  func.func @transform_4(%arg0: i32) -> (i32, i32) {
    %c0_i32 = arith.constant 0 : i32
    %c0_i32_0 = arith.constant 0 : i32
    %c0_i32_1 = arith.constant 0 : i32
    return %c0_i32, %c0_i32_0 : i32, i32
  }
  func.func @transform_5(%arg0: i32) -> (i32, i32) {
    %c0_i32 = arith.constant 0 : i32
    %c0_i32_0 = arith.constant 0 : i32
    %c0_i32_1 = arith.constant 0 : i32
    return %c0_i32, %c0_i32_0 : i32, i32
  }
  func.func @transform_6(%arg0: i32) -> (i32, i32) {
    %c0_i32 = arith.constant 0 : i32
    %c0_i32_0 = arith.constant 0 : i32
    %c0_i32_1 = arith.constant 0 : i32
    return %c0_i32, %c0_i32_0 : i32, i32
  }
  func.func @transform_7(%arg0: i32) -> (i32, i32) {
    %c0_i32 = arith.constant 0 : i32
    %c0_i32_0 = arith.constant 0 : i32
    %c0_i32_1 = arith.constant 0 : i32
    return %c0_i32, %c0_i32_0 : i32, i32
  }
  func.func @transform_8(%arg0: i32) -> (i32, i32) {
    %c0_i32 = arith.constant 0 : i32
    %c0_i32_0 = arith.constant 0 : i32
    %c0_i32_1 = arith.constant 0 : i32
    return %c0_i32, %c0_i32_0 : i32, i32
  }
  func.func @transform_9(%arg0: i32) -> (i32, i32) {
    %c0_i32 = arith.constant 0 : i32
    %c0_i32_0 = arith.constant 0 : i32
    %c0_i32_1 = arith.constant 0 : i32
    return %c0_i32, %c0_i32_0 : i32, i32
  }
  func.func @transform_10(%arg0: i32) -> (i32, i32) {
    %c0_i32 = arith.constant 0 : i32
    %c0_i32_0 = arith.constant 0 : i32
    %c0_i32_1 = arith.constant 0 : i32
    return %c0_i32, %c0_i32_0 : i32, i32
  }
  func.func @transform_11(%arg0: i32) -> (i32, i32) {
    %c0_i32 = arith.constant 0 : i32
    %c0_i32_0 = arith.constant 0 : i32
    %c0_i32_1 = arith.constant 0 : i32
    return %c0_i32, %c0_i32_0 : i32, i32
  }
  func.func @transform_12(%arg0: i32) -> (i32, i32) {
    %c0_i32 = arith.constant 0 : i32
    %c0_i32_0 = arith.constant 0 : i32
    return %c0_i32, %arg0 : i32, i32
  }
  func.func @transform_13(%arg0: i32) -> (i32, i32) {
    %c0_i32 = arith.constant 0 : i32
    %c0_i32_0 = arith.constant 0 : i32
    return %arg0, %c0_i32 : i32, i32
  }
  func.func @transform_14(%arg0: i32) -> (i32, i32) {
    %c0_i32 = arith.constant 0 : i32
    %c0_i32_0 = arith.constant 0 : i32
    return %c0_i32, %arg0 : i32, i32
  }
}

module attributes {stable_mosaic.version = 14 : i64} {
  func.func @_attn_kernel(%arg0: i32, %arg1: memref<64xi32, #tpu.memory_space<smem>>, %arg2: memref<64xi32, #tpu.memory_space<smem>>, %arg3: memref<128x512xbf16, #tpu.memory_space<vmem>>, %arg4: memref<32768x128xbf16, #tpu.memory_space<vmem>>, %arg5: memref<128x32768xbf16, #tpu.memory_space<vmem>>, %arg6: memref<1x1x512xi32, #tpu.memory_space<vmem>>, %arg7: memref<1x32768xi32, #tpu.memory_space<vmem>>, %arg8: memref<512x128xf32, #tpu.memory_space<vmem>>, %arg9: memref<128x128xf32, #tpu.memory_space<vmem>>, %arg10: memref<1x128xf32, #tpu.memory_space<vmem>>, %arg11: memref<1x128xf32, #tpu.memory_space<vmem>>, %arg12: memref<1x128xf32, #tpu.memory_space<vmem>>, %arg13: memref<128x512xf32, #tpu.memory_space<vmem>>, %arg14: memref<512x128xf32, #tpu.memory_space<vmem>>, %arg15: memref<1x128xf32, #tpu.memory_space<vmem>>, %arg16: memref<512x128xf32, #tpu.memory_space<vmem>>, %arg17: memref<8x1x512xf32, #tpu.memory_space<vmem>>, %arg18: memref<8x1x512xf32, #tpu.memory_space<vmem>>, %arg19: memref<8x16x512xf32, #tpu.memory_space<vmem>>) attributes {dimension_semantics = [#tpu.dimension_semantics<arbitrary>], iteration_bounds = array<i64: 64>, scalar_prefetch = 2 : i64, scratch_operands = 3 : i64, tpu.core_type = #tpu.core_type<tc>, window_params = [{transform_indices = @transform_0, window_bounds = array<i64: 128, 512>}, {pipeline_mode = #tpu.pipeline_mode<synchronous>, transform_indices = @transform_1, window_bounds = array<i64: 32768, 128>}, {pipeline_mode = #tpu.pipeline_mode<synchronous>, transform_indices = @transform_2, window_bounds = array<i64: 128, 32768>}, {transform_indices = @transform_3, window_bounds = array<i64: 1, 1, 512>}, {pipeline_mode = #tpu.pipeline_mode<synchronous>, transform_indices = @transform_4, window_bounds = array<i64: 1, 32768>}, {transform_indices = @transform_5, window_bounds = array<i64: 512, 128>}, {pipeline_mode = #tpu.pipeline_mode<synchronous>, transform_indices = @transform_6, window_bounds = array<i64: 128, 128>}, {pipeline_mode = #tpu.pipeline_mode<synchronous>, transform_indices = @transform_7, window_bounds = array<i64: 1, 128>}, {pipeline_mode = #tpu.pipeline_mode<synchronous>, transform_indices = @transform_8, window_bounds = array<i64: 1, 128>}, {pipeline_mode = #tpu.pipeline_mode<synchronous>, transform_indices = @transform_9, window_bounds = array<i64: 1, 128>}, {pipeline_mode = #tpu.pipeline_mode<synchronous>, transform_indices = @transform_10, window_bounds = array<i64: 128, 512>}, {pipeline_mode = #tpu.pipeline_mode<synchronous>, transform_indices = @transform_11, window_bounds = array<i64: 512, 128>}, {pipeline_mode = #tpu.pipeline_mode<synchronous>, transform_indices = @transform_12, window_bounds = array<i64: 1, 128>}, {transform_indices = @transform_13, window_bounds = array<i64: 512, 128>}]} {
    %broadcast_in_dim3A = arith.constant -1.000000e+30 : f32
    %broadcast_in_dim3A_0 = vector.broadcast %broadcast_in_dim3A : f32 to vector<8x1x512xf32>
    %swap3A = arith.constant 0 : index
    %swap3A_1 = arith.constant 0 : index
    %swap3A_2 = arith.constant 0 : index
    %swap3A_3 = vector.load %arg17[%swap3A, %swap3A_1, %swap3A_2] : memref<8x1x512xf32, #tpu.memory_space<vmem>>, vector<8x1x512xf32>
    tpu.vector_store %arg17[%swap3A, %swap3A_1, %swap3A_2], %broadcast_in_dim3A_0 {strides = array<i32>} : memref<8x1x512xf32, #tpu.memory_space<vmem>>, vector<8x1x512xf32>,
    %broadcast_in_dim3A_4 = arith.constant 0.000000e+00 : f32
    %broadcast_in_dim3A_5 = vector.broadcast %broadcast_in_dim3A_4 : f32 to vector<8x1x512xf32>
    %swap3A_6 = arith.constant 0 : index
    %swap3A_7 = arith.constant 0 : index
    %swap3A_8 = arith.constant 0 : index
    %swap3A_9 = vector.load %arg18[%swap3A_6, %swap3A_7, %swap3A_8] : memref<8x1x512xf32, #tpu.memory_space<vmem>>, vector<8x1x512xf32>
    tpu.vector_store %arg18[%swap3A_6, %swap3A_7, %swap3A_8], %broadcast_in_dim3A_5 {strides = array<i32>} : memref<8x1x512xf32, #tpu.memory_space<vmem>>, vector<8x1x512xf32>,
    %broadcast_in_dim3A_10 = arith.constant 0.000000e+00 : f32
    %broadcast_in_dim3A_11 = vector.broadcast %broadcast_in_dim3A_10 : f32 to vector<8x16x512xf32>
    %swap3A_12 = arith.constant 0 : index
    %swap3A_13 = arith.constant 0 : index
    %swap3A_14 = arith.constant 0 : index
    %swap3A_15 = vector.load %arg19[%swap3A_12, %swap3A_13, %swap3A_14] : memref<8x16x512xf32, #tpu.memory_space<vmem>>, vector<8x16x512xf32>
    tpu.vector_store %arg19[%swap3A_12, %swap3A_13, %swap3A_14], %broadcast_in_dim3A_11 {strides = array<i32>} : memref<8x16x512xf32, #tpu.memory_space<vmem>>, vector<8x16x512xf32>,
    %get3A = arith.constant 0 : index
    %get3A_16 = arith.constant 0 : index
    %get3A_17 = arith.constant 0 : index
    %get3A_18 = vector.load %arg6[%get3A, %get3A_16, %get3A_17] : memref<1x1x512xi32, #tpu.memory_space<vmem>>, vector<1x1x512xi32>
    %get3A_19 = vector.shape_cast %get3A_18 : vector<1x1x512xi32> to vector<512xi32>
    %broadcast_in_dim3A_20 = arith.constant 1.000000e+00 : bf16
    %broadcast_in_dim3A_21 = vector.broadcast %broadcast_in_dim3A_20 : bf16 to vector<1x1024xbf16>
    %get3A_22 = arith.index_cast %arg0 : i32 to index
    %get3A_23 = memref.load %arg1[%get3A_22] : memref<64xi32, #tpu.memory_space<smem>>
    %get3A_24 = arith.index_cast %arg0 : i32 to index
    %get3A_25 = memref.load %arg2[%get3A_24] : memref<64xi32, #tpu.memory_space<smem>>
    %while3A = arith.constant 0 : i32
    %while3A_26 = arith.constant 0 : i32
    %while3A_27 = arith.subi %get3A_25, %while3A_26 : i32
    %while3A_28 = arith.addi %while3A_26, %while3A_27 : i32
    %while3A_29 = arith.constant 1 : i32
    %while3A_30 = arith.divsi %while3A_27, %while3A_29 : i32
    %while3A_31 = arith.muli %while3A_30, %while3A_29 : i32
    %while3A_32 = arith.addi %while3A_26, %while3A_31 : i32
    %while3A_33 = arith.constant 1 : i32
    scf.for %while3A_203 = %while3A_26 to %while3A_32 step %while3A_33  : i32 {
      %add3A_204 = arith.addi %get3A_23, %while3A_203 : i32
      %mul3A_205 = arith.constant 1024 : i32
      %mul3A_206 = arith.muli %add3A_204, %mul3A_205 : i32
      %get3A_207 = arith.constant 0 : index
      %get3A_208 = arith.index_cast %mul3A_206 : i32 to index
      %get3A_209 = vector.load %arg7[%get3A_207, %get3A_208] : memref<1x32768xi32, #tpu.memory_space<vmem>>, vector<1x1024xi32>
      %get3A_210 = vector.shape_cast %get3A_209 : vector<1x1024xi32> to vector<1024xi32>
      %broadcast_in_dim3A_211 = vector.shape_cast %get3A_210 : vector<1024xi32> to vector<1024x1xi32>
      %broadcast_in_dim3A_212 = vector.shape_cast %get3A_19 : vector<512xi32> to vector<1x512xi32>
      %eq3A = vector.broadcast %broadcast_in_dim3A_211 : vector<1024x1xi32> to vector<1024x512xi32>
      %eq3A_213 = vector.broadcast %broadcast_in_dim3A_212 : vector<1x512xi32> to vector<1024x512xi32>
      %eq3A_214 = arith.cmpi eq, %eq3A, %eq3A_213 : vector<1024x512xi32>
      %jit3A = arith.constant 0.000000e+00 : f32
      %jit3A_215 = arith.constant -1.000000e+30 : f32
      %broadcast_in_dim3A_216 = vector.broadcast %jit3A : f32 to vector<1024x512xf32>
      %broadcast_in_dim3A_217 = vector.broadcast %jit3A_215 : f32 to vector<1024x512xf32>
      %select_n3A = arith.select %eq3A_214, %broadcast_in_dim3A_216, %broadcast_in_dim3A_217 : vector<1024x512xi1>, vector<1024x512xf32>
      %get3A_218 = arith.index_cast %mul3A_206 : i32 to index
      %get3A_219 = arith.constant 0 : index
      %get3A_220 = vector.load %arg4[%get3A_218, %get3A_219] : memref<32768x128xbf16, #tpu.memory_space<vmem>>, vector<1024x16xbf16>
      %get3A_221 = arith.constant 0 : index
      %get3A_222 = arith.constant 0 : index
      %get3A_223 = vector.load %arg3[%get3A_221, %get3A_222] : memref<128x512xbf16, #tpu.memory_space<vmem>>, vector<16x512xbf16>
      %get3A_224 = arith.constant 0 : index
      %get3A_225 = arith.index_cast %mul3A_206 : i32 to index
      %get3A_226 = vector.load %arg5[%get3A_224, %get3A_225] : memref<128x32768xbf16, #tpu.memory_space<vmem>>, vector<16x1024xbf16>
      %dot_general3A_227 = arith.constant dense<0.000000e+00> : vector<1024x512xf32>
      %dot_general3A_228 = tpu.matmul %get3A_220, %get3A_223, %dot_general3A_227 {dimension_numbers = #tpu.dot_dimension_numbers<[1], [0], [0], [1], [0, 0, 1, 1], [], []>, transpose_lhs_hint = false} : vector<1024x16xbf16>, vector<16x512xbf16>, vector<1024x512xf32> -> vector<1024x512xf32>
      %add3A_229 = arith.addf %dot_general3A_228, %select_n3A : vector<1024x512xf32>
      %get3A_230 = arith.constant 0 : index
      %get3A_231 = arith.constant 0 : index
      %get3A_232 = arith.constant 0 : index
      %get3A_233 = vector.load %arg17[%get3A_230, %get3A_231, %get3A_232] : memref<8x1x512xf32, #tpu.memory_space<vmem>>, vector<1x1x512xf32>
      %get3A_234 = vector.shape_cast %get3A_233 : vector<1x1x512xf32> to vector<1x512xf32>
      %reduce_max3A = arith.constant dense<0xFF800000> : vector<512xf32>
      %reduce_max3A_235 = vector.multi_reduction <maximumf>, %add3A_229, %reduce_max3A [0] : vector<1024x512xf32> to vector<512xf32>
      %broadcast_in_dim3A_236 = vector.shape_cast %reduce_max3A_235 : vector<512xf32> to vector<1x512xf32>
      %max3A = arith.maximumf %get3A_234, %broadcast_in_dim3A_236 : vector<1x512xf32>
      %sub3A_237 = arith.subf %get3A_234, %max3A : vector<1x512xf32>
      %exp3A = math.exp %sub3A_237 : vector<1x512xf32>
      %sub3A_238 = vector.broadcast %max3A : vector<1x512xf32> to vector<1024x512xf32>
      %sub3A_239 = arith.subf %add3A_229, %sub3A_238 : vector<1024x512xf32>
      %exp3A_240 = math.exp %sub3A_239 : vector<1024x512xf32>
      %convert_element_type3A_241 = arith.truncf %exp3A_240 : vector<1024x512xf32> to vector<1024x512xbf16>
      %get3A_242 = arith.constant 0 : index
      %get3A_243 = arith.constant 0 : index
      %get3A_244 = arith.constant 0 : index
      %get3A_245 = vector.load %arg18[%get3A_242, %get3A_243, %get3A_244] : memref<8x1x512xf32, #tpu.memory_space<vmem>>, vector<1x1x512xf32>
      %get3A_246 = vector.shape_cast %get3A_245 : vector<1x1x512xf32> to vector<1x512xf32>
      %mul3A_247 = arith.mulf %get3A_246, %exp3A : vector<1x512xf32>
      %dot_general3A_248 = arith.constant dense<0.000000e+00> : vector<1x512xf32>
      %dot_general3A_249 = tpu.matmul %broadcast_in_dim3A_21, %convert_element_type3A_241, %dot_general3A_248 {dimension_numbers = #tpu.dot_dimension_numbers<[1], [0], [0], [1], [0, 0, 1, 1], [], []>, transpose_lhs_hint = false} : vector<1x1024xbf16>, vector<1024x512xbf16>, vector<1x512xf32> -> vector<1x512xf32>
      %add3A_250 = arith.addf %mul3A_247, %dot_general3A_249 : vector<1x512xf32>
      %swap3A_251 = arith.constant 0 : index
      %swap3A_252 = arith.constant 0 : index
      %swap3A_253 = arith.constant 0 : index
      %swap3A_254 = vector.load %arg18[%swap3A_251, %swap3A_252, %swap3A_253] : memref<8x1x512xf32, #tpu.memory_space<vmem>>, vector<1x1x512xf32>
      %swap3A_255 = vector.shape_cast %swap3A_254 : vector<1x1x512xf32> to vector<1x512xf32>
      %swap3A_256 = vector.shape_cast %add3A_250 : vector<1x512xf32> to vector<1x1x512xf32>
      tpu.vector_store %arg18[%swap3A_251, %swap3A_252, %swap3A_253], %swap3A_256 {strides = array<i32>} : memref<8x1x512xf32, #tpu.memory_space<vmem>>, vector<1x1x512xf32>,
      %get3A_257 = arith.constant 0 : index
      %get3A_258 = arith.constant 0 : index
      %get3A_259 = arith.constant 0 : index
      %get3A_260 = vector.load %arg19[%get3A_257, %get3A_258, %get3A_259] : memref<8x16x512xf32, #tpu.memory_space<vmem>>, vector<1x16x512xf32>
      %get3A_261 = vector.shape_cast %get3A_260 : vector<1x16x512xf32> to vector<16x512xf32>
      %mul3A_262 = vector.broadcast %exp3A : vector<1x512xf32> to vector<16x512xf32>
      %mul3A_263 = arith.mulf %get3A_261, %mul3A_262 : vector<16x512xf32>
      %dot_general3A_264 = arith.constant dense<0.000000e+00> : vector<16x512xf32>
      %dot_general3A_265 = tpu.matmul %get3A_226, %convert_element_type3A_241, %dot_general3A_264 {dimension_numbers = #tpu.dot_dimension_numbers<[1], [0], [0], [1], [0, 0, 1, 1], [], []>, transpose_lhs_hint = false} : vector<16x1024xbf16>, vector<1024x512xbf16>, vector<16x512xf32> -> vector<16x512xf32>
      %add3A_266 = arith.addf %mul3A_263, %dot_general3A_265 : vector<16x512xf32>
      %swap3A_267 = arith.constant 0 : index
      %swap3A_268 = arith.constant 0 : index
      %swap3A_269 = arith.constant 0 : index
      %swap3A_270 = vector.load %arg19[%swap3A_267, %swap3A_268, %swap3A_269] : memref<8x16x512xf32, #tpu.memory_space<vmem>>, vector<1x16x512xf32>
      %swap3A_271 = vector.shape_cast %swap3A_270 : vector<1x16x512xf32> to vector<16x512xf32>
      %swap3A_272 = vector.shape_cast %add3A_266 : vector<16x512xf32> to vector<1x16x512xf32>
      tpu.vector_store %arg19[%swap3A_267, %swap3A_268, %swap3A_269], %swap3A_272 {strides = array<i32>} : memref<8x16x512xf32, #tpu.memory_space<vmem>>, vector<1x16x512xf32>,
      %swap3A_273 = arith.constant 0 : index
      %swap3A_274 = arith.constant 0 : index
      %swap3A_275 = arith.constant 0 : index
      %swap3A_276 = vector.load %arg17[%swap3A_273, %swap3A_274, %swap3A_275] : memref<8x1x512xf32, #tpu.memory_space<vmem>>, vector<1x1x512xf32>
      %swap3A_277 = vector.shape_cast %swap3A_276 : vector<1x1x512xf32> to vector<1x512xf32>
      %swap3A_278 = vector.shape_cast %max3A : vector<1x512xf32> to vector<1x1x512xf32>
      tpu.vector_store %arg17[%swap3A_273, %swap3A_274, %swap3A_275], %swap3A_278 {strides = array<i32>} : memref<8x1x512xf32, #tpu.memory_space<vmem>>, vector<1x1x512xf32>,
      %get3A_279 = arith.index_cast %mul3A_206 : i32 to index
      %get3A_280 = arith.constant 16 : index
      %get3A_281 = vector.load %arg4[%get3A_279, %get3A_280] : memref<32768x128xbf16, #tpu.memory_space<vmem>>, vector<1024x16xbf16>
      %get3A_282 = arith.constant 16 : index
      %get3A_283 = arith.constant 0 : index
      %get3A_284 = vector.load %arg3[%get3A_282, %get3A_283] : memref<128x512xbf16, #tpu.memory_space<vmem>>, vector<16x512xbf16>
      %get3A_285 = arith.constant 16 : index
      %get3A_286 = arith.index_cast %mul3A_206 : i32 to index
      %get3A_287 = vector.load %arg5[%get3A_285, %get3A_286] : memref<128x32768xbf16, #tpu.memory_space<vmem>>, vector<16x1024xbf16>
      %dot_general3A_288 = arith.constant dense<0.000000e+00> : vector<1024x512xf32>
      %dot_general3A_289 = tpu.matmul %get3A_281, %get3A_284, %dot_general3A_288 {dimension_numbers = #tpu.dot_dimension_numbers<[1], [0], [0], [1], [0, 0, 1, 1], [], []>, transpose_lhs_hint = false} : vector<1024x16xbf16>, vector<16x512xbf16>, vector<1024x512xf32> -> vector<1024x512xf32>
      %add3A_290 = arith.addf %dot_general3A_289, %select_n3A : vector<1024x512xf32>
      %get3A_291 = arith.constant 1 : index
      %get3A_292 = arith.constant 0 : index
      %get3A_293 = arith.constant 0 : index
      %get3A_294 = vector.load %arg17[%get3A_291, %get3A_292, %get3A_293] : memref<8x1x512xf32, #tpu.memory_space<vmem>>, vector<1x1x512xf32>
      %get3A_295 = vector.shape_cast %get3A_294 : vector<1x1x512xf32> to vector<1x512xf32>
      %reduce_max3A_296 = arith.constant dense<0xFF800000> : vector<512xf32>
      %reduce_max3A_297 = vector.multi_reduction <maximumf>, %add3A_290, %reduce_max3A_296 [0] : vector<1024x512xf32> to vector<512xf32>
      %broadcast_in_dim3A_298 = vector.shape_cast %reduce_max3A_297 : vector<512xf32> to vector<1x512xf32>
      %max3A_299 = arith.maximumf %get3A_295, %broadcast_in_dim3A_298 : vector<1x512xf32>
      %sub3A_300 = arith.subf %get3A_295, %max3A_299 : vector<1x512xf32>
      %exp3A_301 = math.exp %sub3A_300 : vector<1x512xf32>
      %sub3A_302 = vector.broadcast %max3A_299 : vector<1x512xf32> to vector<1024x512xf32>
      %sub3A_303 = arith.subf %add3A_290, %sub3A_302 : vector<1024x512xf32>
      %exp3A_304 = math.exp %sub3A_303 : vector<1024x512xf32>
      %convert_element_type3A_305 = arith.truncf %exp3A_304 : vector<1024x512xf32> to vector<1024x512xbf16>
      %get3A_306 = arith.constant 1 : index
      %get3A_307 = arith.constant 0 : index
      %get3A_308 = arith.constant 0 : index
      %get3A_309 = vector.load %arg18[%get3A_306, %get3A_307, %get3A_308] : memref<8x1x512xf32, #tpu.memory_space<vmem>>, vector<1x1x512xf32>
      %get3A_310 = vector.shape_cast %get3A_309 : vector<1x1x512xf32> to vector<1x512xf32>
      %mul3A_311 = arith.mulf %get3A_310, %exp3A_301 : vector<1x512xf32>
      %dot_general3A_312 = arith.constant dense<0.000000e+00> : vector<1x512xf32>
      %dot_general3A_313 = tpu.matmul %broadcast_in_dim3A_21, %convert_element_type3A_305, %dot_general3A_312 {dimension_numbers = #tpu.dot_dimension_numbers<[1], [0], [0], [1], [0, 0, 1, 1], [], []>, transpose_lhs_hint = false} : vector<1x1024xbf16>, vector<1024x512xbf16>, vector<1x512xf32> -> vector<1x512xf32>
      %add3A_314 = arith.addf %mul3A_311, %dot_general3A_313 : vector<1x512xf32>
      %swap3A_315 = arith.constant 1 : index
      %swap3A_316 = arith.constant 0 : index
      %swap3A_317 = arith.constant 0 : index
      %swap3A_318 = vector.load %arg18[%swap3A_315, %swap3A_316, %swap3A_317] : memref<8x1x512xf32, #tpu.memory_space<vmem>>, vector<1x1x512xf32>
      %swap3A_319 = vector.shape_cast %swap3A_318 : vector<1x1x512xf32> to vector<1x512xf32>
      %swap3A_320 = vector.shape_cast %add3A_314 : vector<1x512xf32> to vector<1x1x512xf32>
      tpu.vector_store %arg18[%swap3A_315, %swap3A_316, %swap3A_317], %swap3A_320 {strides = array<i32>} : memref<8x1x512xf32, #tpu.memory_space<vmem>>, vector<1x1x512xf32>,
      %get3A_321 = arith.constant 1 : index
      %get3A_322 = arith.constant 0 : index
      %get3A_323 = arith.constant 0 : index
      %get3A_324 = vector.load %arg19[%get3A_321, %get3A_322, %get3A_323] : memref<8x16x512xf32, #tpu.memory_space<vmem>>, vector<1x16x512xf32>
      %get3A_325 = vector.shape_cast %get3A_324 : vector<1x16x512xf32> to vector<16x512xf32>
      %mul3A_326 = vector.broadcast %exp3A_301 : vector<1x512xf32> to vector<16x512xf32>
      %mul3A_327 = arith.mulf %get3A_325, %mul3A_326 : vector<16x512xf32>
      %dot_general3A_328 = arith.constant dense<0.000000e+00> : vector<16x512xf32>
      %dot_general3A_329 = tpu.matmul %get3A_287, %convert_element_type3A_305, %dot_general3A_328 {dimension_numbers = #tpu.dot_dimension_numbers<[1], [0], [0], [1], [0, 0, 1, 1], [], []>, transpose_lhs_hint = false} : vector<16x1024xbf16>, vector<1024x512xbf16>, vector<16x512xf32> -> vector<16x512xf32>
      %add3A_330 = arith.addf %mul3A_327, %dot_general3A_329 : vector<16x512xf32>
      %swap3A_331 = arith.constant 1 : index
      %swap3A_332 = arith.constant 0 : index
      %swap3A_333 = arith.constant 0 : index
      %swap3A_334 = vector.load %arg19[%swap3A_331, %swap3A_332, %swap3A_333] : memref<8x16x512xf32, #tpu.memory_space<vmem>>, vector<1x16x512xf32>
      %swap3A_335 = vector.shape_cast %swap3A_334 : vector<1x16x512xf32> to vector<16x512xf32>
      %swap3A_336 = vector.shape_cast %add3A_330 : vector<16x512xf32> to vector<1x16x512xf32>
      tpu.vector_store %arg19[%swap3A_331, %swap3A_332, %swap3A_333], %swap3A_336 {strides = array<i32>} : memref<8x16x512xf32, #tpu.memory_space<vmem>>, vector<1x16x512xf32>,
      %swap3A_337 = arith.constant 1 : index
      %swap3A_338 = arith.constant 0 : index
      %swap3A_339 = arith.constant 0 : index
      %swap3A_340 = vector.load %arg17[%swap3A_337, %swap3A_338, %swap3A_339] : memref<8x1x512xf32, #tpu.memory_space<vmem>>, vector<1x1x512xf32>
      %swap3A_341 = vector.shape_cast %swap3A_340 : vector<1x1x512xf32> to vector<1x512xf32>
      %swap3A_342 = vector.shape_cast %max3A_299 : vector<1x512xf32> to vector<1x1x512xf32>
      tpu.vector_store %arg17[%swap3A_337, %swap3A_338, %swap3A_339], %swap3A_342 {strides = array<i32>} : memref<8x1x512xf32, #tpu.memory_space<vmem>>, vector<1x1x512xf32>,
      %get3A_343 = arith.index_cast %mul3A_206 : i32 to index
      %get3A_344 = arith.constant 32 : index
      %get3A_345 = vector.load %arg4[%get3A_343, %get3A_344] : memref<32768x128xbf16, #tpu.memory_space<vmem>>, vector<1024x16xbf16>
      %get3A_346 = arith.constant 32 : index
      %get3A_347 = arith.constant 0 : index
      %get3A_348 = vector.load %arg3[%get3A_346, %get3A_347] : memref<128x512xbf16, #tpu.memory_space<vmem>>, vector<16x512xbf16>
      %get3A_349 = arith.constant 32 : index
      %get3A_350 = arith.index_cast %mul3A_206 : i32 to index
      %get3A_351 = vector.load %arg5[%get3A_349, %get3A_350] : memref<128x32768xbf16, #tpu.memory_space<vmem>>, vector<16x1024xbf16>
      %dot_general3A_352 = arith.constant dense<0.000000e+00> : vector<1024x512xf32>
      %dot_general3A_353 = tpu.matmul %get3A_345, %get3A_348, %dot_general3A_352 {dimension_numbers = #tpu.dot_dimension_numbers<[1], [0], [0], [1], [0, 0, 1, 1], [], []>, transpose_lhs_hint = false} : vector<1024x16xbf16>, vector<16x512xbf16>, vector<1024x512xf32> -> vector<1024x512xf32>
      %add3A_354 = arith.addf %dot_general3A_353, %select_n3A : vector<1024x512xf32>
      %get3A_355 = arith.constant 2 : index
      %get3A_356 = arith.constant 0 : index
      %get3A_357 = arith.constant 0 : index
      %get3A_358 = vector.load %arg17[%get3A_355, %get3A_356, %get3A_357] : memref<8x1x512xf32, #tpu.memory_space<vmem>>, vector<1x1x512xf32>
      %get3A_359 = vector.shape_cast %get3A_358 : vector<1x1x512xf32> to vector<1x512xf32>
      %reduce_max3A_360 = arith.constant dense<0xFF800000> : vector<512xf32>
      %reduce_max3A_361 = vector.multi_reduction <maximumf>, %add3A_354, %reduce_max3A_360 [0] : vector<1024x512xf32> to vector<512xf32>
      %broadcast_in_dim3A_362 = vector.shape_cast %reduce_max3A_361 : vector<512xf32> to vector<1x512xf32>
      %max3A_363 = arith.maximumf %get3A_359, %broadcast_in_dim3A_362 : vector<1x512xf32>
      %sub3A_364 = arith.subf %get3A_359, %max3A_363 : vector<1x512xf32>
      %exp3A_365 = math.exp %sub3A_364 : vector<1x512xf32>
      %sub3A_366 = vector.broadcast %max3A_363 : vector<1x512xf32> to vector<1024x512xf32>
      %sub3A_367 = arith.subf %add3A_354, %sub3A_366 : vector<1024x512xf32>
      %exp3A_368 = math.exp %sub3A_367 : vector<1024x512xf32>
      %convert_element_type3A_369 = arith.truncf %exp3A_368 : vector<1024x512xf32> to vector<1024x512xbf16>
      %get3A_370 = arith.constant 2 : index
      %get3A_371 = arith.constant 0 : index
      %get3A_372 = arith.constant 0 : index
      %get3A_373 = vector.load %arg18[%get3A_370, %get3A_371, %get3A_372] : memref<8x1x512xf32, #tpu.memory_space<vmem>>, vector<1x1x512xf32>
      %get3A_374 = vector.shape_cast %get3A_373 : vector<1x1x512xf32> to vector<1x512xf32>
      %mul3A_375 = arith.mulf %get3A_374, %exp3A_365 : vector<1x512xf32>
      %dot_general3A_376 = arith.constant dense<0.000000e+00> : vector<1x512xf32>
      %dot_general3A_377 = tpu.matmul %broadcast_in_dim3A_21, %convert_element_type3A_369, %dot_general3A_376 {dimension_numbers = #tpu.dot_dimension_numbers<[1], [0], [0], [1], [0, 0, 1, 1], [], []>, transpose_lhs_hint = false} : vector<1x1024xbf16>, vector<1024x512xbf16>, vector<1x512xf32> -> vector<1x512xf32>
      %add3A_378 = arith.addf %mul3A_375, %dot_general3A_377 : vector<1x512xf32>
      %swap3A_379 = arith.constant 2 : index
      %swap3A_380 = arith.constant 0 : index
      %swap3A_381 = arith.constant 0 : index
      %swap3A_382 = vector.load %arg18[%swap3A_379, %swap3A_380, %swap3A_381] : memref<8x1x512xf32, #tpu.memory_space<vmem>>, vector<1x1x512xf32>
      %swap3A_383 = vector.shape_cast %swap3A_382 : vector<1x1x512xf32> to vector<1x512xf32>
      %swap3A_384 = vector.shape_cast %add3A_378 : vector<1x512xf32> to vector<1x1x512xf32>
      tpu.vector_store %arg18[%swap3A_379, %swap3A_380, %swap3A_381], %swap3A_384 {strides = array<i32>} : memref<8x1x512xf32, #tpu.memory_space<vmem>>, vector<1x1x512xf32>,
      %get3A_385 = arith.constant 2 : index
      %get3A_386 = arith.constant 0 : index
      %get3A_387 = arith.constant 0 : index
      %get3A_388 = vector.load %arg19[%get3A_385, %get3A_386, %get3A_387] : memref<8x16x512xf32, #tpu.memory_space<vmem>>, vector<1x16x512xf32>
      %get3A_389 = vector.shape_cast %get3A_388 : vector<1x16x512xf32> to vector<16x512xf32>
      %mul3A_390 = vector.broadcast %exp3A_365 : vector<1x512xf32> to vector<16x512xf32>
      %mul3A_391 = arith.mulf %get3A_389, %mul3A_390 : vector<16x512xf32>
      %dot_general3A_392 = arith.constant dense<0.000000e+00> : vector<16x512xf32>
      %dot_general3A_393 = tpu.matmul %get3A_351, %convert_element_type3A_369, %dot_general3A_392 {dimension_numbers = #tpu.dot_dimension_numbers<[1], [0], [0], [1], [0, 0, 1, 1], [], []>, transpose_lhs_hint = false} : vector<16x1024xbf16>, vector<1024x512xbf16>, vector<16x512xf32> -> vector<16x512xf32>
      %add3A_394 = arith.addf %mul3A_391, %dot_general3A_393 : vector<16x512xf32>
      %swap3A_395 = arith.constant 2 : index
      %swap3A_396 = arith.constant 0 : index
      %swap3A_397 = arith.constant 0 : index
      %swap3A_398 = vector.load %arg19[%swap3A_395, %swap3A_396, %swap3A_397] : memref<8x16x512xf32, #tpu.memory_space<vmem>>, vector<1x16x512xf32>
      %swap3A_399 = vector.shape_cast %swap3A_398 : vector<1x16x512xf32> to vector<16x512xf32>
      %swap3A_400 = vector.shape_cast %add3A_394 : vector<16x512xf32> to vector<1x16x512xf32>
      tpu.vector_store %arg19[%swap3A_395, %swap3A_396, %swap3A_397], %swap3A_400 {strides = array<i32>} : memref<8x16x512xf32, #tpu.memory_space<vmem>>, vector<1x16x512xf32>,
      %swap3A_401 = arith.constant 2 : index
      %swap3A_402 = arith.constant 0 : index
      %swap3A_403 = arith.constant 0 : index
      %swap3A_404 = vector.load %arg17[%swap3A_401, %swap3A_402, %swap3A_403] : memref<8x1x512xf32, #tpu.memory_space<vmem>>, vector<1x1x512xf32>
      %swap3A_405 = vector.shape_cast %swap3A_404 : vector<1x1x512xf32> to vector<1x512xf32>
      %swap3A_406 = vector.shape_cast %max3A_363 : vector<1x512xf32> to vector<1x1x512xf32>
      tpu.vector_store %arg17[%swap3A_401, %swap3A_402, %swap3A_403], %swap3A_406 {strides = array<i32>} : memref<8x1x512xf32, #tpu.memory_space<vmem>>, vector<1x1x512xf32>,
      %get3A_407 = arith.index_cast %mul3A_206 : i32 to index
      %get3A_408 = arith.constant 48 : index
      %get3A_409 = vector.load %arg4[%get3A_407, %get3A_408] : memref<32768x128xbf16, #tpu.memory_space<vmem>>, vector<1024x16xbf16>
      %get3A_410 = arith.constant 48 : index
      %get3A_411 = arith.constant 0 : index
      %get3A_412 = vector.load %arg3[%get3A_410, %get3A_411] : memref<128x512xbf16, #tpu.memory_space<vmem>>, vector<16x512xbf16>
      %get3A_413 = arith.constant 48 : index
      %get3A_414 = arith.index_cast %mul3A_206 : i32 to index
      %get3A_415 = vector.load %arg5[%get3A_413, %get3A_414] : memref<128x32768xbf16, #tpu.memory_space<vmem>>, vector<16x1024xbf16>
      %dot_general3A_416 = arith.constant dense<0.000000e+00> : vector<1024x512xf32>
      %dot_general3A_417 = tpu.matmul %get3A_409, %get3A_412, %dot_general3A_416 {dimension_numbers = #tpu.dot_dimension_numbers<[1], [0], [0], [1], [0, 0, 1, 1], [], []>, transpose_lhs_hint = false} : vector<1024x16xbf16>, vector<16x512xbf16>, vector<1024x512xf32> -> vector<1024x512xf32>
      %add3A_418 = arith.addf %dot_general3A_417, %select_n3A : vector<1024x512xf32>
      %get3A_419 = arith.constant 3 : index
      %get3A_420 = arith.constant 0 : index
      %get3A_421 = arith.constant 0 : index
      %get3A_422 = vector.load %arg17[%get3A_419, %get3A_420, %get3A_421] : memref<8x1x512xf32, #tpu.memory_space<vmem>>, vector<1x1x512xf32>
      %get3A_423 = vector.shape_cast %get3A_422 : vector<1x1x512xf32> to vector<1x512xf32>
      %reduce_max3A_424 = arith.constant dense<0xFF800000> : vector<512xf32>
      %reduce_max3A_425 = vector.multi_reduction <maximumf>, %add3A_418, %reduce_max3A_424 [0] : vector<1024x512xf32> to vector<512xf32>
      %broadcast_in_dim3A_426 = vector.shape_cast %reduce_max3A_425 : vector<512xf32> to vector<1x512xf32>
      %max3A_427 = arith.maximumf %get3A_423, %broadcast_in_dim3A_426 : vector<1x512xf32>
      %sub3A_428 = arith.subf %get3A_423, %max3A_427 : vector<1x512xf32>
      %exp3A_429 = math.exp %sub3A_428 : vector<1x512xf32>
      %sub3A_430 = vector.broadcast %max3A_427 : vector<1x512xf32> to vector<1024x512xf32>
      %sub3A_431 = arith.subf %add3A_418, %sub3A_430 : vector<1024x512xf32>
      %exp3A_432 = math.exp %sub3A_431 : vector<1024x512xf32>
      %convert_element_type3A_433 = arith.truncf %exp3A_432 : vector<1024x512xf32> to vector<1024x512xbf16>
      %get3A_434 = arith.constant 3 : index
      %get3A_435 = arith.constant 0 : index
      %get3A_436 = arith.constant 0 : index
      %get3A_437 = vector.load %arg18[%get3A_434, %get3A_435, %get3A_436] : memref<8x1x512xf32, #tpu.memory_space<vmem>>, vector<1x1x512xf32>
      %get3A_438 = vector.shape_cast %get3A_437 : vector<1x1x512xf32> to vector<1x512xf32>
      %mul3A_439 = arith.mulf %get3A_438, %exp3A_429 : vector<1x512xf32>
      %dot_general3A_440 = arith.constant dense<0.000000e+00> : vector<1x512xf32>
      %dot_general3A_441 = tpu.matmul %broadcast_in_dim3A_21, %convert_element_type3A_433, %dot_general3A_440 {dimension_numbers = #tpu.dot_dimension_numbers<[1], [0], [0], [1], [0, 0, 1, 1], [], []>, transpose_lhs_hint = false} : vector<1x1024xbf16>, vector<1024x512xbf16>, vector<1x512xf32> -> vector<1x512xf32>
      %add3A_442 = arith.addf %mul3A_439, %dot_general3A_441 : vector<1x512xf32>
      %swap3A_443 = arith.constant 3 : index
      %swap3A_444 = arith.constant 0 : index
      %swap3A_445 = arith.constant 0 : index
      %swap3A_446 = vector.load %arg18[%swap3A_443, %swap3A_444, %swap3A_445] : memref<8x1x512xf32, #tpu.memory_space<vmem>>, vector<1x1x512xf32>
      %swap3A_447 = vector.shape_cast %swap3A_446 : vector<1x1x512xf32> to vector<1x512xf32>
      %swap3A_448 = vector.shape_cast %add3A_442 : vector<1x512xf32> to vector<1x1x512xf32>
      tpu.vector_store %arg18[%swap3A_443, %swap3A_444, %swap3A_445], %swap3A_448 {strides = array<i32>} : memref<8x1x512xf32, #tpu.memory_space<vmem>>, vector<1x1x512xf32>,
      %get3A_449 = arith.constant 3 : index
      %get3A_450 = arith.constant 0 : index
      %get3A_451 = arith.constant 0 : index
      %get3A_452 = vector.load %arg19[%get3A_449, %get3A_450, %get3A_451] : memref<8x16x512xf32, #tpu.memory_space<vmem>>, vector<1x16x512xf32>
      %get3A_453 = vector.shape_cast %get3A_452 : vector<1x16x512xf32> to vector<16x512xf32>
      %mul3A_454 = vector.broadcast %exp3A_429 : vector<1x512xf32> to vector<16x512xf32>
      %mul3A_455 = arith.mulf %get3A_453, %mul3A_454 : vector<16x512xf32>
      %dot_general3A_456 = arith.constant dense<0.000000e+00> : vector<16x512xf32>
      %dot_general3A_457 = tpu.matmul %get3A_415, %convert_element_type3A_433, %dot_general3A_456 {dimension_numbers = #tpu.dot_dimension_numbers<[1], [0], [0], [1], [0, 0, 1, 1], [], []>, transpose_lhs_hint = false} : vector<16x1024xbf16>, vector<1024x512xbf16>, vector<16x512xf32> -> vector<16x512xf32>
      %add3A_458 = arith.addf %mul3A_455, %dot_general3A_457 : vector<16x512xf32>
      %swap3A_459 = arith.constant 3 : index
      %swap3A_460 = arith.constant 0 : index
      %swap3A_461 = arith.constant 0 : index
      %swap3A_462 = vector.load %arg19[%swap3A_459, %swap3A_460, %swap3A_461] : memref<8x16x512xf32, #tpu.memory_space<vmem>>, vector<1x16x512xf32>
      %swap3A_463 = vector.shape_cast %swap3A_462 : vector<1x16x512xf32> to vector<16x512xf32>
      %swap3A_464 = vector.shape_cast %add3A_458 : vector<16x512xf32> to vector<1x16x512xf32>
      tpu.vector_store %arg19[%swap3A_459, %swap3A_460, %swap3A_461], %swap3A_464 {strides = array<i32>} : memref<8x16x512xf32, #tpu.memory_space<vmem>>, vector<1x16x512xf32>,
      %swap3A_465 = arith.constant 3 : index
      %swap3A_466 = arith.constant 0 : index
      %swap3A_467 = arith.constant 0 : index
      %swap3A_468 = vector.load %arg17[%swap3A_465, %swap3A_466, %swap3A_467] : memref<8x1x512xf32, #tpu.memory_space<vmem>>, vector<1x1x512xf32>
      %swap3A_469 = vector.shape_cast %swap3A_468 : vector<1x1x512xf32> to vector<1x512xf32>
      %swap3A_470 = vector.shape_cast %max3A_427 : vector<1x512xf32> to vector<1x1x512xf32>
      tpu.vector_store %arg17[%swap3A_465, %swap3A_466, %swap3A_467], %swap3A_470 {strides = array<i32>} : memref<8x1x512xf32, #tpu.memory_space<vmem>>, vector<1x1x512xf32>,
      %get3A_471 = arith.index_cast %mul3A_206 : i32 to index
      %get3A_472 = arith.constant 64 : index
      %get3A_473 = vector.load %arg4[%get3A_471, %get3A_472] : memref<32768x128xbf16, #tpu.memory_space<vmem>>, vector<1024x16xbf16>
      %get3A_474 = arith.constant 64 : index
      %get3A_475 = arith.constant 0 : index
      %get3A_476 = vector.load %arg3[%get3A_474, %get3A_475] : memref<128x512xbf16, #tpu.memory_space<vmem>>, vector<16x512xbf16>
      %get3A_477 = arith.constant 64 : index
      %get3A_478 = arith.index_cast %mul3A_206 : i32 to index
      %get3A_479 = vector.load %arg5[%get3A_477, %get3A_478] : memref<128x32768xbf16, #tpu.memory_space<vmem>>, vector<16x1024xbf16>
      %dot_general3A_480 = arith.constant dense<0.000000e+00> : vector<1024x512xf32>
      %dot_general3A_481 = tpu.matmul %get3A_473, %get3A_476, %dot_general3A_480 {dimension_numbers = #tpu.dot_dimension_numbers<[1], [0], [0], [1], [0, 0, 1, 1], [], []>, transpose_lhs_hint = false} : vector<1024x16xbf16>, vector<16x512xbf16>, vector<1024x512xf32> -> vector<1024x512xf32>
      %add3A_482 = arith.addf %dot_general3A_481, %select_n3A : vector<1024x512xf32>
      %get3A_483 = arith.constant 4 : index
      %get3A_484 = arith.constant 0 : index
      %get3A_485 = arith.constant 0 : index
      %get3A_486 = vector.load %arg17[%get3A_483, %get3A_484, %get3A_485] : memref<8x1x512xf32, #tpu.memory_space<vmem>>, vector<1x1x512xf32>
      %get3A_487 = vector.shape_cast %get3A_486 : vector<1x1x512xf32> to vector<1x512xf32>
      %reduce_max3A_488 = arith.constant dense<0xFF800000> : vector<512xf32>
      %reduce_max3A_489 = vector.multi_reduction <maximumf>, %add3A_482, %reduce_max3A_488 [0] : vector<1024x512xf32> to vector<512xf32>
      %broadcast_in_dim3A_490 = vector.shape_cast %reduce_max3A_489 : vector<512xf32> to vector<1x512xf32>
      %max3A_491 = arith.maximumf %get3A_487, %broadcast_in_dim3A_490 : vector<1x512xf32>
      %sub3A_492 = arith.subf %get3A_487, %max3A_491 : vector<1x512xf32>
      %exp3A_493 = math.exp %sub3A_492 : vector<1x512xf32>
      %sub3A_494 = vector.broadcast %max3A_491 : vector<1x512xf32> to vector<1024x512xf32>
      %sub3A_495 = arith.subf %add3A_482, %sub3A_494 : vector<1024x512xf32>
      %exp3A_496 = math.exp %sub3A_495 : vector<1024x512xf32>
      %convert_element_type3A_497 = arith.truncf %exp3A_496 : vector<1024x512xf32> to vector<1024x512xbf16>
      %get3A_498 = arith.constant 4 : index
      %get3A_499 = arith.constant 0 : index
      %get3A_500 = arith.constant 0 : index
      %get3A_501 = vector.load %arg18[%get3A_498, %get3A_499, %get3A_500] : memref<8x1x512xf32, #tpu.memory_space<vmem>>, vector<1x1x512xf32>
      %get3A_502 = vector.shape_cast %get3A_501 : vector<1x1x512xf32> to vector<1x512xf32>
      %mul3A_503 = arith.mulf %get3A_502, %exp3A_493 : vector<1x512xf32>
      %dot_general3A_504 = arith.constant dense<0.000000e+00> : vector<1x512xf32>
      %dot_general3A_505 = tpu.matmul %broadcast_in_dim3A_21, %convert_element_type3A_497, %dot_general3A_504 {dimension_numbers = #tpu.dot_dimension_numbers<[1], [0], [0], [1], [0, 0, 1, 1], [], []>, transpose_lhs_hint = false} : vector<1x1024xbf16>, vector<1024x512xbf16>, vector<1x512xf32> -> vector<1x512xf32>
      %add3A_506 = arith.addf %mul3A_503, %dot_general3A_505 : vector<1x512xf32>
      %swap3A_507 = arith.constant 4 : index
      %swap3A_508 = arith.constant 0 : index
      %swap3A_509 = arith.constant 0 : index
      %swap3A_510 = vector.load %arg18[%swap3A_507, %swap3A_508, %swap3A_509] : memref<8x1x512xf32, #tpu.memory_space<vmem>>, vector<1x1x512xf32>
      %swap3A_511 = vector.shape_cast %swap3A_510 : vector<1x1x512xf32> to vector<1x512xf32>
      %swap3A_512 = vector.shape_cast %add3A_506 : vector<1x512xf32> to vector<1x1x512xf32>
      tpu.vector_store %arg18[%swap3A_507, %swap3A_508, %swap3A_509], %swap3A_512 {strides = array<i32>} : memref<8x1x512xf32, #tpu.memory_space<vmem>>, vector<1x1x512xf32>,
      %get3A_513 = arith.constant 4 : index
      %get3A_514 = arith.constant 0 : index
      %get3A_515 = arith.constant 0 : index
      %get3A_516 = vector.load %arg19[%get3A_513, %get3A_514, %get3A_515] : memref<8x16x512xf32, #tpu.memory_space<vmem>>, vector<1x16x512xf32>
      %get3A_517 = vector.shape_cast %get3A_516 : vector<1x16x512xf32> to vector<16x512xf32>
      %mul3A_518 = vector.broadcast %exp3A_493 : vector<1x512xf32> to vector<16x512xf32>
      %mul3A_519 = arith.mulf %get3A_517, %mul3A_518 : vector<16x512xf32>
      %dot_general3A_520 = arith.constant dense<0.000000e+00> : vector<16x512xf32>
      %dot_general3A_521 = tpu.matmul %get3A_479, %convert_element_type3A_497, %dot_general3A_520 {dimension_numbers = #tpu.dot_dimension_numbers<[1], [0], [0], [1], [0, 0, 1, 1], [], []>, transpose_lhs_hint = false} : vector<16x1024xbf16>, vector<1024x512xbf16>, vector<16x512xf32> -> vector<16x512xf32>
      %add3A_522 = arith.addf %mul3A_519, %dot_general3A_521 : vector<16x512xf32>
      %swap3A_523 = arith.constant 4 : index
      %swap3A_524 = arith.constant 0 : index
      %swap3A_525 = arith.constant 0 : index
      %swap3A_526 = vector.load %arg19[%swap3A_523, %swap3A_524, %swap3A_525] : memref<8x16x512xf32, #tpu.memory_space<vmem>>, vector<1x16x512xf32>
      %swap3A_527 = vector.shape_cast %swap3A_526 : vector<1x16x512xf32> to vector<16x512xf32>
      %swap3A_528 = vector.shape_cast %add3A_522 : vector<16x512xf32> to vector<1x16x512xf32>
      tpu.vector_store %arg19[%swap3A_523, %swap3A_524, %swap3A_525], %swap3A_528 {strides = array<i32>} : memref<8x16x512xf32, #tpu.memory_space<vmem>>, vector<1x16x512xf32>,
      %swap3A_529 = arith.constant 4 : index
      %swap3A_530 = arith.constant 0 : index
      %swap3A_531 = arith.constant 0 : index
      %swap3A_532 = vector.load %arg17[%swap3A_529, %swap3A_530, %swap3A_531] : memref<8x1x512xf32, #tpu.memory_space<vmem>>, vector<1x1x512xf32>
      %swap3A_533 = vector.shape_cast %swap3A_532 : vector<1x1x512xf32> to vector<1x512xf32>
      %swap3A_534 = vector.shape_cast %max3A_491 : vector<1x512xf32> to vector<1x1x512xf32>
      tpu.vector_store %arg17[%swap3A_529, %swap3A_530, %swap3A_531], %swap3A_534 {strides = array<i32>} : memref<8x1x512xf32, #tpu.memory_space<vmem>>, vector<1x1x512xf32>,
      %get3A_535 = arith.index_cast %mul3A_206 : i32 to index
      %get3A_536 = arith.constant 80 : index
      %get3A_537 = vector.load %arg4[%get3A_535, %get3A_536] : memref<32768x128xbf16, #tpu.memory_space<vmem>>, vector<1024x16xbf16>
      %get3A_538 = arith.constant 80 : index
      %get3A_539 = arith.constant 0 : index
      %get3A_540 = vector.load %arg3[%get3A_538, %get3A_539] : memref<128x512xbf16, #tpu.memory_space<vmem>>, vector<16x512xbf16>
      %get3A_541 = arith.constant 80 : index
      %get3A_542 = arith.index_cast %mul3A_206 : i32 to index
      %get3A_543 = vector.load %arg5[%get3A_541, %get3A_542] : memref<128x32768xbf16, #tpu.memory_space<vmem>>, vector<16x1024xbf16>
      %dot_general3A_544 = arith.constant dense<0.000000e+00> : vector<1024x512xf32>
      %dot_general3A_545 = tpu.matmul %get3A_537, %get3A_540, %dot_general3A_544 {dimension_numbers = #tpu.dot_dimension_numbers<[1], [0], [0], [1], [0, 0, 1, 1], [], []>, transpose_lhs_hint = false} : vector<1024x16xbf16>, vector<16x512xbf16>, vector<1024x512xf32> -> vector<1024x512xf32>
      %add3A_546 = arith.addf %dot_general3A_545, %select_n3A : vector<1024x512xf32>
      %get3A_547 = arith.constant 5 : index
      %get3A_548 = arith.constant 0 : index
      %get3A_549 = arith.constant 0 : index
      %get3A_550 = vector.load %arg17[%get3A_547, %get3A_548, %get3A_549] : memref<8x1x512xf32, #tpu.memory_space<vmem>>, vector<1x1x512xf32>
      %get3A_551 = vector.shape_cast %get3A_550 : vector<1x1x512xf32> to vector<1x512xf32>
      %reduce_max3A_552 = arith.constant dense<0xFF800000> : vector<512xf32>
      %reduce_max3A_553 = vector.multi_reduction <maximumf>, %add3A_546, %reduce_max3A_552 [0] : vector<1024x512xf32> to vector<512xf32>
      %broadcast_in_dim3A_554 = vector.shape_cast %reduce_max3A_553 : vector<512xf32> to vector<1x512xf32>
      %max3A_555 = arith.maximumf %get3A_551, %broadcast_in_dim3A_554 : vector<1x512xf32>
      %sub3A_556 = arith.subf %get3A_551, %max3A_555 : vector<1x512xf32>
      %exp3A_557 = math.exp %sub3A_556 : vector<1x512xf32>
      %sub3A_558 = vector.broadcast %max3A_555 : vector<1x512xf32> to vector<1024x512xf32>
      %sub3A_559 = arith.subf %add3A_546, %sub3A_558 : vector<1024x512xf32>
      %exp3A_560 = math.exp %sub3A_559 : vector<1024x512xf32>
      %convert_element_type3A_561 = arith.truncf %exp3A_560 : vector<1024x512xf32> to vector<1024x512xbf16>
      %get3A_562 = arith.constant 5 : index
      %get3A_563 = arith.constant 0 : index
      %get3A_564 = arith.constant 0 : index
      %get3A_565 = vector.load %arg18[%get3A_562, %get3A_563, %get3A_564] : memref<8x1x512xf32, #tpu.memory_space<vmem>>, vector<1x1x512xf32>
      %get3A_566 = vector.shape_cast %get3A_565 : vector<1x1x512xf32> to vector<1x512xf32>
      %mul3A_567 = arith.mulf %get3A_566, %exp3A_557 : vector<1x512xf32>
      %dot_general3A_568 = arith.constant dense<0.000000e+00> : vector<1x512xf32>
      %dot_general3A_569 = tpu.matmul %broadcast_in_dim3A_21, %convert_element_type3A_561, %dot_general3A_568 {dimension_numbers = #tpu.dot_dimension_numbers<[1], [0], [0], [1], [0, 0, 1, 1], [], []>, transpose_lhs_hint = false} : vector<1x1024xbf16>, vector<1024x512xbf16>, vector<1x512xf32> -> vector<1x512xf32>
      %add3A_570 = arith.addf %mul3A_567, %dot_general3A_569 : vector<1x512xf32>
      %swap3A_571 = arith.constant 5 : index
      %swap3A_572 = arith.constant 0 : index
      %swap3A_573 = arith.constant 0 : index
      %swap3A_574 = vector.load %arg18[%swap3A_571, %swap3A_572, %swap3A_573] : memref<8x1x512xf32, #tpu.memory_space<vmem>>, vector<1x1x512xf32>
      %swap3A_575 = vector.shape_cast %swap3A_574 : vector<1x1x512xf32> to vector<1x512xf32>
      %swap3A_576 = vector.shape_cast %add3A_570 : vector<1x512xf32> to vector<1x1x512xf32>
      tpu.vector_store %arg18[%swap3A_571, %swap3A_572, %swap3A_573], %swap3A_576 {strides = array<i32>} : memref<8x1x512xf32, #tpu.memory_space<vmem>>, vector<1x1x512xf32>,
      %get3A_577 = arith.constant 5 : index
      %get3A_578 = arith.constant 0 : index
      %get3A_579 = arith.constant 0 : index
      %get3A_580 = vector.load %arg19[%get3A_577, %get3A_578, %get3A_579] : memref<8x16x512xf32, #tpu.memory_space<vmem>>, vector<1x16x512xf32>
      %get3A_581 = vector.shape_cast %get3A_580 : vector<1x16x512xf32> to vector<16x512xf32>
      %mul3A_582 = vector.broadcast %exp3A_557 : vector<1x512xf32> to vector<16x512xf32>
      %mul3A_583 = arith.mulf %get3A_581, %mul3A_582 : vector<16x512xf32>
      %dot_general3A_584 = arith.constant dense<0.000000e+00> : vector<16x512xf32>
      %dot_general3A_585 = tpu.matmul %get3A_543, %convert_element_type3A_561, %dot_general3A_584 {dimension_numbers = #tpu.dot_dimension_numbers<[1], [0], [0], [1], [0, 0, 1, 1], [], []>, transpose_lhs_hint = false} : vector<16x1024xbf16>, vector<1024x512xbf16>, vector<16x512xf32> -> vector<16x512xf32>
      %add3A_586 = arith.addf %mul3A_583, %dot_general3A_585 : vector<16x512xf32>
      %swap3A_587 = arith.constant 5 : index
      %swap3A_588 = arith.constant 0 : index
      %swap3A_589 = arith.constant 0 : index
      %swap3A_590 = vector.load %arg19[%swap3A_587, %swap3A_588, %swap3A_589] : memref<8x16x512xf32, #tpu.memory_space<vmem>>, vector<1x16x512xf32>
      %swap3A_591 = vector.shape_cast %swap3A_590 : vector<1x16x512xf32> to vector<16x512xf32>
      %swap3A_592 = vector.shape_cast %add3A_586 : vector<16x512xf32> to vector<1x16x512xf32>
      tpu.vector_store %arg19[%swap3A_587, %swap3A_588, %swap3A_589], %swap3A_592 {strides = array<i32>} : memref<8x16x512xf32, #tpu.memory_space<vmem>>, vector<1x16x512xf32>,
      %swap3A_593 = arith.constant 5 : index
      %swap3A_594 = arith.constant 0 : index
      %swap3A_595 = arith.constant 0 : index
      %swap3A_596 = vector.load %arg17[%swap3A_593, %swap3A_594, %swap3A_595] : memref<8x1x512xf32, #tpu.memory_space<vmem>>, vector<1x1x512xf32>
      %swap3A_597 = vector.shape_cast %swap3A_596 : vector<1x1x512xf32> to vector<1x512xf32>
      %swap3A_598 = vector.shape_cast %max3A_555 : vector<1x512xf32> to vector<1x1x512xf32>
      tpu.vector_store %arg17[%swap3A_593, %swap3A_594, %swap3A_595], %swap3A_598 {strides = array<i32>} : memref<8x1x512xf32, #tpu.memory_space<vmem>>, vector<1x1x512xf32>,
      %get3A_599 = arith.index_cast %mul3A_206 : i32 to index
      %get3A_600 = arith.constant 96 : index
      %get3A_601 = vector.load %arg4[%get3A_599, %get3A_600] : memref<32768x128xbf16, #tpu.memory_space<vmem>>, vector<1024x16xbf16>
      %get3A_602 = arith.constant 96 : index
      %get3A_603 = arith.constant 0 : index
      %get3A_604 = vector.load %arg3[%get3A_602, %get3A_603] : memref<128x512xbf16, #tpu.memory_space<vmem>>, vector<16x512xbf16>
      %get3A_605 = arith.constant 96 : index
      %get3A_606 = arith.index_cast %mul3A_206 : i32 to index
      %get3A_607 = vector.load %arg5[%get3A_605, %get3A_606] : memref<128x32768xbf16, #tpu.memory_space<vmem>>, vector<16x1024xbf16>
      %dot_general3A_608 = arith.constant dense<0.000000e+00> : vector<1024x512xf32>
      %dot_general3A_609 = tpu.matmul %get3A_601, %get3A_604, %dot_general3A_608 {dimension_numbers = #tpu.dot_dimension_numbers<[1], [0], [0], [1], [0, 0, 1, 1], [], []>, transpose_lhs_hint = false} : vector<1024x16xbf16>, vector<16x512xbf16>, vector<1024x512xf32> -> vector<1024x512xf32>
      %add3A_610 = arith.addf %dot_general3A_609, %select_n3A : vector<1024x512xf32>
      %get3A_611 = arith.constant 6 : index
      %get3A_612 = arith.constant 0 : index
      %get3A_613 = arith.constant 0 : index
      %get3A_614 = vector.load %arg17[%get3A_611, %get3A_612, %get3A_613] : memref<8x1x512xf32, #tpu.memory_space<vmem>>, vector<1x1x512xf32>
      %get3A_615 = vector.shape_cast %get3A_614 : vector<1x1x512xf32> to vector<1x512xf32>
      %reduce_max3A_616 = arith.constant dense<0xFF800000> : vector<512xf32>
      %reduce_max3A_617 = vector.multi_reduction <maximumf>, %add3A_610, %reduce_max3A_616 [0] : vector<1024x512xf32> to vector<512xf32>
      %broadcast_in_dim3A_618 = vector.shape_cast %reduce_max3A_617 : vector<512xf32> to vector<1x512xf32>
      %max3A_619 = arith.maximumf %get3A_615, %broadcast_in_dim3A_618 : vector<1x512xf32>
      %sub3A_620 = arith.subf %get3A_615, %max3A_619 : vector<1x512xf32>
      %exp3A_621 = math.exp %sub3A_620 : vector<1x512xf32>
      %sub3A_622 = vector.broadcast %max3A_619 : vector<1x512xf32> to vector<1024x512xf32>
      %sub3A_623 = arith.subf %add3A_610, %sub3A_622 : vector<1024x512xf32>
      %exp3A_624 = math.exp %sub3A_623 : vector<1024x512xf32>
      %convert_element_type3A_625 = arith.truncf %exp3A_624 : vector<1024x512xf32> to vector<1024x512xbf16>
      %get3A_626 = arith.constant 6 : index
      %get3A_627 = arith.constant 0 : index
      %get3A_628 = arith.constant 0 : index
      %get3A_629 = vector.load %arg18[%get3A_626, %get3A_627, %get3A_628] : memref<8x1x512xf32, #tpu.memory_space<vmem>>, vector<1x1x512xf32>
      %get3A_630 = vector.shape_cast %get3A_629 : vector<1x1x512xf32> to vector<1x512xf32>
      %mul3A_631 = arith.mulf %get3A_630, %exp3A_621 : vector<1x512xf32>
      %dot_general3A_632 = arith.constant dense<0.000000e+00> : vector<1x512xf32>
      %dot_general3A_633 = tpu.matmul %broadcast_in_dim3A_21, %convert_element_type3A_625, %dot_general3A_632 {dimension_numbers = #tpu.dot_dimension_numbers<[1], [0], [0], [1], [0, 0, 1, 1], [], []>, transpose_lhs_hint = false} : vector<1x1024xbf16>, vector<1024x512xbf16>, vector<1x512xf32> -> vector<1x512xf32>
      %add3A_634 = arith.addf %mul3A_631, %dot_general3A_633 : vector<1x512xf32>
      %swap3A_635 = arith.constant 6 : index
      %swap3A_636 = arith.constant 0 : index
      %swap3A_637 = arith.constant 0 : index
      %swap3A_638 = vector.load %arg18[%swap3A_635, %swap3A_636, %swap3A_637] : memref<8x1x512xf32, #tpu.memory_space<vmem>>, vector<1x1x512xf32>
      %swap3A_639 = vector.shape_cast %swap3A_638 : vector<1x1x512xf32> to vector<1x512xf32>
      %swap3A_640 = vector.shape_cast %add3A_634 : vector<1x512xf32> to vector<1x1x512xf32>
      tpu.vector_store %arg18[%swap3A_635, %swap3A_636, %swap3A_637], %swap3A_640 {strides = array<i32>} : memref<8x1x512xf32, #tpu.memory_space<vmem>>, vector<1x1x512xf32>,
      %get3A_641 = arith.constant 6 : index
      %get3A_642 = arith.constant 0 : index
      %get3A_643 = arith.constant 0 : index
      %get3A_644 = vector.load %arg19[%get3A_641, %get3A_642, %get3A_643] : memref<8x16x512xf32, #tpu.memory_space<vmem>>, vector<1x16x512xf32>
      %get3A_645 = vector.shape_cast %get3A_644 : vector<1x16x512xf32> to vector<16x512xf32>
      %mul3A_646 = vector.broadcast %exp3A_621 : vector<1x512xf32> to vector<16x512xf32>
      %mul3A_647 = arith.mulf %get3A_645, %mul3A_646 : vector<16x512xf32>
      %dot_general3A_648 = arith.constant dense<0.000000e+00> : vector<16x512xf32>
      %dot_general3A_649 = tpu.matmul %get3A_607, %convert_element_type3A_625, %dot_general3A_648 {dimension_numbers = #tpu.dot_dimension_numbers<[1], [0], [0], [1], [0, 0, 1, 1], [], []>, transpose_lhs_hint = false} : vector<16x1024xbf16>, vector<1024x512xbf16>, vector<16x512xf32> -> vector<16x512xf32>
      %add3A_650 = arith.addf %mul3A_647, %dot_general3A_649 : vector<16x512xf32>
      %swap3A_651 = arith.constant 6 : index
      %swap3A_652 = arith.constant 0 : index
      %swap3A_653 = arith.constant 0 : index
      %swap3A_654 = vector.load %arg19[%swap3A_651, %swap3A_652, %swap3A_653] : memref<8x16x512xf32, #tpu.memory_space<vmem>>, vector<1x16x512xf32>
      %swap3A_655 = vector.shape_cast %swap3A_654 : vector<1x16x512xf32> to vector<16x512xf32>
      %swap3A_656 = vector.shape_cast %add3A_650 : vector<16x512xf32> to vector<1x16x512xf32>
      tpu.vector_store %arg19[%swap3A_651, %swap3A_652, %swap3A_653], %swap3A_656 {strides = array<i32>} : memref<8x16x512xf32, #tpu.memory_space<vmem>>, vector<1x16x512xf32>,
      %swap3A_657 = arith.constant 6 : index
      %swap3A_658 = arith.constant 0 : index
      %swap3A_659 = arith.constant 0 : index
      %swap3A_660 = vector.load %arg17[%swap3A_657, %swap3A_658, %swap3A_659] : memref<8x1x512xf32, #tpu.memory_space<vmem>>, vector<1x1x512xf32>
      %swap3A_661 = vector.shape_cast %swap3A_660 : vector<1x1x512xf32> to vector<1x512xf32>
      %swap3A_662 = vector.shape_cast %max3A_619 : vector<1x512xf32> to vector<1x1x512xf32>
      tpu.vector_store %arg17[%swap3A_657, %swap3A_658, %swap3A_659], %swap3A_662 {strides = array<i32>} : memref<8x1x512xf32, #tpu.memory_space<vmem>>, vector<1x1x512xf32>,
      %get3A_663 = arith.index_cast %mul3A_206 : i32 to index
      %get3A_664 = arith.constant 112 : index
      %get3A_665 = vector.load %arg4[%get3A_663, %get3A_664] : memref<32768x128xbf16, #tpu.memory_space<vmem>>, vector<1024x16xbf16>
      %get3A_666 = arith.constant 112 : index
      %get3A_667 = arith.constant 0 : index
      %get3A_668 = vector.load %arg3[%get3A_666, %get3A_667] : memref<128x512xbf16, #tpu.memory_space<vmem>>, vector<16x512xbf16>
      %get3A_669 = arith.constant 112 : index
      %get3A_670 = arith.index_cast %mul3A_206 : i32 to index
      %get3A_671 = vector.load %arg5[%get3A_669, %get3A_670] : memref<128x32768xbf16, #tpu.memory_space<vmem>>, vector<16x1024xbf16>
      %dot_general3A_672 = arith.constant dense<0.000000e+00> : vector<1024x512xf32>
      %dot_general3A_673 = tpu.matmul %get3A_665, %get3A_668, %dot_general3A_672 {dimension_numbers = #tpu.dot_dimension_numbers<[1], [0], [0], [1], [0, 0, 1, 1], [], []>, transpose_lhs_hint = false} : vector<1024x16xbf16>, vector<16x512xbf16>, vector<1024x512xf32> -> vector<1024x512xf32>
      %add3A_674 = arith.addf %dot_general3A_673, %select_n3A : vector<1024x512xf32>
      %get3A_675 = arith.constant 7 : index
      %get3A_676 = arith.constant 0 : index
      %get3A_677 = arith.constant 0 : index
      %get3A_678 = vector.load %arg17[%get3A_675, %get3A_676, %get3A_677] : memref<8x1x512xf32, #tpu.memory_space<vmem>>, vector<1x1x512xf32>
      %get3A_679 = vector.shape_cast %get3A_678 : vector<1x1x512xf32> to vector<1x512xf32>
      %reduce_max3A_680 = arith.constant dense<0xFF800000> : vector<512xf32>
      %reduce_max3A_681 = vector.multi_reduction <maximumf>, %add3A_674, %reduce_max3A_680 [0] : vector<1024x512xf32> to vector<512xf32>
      %broadcast_in_dim3A_682 = vector.shape_cast %reduce_max3A_681 : vector<512xf32> to vector<1x512xf32>
      %max3A_683 = arith.maximumf %get3A_679, %broadcast_in_dim3A_682 : vector<1x512xf32>
      %sub3A_684 = arith.subf %get3A_679, %max3A_683 : vector<1x512xf32>
      %exp3A_685 = math.exp %sub3A_684 : vector<1x512xf32>
      %sub3A_686 = vector.broadcast %max3A_683 : vector<1x512xf32> to vector<1024x512xf32>
      %sub3A_687 = arith.subf %add3A_674, %sub3A_686 : vector<1024x512xf32>
      %exp3A_688 = math.exp %sub3A_687 : vector<1024x512xf32>
      %convert_element_type3A_689 = arith.truncf %exp3A_688 : vector<1024x512xf32> to vector<1024x512xbf16>
      %get3A_690 = arith.constant 7 : index
      %get3A_691 = arith.constant 0 : index
      %get3A_692 = arith.constant 0 : index
      %get3A_693 = vector.load %arg18[%get3A_690, %get3A_691, %get3A_692] : memref<8x1x512xf32, #tpu.memory_space<vmem>>, vector<1x1x512xf32>
      %get3A_694 = vector.shape_cast %get3A_693 : vector<1x1x512xf32> to vector<1x512xf32>
      %mul3A_695 = arith.mulf %get3A_694, %exp3A_685 : vector<1x512xf32>
      %dot_general3A_696 = arith.constant dense<0.000000e+00> : vector<1x512xf32>
      %dot_general3A_697 = tpu.matmul %broadcast_in_dim3A_21, %convert_element_type3A_689, %dot_general3A_696 {dimension_numbers = #tpu.dot_dimension_numbers<[1], [0], [0], [1], [0, 0, 1, 1], [], []>, transpose_lhs_hint = false} : vector<1x1024xbf16>, vector<1024x512xbf16>, vector<1x512xf32> -> vector<1x512xf32>
      %add3A_698 = arith.addf %mul3A_695, %dot_general3A_697 : vector<1x512xf32>
      %swap3A_699 = arith.constant 7 : index
      %swap3A_700 = arith.constant 0 : index
      %swap3A_701 = arith.constant 0 : index
      %swap3A_702 = vector.load %arg18[%swap3A_699, %swap3A_700, %swap3A_701] : memref<8x1x512xf32, #tpu.memory_space<vmem>>, vector<1x1x512xf32>
      %swap3A_703 = vector.shape_cast %swap3A_702 : vector<1x1x512xf32> to vector<1x512xf32>
      %swap3A_704 = vector.shape_cast %add3A_698 : vector<1x512xf32> to vector<1x1x512xf32>
      tpu.vector_store %arg18[%swap3A_699, %swap3A_700, %swap3A_701], %swap3A_704 {strides = array<i32>} : memref<8x1x512xf32, #tpu.memory_space<vmem>>, vector<1x1x512xf32>,
      %get3A_705 = arith.constant 7 : index
      %get3A_706 = arith.constant 0 : index
      %get3A_707 = arith.constant 0 : index
      %get3A_708 = vector.load %arg19[%get3A_705, %get3A_706, %get3A_707] : memref<8x16x512xf32, #tpu.memory_space<vmem>>, vector<1x16x512xf32>
      %get3A_709 = vector.shape_cast %get3A_708 : vector<1x16x512xf32> to vector<16x512xf32>
      %mul3A_710 = vector.broadcast %exp3A_685 : vector<1x512xf32> to vector<16x512xf32>
      %mul3A_711 = arith.mulf %get3A_709, %mul3A_710 : vector<16x512xf32>
      %dot_general3A_712 = arith.constant dense<0.000000e+00> : vector<16x512xf32>
      %dot_general3A_713 = tpu.matmul %get3A_671, %convert_element_type3A_689, %dot_general3A_712 {dimension_numbers = #tpu.dot_dimension_numbers<[1], [0], [0], [1], [0, 0, 1, 1], [], []>, transpose_lhs_hint = false} : vector<16x1024xbf16>, vector<1024x512xbf16>, vector<16x512xf32> -> vector<16x512xf32>
      %add3A_714 = arith.addf %mul3A_711, %dot_general3A_713 : vector<16x512xf32>
      %swap3A_715 = arith.constant 7 : index
      %swap3A_716 = arith.constant 0 : index
      %swap3A_717 = arith.constant 0 : index
      %swap3A_718 = vector.load %arg19[%swap3A_715, %swap3A_716, %swap3A_717] : memref<8x16x512xf32, #tpu.memory_space<vmem>>, vector<1x16x512xf32>
      %swap3A_719 = vector.shape_cast %swap3A_718 : vector<1x16x512xf32> to vector<16x512xf32>
      %swap3A_720 = vector.shape_cast %add3A_714 : vector<16x512xf32> to vector<1x16x512xf32>
      tpu.vector_store %arg19[%swap3A_715, %swap3A_716, %swap3A_717], %swap3A_720 {strides = array<i32>} : memref<8x16x512xf32, #tpu.memory_space<vmem>>, vector<1x16x512xf32>,
      %swap3A_721 = arith.constant 7 : index
      %swap3A_722 = arith.constant 0 : index
      %swap3A_723 = arith.constant 0 : index
      %swap3A_724 = vector.load %arg17[%swap3A_721, %swap3A_722, %swap3A_723] : memref<8x1x512xf32, #tpu.memory_space<vmem>>, vector<1x1x512xf32>
      %swap3A_725 = vector.shape_cast %swap3A_724 : vector<1x1x512xf32> to vector<1x512xf32>
      %swap3A_726 = vector.shape_cast %max3A_683 : vector<1x512xf32> to vector<1x1x512xf32>
      tpu.vector_store %arg17[%swap3A_721, %swap3A_722, %swap3A_723], %swap3A_726 {strides = array<i32>} : memref<8x1x512xf32, #tpu.memory_space<vmem>>, vector<1x1x512xf32>,
    }
    %while3A_34 = arith.constant 1 : i32
    scf.for %while3A_203 = %while3A_32 to %while3A_28 step %while3A_34  : i32 {
      %add3A_204 = arith.addi %get3A_23, %while3A_203 : i32
      %mul3A_205 = arith.constant 1024 : i32
      %mul3A_206 = arith.muli %add3A_204, %mul3A_205 : i32
      %get3A_207 = arith.constant 0 : index
      %get3A_208 = arith.index_cast %mul3A_206 : i32 to index
      %get3A_209 = vector.load %arg7[%get3A_207, %get3A_208] : memref<1x32768xi32, #tpu.memory_space<vmem>>, vector<1x1024xi32>
      %get3A_210 = vector.shape_cast %get3A_209 : vector<1x1024xi32> to vector<1024xi32>
      %broadcast_in_dim3A_211 = vector.shape_cast %get3A_210 : vector<1024xi32> to vector<1024x1xi32>
      %broadcast_in_dim3A_212 = vector.shape_cast %get3A_19 : vector<512xi32> to vector<1x512xi32>
      %eq3A = vector.broadcast %broadcast_in_dim3A_211 : vector<1024x1xi32> to vector<1024x512xi32>
      %eq3A_213 = vector.broadcast %broadcast_in_dim3A_212 : vector<1x512xi32> to vector<1024x512xi32>
      %eq3A_214 = arith.cmpi eq, %eq3A, %eq3A_213 : vector<1024x512xi32>
      %jit3A = arith.constant 0.000000e+00 : f32
      %jit3A_215 = arith.constant -1.000000e+30 : f32
      %broadcast_in_dim3A_216 = vector.broadcast %jit3A : f32 to vector<1024x512xf32>
      %broadcast_in_dim3A_217 = vector.broadcast %jit3A_215 : f32 to vector<1024x512xf32>
      %select_n3A = arith.select %eq3A_214, %broadcast_in_dim3A_216, %broadcast_in_dim3A_217 : vector<1024x512xi1>, vector<1024x512xf32>
      %get3A_218 = arith.index_cast %mul3A_206 : i32 to index
      %get3A_219 = arith.constant 0 : index
      %get3A_220 = vector.load %arg4[%get3A_218, %get3A_219] : memref<32768x128xbf16, #tpu.memory_space<vmem>>, vector<1024x16xbf16>
      %get3A_221 = arith.constant 0 : index
      %get3A_222 = arith.constant 0 : index
      %get3A_223 = vector.load %arg3[%get3A_221, %get3A_222] : memref<128x512xbf16, #tpu.memory_space<vmem>>, vector<16x512xbf16>
      %get3A_224 = arith.constant 0 : index
      %get3A_225 = arith.index_cast %mul3A_206 : i32 to index
      %get3A_226 = vector.load %arg5[%get3A_224, %get3A_225] : memref<128x32768xbf16, #tpu.memory_space<vmem>>, vector<16x1024xbf16>
      %dot_general3A_227 = arith.constant dense<0.000000e+00> : vector<1024x512xf32>
      %dot_general3A_228 = tpu.matmul %get3A_220, %get3A_223, %dot_general3A_227 {dimension_numbers = #tpu.dot_dimension_numbers<[1], [0], [0], [1], [0, 0, 1, 1], [], []>, transpose_lhs_hint = false} : vector<1024x16xbf16>, vector<16x512xbf16>, vector<1024x512xf32> -> vector<1024x512xf32>
      %add3A_229 = arith.addf %dot_general3A_228, %select_n3A : vector<1024x512xf32>
      %get3A_230 = arith.constant 0 : index
      %get3A_231 = arith.constant 0 : index
      %get3A_232 = arith.constant 0 : index
      %get3A_233 = vector.load %arg17[%get3A_230, %get3A_231, %get3A_232] : memref<8x1x512xf32, #tpu.memory_space<vmem>>, vector<1x1x512xf32>
      %get3A_234 = vector.shape_cast %get3A_233 : vector<1x1x512xf32> to vector<1x512xf32>
      %reduce_max3A = arith.constant dense<0xFF800000> : vector<512xf32>
      %reduce_max3A_235 = vector.multi_reduction <maximumf>, %add3A_229, %reduce_max3A [0] : vector<1024x512xf32> to vector<512xf32>
      %broadcast_in_dim3A_236 = vector.shape_cast %reduce_max3A_235 : vector<512xf32> to vector<1x512xf32>
      %max3A = arith.maximumf %get3A_234, %broadcast_in_dim3A_236 : vector<1x512xf32>
      %sub3A_237 = arith.subf %get3A_234, %max3A : vector<1x512xf32>
      %exp3A = math.exp %sub3A_237 : vector<1x512xf32>
      %sub3A_238 = vector.broadcast %max3A : vector<1x512xf32> to vector<1024x512xf32>
      %sub3A_239 = arith.subf %add3A_229, %sub3A_238 : vector<1024x512xf32>
      %exp3A_240 = math.exp %sub3A_239 : vector<1024x512xf32>
      %convert_element_type3A_241 = arith.truncf %exp3A_240 : vector<1024x512xf32> to vector<1024x512xbf16>
      %get3A_242 = arith.constant 0 : index
      %get3A_243 = arith.constant 0 : index
      %get3A_244 = arith.constant 0 : index
      %get3A_245 = vector.load %arg18[%get3A_242, %get3A_243, %get3A_244] : memref<8x1x512xf32, #tpu.memory_space<vmem>>, vector<1x1x512xf32>
      %get3A_246 = vector.shape_cast %get3A_245 : vector<1x1x512xf32> to vector<1x512xf32>
      %mul3A_247 = arith.mulf %get3A_246, %exp3A : vector<1x512xf32>
      %dot_general3A_248 = arith.constant dense<0.000000e+00> : vector<1x512xf32>
      %dot_general3A_249 = tpu.matmul %broadcast_in_dim3A_21, %convert_element_type3A_241, %dot_general3A_248 {dimension_numbers = #tpu.dot_dimension_numbers<[1], [0], [0], [1], [0, 0, 1, 1], [], []>, transpose_lhs_hint = false} : vector<1x1024xbf16>, vector<1024x512xbf16>, vector<1x512xf32> -> vector<1x512xf32>
      %add3A_250 = arith.addf %mul3A_247, %dot_general3A_249 : vector<1x512xf32>
      %swap3A_251 = arith.constant 0 : index
      %swap3A_252 = arith.constant 0 : index
      %swap3A_253 = arith.constant 0 : index
      %swap3A_254 = vector.load %arg18[%swap3A_251, %swap3A_252, %swap3A_253] : memref<8x1x512xf32, #tpu.memory_space<vmem>>, vector<1x1x512xf32>
      %swap3A_255 = vector.shape_cast %swap3A_254 : vector<1x1x512xf32> to vector<1x512xf32>
      %swap3A_256 = vector.shape_cast %add3A_250 : vector<1x512xf32> to vector<1x1x512xf32>
      tpu.vector_store %arg18[%swap3A_251, %swap3A_252, %swap3A_253], %swap3A_256 {strides = array<i32>} : memref<8x1x512xf32, #tpu.memory_space<vmem>>, vector<1x1x512xf32>,
      %get3A_257 = arith.constant 0 : index
      %get3A_258 = arith.constant 0 : index
      %get3A_259 = arith.constant 0 : index
      %get3A_260 = vector.load %arg19[%get3A_257, %get3A_258, %get3A_259] : memref<8x16x512xf32, #tpu.memory_space<vmem>>, vector<1x16x512xf32>
      %get3A_261 = vector.shape_cast %get3A_260 : vector<1x16x512xf32> to vector<16x512xf32>
      %mul3A_262 = vector.broadcast %exp3A : vector<1x512xf32> to vector<16x512xf32>
      %mul3A_263 = arith.mulf %get3A_261, %mul3A_262 : vector<16x512xf32>
      %dot_general3A_264 = arith.constant dense<0.000000e+00> : vector<16x512xf32>
      %dot_general3A_265 = tpu.matmul %get3A_226, %convert_element_type3A_241, %dot_general3A_264 {dimension_numbers = #tpu.dot_dimension_numbers<[1], [0], [0], [1], [0, 0, 1, 1], [], []>, transpose_lhs_hint = false} : vector<16x1024xbf16>, vector<1024x512xbf16>, vector<16x512xf32> -> vector<16x512xf32>
      %add3A_266 = arith.addf %mul3A_263, %dot_general3A_265 : vector<16x512xf32>
      %swap3A_267 = arith.constant 0 : index
      %swap3A_268 = arith.constant 0 : index
      %swap3A_269 = arith.constant 0 : index
      %swap3A_270 = vector.load %arg19[%swap3A_267, %swap3A_268, %swap3A_269] : memref<8x16x512xf32, #tpu.memory_space<vmem>>, vector<1x16x512xf32>
      %swap3A_271 = vector.shape_cast %swap3A_270 : vector<1x16x512xf32> to vector<16x512xf32>
      %swap3A_272 = vector.shape_cast %add3A_266 : vector<16x512xf32> to vector<1x16x512xf32>
      tpu.vector_store %arg19[%swap3A_267, %swap3A_268, %swap3A_269], %swap3A_272 {strides = array<i32>} : memref<8x16x512xf32, #tpu.memory_space<vmem>>, vector<1x16x512xf32>,
      %swap3A_273 = arith.constant 0 : index
      %swap3A_274 = arith.constant 0 : index
      %swap3A_275 = arith.constant 0 : index
      %swap3A_276 = vector.load %arg17[%swap3A_273, %swap3A_274, %swap3A_275] : memref<8x1x512xf32, #tpu.memory_space<vmem>>, vector<1x1x512xf32>
      %swap3A_277 = vector.shape_cast %swap3A_276 : vector<1x1x512xf32> to vector<1x512xf32>
      %swap3A_278 = vector.shape_cast %max3A : vector<1x512xf32> to vector<1x1x512xf32>
      tpu.vector_store %arg17[%swap3A_273, %swap3A_274, %swap3A_275], %swap3A_278 {strides = array<i32>} : memref<8x1x512xf32, #tpu.memory_space<vmem>>, vector<1x1x512xf32>,
      %get3A_279 = arith.index_cast %mul3A_206 : i32 to index
      %get3A_280 = arith.constant 16 : index
      %get3A_281 = vector.load %arg4[%get3A_279, %get3A_280] : memref<32768x128xbf16, #tpu.memory_space<vmem>>, vector<1024x16xbf16>
      %get3A_282 = arith.constant 16 : index
      %get3A_283 = arith.constant 0 : index
      %get3A_284 = vector.load %arg3[%get3A_282, %get3A_283] : memref<128x512xbf16, #tpu.memory_space<vmem>>, vector<16x512xbf16>
      %get3A_285 = arith.constant 16 : index
      %get3A_286 = arith.index_cast %mul3A_206 : i32 to index
      %get3A_287 = vector.load %arg5[%get3A_285, %get3A_286] : memref<128x32768xbf16, #tpu.memory_space<vmem>>, vector<16x1024xbf16>
      %dot_general3A_288 = arith.constant dense<0.000000e+00> : vector<1024x512xf32>
      %dot_general3A_289 = tpu.matmul %get3A_281, %get3A_284, %dot_general3A_288 {dimension_numbers = #tpu.dot_dimension_numbers<[1], [0], [0], [1], [0, 0, 1, 1], [], []>, transpose_lhs_hint = false} : vector<1024x16xbf16>, vector<16x512xbf16>, vector<1024x512xf32> -> vector<1024x512xf32>
      %add3A_290 = arith.addf %dot_general3A_289, %select_n3A : vector<1024x512xf32>
      %get3A_291 = arith.constant 1 : index
      %get3A_292 = arith.constant 0 : index
      %get3A_293 = arith.constant 0 : index
      %get3A_294 = vector.load %arg17[%get3A_291, %get3A_292, %get3A_293] : memref<8x1x512xf32, #tpu.memory_space<vmem>>, vector<1x1x512xf32>
      %get3A_295 = vector.shape_cast %get3A_294 : vector<1x1x512xf32> to vector<1x512xf32>
      %reduce_max3A_296 = arith.constant dense<0xFF800000> : vector<512xf32>
      %reduce_max3A_297 = vector.multi_reduction <maximumf>, %add3A_290, %reduce_max3A_296 [0] : vector<1024x512xf32> to vector<512xf32>
      %broadcast_in_dim3A_298 = vector.shape_cast %reduce_max3A_297 : vector<512xf32> to vector<1x512xf32>
      %max3A_299 = arith.maximumf %get3A_295, %broadcast_in_dim3A_298 : vector<1x512xf32>
      %sub3A_300 = arith.subf %get3A_295, %max3A_299 : vector<1x512xf32>
      %exp3A_301 = math.exp %sub3A_300 : vector<1x512xf32>
      %sub3A_302 = vector.broadcast %max3A_299 : vector<1x512xf32> to vector<1024x512xf32>
      %sub3A_303 = arith.subf %add3A_290, %sub3A_302 : vector<1024x512xf32>
      %exp3A_304 = math.exp %sub3A_303 : vector<1024x512xf32>
      %convert_element_type3A_305 = arith.truncf %exp3A_304 : vector<1024x512xf32> to vector<1024x512xbf16>
      %get3A_306 = arith.constant 1 : index
      %get3A_307 = arith.constant 0 : index
      %get3A_308 = arith.constant 0 : index
      %get3A_309 = vector.load %arg18[%get3A_306, %get3A_307, %get3A_308] : memref<8x1x512xf32, #tpu.memory_space<vmem>>, vector<1x1x512xf32>
      %get3A_310 = vector.shape_cast %get3A_309 : vector<1x1x512xf32> to vector<1x512xf32>
      %mul3A_311 = arith.mulf %get3A_310, %exp3A_301 : vector<1x512xf32>
      %dot_general3A_312 = arith.constant dense<0.000000e+00> : vector<1x512xf32>
      %dot_general3A_313 = tpu.matmul %broadcast_in_dim3A_21, %convert_element_type3A_305, %dot_general3A_312 {dimension_numbers = #tpu.dot_dimension_numbers<[1], [0], [0], [1], [0, 0, 1, 1], [], []>, transpose_lhs_hint = false} : vector<1x1024xbf16>, vector<1024x512xbf16>, vector<1x512xf32> -> vector<1x512xf32>
      %add3A_314 = arith.addf %mul3A_311, %dot_general3A_313 : vector<1x512xf32>
      %swap3A_315 = arith.constant 1 : index
      %swap3A_316 = arith.constant 0 : index
      %swap3A_317 = arith.constant 0 : index
      %swap3A_318 = vector.load %arg18[%swap3A_315, %swap3A_316, %swap3A_317] : memref<8x1x512xf32, #tpu.memory_space<vmem>>, vector<1x1x512xf32>
      %swap3A_319 = vector.shape_cast %swap3A_318 : vector<1x1x512xf32> to vector<1x512xf32>
      %swap3A_320 = vector.shape_cast %add3A_314 : vector<1x512xf32> to vector<1x1x512xf32>
      tpu.vector_store %arg18[%swap3A_315, %swap3A_316, %swap3A_317], %swap3A_320 {strides = array<i32>} : memref<8x1x512xf32, #tpu.memory_space<vmem>>, vector<1x1x512xf32>,
      %get3A_321 = arith.constant 1 : index
      %get3A_322 = arith.constant 0 : index
      %get3A_323 = arith.constant 0 : index
      %get3A_324 = vector.load %arg19[%get3A_321, %get3A_322, %get3A_323] : memref<8x16x512xf32, #tpu.memory_space<vmem>>, vector<1x16x512xf32>
      %get3A_325 = vector.shape_cast %get3A_324 : vector<1x16x512xf32> to vector<16x512xf32>
      %mul3A_326 = vector.broadcast %exp3A_301 : vector<1x512xf32> to vector<16x512xf32>
      %mul3A_327 = arith.mulf %get3A_325, %mul3A_326 : vector<16x512xf32>
      %dot_general3A_328 = arith.constant dense<0.000000e+00> : vector<16x512xf32>
      %dot_general3A_329 = tpu.matmul %get3A_287, %convert_element_type3A_305, %dot_general3A_328 {dimension_numbers = #tpu.dot_dimension_numbers<[1], [0], [0], [1], [0, 0, 1, 1], [], []>, transpose_lhs_hint = false} : vector<16x1024xbf16>, vector<1024x512xbf16>, vector<16x512xf32> -> vector<16x512xf32>
      %add3A_330 = arith.addf %mul3A_327, %dot_general3A_329 : vector<16x512xf32>
      %swap3A_331 = arith.constant 1 : index
      %swap3A_332 = arith.constant 0 : index
      %swap3A_333 = arith.constant 0 : index
      %swap3A_334 = vector.load %arg19[%swap3A_331, %swap3A_332, %swap3A_333] : memref<8x16x512xf32, #tpu.memory_space<vmem>>, vector<1x16x512xf32>
      %swap3A_335 = vector.shape_cast %swap3A_334 : vector<1x16x512xf32> to vector<16x512xf32>
      %swap3A_336 = vector.shape_cast %add3A_330 : vector<16x512xf32> to vector<1x16x512xf32>
      tpu.vector_store %arg19[%swap3A_331, %swap3A_332, %swap3A_333], %swap3A_336 {strides = array<i32>} : memref<8x16x512xf32, #tpu.memory_space<vmem>>, vector<1x16x512xf32>,
      %swap3A_337 = arith.constant 1 : index
      %swap3A_338 = arith.constant 0 : index
      %swap3A_339 = arith.constant 0 : index
      %swap3A_340 = vector.load %arg17[%swap3A_337, %swap3A_338, %swap3A_339] : memref<8x1x512xf32, #tpu.memory_space<vmem>>, vector<1x1x512xf32>
      %swap3A_341 = vector.shape_cast %swap3A_340 : vector<1x1x512xf32> to vector<1x512xf32>
      %swap3A_342 = vector.shape_cast %max3A_299 : vector<1x512xf32> to vector<1x1x512xf32>
      tpu.vector_store %arg17[%swap3A_337, %swap3A_338, %swap3A_339], %swap3A_342 {strides = array<i32>} : memref<8x1x512xf32, #tpu.memory_space<vmem>>, vector<1x1x512xf32>,
      %get3A_343 = arith.index_cast %mul3A_206 : i32 to index
      %get3A_344 = arith.constant 32 : index
      %get3A_345 = vector.load %arg4[%get3A_343, %get3A_344] : memref<32768x128xbf16, #tpu.memory_space<vmem>>, vector<1024x16xbf16>
      %get3A_346 = arith.constant 32 : index
      %get3A_347 = arith.constant 0 : index
      %get3A_348 = vector.load %arg3[%get3A_346, %get3A_347] : memref<128x512xbf16, #tpu.memory_space<vmem>>, vector<16x512xbf16>
      %get3A_349 = arith.constant 32 : index
      %get3A_350 = arith.index_cast %mul3A_206 : i32 to index
      %get3A_351 = vector.load %arg5[%get3A_349, %get3A_350] : memref<128x32768xbf16, #tpu.memory_space<vmem>>, vector<16x1024xbf16>
      %dot_general3A_352 = arith.constant dense<0.000000e+00> : vector<1024x512xf32>
      %dot_general3A_353 = tpu.matmul %get3A_345, %get3A_348, %dot_general3A_352 {dimension_numbers = #tpu.dot_dimension_numbers<[1], [0], [0], [1], [0, 0, 1, 1], [], []>, transpose_lhs_hint = false} : vector<1024x16xbf16>, vector<16x512xbf16>, vector<1024x512xf32> -> vector<1024x512xf32>
      %add3A_354 = arith.addf %dot_general3A_353, %select_n3A : vector<1024x512xf32>
      %get3A_355 = arith.constant 2 : index
      %get3A_356 = arith.constant 0 : index
      %get3A_357 = arith.constant 0 : index
      %get3A_358 = vector.load %arg17[%get3A_355, %get3A_356, %get3A_357] : memref<8x1x512xf32, #tpu.memory_space<vmem>>, vector<1x1x512xf32>
      %get3A_359 = vector.shape_cast %get3A_358 : vector<1x1x512xf32> to vector<1x512xf32>
      %reduce_max3A_360 = arith.constant dense<0xFF800000> : vector<512xf32>
      %reduce_max3A_361 = vector.multi_reduction <maximumf>, %add3A_354, %reduce_max3A_360 [0] : vector<1024x512xf32> to vector<512xf32>
      %broadcast_in_dim3A_362 = vector.shape_cast %reduce_max3A_361 : vector<512xf32> to vector<1x512xf32>
      %max3A_363 = arith.maximumf %get3A_359, %broadcast_in_dim3A_362 : vector<1x512xf32>
      %sub3A_364 = arith.subf %get3A_359, %max3A_363 : vector<1x512xf32>
      %exp3A_365 = math.exp %sub3A_364 : vector<1x512xf32>
      %sub3A_366 = vector.broadcast %max3A_363 : vector<1x512xf32> to vector<1024x512xf32>
      %sub3A_367 = arith.subf %add3A_354, %sub3A_366 : vector<1024x512xf32>
      %exp3A_368 = math.exp %sub3A_367 : vector<1024x512xf32>
      %convert_element_type3A_369 = arith.truncf %exp3A_368 : vector<1024x512xf32> to vector<1024x512xbf16>
      %get3A_370 = arith.constant 2 : index
      %get3A_371 = arith.constant 0 : index
      %get3A_372 = arith.constant 0 : index
      %get3A_373 = vector.load %arg18[%get3A_370, %get3A_371, %get3A_372] : memref<8x1x512xf32, #tpu.memory_space<vmem>>, vector<1x1x512xf32>
      %get3A_374 = vector.shape_cast %get3A_373 : vector<1x1x512xf32> to vector<1x512xf32>
      %mul3A_375 = arith.mulf %get3A_374, %exp3A_365 : vector<1x512xf32>
      %dot_general3A_376 = arith.constant dense<0.000000e+00> : vector<1x512xf32>
      %dot_general3A_377 = tpu.matmul %broadcast_in_dim3A_21, %convert_element_type3A_369, %dot_general3A_376 {dimension_numbers = #tpu.dot_dimension_numbers<[1], [0], [0], [1], [0, 0, 1, 1], [], []>, transpose_lhs_hint = false} : vector<1x1024xbf16>, vector<1024x512xbf16>, vector<1x512xf32> -> vector<1x512xf32>
      %add3A_378 = arith.addf %mul3A_375, %dot_general3A_377 : vector<1x512xf32>
      %swap3A_379 = arith.constant 2 : index
      %swap3A_380 = arith.constant 0 : index
      %swap3A_381 = arith.constant 0 : index
      %swap3A_382 = vector.load %arg18[%swap3A_379, %swap3A_380, %swap3A_381] : memref<8x1x512xf32, #tpu.memory_space<vmem>>, vector<1x1x512xf32>
      %swap3A_383 = vector.shape_cast %swap3A_382 : vector<1x1x512xf32> to vector<1x512xf32>
      %swap3A_384 = vector.shape_cast %add3A_378 : vector<1x512xf32> to vector<1x1x512xf32>
      tpu.vector_store %arg18[%swap3A_379, %swap3A_380, %swap3A_381], %swap3A_384 {strides = array<i32>} : memref<8x1x512xf32, #tpu.memory_space<vmem>>, vector<1x1x512xf32>,
      %get3A_385 = arith.constant 2 : index
      %get3A_386 = arith.constant 0 : index
      %get3A_387 = arith.constant 0 : index
      %get3A_388 = vector.load %arg19[%get3A_385, %get3A_386, %get3A_387] : memref<8x16x512xf32, #tpu.memory_space<vmem>>, vector<1x16x512xf32>
      %get3A_389 = vector.shape_cast %get3A_388 : vector<1x16x512xf32> to vector<16x512xf32>
      %mul3A_390 = vector.broadcast %exp3A_365 : vector<1x512xf32> to vector<16x512xf32>
      %mul3A_391 = arith.mulf %get3A_389, %mul3A_390 : vector<16x512xf32>
      %dot_general3A_392 = arith.constant dense<0.000000e+00> : vector<16x512xf32>
      %dot_general3A_393 = tpu.matmul %get3A_351, %convert_element_type3A_369, %dot_general3A_392 {dimension_numbers = #tpu.dot_dimension_numbers<[1], [0], [0], [1], [0, 0, 1, 1], [], []>, transpose_lhs_hint = false} : vector<16x1024xbf16>, vector<1024x512xbf16>, vector<16x512xf32> -> vector<16x512xf32>
      %add3A_394 = arith.addf %mul3A_391, %dot_general3A_393 : vector<16x512xf32>
      %swap3A_395 = arith.constant 2 : index
      %swap3A_396 = arith.constant 0 : index
      %swap3A_397 = arith.constant 0 : index
      %swap3A_398 = vector.load %arg19[%swap3A_395, %swap3A_396, %swap3A_397] : memref<8x16x512xf32, #tpu.memory_space<vmem>>, vector<1x16x512xf32>
      %swap3A_399 = vector.shape_cast %swap3A_398 : vector<1x16x512xf32> to vector<16x512xf32>
      %swap3A_400 = vector.shape_cast %add3A_394 : vector<16x512xf32> to vector<1x16x512xf32>
      tpu.vector_store %arg19[%swap3A_395, %swap3A_396, %swap3A_397], %swap3A_400 {strides = array<i32>} : memref<8x16x512xf32, #tpu.memory_space<vmem>>, vector<1x16x512xf32>,
      %swap3A_401 = arith.constant 2 : index
      %swap3A_402 = arith.constant 0 : index
      %swap3A_403 = arith.constant 0 : index
      %swap3A_404 = vector.load %arg17[%swap3A_401, %swap3A_402, %swap3A_403] : memref<8x1x512xf32, #tpu.memory_space<vmem>>, vector<1x1x512xf32>
      %swap3A_405 = vector.shape_cast %swap3A_404 : vector<1x1x512xf32> to vector<1x512xf32>
      %swap3A_406 = vector.shape_cast %max3A_363 : vector<1x512xf32> to vector<1x1x512xf32>
      tpu.vector_store %arg17[%swap3A_401, %swap3A_402, %swap3A_403], %swap3A_406 {strides = array<i32>} : memref<8x1x512xf32, #tpu.memory_space<vmem>>, vector<1x1x512xf32>,
      %get3A_407 = arith.index_cast %mul3A_206 : i32 to index
      %get3A_408 = arith.constant 48 : index
      %get3A_409 = vector.load %arg4[%get3A_407, %get3A_408] : memref<32768x128xbf16, #tpu.memory_space<vmem>>, vector<1024x16xbf16>
      %get3A_410 = arith.constant 48 : index
      %get3A_411 = arith.constant 0 : index
      %get3A_412 = vector.load %arg3[%get3A_410, %get3A_411] : memref<128x512xbf16, #tpu.memory_space<vmem>>, vector<16x512xbf16>
      %get3A_413 = arith.constant 48 : index
      %get3A_414 = arith.index_cast %mul3A_206 : i32 to index
      %get3A_415 = vector.load %arg5[%get3A_413, %get3A_414] : memref<128x32768xbf16, #tpu.memory_space<vmem>>, vector<16x1024xbf16>
      %dot_general3A_416 = arith.constant dense<0.000000e+00> : vector<1024x512xf32>
      %dot_general3A_417 = tpu.matmul %get3A_409, %get3A_412, %dot_general3A_416 {dimension_numbers = #tpu.dot_dimension_numbers<[1], [0], [0], [1], [0, 0, 1, 1], [], []>, transpose_lhs_hint = false} : vector<1024x16xbf16>, vector<16x512xbf16>, vector<1024x512xf32> -> vector<1024x512xf32>
      %add3A_418 = arith.addf %dot_general3A_417, %select_n3A : vector<1024x512xf32>
      %get3A_419 = arith.constant 3 : index
      %get3A_420 = arith.constant 0 : index
      %get3A_421 = arith.constant 0 : index
      %get3A_422 = vector.load %arg17[%get3A_419, %get3A_420, %get3A_421] : memref<8x1x512xf32, #tpu.memory_space<vmem>>, vector<1x1x512xf32>
      %get3A_423 = vector.shape_cast %get3A_422 : vector<1x1x512xf32> to vector<1x512xf32>
      %reduce_max3A_424 = arith.constant dense<0xFF800000> : vector<512xf32>
      %reduce_max3A_425 = vector.multi_reduction <maximumf>, %add3A_418, %reduce_max3A_424 [0] : vector<1024x512xf32> to vector<512xf32>
      %broadcast_in_dim3A_426 = vector.shape_cast %reduce_max3A_425 : vector<512xf32> to vector<1x512xf32>
      %max3A_427 = arith.maximumf %get3A_423, %broadcast_in_dim3A_426 : vector<1x512xf32>
      %sub3A_428 = arith.subf %get3A_423, %max3A_427 : vector<1x512xf32>
      %exp3A_429 = math.exp %sub3A_428 : vector<1x512xf32>
      %sub3A_430 = vector.broadcast %max3A_427 : vector<1x512xf32> to vector<1024x512xf32>
      %sub3A_431 = arith.subf %add3A_418, %sub3A_430 : vector<1024x512xf32>
      %exp3A_432 = math.exp %sub3A_431 : vector<1024x512xf32>
      %convert_element_type3A_433 = arith.truncf %exp3A_432 : vector<1024x512xf32> to vector<1024x512xbf16>
      %get3A_434 = arith.constant 3 : index
      %get3A_435 = arith.constant 0 : index
      %get3A_436 = arith.constant 0 : index
      %get3A_437 = vector.load %arg18[%get3A_434, %get3A_435, %get3A_436] : memref<8x1x512xf32, #tpu.memory_space<vmem>>, vector<1x1x512xf32>
      %get3A_438 = vector.shape_cast %get3A_437 : vector<1x1x512xf32> to vector<1x512xf32>
      %mul3A_439 = arith.mulf %get3A_438, %exp3A_429 : vector<1x512xf32>
      %dot_general3A_440 = arith.constant dense<0.000000e+00> : vector<1x512xf32>
      %dot_general3A_441 = tpu.matmul %broadcast_in_dim3A_21, %convert_element_type3A_433, %dot_general3A_440 {dimension_numbers = #tpu.dot_dimension_numbers<[1], [0], [0], [1], [0, 0, 1, 1], [], []>, transpose_lhs_hint = false} : vector<1x1024xbf16>, vector<1024x512xbf16>, vector<1x512xf32> -> vector<1x512xf32>
      %add3A_442 = arith.addf %mul3A_439, %dot_general3A_441 : vector<1x512xf32>
      %swap3A_443 = arith.constant 3 : index
      %swap3A_444 = arith.constant 0 : index
      %swap3A_445 = arith.constant 0 : index
      %swap3A_446 = vector.load %arg18[%swap3A_443, %swap3A_444, %swap3A_445] : memref<8x1x512xf32, #tpu.memory_space<vmem>>, vector<1x1x512xf32>
      %swap3A_447 = vector.shape_cast %swap3A_446 : vector<1x1x512xf32> to vector<1x512xf32>
      %swap3A_448 = vector.shape_cast %add3A_442 : vector<1x512xf32> to vector<1x1x512xf32>
      tpu.vector_store %arg18[%swap3A_443, %swap3A_444, %swap3A_445], %swap3A_448 {strides = array<i32>} : memref<8x1x512xf32, #tpu.memory_space<vmem>>, vector<1x1x512xf32>,
      %get3A_449 = arith.constant 3 : index
      %get3A_450 = arith.constant 0 : index
      %get3A_451 = arith.constant 0 : index
      %get3A_452 = vector.load %arg19[%get3A_449, %get3A_450, %get3A_451] : memref<8x16x512xf32, #tpu.memory_space<vmem>>, vector<1x16x512xf32>
      %get3A_453 = vector.shape_cast %get3A_452 : vector<1x16x512xf32> to vector<16x512xf32>
      %mul3A_454 = vector.broadcast %exp3A_429 : vector<1x512xf32> to vector<16x512xf32>
      %mul3A_455 = arith.mulf %get3A_453, %mul3A_454 : vector<16x512xf32>
      %dot_general3A_456 = arith.constant dense<0.000000e+00> : vector<16x512xf32>
      %dot_general3A_457 = tpu.matmul %get3A_415, %convert_element_type3A_433, %dot_general3A_456 {dimension_numbers = #tpu.dot_dimension_numbers<[1], [0], [0], [1], [0, 0, 1, 1], [], []>, transpose_lhs_hint = false} : vector<16x1024xbf16>, vector<1024x512xbf16>, vector<16x512xf32> -> vector<16x512xf32>
      %add3A_458 = arith.addf %mul3A_455, %dot_general3A_457 : vector<16x512xf32>
      %swap3A_459 = arith.constant 3 : index
      %swap3A_460 = arith.constant 0 : index
      %swap3A_461 = arith.constant 0 : index
      %swap3A_462 = vector.load %arg19[%swap3A_459, %swap3A_460, %swap3A_461] : memref<8x16x512xf32, #tpu.memory_space<vmem>>, vector<1x16x512xf32>
      %swap3A_463 = vector.shape_cast %swap3A_462 : vector<1x16x512xf32> to vector<16x512xf32>
      %swap3A_464 = vector.shape_cast %add3A_458 : vector<16x512xf32> to vector<1x16x512xf32>
      tpu.vector_store %arg19[%swap3A_459, %swap3A_460, %swap3A_461], %swap3A_464 {strides = array<i32>} : memref<8x16x512xf32, #tpu.memory_space<vmem>>, vector<1x16x512xf32>,
      %swap3A_465 = arith.constant 3 : index
      %swap3A_466 = arith.constant 0 : index
      %swap3A_467 = arith.constant 0 : index
      %swap3A_468 = vector.load %arg17[%swap3A_465, %swap3A_466, %swap3A_467] : memref<8x1x512xf32, #tpu.memory_space<vmem>>, vector<1x1x512xf32>
      %swap3A_469 = vector.shape_cast %swap3A_468 : vector<1x1x512xf32> to vector<1x512xf32>
      %swap3A_470 = vector.shape_cast %max3A_427 : vector<1x512xf32> to vector<1x1x512xf32>
      tpu.vector_store %arg17[%swap3A_465, %swap3A_466, %swap3A_467], %swap3A_470 {strides = array<i32>} : memref<8x1x512xf32, #tpu.memory_space<vmem>>, vector<1x1x512xf32>,
      %get3A_471 = arith.index_cast %mul3A_206 : i32 to index
      %get3A_472 = arith.constant 64 : index
      %get3A_473 = vector.load %arg4[%get3A_471, %get3A_472] : memref<32768x128xbf16, #tpu.memory_space<vmem>>, vector<1024x16xbf16>
      %get3A_474 = arith.constant 64 : index
      %get3A_475 = arith.constant 0 : index
      %get3A_476 = vector.load %arg3[%get3A_474, %get3A_475] : memref<128x512xbf16, #tpu.memory_space<vmem>>, vector<16x512xbf16>
      %get3A_477 = arith.constant 64 : index
      %get3A_478 = arith.index_cast %mul3A_206 : i32 to index
      %get3A_479 = vector.load %arg5[%get3A_477, %get3A_478] : memref<128x32768xbf16, #tpu.memory_space<vmem>>, vector<16x1024xbf16>
      %dot_general3A_480 = arith.constant dense<0.000000e+00> : vector<1024x512xf32>
      %dot_general3A_481 = tpu.matmul %get3A_473, %get3A_476, %dot_general3A_480 {dimension_numbers = #tpu.dot_dimension_numbers<[1], [0], [0], [1], [0, 0, 1, 1], [], []>, transpose_lhs_hint = false} : vector<1024x16xbf16>, vector<16x512xbf16>, vector<1024x512xf32> -> vector<1024x512xf32>
      %add3A_482 = arith.addf %dot_general3A_481, %select_n3A : vector<1024x512xf32>
      %get3A_483 = arith.constant 4 : index
      %get3A_484 = arith.constant 0 : index
      %get3A_485 = arith.constant 0 : index
      %get3A_486 = vector.load %arg17[%get3A_483, %get3A_484, %get3A_485] : memref<8x1x512xf32, #tpu.memory_space<vmem>>, vector<1x1x512xf32>
      %get3A_487 = vector.shape_cast %get3A_486 : vector<1x1x512xf32> to vector<1x512xf32>
      %reduce_max3A_488 = arith.constant dense<0xFF800000> : vector<512xf32>
      %reduce_max3A_489 = vector.multi_reduction <maximumf>, %add3A_482, %reduce_max3A_488 [0] : vector<1024x512xf32> to vector<512xf32>
      %broadcast_in_dim3A_490 = vector.shape_cast %reduce_max3A_489 : vector<512xf32> to vector<1x512xf32>
      %max3A_491 = arith.maximumf %get3A_487, %broadcast_in_dim3A_490 : vector<1x512xf32>
      %sub3A_492 = arith.subf %get3A_487, %max3A_491 : vector<1x512xf32>
      %exp3A_493 = math.exp %sub3A_492 : vector<1x512xf32>
      %sub3A_494 = vector.broadcast %max3A_491 : vector<1x512xf32> to vector<1024x512xf32>
      %sub3A_495 = arith.subf %add3A_482, %sub3A_494 : vector<1024x512xf32>
      %exp3A_496 = math.exp %sub3A_495 : vector<1024x512xf32>
      %convert_element_type3A_497 = arith.truncf %exp3A_496 : vector<1024x512xf32> to vector<1024x512xbf16>
      %get3A_498 = arith.constant 4 : index
      %get3A_499 = arith.constant 0 : index
      %get3A_500 = arith.constant 0 : index
      %get3A_501 = vector.load %arg18[%get3A_498, %get3A_499, %get3A_500] : memref<8x1x512xf32, #tpu.memory_space<vmem>>, vector<1x1x512xf32>
      %get3A_502 = vector.shape_cast %get3A_501 : vector<1x1x512xf32> to vector<1x512xf32>
      %mul3A_503 = arith.mulf %get3A_502, %exp3A_493 : vector<1x512xf32>
      %dot_general3A_504 = arith.constant dense<0.000000e+00> : vector<1x512xf32>
      %dot_general3A_505 = tpu.matmul %broadcast_in_dim3A_21, %convert_element_type3A_497, %dot_general3A_504 {dimension_numbers = #tpu.dot_dimension_numbers<[1], [0], [0], [1], [0, 0, 1, 1], [], []>, transpose_lhs_hint = false} : vector<1x1024xbf16>, vector<1024x512xbf16>, vector<1x512xf32> -> vector<1x512xf32>
      %add3A_506 = arith.addf %mul3A_503, %dot_general3A_505 : vector<1x512xf32>
      %swap3A_507 = arith.constant 4 : index
      %swap3A_508 = arith.constant 0 : index
      %swap3A_509 = arith.constant 0 : index
      %swap3A_510 = vector.load %arg18[%swap3A_507, %swap3A_508, %swap3A_509] : memref<8x1x512xf32, #tpu.memory_space<vmem>>, vector<1x1x512xf32>
      %swap3A_511 = vector.shape_cast %swap3A_510 : vector<1x1x512xf32> to vector<1x512xf32>
      %swap3A_512 = vector.shape_cast %add3A_506 : vector<1x512xf32> to vector<1x1x512xf32>
      tpu.vector_store %arg18[%swap3A_507, %swap3A_508, %swap3A_509], %swap3A_512 {strides = array<i32>} : memref<8x1x512xf32, #tpu.memory_space<vmem>>, vector<1x1x512xf32>,
      %get3A_513 = arith.constant 4 : index
      %get3A_514 = arith.constant 0 : index
      %get3A_515 = arith.constant 0 : index
      %get3A_516 = vector.load %arg19[%get3A_513, %get3A_514, %get3A_515] : memref<8x16x512xf32, #tpu.memory_space<vmem>>, vector<1x16x512xf32>
      %get3A_517 = vector.shape_cast %get3A_516 : vector<1x16x512xf32> to vector<16x512xf32>
      %mul3A_518 = vector.broadcast %exp3A_493 : vector<1x512xf32> to vector<16x512xf32>
      %mul3A_519 = arith.mulf %get3A_517, %mul3A_518 : vector<16x512xf32>
      %dot_general3A_520 = arith.constant dense<0.000000e+00> : vector<16x512xf32>
      %dot_general3A_521 = tpu.matmul %get3A_479, %convert_element_type3A_497, %dot_general3A_520 {dimension_numbers = #tpu.dot_dimension_numbers<[1], [0], [0], [1], [0, 0, 1, 1], [], []>, transpose_lhs_hint = false} : vector<16x1024xbf16>, vector<1024x512xbf16>, vector<16x512xf32> -> vector<16x512xf32>
      %add3A_522 = arith.addf %mul3A_519, %dot_general3A_521 : vector<16x512xf32>
      %swap3A_523 = arith.constant 4 : index
      %swap3A_524 = arith.constant 0 : index
      %swap3A_525 = arith.constant 0 : index
      %swap3A_526 = vector.load %arg19[%swap3A_523, %swap3A_524, %swap3A_525] : memref<8x16x512xf32, #tpu.memory_space<vmem>>, vector<1x16x512xf32>
      %swap3A_527 = vector.shape_cast %swap3A_526 : vector<1x16x512xf32> to vector<16x512xf32>
      %swap3A_528 = vector.shape_cast %add3A_522 : vector<16x512xf32> to vector<1x16x512xf32>
      tpu.vector_store %arg19[%swap3A_523, %swap3A_524, %swap3A_525], %swap3A_528 {strides = array<i32>} : memref<8x16x512xf32, #tpu.memory_space<vmem>>, vector<1x16x512xf32>,
      %swap3A_529 = arith.constant 4 : index
      %swap3A_530 = arith.constant 0 : index
      %swap3A_531 = arith.constant 0 : index
      %swap3A_532 = vector.load %arg17[%swap3A_529, %swap3A_530, %swap3A_531] : memref<8x1x512xf32, #tpu.memory_space<vmem>>, vector<1x1x512xf32>
      %swap3A_533 = vector.shape_cast %swap3A_532 : vector<1x1x512xf32> to vector<1x512xf32>
      %swap3A_534 = vector.shape_cast %max3A_491 : vector<1x512xf32> to vector<1x1x512xf32>
      tpu.vector_store %arg17[%swap3A_529, %swap3A_530, %swap3A_531], %swap3A_534 {strides = array<i32>} : memref<8x1x512xf32, #tpu.memory_space<vmem>>, vector<1x1x512xf32>,
      %get3A_535 = arith.index_cast %mul3A_206 : i32 to index
      %get3A_536 = arith.constant 80 : index
      %get3A_537 = vector.load %arg4[%get3A_535, %get3A_536] : memref<32768x128xbf16, #tpu.memory_space<vmem>>, vector<1024x16xbf16>
      %get3A_538 = arith.constant 80 : index
      %get3A_539 = arith.constant 0 : index
      %get3A_540 = vector.load %arg3[%get3A_538, %get3A_539] : memref<128x512xbf16, #tpu.memory_space<vmem>>, vector<16x512xbf16>
      %get3A_541 = arith.constant 80 : index
      %get3A_542 = arith.index_cast %mul3A_206 : i32 to index
      %get3A_543 = vector.load %arg5[%get3A_541, %get3A_542] : memref<128x32768xbf16, #tpu.memory_space<vmem>>, vector<16x1024xbf16>
      %dot_general3A_544 = arith.constant dense<0.000000e+00> : vector<1024x512xf32>
      %dot_general3A_545 = tpu.matmul %get3A_537, %get3A_540, %dot_general3A_544 {dimension_numbers = #tpu.dot_dimension_numbers<[1], [0], [0], [1], [0, 0, 1, 1], [], []>, transpose_lhs_hint = false} : vector<1024x16xbf16>, vector<16x512xbf16>, vector<1024x512xf32> -> vector<1024x512xf32>
      %add3A_546 = arith.addf %dot_general3A_545, %select_n3A : vector<1024x512xf32>
      %get3A_547 = arith.constant 5 : index
      %get3A_548 = arith.constant 0 : index
      %get3A_549 = arith.constant 0 : index
      %get3A_550 = vector.load %arg17[%get3A_547, %get3A_548, %get3A_549] : memref<8x1x512xf32, #tpu.memory_space<vmem>>, vector<1x1x512xf32>
      %get3A_551 = vector.shape_cast %get3A_550 : vector<1x1x512xf32> to vector<1x512xf32>
      %reduce_max3A_552 = arith.constant dense<0xFF800000> : vector<512xf32>
      %reduce_max3A_553 = vector.multi_reduction <maximumf>, %add3A_546, %reduce_max3A_552 [0] : vector<1024x512xf32> to vector<512xf32>
      %broadcast_in_dim3A_554 = vector.shape_cast %reduce_max3A_553 : vector<512xf32> to vector<1x512xf32>
      %max3A_555 = arith.maximumf %get3A_551, %broadcast_in_dim3A_554 : vector<1x512xf32>
      %sub3A_556 = arith.subf %get3A_551, %max3A_555 : vector<1x512xf32>
      %exp3A_557 = math.exp %sub3A_556 : vector<1x512xf32>
      %sub3A_558 = vector.broadcast %max3A_555 : vector<1x512xf32> to vector<1024x512xf32>
      %sub3A_559 = arith.subf %add3A_546, %sub3A_558 : vector<1024x512xf32>
      %exp3A_560 = math.exp %sub3A_559 : vector<1024x512xf32>
      %convert_element_type3A_561 = arith.truncf %exp3A_560 : vector<1024x512xf32> to vector<1024x512xbf16>
      %get3A_562 = arith.constant 5 : index
      %get3A_563 = arith.constant 0 : index
      %get3A_564 = arith.constant 0 : index
      %get3A_565 = vector.load %arg18[%get3A_562, %get3A_563, %get3A_564] : memref<8x1x512xf32, #tpu.memory_space<vmem>>, vector<1x1x512xf32>
      %get3A_566 = vector.shape_cast %get3A_565 : vector<1x1x512xf32> to vector<1x512xf32>
      %mul3A_567 = arith.mulf %get3A_566, %exp3A_557 : vector<1x512xf32>
      %dot_general3A_568 = arith.constant dense<0.000000e+00> : vector<1x512xf32>
      %dot_general3A_569 = tpu.matmul %broadcast_in_dim3A_21, %convert_element_type3A_561, %dot_general3A_568 {dimension_numbers = #tpu.dot_dimension_numbers<[1], [0], [0], [1], [0, 0, 1, 1], [], []>, transpose_lhs_hint = false} : vector<1x1024xbf16>, vector<1024x512xbf16>, vector<1x512xf32> -> vector<1x512xf32>
      %add3A_570 = arith.addf %mul3A_567, %dot_general3A_569 : vector<1x512xf32>
      %swap3A_571 = arith.constant 5 : index
      %swap3A_572 = arith.constant 0 : index
      %swap3A_573 = arith.constant 0 : index
      %swap3A_574 = vector.load %arg18[%swap3A_571, %swap3A_572, %swap3A_573] : memref<8x1x512xf32, #tpu.memory_space<vmem>>, vector<1x1x512xf32>
      %swap3A_575 = vector.shape_cast %swap3A_574 : vector<1x1x512xf32> to vector<1x512xf32>
      %swap3A_576 = vector.shape_cast %add3A_570 : vector<1x512xf32> to vector<1x1x512xf32>
      tpu.vector_store %arg18[%swap3A_571, %swap3A_572, %swap3A_573], %swap3A_576 {strides = array<i32>} : memref<8x1x512xf32, #tpu.memory_space<vmem>>, vector<1x1x512xf32>,
      %get3A_577 = arith.constant 5 : index
      %get3A_578 = arith.constant 0 : index
      %get3A_579 = arith.constant 0 : index
      %get3A_580 = vector.load %arg19[%get3A_577, %get3A_578, %get3A_579] : memref<8x16x512xf32, #tpu.memory_space<vmem>>, vector<1x16x512xf32>
      %get3A_581 = vector.shape_cast %get3A_580 : vector<1x16x512xf32> to vector<16x512xf32>
      %mul3A_582 = vector.broadcast %exp3A_557 : vector<1x512xf32> to vector<16x512xf32>
      %mul3A_583 = arith.mulf %get3A_581, %mul3A_582 : vector<16x512xf32>
      %dot_general3A_584 = arith.constant dense<0.000000e+00> : vector<16x512xf32>
      %dot_general3A_585 = tpu.matmul %get3A_543, %convert_element_type3A_561, %dot_general3A_584 {dimension_numbers = #tpu.dot_dimension_numbers<[1], [0], [0], [1], [0, 0, 1, 1], [], []>, transpose_lhs_hint = false} : vector<16x1024xbf16>, vector<1024x512xbf16>, vector<16x512xf32> -> vector<16x512xf32>
      %add3A_586 = arith.addf %mul3A_583, %dot_general3A_585 : vector<16x512xf32>
      %swap3A_587 = arith.constant 5 : index
      %swap3A_588 = arith.constant 0 : index
      %swap3A_589 = arith.constant 0 : index
      %swap3A_590 = vector.load %arg19[%swap3A_587, %swap3A_588, %swap3A_589] : memref<8x16x512xf32, #tpu.memory_space<vmem>>, vector<1x16x512xf32>
      %swap3A_591 = vector.shape_cast %swap3A_590 : vector<1x16x512xf32> to vector<16x512xf32>
      %swap3A_592 = vector.shape_cast %add3A_586 : vector<16x512xf32> to vector<1x16x512xf32>
      tpu.vector_store %arg19[%swap3A_587, %swap3A_588, %swap3A_589], %swap3A_592 {strides = array<i32>} : memref<8x16x512xf32, #tpu.memory_space<vmem>>, vector<1x16x512xf32>,
      %swap3A_593 = arith.constant 5 : index
      %swap3A_594 = arith.constant 0 : index
      %swap3A_595 = arith.constant 0 : index
      %swap3A_596 = vector.load %arg17[%swap3A_593, %swap3A_594, %swap3A_595] : memref<8x1x512xf32, #tpu.memory_space<vmem>>, vector<1x1x512xf32>
      %swap3A_597 = vector.shape_cast %swap3A_596 : vector<1x1x512xf32> to vector<1x512xf32>
      %swap3A_598 = vector.shape_cast %max3A_555 : vector<1x512xf32> to vector<1x1x512xf32>
      tpu.vector_store %arg17[%swap3A_593, %swap3A_594, %swap3A_595], %swap3A_598 {strides = array<i32>} : memref<8x1x512xf32, #tpu.memory_space<vmem>>, vector<1x1x512xf32>,
      %get3A_599 = arith.index_cast %mul3A_206 : i32 to index
      %get3A_600 = arith.constant 96 : index
      %get3A_601 = vector.load %arg4[%get3A_599, %get3A_600] : memref<32768x128xbf16, #tpu.memory_space<vmem>>, vector<1024x16xbf16>
      %get3A_602 = arith.constant 96 : index
      %get3A_603 = arith.constant 0 : index
      %get3A_604 = vector.load %arg3[%get3A_602, %get3A_603] : memref<128x512xbf16, #tpu.memory_space<vmem>>, vector<16x512xbf16>
      %get3A_605 = arith.constant 96 : index
      %get3A_606 = arith.index_cast %mul3A_206 : i32 to index
      %get3A_607 = vector.load %arg5[%get3A_605, %get3A_606] : memref<128x32768xbf16, #tpu.memory_space<vmem>>, vector<16x1024xbf16>
      %dot_general3A_608 = arith.constant dense<0.000000e+00> : vector<1024x512xf32>
      %dot_general3A_609 = tpu.matmul %get3A_601, %get3A_604, %dot_general3A_608 {dimension_numbers = #tpu.dot_dimension_numbers<[1], [0], [0], [1], [0, 0, 1, 1], [], []>, transpose_lhs_hint = false} : vector<1024x16xbf16>, vector<16x512xbf16>, vector<1024x512xf32> -> vector<1024x512xf32>
      %add3A_610 = arith.addf %dot_general3A_609, %select_n3A : vector<1024x512xf32>
      %get3A_611 = arith.constant 6 : index
      %get3A_612 = arith.constant 0 : index
      %get3A_613 = arith.constant 0 : index
      %get3A_614 = vector.load %arg17[%get3A_611, %get3A_612, %get3A_613] : memref<8x1x512xf32, #tpu.memory_space<vmem>>, vector<1x1x512xf32>
      %get3A_615 = vector.shape_cast %get3A_614 : vector<1x1x512xf32> to vector<1x512xf32>
      %reduce_max3A_616 = arith.constant dense<0xFF800000> : vector<512xf32>
      %reduce_max3A_617 = vector.multi_reduction <maximumf>, %add3A_610, %reduce_max3A_616 [0] : vector<1024x512xf32> to vector<512xf32>
      %broadcast_in_dim3A_618 = vector.shape_cast %reduce_max3A_617 : vector<512xf32> to vector<1x512xf32>
      %max3A_619 = arith.maximumf %get3A_615, %broadcast_in_dim3A_618 : vector<1x512xf32>
      %sub3A_620 = arith.subf %get3A_615, %max3A_619 : vector<1x512xf32>
      %exp3A_621 = math.exp %sub3A_620 : vector<1x512xf32>
      %sub3A_622 = vector.broadcast %max3A_619 : vector<1x512xf32> to vector<1024x512xf32>
      %sub3A_623 = arith.subf %add3A_610, %sub3A_622 : vector<1024x512xf32>
      %exp3A_624 = math.exp %sub3A_623 : vector<1024x512xf32>
      %convert_element_type3A_625 = arith.truncf %exp3A_624 : vector<1024x512xf32> to vector<1024x512xbf16>
      %get3A_626 = arith.constant 6 : index
      %get3A_627 = arith.constant 0 : index
      %get3A_628 = arith.constant 0 : index
      %get3A_629 = vector.load %arg18[%get3A_626, %get3A_627, %get3A_628] : memref<8x1x512xf32, #tpu.memory_space<vmem>>, vector<1x1x512xf32>
      %get3A_630 = vector.shape_cast %get3A_629 : vector<1x1x512xf32> to vector<1x512xf32>
      %mul3A_631 = arith.mulf %get3A_630, %exp3A_621 : vector<1x512xf32>
      %dot_general3A_632 = arith.constant dense<0.000000e+00> : vector<1x512xf32>
      %dot_general3A_633 = tpu.matmul %broadcast_in_dim3A_21, %convert_element_type3A_625, %dot_general3A_632 {dimension_numbers = #tpu.dot_dimension_numbers<[1], [0], [0], [1], [0, 0, 1, 1], [], []>, transpose_lhs_hint = false} : vector<1x1024xbf16>, vector<1024x512xbf16>, vector<1x512xf32> -> vector<1x512xf32>
      %add3A_634 = arith.addf %mul3A_631, %dot_general3A_633 : vector<1x512xf32>
      %swap3A_635 = arith.constant 6 : index
      %swap3A_636 = arith.constant 0 : index
      %swap3A_637 = arith.constant 0 : index
      %swap3A_638 = vector.load %arg18[%swap3A_635, %swap3A_636, %swap3A_637] : memref<8x1x512xf32, #tpu.memory_space<vmem>>, vector<1x1x512xf32>
      %swap3A_639 = vector.shape_cast %swap3A_638 : vector<1x1x512xf32> to vector<1x512xf32>
      %swap3A_640 = vector.shape_cast %add3A_634 : vector<1x512xf32> to vector<1x1x512xf32>
      tpu.vector_store %arg18[%swap3A_635, %swap3A_636, %swap3A_637], %swap3A_640 {strides = array<i32>} : memref<8x1x512xf32, #tpu.memory_space<vmem>>, vector<1x1x512xf32>,
      %get3A_641 = arith.constant 6 : index
      %get3A_642 = arith.constant 0 : index
      %get3A_643 = arith.constant 0 : index
      %get3A_644 = vector.load %arg19[%get3A_641, %get3A_642, %get3A_643] : memref<8x16x512xf32, #tpu.memory_space<vmem>>, vector<1x16x512xf32>
      %get3A_645 = vector.shape_cast %get3A_644 : vector<1x16x512xf32> to vector<16x512xf32>
      %mul3A_646 = vector.broadcast %exp3A_621 : vector<1x512xf32> to vector<16x512xf32>
      %mul3A_647 = arith.mulf %get3A_645, %mul3A_646 : vector<16x512xf32>
      %dot_general3A_648 = arith.constant dense<0.000000e+00> : vector<16x512xf32>
      %dot_general3A_649 = tpu.matmul %get3A_607, %convert_element_type3A_625, %dot_general3A_648 {dimension_numbers = #tpu.dot_dimension_numbers<[1], [0], [0], [1], [0, 0, 1, 1], [], []>, transpose_lhs_hint = false} : vector<16x1024xbf16>, vector<1024x512xbf16>, vector<16x512xf32> -> vector<16x512xf32>
      %add3A_650 = arith.addf %mul3A_647, %dot_general3A_649 : vector<16x512xf32>
      %swap3A_651 = arith.constant 6 : index
      %swap3A_652 = arith.constant 0 : index
      %swap3A_653 = arith.constant 0 : index
      %swap3A_654 = vector.load %arg19[%swap3A_651, %swap3A_652, %swap3A_653] : memref<8x16x512xf32, #tpu.memory_space<vmem>>, vector<1x16x512xf32>
      %swap3A_655 = vector.shape_cast %swap3A_654 : vector<1x16x512xf32> to vector<16x512xf32>
      %swap3A_656 = vector.shape_cast %add3A_650 : vector<16x512xf32> to vector<1x16x512xf32>
      tpu.vector_store %arg19[%swap3A_651, %swap3A_652, %swap3A_653], %swap3A_656 {strides = array<i32>} : memref<8x16x512xf32, #tpu.memory_space<vmem>>, vector<1x16x512xf32>,
      %swap3A_657 = arith.constant 6 : index
      %swap3A_658 = arith.constant 0 : index
      %swap3A_659 = arith.constant 0 : index
      %swap3A_660 = vector.load %arg17[%swap3A_657, %swap3A_658, %swap3A_659] : memref<8x1x512xf32, #tpu.memory_space<vmem>>, vector<1x1x512xf32>
      %swap3A_661 = vector.shape_cast %swap3A_660 : vector<1x1x512xf32> to vector<1x512xf32>
      %swap3A_662 = vector.shape_cast %max3A_619 : vector<1x512xf32> to vector<1x1x512xf32>
      tpu.vector_store %arg17[%swap3A_657, %swap3A_658, %swap3A_659], %swap3A_662 {strides = array<i32>} : memref<8x1x512xf32, #tpu.memory_space<vmem>>, vector<1x1x512xf32>,
      %get3A_663 = arith.index_cast %mul3A_206 : i32 to index
      %get3A_664 = arith.constant 112 : index
      %get3A_665 = vector.load %arg4[%get3A_663, %get3A_664] : memref<32768x128xbf16, #tpu.memory_space<vmem>>, vector<1024x16xbf16>
      %get3A_666 = arith.constant 112 : index
      %get3A_667 = arith.constant 0 : index
      %get3A_668 = vector.load %arg3[%get3A_666, %get3A_667] : memref<128x512xbf16, #tpu.memory_space<vmem>>, vector<16x512xbf16>
      %get3A_669 = arith.constant 112 : index
      %get3A_670 = arith.index_cast %mul3A_206 : i32 to index
      %get3A_671 = vector.load %arg5[%get3A_669, %get3A_670] : memref<128x32768xbf16, #tpu.memory_space<vmem>>, vector<16x1024xbf16>
      %dot_general3A_672 = arith.constant dense<0.000000e+00> : vector<1024x512xf32>
      %dot_general3A_673 = tpu.matmul %get3A_665, %get3A_668, %dot_general3A_672 {dimension_numbers = #tpu.dot_dimension_numbers<[1], [0], [0], [1], [0, 0, 1, 1], [], []>, transpose_lhs_hint = false} : vector<1024x16xbf16>, vector<16x512xbf16>, vector<1024x512xf32> -> vector<1024x512xf32>
      %add3A_674 = arith.addf %dot_general3A_673, %select_n3A : vector<1024x512xf32>
      %get3A_675 = arith.constant 7 : index
      %get3A_676 = arith.constant 0 : index
      %get3A_677 = arith.constant 0 : index
      %get3A_678 = vector.load %arg17[%get3A_675, %get3A_676, %get3A_677] : memref<8x1x512xf32, #tpu.memory_space<vmem>>, vector<1x1x512xf32>
      %get3A_679 = vector.shape_cast %get3A_678 : vector<1x1x512xf32> to vector<1x512xf32>
      %reduce_max3A_680 = arith.constant dense<0xFF800000> : vector<512xf32>
      %reduce_max3A_681 = vector.multi_reduction <maximumf>, %add3A_674, %reduce_max3A_680 [0] : vector<1024x512xf32> to vector<512xf32>
      %broadcast_in_dim3A_682 = vector.shape_cast %reduce_max3A_681 : vector<512xf32> to vector<1x512xf32>
      %max3A_683 = arith.maximumf %get3A_679, %broadcast_in_dim3A_682 : vector<1x512xf32>
      %sub3A_684 = arith.subf %get3A_679, %max3A_683 : vector<1x512xf32>
      %exp3A_685 = math.exp %sub3A_684 : vector<1x512xf32>
      %sub3A_686 = vector.broadcast %max3A_683 : vector<1x512xf32> to vector<1024x512xf32>
      %sub3A_687 = arith.subf %add3A_674, %sub3A_686 : vector<1024x512xf32>
      %exp3A_688 = math.exp %sub3A_687 : vector<1024x512xf32>
      %convert_element_type3A_689 = arith.truncf %exp3A_688 : vector<1024x512xf32> to vector<1024x512xbf16>
      %get3A_690 = arith.constant 7 : index
      %get3A_691 = arith.constant 0 : index
      %get3A_692 = arith.constant 0 : index
      %get3A_693 = vector.load %arg18[%get3A_690, %get3A_691, %get3A_692] : memref<8x1x512xf32, #tpu.memory_space<vmem>>, vector<1x1x512xf32>
      %get3A_694 = vector.shape_cast %get3A_693 : vector<1x1x512xf32> to vector<1x512xf32>
      %mul3A_695 = arith.mulf %get3A_694, %exp3A_685 : vector<1x512xf32>
      %dot_general3A_696 = arith.constant dense<0.000000e+00> : vector<1x512xf32>
      %dot_general3A_697 = tpu.matmul %broadcast_in_dim3A_21, %convert_element_type3A_689, %dot_general3A_696 {dimension_numbers = #tpu.dot_dimension_numbers<[1], [0], [0], [1], [0, 0, 1, 1], [], []>, transpose_lhs_hint = false} : vector<1x1024xbf16>, vector<1024x512xbf16>, vector<1x512xf32> -> vector<1x512xf32>
      %add3A_698 = arith.addf %mul3A_695, %dot_general3A_697 : vector<1x512xf32>
      %swap3A_699 = arith.constant 7 : index
      %swap3A_700 = arith.constant 0 : index
      %swap3A_701 = arith.constant 0 : index
      %swap3A_702 = vector.load %arg18[%swap3A_699, %swap3A_700, %swap3A_701] : memref<8x1x512xf32, #tpu.memory_space<vmem>>, vector<1x1x512xf32>
      %swap3A_703 = vector.shape_cast %swap3A_702 : vector<1x1x512xf32> to vector<1x512xf32>
      %swap3A_704 = vector.shape_cast %add3A_698 : vector<1x512xf32> to vector<1x1x512xf32>
      tpu.vector_store %arg18[%swap3A_699, %swap3A_700, %swap3A_701], %swap3A_704 {strides = array<i32>} : memref<8x1x512xf32, #tpu.memory_space<vmem>>, vector<1x1x512xf32>,
      %get3A_705 = arith.constant 7 : index
      %get3A_706 = arith.constant 0 : index
      %get3A_707 = arith.constant 0 : index
      %get3A_708 = vector.load %arg19[%get3A_705, %get3A_706, %get3A_707] : memref<8x16x512xf32, #tpu.memory_space<vmem>>, vector<1x16x512xf32>
      %get3A_709 = vector.shape_cast %get3A_708 : vector<1x16x512xf32> to vector<16x512xf32>
      %mul3A_710 = vector.broadcast %exp3A_685 : vector<1x512xf32> to vector<16x512xf32>
      %mul3A_711 = arith.mulf %get3A_709, %mul3A_710 : vector<16x512xf32>
      %dot_general3A_712 = arith.constant dense<0.000000e+00> : vector<16x512xf32>
      %dot_general3A_713 = tpu.matmul %get3A_671, %convert_element_type3A_689, %dot_general3A_712 {dimension_numbers = #tpu.dot_dimension_numbers<[1], [0], [0], [1], [0, 0, 1, 1], [], []>, transpose_lhs_hint = false} : vector<16x1024xbf16>, vector<1024x512xbf16>, vector<16x512xf32> -> vector<16x512xf32>
      %add3A_714 = arith.addf %mul3A_711, %dot_general3A_713 : vector<16x512xf32>
      %swap3A_715 = arith.constant 7 : index
      %swap3A_716 = arith.constant 0 : index
      %swap3A_717 = arith.constant 0 : index
      %swap3A_718 = vector.load %arg19[%swap3A_715, %swap3A_716, %swap3A_717] : memref<8x16x512xf32, #tpu.memory_space<vmem>>, vector<1x16x512xf32>
      %swap3A_719 = vector.shape_cast %swap3A_718 : vector<1x16x512xf32> to vector<16x512xf32>
      %swap3A_720 = vector.shape_cast %add3A_714 : vector<16x512xf32> to vector<1x16x512xf32>
      tpu.vector_store %arg19[%swap3A_715, %swap3A_716, %swap3A_717], %swap3A_720 {strides = array<i32>} : memref<8x16x512xf32, #tpu.memory_space<vmem>>, vector<1x16x512xf32>,
      %swap3A_721 = arith.constant 7 : index
      %swap3A_722 = arith.constant 0 : index
      %swap3A_723 = arith.constant 0 : index
      %swap3A_724 = vector.load %arg17[%swap3A_721, %swap3A_722, %swap3A_723] : memref<8x1x512xf32, #tpu.memory_space<vmem>>, vector<1x1x512xf32>
      %swap3A_725 = vector.shape_cast %swap3A_724 : vector<1x1x512xf32> to vector<1x512xf32>
      %swap3A_726 = vector.shape_cast %max3A_683 : vector<1x512xf32> to vector<1x1x512xf32>
      tpu.vector_store %arg17[%swap3A_721, %swap3A_722, %swap3A_723], %swap3A_726 {strides = array<i32>} : memref<8x1x512xf32, #tpu.memory_space<vmem>>, vector<1x1x512xf32>,
    }
    %get3A_35 = arith.constant 0 : index
    %get3A_36 = arith.constant 0 : index
    %get3A_37 = arith.constant 0 : index
    %get3A_38 = vector.load %arg19[%get3A_35, %get3A_36, %get3A_37] : memref<8x16x512xf32, #tpu.memory_space<vmem>>, vector<1x16x512xf32>
    %get3A_39 = vector.shape_cast %get3A_38 : vector<1x16x512xf32> to vector<16x512xf32>
    %get3A_40 = arith.constant 0 : index
    %get3A_41 = arith.constant 0 : index
    %get3A_42 = arith.constant 0 : index
    %get3A_43 = vector.load %arg18[%get3A_40, %get3A_41, %get3A_42] : memref<8x1x512xf32, #tpu.memory_space<vmem>>, vector<1x1x512xf32>
    %get3A_44 = vector.shape_cast %get3A_43 : vector<1x1x512xf32> to vector<1x512xf32>
    %div3A = vector.broadcast %get3A_44 : vector<1x512xf32> to vector<16x512xf32>
    %div3A_45 = arith.divf %get3A_39, %div3A : vector<16x512xf32>
    %get3A_46 = arith.constant 1 : index
    %get3A_47 = arith.constant 0 : index
    %get3A_48 = arith.constant 0 : index
    %get3A_49 = vector.load %arg19[%get3A_46, %get3A_47, %get3A_48] : memref<8x16x512xf32, #tpu.memory_space<vmem>>, vector<1x16x512xf32>
    %get3A_50 = vector.shape_cast %get3A_49 : vector<1x16x512xf32> to vector<16x512xf32>
    %get3A_51 = arith.constant 1 : index
    %get3A_52 = arith.constant 0 : index
    %get3A_53 = arith.constant 0 : index
    %get3A_54 = vector.load %arg18[%get3A_51, %get3A_52, %get3A_53] : memref<8x1x512xf32, #tpu.memory_space<vmem>>, vector<1x1x512xf32>
    %get3A_55 = vector.shape_cast %get3A_54 : vector<1x1x512xf32> to vector<1x512xf32>
    %div3A_56 = vector.broadcast %get3A_55 : vector<1x512xf32> to vector<16x512xf32>
    %div3A_57 = arith.divf %get3A_50, %div3A_56 : vector<16x512xf32>
    %get3A_58 = arith.constant 2 : index
    %get3A_59 = arith.constant 0 : index
    %get3A_60 = arith.constant 0 : index
    %get3A_61 = vector.load %arg19[%get3A_58, %get3A_59, %get3A_60] : memref<8x16x512xf32, #tpu.memory_space<vmem>>, vector<1x16x512xf32>
    %get3A_62 = vector.shape_cast %get3A_61 : vector<1x16x512xf32> to vector<16x512xf32>
    %get3A_63 = arith.constant 2 : index
    %get3A_64 = arith.constant 0 : index
    %get3A_65 = arith.constant 0 : index
    %get3A_66 = vector.load %arg18[%get3A_63, %get3A_64, %get3A_65] : memref<8x1x512xf32, #tpu.memory_space<vmem>>, vector<1x1x512xf32>
    %get3A_67 = vector.shape_cast %get3A_66 : vector<1x1x512xf32> to vector<1x512xf32>
    %div3A_68 = vector.broadcast %get3A_67 : vector<1x512xf32> to vector<16x512xf32>
    %div3A_69 = arith.divf %get3A_62, %div3A_68 : vector<16x512xf32>
    %get3A_70 = arith.constant 3 : index
    %get3A_71 = arith.constant 0 : index
    %get3A_72 = arith.constant 0 : index
    %get3A_73 = vector.load %arg19[%get3A_70, %get3A_71, %get3A_72] : memref<8x16x512xf32, #tpu.memory_space<vmem>>, vector<1x16x512xf32>
    %get3A_74 = vector.shape_cast %get3A_73 : vector<1x16x512xf32> to vector<16x512xf32>
    %get3A_75 = arith.constant 3 : index
    %get3A_76 = arith.constant 0 : index
    %get3A_77 = arith.constant 0 : index
    %get3A_78 = vector.load %arg18[%get3A_75, %get3A_76, %get3A_77] : memref<8x1x512xf32, #tpu.memory_space<vmem>>, vector<1x1x512xf32>
    %get3A_79 = vector.shape_cast %get3A_78 : vector<1x1x512xf32> to vector<1x512xf32>
    %div3A_80 = vector.broadcast %get3A_79 : vector<1x512xf32> to vector<16x512xf32>
    %div3A_81 = arith.divf %get3A_74, %div3A_80 : vector<16x512xf32>
    %get3A_82 = arith.constant 4 : index
    %get3A_83 = arith.constant 0 : index
    %get3A_84 = arith.constant 0 : index
    %get3A_85 = vector.load %arg19[%get3A_82, %get3A_83, %get3A_84] : memref<8x16x512xf32, #tpu.memory_space<vmem>>, vector<1x16x512xf32>
    %get3A_86 = vector.shape_cast %get3A_85 : vector<1x16x512xf32> to vector<16x512xf32>
    %get3A_87 = arith.constant 4 : index
    %get3A_88 = arith.constant 0 : index
    %get3A_89 = arith.constant 0 : index
    %get3A_90 = vector.load %arg18[%get3A_87, %get3A_88, %get3A_89] : memref<8x1x512xf32, #tpu.memory_space<vmem>>, vector<1x1x512xf32>
    %get3A_91 = vector.shape_cast %get3A_90 : vector<1x1x512xf32> to vector<1x512xf32>
    %div3A_92 = vector.broadcast %get3A_91 : vector<1x512xf32> to vector<16x512xf32>
    %div3A_93 = arith.divf %get3A_86, %div3A_92 : vector<16x512xf32>
    %get3A_94 = arith.constant 5 : index
    %get3A_95 = arith.constant 0 : index
    %get3A_96 = arith.constant 0 : index
    %get3A_97 = vector.load %arg19[%get3A_94, %get3A_95, %get3A_96] : memref<8x16x512xf32, #tpu.memory_space<vmem>>, vector<1x16x512xf32>
    %get3A_98 = vector.shape_cast %get3A_97 : vector<1x16x512xf32> to vector<16x512xf32>
    %get3A_99 = arith.constant 5 : index
    %get3A_100 = arith.constant 0 : index
    %get3A_101 = arith.constant 0 : index
    %get3A_102 = vector.load %arg18[%get3A_99, %get3A_100, %get3A_101] : memref<8x1x512xf32, #tpu.memory_space<vmem>>, vector<1x1x512xf32>
    %get3A_103 = vector.shape_cast %get3A_102 : vector<1x1x512xf32> to vector<1x512xf32>
    %div3A_104 = vector.broadcast %get3A_103 : vector<1x512xf32> to vector<16x512xf32>
    %div3A_105 = arith.divf %get3A_98, %div3A_104 : vector<16x512xf32>
    %get3A_106 = arith.constant 6 : index
    %get3A_107 = arith.constant 0 : index
    %get3A_108 = arith.constant 0 : index
    %get3A_109 = vector.load %arg19[%get3A_106, %get3A_107, %get3A_108] : memref<8x16x512xf32, #tpu.memory_space<vmem>>, vector<1x16x512xf32>
    %get3A_110 = vector.shape_cast %get3A_109 : vector<1x16x512xf32> to vector<16x512xf32>
    %get3A_111 = arith.constant 6 : index
    %get3A_112 = arith.constant 0 : index
    %get3A_113 = arith.constant 0 : index
    %get3A_114 = vector.load %arg18[%get3A_111, %get3A_112, %get3A_113] : memref<8x1x512xf32, #tpu.memory_space<vmem>>, vector<1x1x512xf32>
    %get3A_115 = vector.shape_cast %get3A_114 : vector<1x1x512xf32> to vector<1x512xf32>
    %div3A_116 = vector.broadcast %get3A_115 : vector<1x512xf32> to vector<16x512xf32>
    %div3A_117 = arith.divf %get3A_110, %div3A_116 : vector<16x512xf32>
    %get3A_118 = arith.constant 7 : index
    %get3A_119 = arith.constant 0 : index
    %get3A_120 = arith.constant 0 : index
    %get3A_121 = vector.load %arg19[%get3A_118, %get3A_119, %get3A_120] : memref<8x16x512xf32, #tpu.memory_space<vmem>>, vector<1x16x512xf32>
    %get3A_122 = vector.shape_cast %get3A_121 : vector<1x16x512xf32> to vector<16x512xf32>
    %get3A_123 = arith.constant 7 : index
    %get3A_124 = arith.constant 0 : index
    %get3A_125 = arith.constant 0 : index
    %get3A_126 = vector.load %arg18[%get3A_123, %get3A_124, %get3A_125] : memref<8x1x512xf32, #tpu.memory_space<vmem>>, vector<1x1x512xf32>
    %get3A_127 = vector.shape_cast %get3A_126 : vector<1x1x512xf32> to vector<1x512xf32>
    %div3A_128 = vector.broadcast %get3A_127 : vector<1x512xf32> to vector<16x512xf32>
    %div3A_129 = arith.divf %get3A_122, %div3A_128 : vector<16x512xf32>
    %concatenate3A = tpu.concatenate %div3A_45, %div3A_57, %div3A_69, %div3A_81, %div3A_93, %div3A_105, %div3A_117, %div3A_129 in 0 : vector<16x512xf32>, vector<16x512xf32>, vector<16x512xf32>, vector<16x512xf32>, vector<16x512xf32>, vector<16x512xf32>, vector<16x512xf32>, vector<16x512xf32> -> vector<128x512xf32>
    %transpose3A = tpu.transpose %concatenate3A, [1, 0] : vector<128x512xf32> -> vector<512x128xf32>
    %convert_element_type3A = arith.truncf %transpose3A : vector<512x128xf32> to vector<512x128xbf16>
    %get3A_130 = arith.constant 0 : index
    %get3A_131 = arith.constant 0 : index
    %get3A_132 = vector.load %arg9[%get3A_130, %get3A_131] : memref<128x128xf32, #tpu.memory_space<vmem>>, vector<128x128xf32>
    %convert_element_type3A_133 = arith.truncf %get3A_132 : vector<128x128xf32> to vector<128x128xbf16>
    %dot_general3A = arith.constant dense<0.000000e+00> : vector<512x128xf32>
    %dot_general3A_134 = tpu.matmul %convert_element_type3A, %convert_element_type3A_133, %dot_general3A {dimension_numbers = #tpu.dot_dimension_numbers<[1], [0], [0], [1], [0, 0, 1, 1], [], []>, transpose_lhs_hint = false} : vector<512x128xbf16>, vector<128x128xbf16>, vector<512x128xf32> -> vector<512x128xf32>
    %get3A_135 = arith.constant 0 : index
    %get3A_136 = arith.constant 0 : index
    %get3A_137 = vector.load %arg10[%get3A_135, %get3A_136] : memref<1x128xf32, #tpu.memory_space<vmem>>, vector<1x128xf32>
    %add3A = vector.broadcast %get3A_137 : vector<1x128xf32> to vector<512x128xf32>
    %add3A_138 = arith.addf %dot_general3A_134, %add3A : vector<512x128xf32>
    %get3A_139 = arith.constant 0 : index
    %get3A_140 = arith.constant 0 : index
    %get3A_141 = vector.load %arg8[%get3A_139, %get3A_140] : memref<512x128xf32, #tpu.memory_space<vmem>>, vector<512x128xf32>
    %add3A_142 = arith.addf %add3A_138, %get3A_141 : vector<512x128xf32>
    %get3A_143 = arith.constant 0 : index
    %get3A_144 = arith.constant 0 : index
    %get3A_145 = vector.load %arg11[%get3A_143, %get3A_144] : memref<1x128xf32, #tpu.memory_space<vmem>>, vector<1x128xf32>
    %get3A_146 = arith.constant 0 : index
    %get3A_147 = arith.constant 0 : index
    %get3A_148 = vector.load %arg12[%get3A_146, %get3A_147] : memref<1x128xf32, #tpu.memory_space<vmem>>, vector<1x128xf32>
    %reduce_sum3A = arith.constant dense<0.000000e+00> : vector<512xf32>
    %reduce_sum3A_149 = vector.multi_reduction <add>, %add3A_142, %reduce_sum3A [1] : vector<512x128xf32> to vector<512xf32>
    %broadcast_in_dim3A_150 = vector.shape_cast %reduce_sum3A_149 : vector<512xf32> to vector<512x1xf32>
    %div3A_151 = arith.constant 1.280000e+02 : f32
    %div3A_152 = vector.broadcast %div3A_151 : f32 to vector<512x1xf32>
    %div3A_153 = arith.divf %broadcast_in_dim3A_150, %div3A_152 : vector<512x1xf32>
    %sub3A = vector.broadcast %div3A_153 : vector<512x1xf32> to vector<512x128xf32>
    %sub3A_154 = arith.subf %add3A_142, %sub3A : vector<512x128xf32>
    %integer_pow3A = arith.mulf %sub3A_154, %sub3A_154 : vector<512x128xf32>
    %reduce_sum3A_155 = arith.constant dense<0.000000e+00> : vector<512xf32>
    %reduce_sum3A_156 = vector.multi_reduction <add>, %integer_pow3A, %reduce_sum3A_155 [1] : vector<512x128xf32> to vector<512xf32>
    %broadcast_in_dim3A_157 = vector.shape_cast %reduce_sum3A_156 : vector<512xf32> to vector<512x1xf32>
    %div3A_158 = arith.constant 1.280000e+02 : f32
    %div3A_159 = vector.broadcast %div3A_158 : f32 to vector<512x1xf32>
    %div3A_160 = arith.divf %broadcast_in_dim3A_157, %div3A_159 : vector<512x1xf32>
    %sub3A_161 = vector.broadcast %div3A_153 : vector<512x1xf32> to vector<512x128xf32>
    %sub3A_162 = arith.subf %add3A_142, %sub3A_161 : vector<512x128xf32>
    %add3A_163 = arith.constant 9.99999974E-6 : f32
    %add3A_164 = vector.broadcast %add3A_163 : f32 to vector<512x1xf32>
    %add3A_165 = arith.addf %div3A_160, %add3A_164 : vector<512x1xf32>
    %rsqrt3A = math.rsqrt %add3A_165 : vector<512x1xf32>
    %mul3A = vector.broadcast %rsqrt3A : vector<512x1xf32> to vector<512x128xf32>
    %mul3A_166 = arith.mulf %sub3A_162, %mul3A : vector<512x128xf32>
    %mul3A_167 = vector.broadcast %get3A_145 : vector<1x128xf32> to vector<512x128xf32>
    %mul3A_168 = arith.mulf %mul3A_166, %mul3A_167 : vector<512x128xf32>
    %add3A_169 = vector.broadcast %get3A_148 : vector<1x128xf32> to vector<512x128xf32>
    %add3A_170 = arith.addf %mul3A_168, %add3A_169 : vector<512x128xf32>
    %convert_element_type3A_171 = arith.truncf %add3A_170 : vector<512x128xf32> to vector<512x128xbf16>
    %get3A_172 = arith.constant 0 : index
    %get3A_173 = arith.constant 0 : index
    %get3A_174 = vector.load %arg13[%get3A_172, %get3A_173] : memref<128x512xf32, #tpu.memory_space<vmem>>, vector<128x512xf32>
    %convert_element_type3A_175 = arith.truncf %get3A_174 : vector<128x512xf32> to vector<128x512xbf16>
    %dot_general3A_176 = arith.constant dense<0.000000e+00> : vector<512x512xf32>
    %dot_general3A_177 = tpu.matmul %convert_element_type3A_171, %convert_element_type3A_175, %dot_general3A_176 {dimension_numbers = #tpu.dot_dimension_numbers<[1], [0], [0], [1], [0, 0, 1, 1], [], []>, transpose_lhs_hint = false} : vector<512x128xbf16>, vector<128x512xbf16>, vector<512x512xf32> -> vector<512x512xf32>
    %logistic3A = arith.negf %dot_general3A_177 : vector<512x512xf32>
    %logistic3A_178 = math.exp %logistic3A : vector<512x512xf32>
    %logistic3A_179 = arith.constant 1.000000e+00 : f32
    %logistic3A_180 = vector.broadcast %logistic3A_179 : f32 to vector<512x512xf32>
    %logistic3A_181 = arith.addf %logistic3A_180, %logistic3A_178 : vector<512x512xf32>
    %logistic3A_182 = arith.divf %logistic3A_180, %logistic3A_181 : vector<512x512xf32>
    %mul3A_183 = arith.mulf %dot_general3A_177, %logistic3A_182 : vector<512x512xf32>
    %convert_element_type3A_184 = arith.truncf %mul3A_183 : vector<512x512xf32> to vector<512x512xbf16>
    %get3A_185 = arith.constant 0 : index
    %get3A_186 = arith.constant 0 : index
    %get3A_187 = vector.load %arg14[%get3A_185, %get3A_186] : memref<512x128xf32, #tpu.memory_space<vmem>>, vector<512x128xf32>
    %convert_element_type3A_188 = arith.truncf %get3A_187 : vector<512x128xf32> to vector<512x128xbf16>
    %dot_general3A_189 = arith.constant dense<0.000000e+00> : vector<512x128xf32>
    %dot_general3A_190 = tpu.matmul %convert_element_type3A_184, %convert_element_type3A_188, %dot_general3A_189 {dimension_numbers = #tpu.dot_dimension_numbers<[1], [0], [0], [1], [0, 0, 1, 1], [], []>, transpose_lhs_hint = false} : vector<512x512xbf16>, vector<512x128xbf16>, vector<512x128xf32> -> vector<512x128xf32>
    %get3A_191 = arith.constant 0 : index
    %get3A_192 = arith.constant 0 : index
    %get3A_193 = vector.load %arg15[%get3A_191, %get3A_192] : memref<1x128xf32, #tpu.memory_space<vmem>>, vector<1x128xf32>
    %add3A_194 = vector.broadcast %get3A_193 : vector<1x128xf32> to vector<512x128xf32>
    %add3A_195 = arith.addf %dot_general3A_190, %add3A_194 : vector<512x128xf32>
    %mul3A_196 = arith.constant 2.000000e+00 : f32
    %mul3A_197 = vector.broadcast %mul3A_196 : f32 to vector<512x128xf32>
    %mul3A_198 = arith.mulf %mul3A_197, %add3A_142 : vector<512x128xf32>
    %add3A_199 = arith.addf %add3A_195, %mul3A_198 : vector<512x128xf32>
    %swap3A_200 = arith.constant 0 : index
    %swap3A_201 = arith.constant 0 : index
    %swap3A_202 = vector.load %arg16[%swap3A_200, %swap3A_201] : memref<512x128xf32, #tpu.memory_space<vmem>>, vector<512x128xf32>
    tpu.vector_store %arg16[%swap3A_200, %swap3A_201], %add3A_199 {strides = array<i32>} : memref<512x128xf32, #tpu.memory_space<vmem>>, vector<512x128xf32>,
    return
  }
  func.func @transform_0(%arg0: i32, %arg1: memref<64xi32, #tpu.memory_space<smem>>, %arg2: memref<64xi32, #tpu.memory_space<smem>>) -> (i32, i32) {
    %c0_i32 = arith.constant 0 : i32
    %c0_i32_0 = arith.constant 0 : i32
    return %c0_i32, %arg0 : i32, i32
  }
  func.func @transform_1(%arg0: i32, %arg1: memref<64xi32, #tpu.memory_space<smem>>, %arg2: memref<64xi32, #tpu.memory_space<smem>>) -> (i32, i32) {
    %c0_i32 = arith.constant 0 : i32
    %c0_i32_0 = arith.constant 0 : i32
    %c0_i32_1 = arith.constant 0 : i32
    return %c0_i32, %c0_i32_0 : i32, i32
  }
  func.func @transform_2(%arg0: i32, %arg1: memref<64xi32, #tpu.memory_space<smem>>, %arg2: memref<64xi32, #tpu.memory_space<smem>>) -> (i32, i32) {
    %c0_i32 = arith.constant 0 : i32
    %c0_i32_0 = arith.constant 0 : i32
    %c0_i32_1 = arith.constant 0 : i32
    return %c0_i32, %c0_i32_0 : i32, i32
  }
  func.func @transform_3(%arg0: i32, %arg1: memref<64xi32, #tpu.memory_space<smem>>, %arg2: memref<64xi32, #tpu.memory_space<smem>>) -> (i32, i32, i32) {
    %c0_i32 = arith.constant 0 : i32
    %c0_i32_0 = arith.constant 0 : i32
    %c0_i32_1 = arith.constant 0 : i32
    return %arg0, %c0_i32, %c0_i32_0 : i32, i32, i32
  }
  func.func @transform_4(%arg0: i32, %arg1: memref<64xi32, #tpu.memory_space<smem>>, %arg2: memref<64xi32, #tpu.memory_space<smem>>) -> (i32, i32) {
    %c0_i32 = arith.constant 0 : i32
    %c0_i32_0 = arith.constant 0 : i32
    %c0_i32_1 = arith.constant 0 : i32
    return %c0_i32, %c0_i32_0 : i32, i32
  }
  func.func @transform_5(%arg0: i32, %arg1: memref<64xi32, #tpu.memory_space<smem>>, %arg2: memref<64xi32, #tpu.memory_space<smem>>) -> (i32, i32) {
    %c0_i32 = arith.constant 0 : i32
    %c0_i32_0 = arith.constant 0 : i32
    return %arg0, %c0_i32 : i32, i32
  }
  func.func @transform_6(%arg0: i32, %arg1: memref<64xi32, #tpu.memory_space<smem>>, %arg2: memref<64xi32, #tpu.memory_space<smem>>) -> (i32, i32) {
    %c0_i32 = arith.constant 0 : i32
    %c0_i32_0 = arith.constant 0 : i32
    %c0_i32_1 = arith.constant 0 : i32
    return %c0_i32, %c0_i32_0 : i32, i32
  }
  func.func @transform_7(%arg0: i32, %arg1: memref<64xi32, #tpu.memory_space<smem>>, %arg2: memref<64xi32, #tpu.memory_space<smem>>) -> (i32, i32) {
    %c0_i32 = arith.constant 0 : i32
    %c0_i32_0 = arith.constant 0 : i32
    %c0_i32_1 = arith.constant 0 : i32
    return %c0_i32, %c0_i32_0 : i32, i32
  }
  func.func @transform_8(%arg0: i32, %arg1: memref<64xi32, #tpu.memory_space<smem>>, %arg2: memref<64xi32, #tpu.memory_space<smem>>) -> (i32, i32) {
    %c0_i32 = arith.constant 0 : i32
    %c0_i32_0 = arith.constant 0 : i32
    %c0_i32_1 = arith.constant 0 : i32
    return %c0_i32, %c0_i32_0 : i32, i32
  }
  func.func @transform_9(%arg0: i32, %arg1: memref<64xi32, #tpu.memory_space<smem>>, %arg2: memref<64xi32, #tpu.memory_space<smem>>) -> (i32, i32) {
    %c0_i32 = arith.constant 0 : i32
    %c0_i32_0 = arith.constant 0 : i32
    %c0_i32_1 = arith.constant 0 : i32
    return %c0_i32, %c0_i32_0 : i32, i32
  }
  func.func @transform_10(%arg0: i32, %arg1: memref<64xi32, #tpu.memory_space<smem>>, %arg2: memref<64xi32, #tpu.memory_space<smem>>) -> (i32, i32) {
    %c0_i32 = arith.constant 0 : i32
    %c0_i32_0 = arith.constant 0 : i32
    %c0_i32_1 = arith.constant 0 : i32
    return %c0_i32, %c0_i32_0 : i32, i32
  }
  func.func @transform_11(%arg0: i32, %arg1: memref<64xi32, #tpu.memory_space<smem>>, %arg2: memref<64xi32, #tpu.memory_space<smem>>) -> (i32, i32) {
    %c0_i32 = arith.constant 0 : i32
    %c0_i32_0 = arith.constant 0 : i32
    %c0_i32_1 = arith.constant 0 : i32
    return %c0_i32, %c0_i32_0 : i32, i32
  }
  func.func @transform_12(%arg0: i32, %arg1: memref<64xi32, #tpu.memory_space<smem>>, %arg2: memref<64xi32, #tpu.memory_space<smem>>) -> (i32, i32) {
    %c0_i32 = arith.constant 0 : i32
    %c0_i32_0 = arith.constant 0 : i32
    %c0_i32_1 = arith.constant 0 : i32
    return %c0_i32, %c0_i32_0 : i32, i32
  }
  func.func @transform_13(%arg0: i32, %arg1: memref<64xi32, #tpu.memory_space<smem>>, %arg2: memref<64xi32, #tpu.memory_space<smem>>) -> (i32, i32) {
    %c0_i32 = arith.constant 0 : i32
    %c0_i32_0 = arith.constant 0 : i32
    return %arg0, %c0_i32 : i32, i32
  }
}

module attributes {stable_mosaic.version = 14 : i64} {
  func.func @_qkv_kernel(%arg0: i32, %arg1: memref<1024x128xf32, #tpu.memory_space<vmem>>, %arg2: memref<1x128xf32, #tpu.memory_space<vmem>>, %arg3: memref<1x128xf32, #tpu.memory_space<vmem>>, %arg4: memref<128x512xf32, #tpu.memory_space<vmem>>, %arg5: memref<512x384xf32, #tpu.memory_space<vmem>>, %arg6: memref<1x384xf32, #tpu.memory_space<vmem>>, %arg7: memref<128x128xf32, #tpu.memory_space<vmem>>, %arg8: memref<128x1xf32, #tpu.memory_space<vmem>>, %arg9: memref<128x128xf32, #tpu.memory_space<vmem>>, %arg10: memref<1x128xf32, #tpu.memory_space<vmem>>, %arg11: memref<128x128xf32, #tpu.memory_space<vmem>>, %arg12: memref<128x1xf32, #tpu.memory_space<vmem>>, %arg13: memref<128x1024xbf16, #tpu.memory_space<vmem>>, %arg14: memref<1024x128xbf16, #tpu.memory_space<vmem>>, %arg15: memref<128x1024xbf16, #tpu.memory_space<vmem>>) attributes {dimension_semantics = [#tpu.dimension_semantics<arbitrary>], iteration_bounds = array<i64: 32>, scalar_prefetch = 0 : i64, scratch_operands = 0 : i64, tpu.core_type = #tpu.core_type<tc>, window_params = [{transform_indices = @transform_0, window_bounds = array<i64: 1024, 128>}, {pipeline_mode = #tpu.pipeline_mode<synchronous>, transform_indices = @transform_1, window_bounds = array<i64: 1, 128>}, {pipeline_mode = #tpu.pipeline_mode<synchronous>, transform_indices = @transform_2, window_bounds = array<i64: 1, 128>}, {pipeline_mode = #tpu.pipeline_mode<synchronous>, transform_indices = @transform_3, window_bounds = array<i64: 128, 512>}, {pipeline_mode = #tpu.pipeline_mode<synchronous>, transform_indices = @transform_4, window_bounds = array<i64: 512, 384>}, {pipeline_mode = #tpu.pipeline_mode<synchronous>, transform_indices = @transform_5, window_bounds = array<i64: 1, 384>}, {pipeline_mode = #tpu.pipeline_mode<synchronous>, transform_indices = @transform_6, window_bounds = array<i64: 128, 128>}, {pipeline_mode = #tpu.pipeline_mode<synchronous>, transform_indices = @transform_7, window_bounds = array<i64: 128, 1>}, {pipeline_mode = #tpu.pipeline_mode<synchronous>, transform_indices = @transform_8, window_bounds = array<i64: 128, 128>}, {pipeline_mode = #tpu.pipeline_mode<synchronous>, transform_indices = @transform_9, window_bounds = array<i64: 1, 128>}, {pipeline_mode = #tpu.pipeline_mode<synchronous>, transform_indices = @transform_10, window_bounds = array<i64: 128, 128>}, {pipeline_mode = #tpu.pipeline_mode<synchronous>, transform_indices = @transform_11, window_bounds = array<i64: 128, 1>}, {transform_indices = @transform_12, window_bounds = array<i64: 128, 1024>}, {transform_indices = @transform_13, window_bounds = array<i64: 1024, 128>}, {transform_indices = @transform_14, window_bounds = array<i64: 128, 1024>}]} {
    %get3A = arith.constant 0 : index
    %get3A_0 = arith.constant 0 : index
    %get3A_1 = vector.load %arg1[%get3A, %get3A_0] : memref<1024x128xf32, #tpu.memory_space<vmem>>, vector<1024x128xf32>
    %get3A_2 = arith.constant 0 : index
    %get3A_3 = arith.constant 0 : index
    %get3A_4 = vector.load %arg2[%get3A_2, %get3A_3] : memref<1x128xf32, #tpu.memory_space<vmem>>, vector<1x128xf32>
    %get3A_5 = arith.constant 0 : index
    %get3A_6 = arith.constant 0 : index
    %get3A_7 = vector.load %arg3[%get3A_5, %get3A_6] : memref<1x128xf32, #tpu.memory_space<vmem>>, vector<1x128xf32>
    %reduce_sum3A = arith.constant dense<0.000000e+00> : vector<1024xf32>
    %reduce_sum3A_8 = vector.multi_reduction <add>, %get3A_1, %reduce_sum3A [1] : vector<1024x128xf32> to vector<1024xf32>
    %broadcast_in_dim3A = vector.shape_cast %reduce_sum3A_8 : vector<1024xf32> to vector<1024x1xf32>
    %div3A = arith.constant 1.280000e+02 : f32
    %div3A_9 = vector.broadcast %div3A : f32 to vector<1024x1xf32>
    %div3A_10 = arith.divf %broadcast_in_dim3A, %div3A_9 : vector<1024x1xf32>
    %sub3A = vector.broadcast %div3A_10 : vector<1024x1xf32> to vector<1024x128xf32>
    %sub3A_11 = arith.subf %get3A_1, %sub3A : vector<1024x128xf32>
    %integer_pow3A = arith.mulf %sub3A_11, %sub3A_11 : vector<1024x128xf32>
    %reduce_sum3A_12 = arith.constant dense<0.000000e+00> : vector<1024xf32>
    %reduce_sum3A_13 = vector.multi_reduction <add>, %integer_pow3A, %reduce_sum3A_12 [1] : vector<1024x128xf32> to vector<1024xf32>
    %broadcast_in_dim3A_14 = vector.shape_cast %reduce_sum3A_13 : vector<1024xf32> to vector<1024x1xf32>
    %div3A_15 = arith.constant 1.280000e+02 : f32
    %div3A_16 = vector.broadcast %div3A_15 : f32 to vector<1024x1xf32>
    %div3A_17 = arith.divf %broadcast_in_dim3A_14, %div3A_16 : vector<1024x1xf32>
    %sub3A_18 = vector.broadcast %div3A_10 : vector<1024x1xf32> to vector<1024x128xf32>
    %sub3A_19 = arith.subf %get3A_1, %sub3A_18 : vector<1024x128xf32>
    %add3A = arith.constant 9.99999974E-6 : f32
    %add3A_20 = vector.broadcast %add3A : f32 to vector<1024x1xf32>
    %add3A_21 = arith.addf %div3A_17, %add3A_20 : vector<1024x1xf32>
    %rsqrt3A = math.rsqrt %add3A_21 : vector<1024x1xf32>
    %mul3A = vector.broadcast %rsqrt3A : vector<1024x1xf32> to vector<1024x128xf32>
    %mul3A_22 = arith.mulf %sub3A_19, %mul3A : vector<1024x128xf32>
    %mul3A_23 = vector.broadcast %get3A_4 : vector<1x128xf32> to vector<1024x128xf32>
    %mul3A_24 = arith.mulf %mul3A_22, %mul3A_23 : vector<1024x128xf32>
    %add3A_25 = vector.broadcast %get3A_7 : vector<1x128xf32> to vector<1024x128xf32>
    %add3A_26 = arith.addf %mul3A_24, %add3A_25 : vector<1024x128xf32>
    %get3A_27 = arith.constant 0 : index
    %get3A_28 = arith.constant 0 : index
    %get3A_29 = vector.load %arg4[%get3A_27, %get3A_28] : memref<128x512xf32, #tpu.memory_space<vmem>>, vector<128x512xf32>
    %dot_general3A = arith.constant dense<0.000000e+00> : vector<1024x512xf32>
    %dot_general3A_30 = tpu.matmul %add3A_26, %get3A_29, %dot_general3A {dimension_numbers = #tpu.dot_dimension_numbers<[1], [0], [0], [1], [0, 0, 1, 1], [], []>, transpose_lhs_hint = false} : vector<1024x128xf32>, vector<128x512xf32>, vector<1024x512xf32> -> vector<1024x512xf32>
    %logistic3A = arith.negf %dot_general3A_30 : vector<1024x512xf32>
    %logistic3A_31 = math.exp %logistic3A : vector<1024x512xf32>
    %logistic3A_32 = arith.constant 1.000000e+00 : f32
    %logistic3A_33 = vector.broadcast %logistic3A_32 : f32 to vector<1024x512xf32>
    %logistic3A_34 = arith.addf %logistic3A_33, %logistic3A_31 : vector<1024x512xf32>
    %logistic3A_35 = arith.divf %logistic3A_33, %logistic3A_34 : vector<1024x512xf32>
    %mul3A_36 = arith.mulf %dot_general3A_30, %logistic3A_35 : vector<1024x512xf32>
    %get3A_37 = arith.constant 0 : index
    %get3A_38 = arith.constant 0 : index
    %get3A_39 = vector.load %arg5[%get3A_37, %get3A_38] : memref<512x384xf32, #tpu.memory_space<vmem>>, vector<512x384xf32>
    %dot_general3A_40 = arith.constant dense<0.000000e+00> : vector<1024x384xf32>
    %dot_general3A_41 = tpu.matmul %mul3A_36, %get3A_39, %dot_general3A_40 {dimension_numbers = #tpu.dot_dimension_numbers<[1], [0], [0], [1], [0, 0, 1, 1], [], []>, transpose_lhs_hint = false} : vector<1024x512xf32>, vector<512x384xf32>, vector<1024x384xf32> -> vector<1024x384xf32>
    %get3A_42 = arith.constant 0 : index
    %get3A_43 = arith.constant 0 : index
    %get3A_44 = vector.load %arg6[%get3A_42, %get3A_43] : memref<1x384xf32, #tpu.memory_space<vmem>>, vector<1x384xf32>
    %add3A_45 = vector.broadcast %get3A_44 : vector<1x384xf32> to vector<1024x384xf32>
    %add3A_46 = arith.addf %dot_general3A_41, %add3A_45 : vector<1024x384xf32>
    %slice3A = vector.extract_strided_slice %add3A_46 {offsets = [0, 0], sizes = [1024, 128], strides = [1, 1]} : vector<1024x384xf32> to vector<1024x128xf32>
    %slice3A_47 = vector.extract_strided_slice %add3A_46 {offsets = [0, 128], sizes = [1024, 128], strides = [1, 1]} : vector<1024x384xf32> to vector<1024x128xf32>
    %slice3A_48 = vector.extract_strided_slice %add3A_46 {offsets = [0, 256], sizes = [1024, 128], strides = [1, 1]} : vector<1024x384xf32> to vector<1024x128xf32>
    %get3A_49 = arith.constant 0 : index
    %get3A_50 = arith.constant 0 : index
    %get3A_51 = vector.load %arg7[%get3A_49, %get3A_50] : memref<128x128xf32, #tpu.memory_space<vmem>>, vector<128x128xf32>
    %dot_general3A_52 = arith.constant dense<0.000000e+00> : vector<128x1024xf32>
    %dot_general3A_53 = tpu.matmul %get3A_51, %slice3A, %dot_general3A_52 {dimension_numbers = #tpu.dot_dimension_numbers<[0], [1], [1], [0], [0, 1, 1, 0], [], []>, transpose_lhs_hint = false} : vector<128x128xf32>, vector<1024x128xf32>, vector<128x1024xf32> -> vector<128x1024xf32>
    %get3A_54 = arith.constant 0 : index
    %get3A_55 = arith.constant 0 : index
    %get3A_56 = vector.load %arg8[%get3A_54, %get3A_55] : memref<128x1xf32, #tpu.memory_space<vmem>>, vector<128x1xf32>
    %add3A_57 = vector.broadcast %get3A_56 : vector<128x1xf32> to vector<128x1024xf32>
    %add3A_58 = arith.addf %dot_general3A_53, %add3A_57 : vector<128x1024xf32>
    %convert_element_type3A = arith.truncf %add3A_58 : vector<128x1024xf32> to vector<128x1024xbf16>
    %swap3A = arith.constant 0 : index
    %swap3A_59 = arith.constant 0 : index
    %swap3A_60 = vector.load %arg13[%swap3A, %swap3A_59] : memref<128x1024xbf16, #tpu.memory_space<vmem>>, vector<128x1024xbf16>
    tpu.vector_store %arg13[%swap3A, %swap3A_59], %convert_element_type3A {strides = array<i32>} : memref<128x1024xbf16, #tpu.memory_space<vmem>>, vector<128x1024xbf16>,
    %get3A_61 = arith.constant 0 : index
    %get3A_62 = arith.constant 0 : index
    %get3A_63 = vector.load %arg9[%get3A_61, %get3A_62] : memref<128x128xf32, #tpu.memory_space<vmem>>, vector<128x128xf32>
    %dot_general3A_64 = arith.constant dense<0.000000e+00> : vector<1024x128xf32>
    %dot_general3A_65 = tpu.matmul %slice3A_47, %get3A_63, %dot_general3A_64 {dimension_numbers = #tpu.dot_dimension_numbers<[1], [0], [0], [1], [0, 0, 1, 1], [], []>, transpose_lhs_hint = false} : vector<1024x128xf32>, vector<128x128xf32>, vector<1024x128xf32> -> vector<1024x128xf32>
    %get3A_66 = arith.constant 0 : index
    %get3A_67 = arith.constant 0 : index
    %get3A_68 = vector.load %arg10[%get3A_66, %get3A_67] : memref<1x128xf32, #tpu.memory_space<vmem>>, vector<1x128xf32>
    %add3A_69 = vector.broadcast %get3A_68 : vector<1x128xf32> to vector<1024x128xf32>
    %add3A_70 = arith.addf %dot_general3A_65, %add3A_69 : vector<1024x128xf32>
    %convert_element_type3A_71 = arith.truncf %add3A_70 : vector<1024x128xf32> to vector<1024x128xbf16>
    %swap3A_72 = arith.constant 0 : index
    %swap3A_73 = arith.constant 0 : index
    %swap3A_74 = vector.load %arg14[%swap3A_72, %swap3A_73] : memref<1024x128xbf16, #tpu.memory_space<vmem>>, vector<1024x128xbf16>
    tpu.vector_store %arg14[%swap3A_72, %swap3A_73], %convert_element_type3A_71 {strides = array<i32>} : memref<1024x128xbf16, #tpu.memory_space<vmem>>, vector<1024x128xbf16>,
    %get3A_75 = arith.constant 0 : index
    %get3A_76 = arith.constant 0 : index
    %get3A_77 = vector.load %arg11[%get3A_75, %get3A_76] : memref<128x128xf32, #tpu.memory_space<vmem>>, vector<128x128xf32>
    %dot_general3A_78 = arith.constant dense<0.000000e+00> : vector<128x1024xf32>
    %dot_general3A_79 = tpu.matmul %get3A_77, %slice3A_48, %dot_general3A_78 {dimension_numbers = #tpu.dot_dimension_numbers<[0], [1], [1], [0], [0, 1, 1, 0], [], []>, transpose_lhs_hint = false} : vector<128x128xf32>, vector<1024x128xf32>, vector<128x1024xf32> -> vector<128x1024xf32>
    %get3A_80 = arith.constant 0 : index
    %get3A_81 = arith.constant 0 : index
    %get3A_82 = vector.load %arg12[%get3A_80, %get3A_81] : memref<128x1xf32, #tpu.memory_space<vmem>>, vector<128x1xf32>
    %add3A_83 = vector.broadcast %get3A_82 : vector<128x1xf32> to vector<128x1024xf32>
    %add3A_84 = arith.addf %dot_general3A_79, %add3A_83 : vector<128x1024xf32>
    %convert_element_type3A_85 = arith.truncf %add3A_84 : vector<128x1024xf32> to vector<128x1024xbf16>
    %swap3A_86 = arith.constant 0 : index
    %swap3A_87 = arith.constant 0 : index
    %swap3A_88 = vector.load %arg15[%swap3A_86, %swap3A_87] : memref<128x1024xbf16, #tpu.memory_space<vmem>>, vector<128x1024xbf16>
    tpu.vector_store %arg15[%swap3A_86, %swap3A_87], %convert_element_type3A_85 {strides = array<i32>} : memref<128x1024xbf16, #tpu.memory_space<vmem>>, vector<128x1024xbf16>,
    return
  }
  func.func @transform_0(%arg0: i32) -> (i32, i32) {
    %c0_i32 = arith.constant 0 : i32
    %c0_i32_0 = arith.constant 0 : i32
    return %arg0, %c0_i32 : i32, i32
  }
  func.func @transform_1(%arg0: i32) -> (i32, i32) {
    %c0_i32 = arith.constant 0 : i32
    %c0_i32_0 = arith.constant 0 : i32
    %c0_i32_1 = arith.constant 0 : i32
    return %c0_i32, %c0_i32_0 : i32, i32
  }
  func.func @transform_2(%arg0: i32) -> (i32, i32) {
    %c0_i32 = arith.constant 0 : i32
    %c0_i32_0 = arith.constant 0 : i32
    %c0_i32_1 = arith.constant 0 : i32
    return %c0_i32, %c0_i32_0 : i32, i32
  }
  func.func @transform_3(%arg0: i32) -> (i32, i32) {
    %c0_i32 = arith.constant 0 : i32
    %c0_i32_0 = arith.constant 0 : i32
    %c0_i32_1 = arith.constant 0 : i32
    return %c0_i32, %c0_i32_0 : i32, i32
  }
  func.func @transform_4(%arg0: i32) -> (i32, i32) {
    %c0_i32 = arith.constant 0 : i32
    %c0_i32_0 = arith.constant 0 : i32
    %c0_i32_1 = arith.constant 0 : i32
    return %c0_i32, %c0_i32_0 : i32, i32
  }
  func.func @transform_5(%arg0: i32) -> (i32, i32) {
    %c0_i32 = arith.constant 0 : i32
    %c0_i32_0 = arith.constant 0 : i32
    %c0_i32_1 = arith.constant 0 : i32
    return %c0_i32, %c0_i32_0 : i32, i32
  }
  func.func @transform_6(%arg0: i32) -> (i32, i32) {
    %c0_i32 = arith.constant 0 : i32
    %c0_i32_0 = arith.constant 0 : i32
    %c0_i32_1 = arith.constant 0 : i32
    return %c0_i32, %c0_i32_0 : i32, i32
  }
  func.func @transform_7(%arg0: i32) -> (i32, i32) {
    %c0_i32 = arith.constant 0 : i32
    %c0_i32_0 = arith.constant 0 : i32
    %c0_i32_1 = arith.constant 0 : i32
    return %c0_i32, %c0_i32_0 : i32, i32
  }
  func.func @transform_8(%arg0: i32) -> (i32, i32) {
    %c0_i32 = arith.constant 0 : i32
    %c0_i32_0 = arith.constant 0 : i32
    %c0_i32_1 = arith.constant 0 : i32
    return %c0_i32, %c0_i32_0 : i32, i32
  }
  func.func @transform_9(%arg0: i32) -> (i32, i32) {
    %c0_i32 = arith.constant 0 : i32
    %c0_i32_0 = arith.constant 0 : i32
    %c0_i32_1 = arith.constant 0 : i32
    return %c0_i32, %c0_i32_0 : i32, i32
  }
  func.func @transform_10(%arg0: i32) -> (i32, i32) {
    %c0_i32 = arith.constant 0 : i32
    %c0_i32_0 = arith.constant 0 : i32
    %c0_i32_1 = arith.constant 0 : i32
    return %c0_i32, %c0_i32_0 : i32, i32
  }
  func.func @transform_11(%arg0: i32) -> (i32, i32) {
    %c0_i32 = arith.constant 0 : i32
    %c0_i32_0 = arith.constant 0 : i32
    %c0_i32_1 = arith.constant 0 : i32
    return %c0_i32, %c0_i32_0 : i32, i32
  }
  func.func @transform_12(%arg0: i32) -> (i32, i32) {
    %c0_i32 = arith.constant 0 : i32
    %c0_i32_0 = arith.constant 0 : i32
    return %c0_i32, %arg0 : i32, i32
  }
  func.func @transform_13(%arg0: i32) -> (i32, i32) {
    %c0_i32 = arith.constant 0 : i32
    %c0_i32_0 = arith.constant 0 : i32
    return %arg0, %c0_i32 : i32, i32
  }
  func.func @transform_14(%arg0: i32) -> (i32, i32) {
    %c0_i32 = arith.constant 0 : i32
    %c0_i32_0 = arith.constant 0 : i32
    return %c0_i32, %arg0 : i32, i32
  }
}

module attributes {stable_mosaic.version = 14 : i64} {
  func.func @_attn_kernel(%arg0: i32, %arg1: memref<64xi32, #tpu.memory_space<smem>>, %arg2: memref<64xi32, #tpu.memory_space<smem>>, %arg3: memref<128x512xbf16, #tpu.memory_space<vmem>>, %arg4: memref<32768x128xbf16, #tpu.memory_space<vmem>>, %arg5: memref<128x32768xbf16, #tpu.memory_space<vmem>>, %arg6: memref<1x1x512xi32, #tpu.memory_space<vmem>>, %arg7: memref<1x32768xi32, #tpu.memory_space<vmem>>, %arg8: memref<512x128xf32, #tpu.memory_space<vmem>>, %arg9: memref<128x128xf32, #tpu.memory_space<vmem>>, %arg10: memref<1x128xf32, #tpu.memory_space<vmem>>, %arg11: memref<1x128xf32, #tpu.memory_space<vmem>>, %arg12: memref<1x128xf32, #tpu.memory_space<vmem>>, %arg13: memref<128x512xf32, #tpu.memory_space<vmem>>, %arg14: memref<512x128xf32, #tpu.memory_space<vmem>>, %arg15: memref<1x128xf32, #tpu.memory_space<vmem>>, %arg16: memref<1x128xf32, #tpu.memory_space<vmem>>, %arg17: memref<1x128xf32, #tpu.memory_space<vmem>>, %arg18: memref<128x512xf32, #tpu.memory_space<vmem>>, %arg19: memref<512x1xf32, #tpu.memory_space<vmem>>, %arg20: memref<1x1xf32, #tpu.memory_space<vmem>>, %arg21: memref<512x1xf32, #tpu.memory_space<vmem>>, %arg22: memref<8x1x512xf32, #tpu.memory_space<vmem>>, %arg23: memref<8x1x512xf32, #tpu.memory_space<vmem>>, %arg24: memref<8x16x512xf32, #tpu.memory_space<vmem>>) attributes {dimension_semantics = [#tpu.dimension_semantics<arbitrary>], iteration_bounds = array<i64: 64>, scalar_prefetch = 2 : i64, scratch_operands = 3 : i64, tpu.core_type = #tpu.core_type<tc>, window_params = [{transform_indices = @transform_0, window_bounds = array<i64: 128, 512>}, {pipeline_mode = #tpu.pipeline_mode<synchronous>, transform_indices = @transform_1, window_bounds = array<i64: 32768, 128>}, {pipeline_mode = #tpu.pipeline_mode<synchronous>, transform_indices = @transform_2, window_bounds = array<i64: 128, 32768>}, {transform_indices = @transform_3, window_bounds = array<i64: 1, 1, 512>}, {pipeline_mode = #tpu.pipeline_mode<synchronous>, transform_indices = @transform_4, window_bounds = array<i64: 1, 32768>}, {transform_indices = @transform_5, window_bounds = array<i64: 512, 128>}, {pipeline_mode = #tpu.pipeline_mode<synchronous>, transform_indices = @transform_6, window_bounds = array<i64: 128, 128>}, {pipeline_mode = #tpu.pipeline_mode<synchronous>, transform_indices = @transform_7, window_bounds = array<i64: 1, 128>}, {pipeline_mode = #tpu.pipeline_mode<synchronous>, transform_indices = @transform_8, window_bounds = array<i64: 1, 128>}, {pipeline_mode = #tpu.pipeline_mode<synchronous>, transform_indices = @transform_9, window_bounds = array<i64: 1, 128>}, {pipeline_mode = #tpu.pipeline_mode<synchronous>, transform_indices = @transform_10, window_bounds = array<i64: 128, 512>}, {pipeline_mode = #tpu.pipeline_mode<synchronous>, transform_indices = @transform_11, window_bounds = array<i64: 512, 128>}, {pipeline_mode = #tpu.pipeline_mode<synchronous>, transform_indices = @transform_12, window_bounds = array<i64: 1, 128>}, {pipeline_mode = #tpu.pipeline_mode<synchronous>, transform_indices = @transform_13, window_bounds = array<i64: 1, 128>}, {pipeline_mode = #tpu.pipeline_mode<synchronous>, transform_indices = @transform_14, window_bounds = array<i64: 1, 128>}, {pipeline_mode = #tpu.pipeline_mode<synchronous>, transform_indices = @transform_15, window_bounds = array<i64: 128, 512>}, {pipeline_mode = #tpu.pipeline_mode<synchronous>, transform_indices = @transform_16, window_bounds = array<i64: 512, 1>}, {pipeline_mode = #tpu.pipeline_mode<synchronous>, transform_indices = @transform_17, window_bounds = array<i64: 1, 1>}, {transform_indices = @transform_18, window_bounds = array<i64: 512, 1>}]} {
    %broadcast_in_dim3A = arith.constant -1.000000e+30 : f32
    %broadcast_in_dim3A_0 = vector.broadcast %broadcast_in_dim3A : f32 to vector<8x1x512xf32>
    %swap3A = arith.constant 0 : index
    %swap3A_1 = arith.constant 0 : index
    %swap3A_2 = arith.constant 0 : index
    %swap3A_3 = vector.load %arg22[%swap3A, %swap3A_1, %swap3A_2] : memref<8x1x512xf32, #tpu.memory_space<vmem>>, vector<8x1x512xf32>
    tpu.vector_store %arg22[%swap3A, %swap3A_1, %swap3A_2], %broadcast_in_dim3A_0 {strides = array<i32>} : memref<8x1x512xf32, #tpu.memory_space<vmem>>, vector<8x1x512xf32>,
    %broadcast_in_dim3A_4 = arith.constant 0.000000e+00 : f32
    %broadcast_in_dim3A_5 = vector.broadcast %broadcast_in_dim3A_4 : f32 to vector<8x1x512xf32>
    %swap3A_6 = arith.constant 0 : index
    %swap3A_7 = arith.constant 0 : index
    %swap3A_8 = arith.constant 0 : index
    %swap3A_9 = vector.load %arg23[%swap3A_6, %swap3A_7, %swap3A_8] : memref<8x1x512xf32, #tpu.memory_space<vmem>>, vector<8x1x512xf32>
    tpu.vector_store %arg23[%swap3A_6, %swap3A_7, %swap3A_8], %broadcast_in_dim3A_5 {strides = array<i32>} : memref<8x1x512xf32, #tpu.memory_space<vmem>>, vector<8x1x512xf32>,
    %broadcast_in_dim3A_10 = arith.constant 0.000000e+00 : f32
    %broadcast_in_dim3A_11 = vector.broadcast %broadcast_in_dim3A_10 : f32 to vector<8x16x512xf32>
    %swap3A_12 = arith.constant 0 : index
    %swap3A_13 = arith.constant 0 : index
    %swap3A_14 = arith.constant 0 : index
    %swap3A_15 = vector.load %arg24[%swap3A_12, %swap3A_13, %swap3A_14] : memref<8x16x512xf32, #tpu.memory_space<vmem>>, vector<8x16x512xf32>
    tpu.vector_store %arg24[%swap3A_12, %swap3A_13, %swap3A_14], %broadcast_in_dim3A_11 {strides = array<i32>} : memref<8x16x512xf32, #tpu.memory_space<vmem>>, vector<8x16x512xf32>,
    %get3A = arith.constant 0 : index
    %get3A_16 = arith.constant 0 : index
    %get3A_17 = arith.constant 0 : index
    %get3A_18 = vector.load %arg6[%get3A, %get3A_16, %get3A_17] : memref<1x1x512xi32, #tpu.memory_space<vmem>>, vector<1x1x512xi32>
    %get3A_19 = vector.shape_cast %get3A_18 : vector<1x1x512xi32> to vector<512xi32>
    %broadcast_in_dim3A_20 = arith.constant 1.000000e+00 : bf16
    %broadcast_in_dim3A_21 = vector.broadcast %broadcast_in_dim3A_20 : bf16 to vector<1x1024xbf16>
    %get3A_22 = arith.index_cast %arg0 : i32 to index
    %get3A_23 = memref.load %arg1[%get3A_22] : memref<64xi32, #tpu.memory_space<smem>>
    %get3A_24 = arith.index_cast %arg0 : i32 to index
    %get3A_25 = memref.load %arg2[%get3A_24] : memref<64xi32, #tpu.memory_space<smem>>
    %while3A = arith.constant 0 : i32
    %while3A_26 = arith.constant 0 : i32
    %while3A_27 = arith.subi %get3A_25, %while3A_26 : i32
    %while3A_28 = arith.addi %while3A_26, %while3A_27 : i32
    %while3A_29 = arith.constant 1 : i32
    %while3A_30 = arith.divsi %while3A_27, %while3A_29 : i32
    %while3A_31 = arith.muli %while3A_30, %while3A_29 : i32
    %while3A_32 = arith.addi %while3A_26, %while3A_31 : i32
    %while3A_33 = arith.constant 1 : i32
    scf.for %while3A_258 = %while3A_26 to %while3A_32 step %while3A_33  : i32 {
      %add3A_259 = arith.addi %get3A_23, %while3A_258 : i32
      %mul3A_260 = arith.constant 1024 : i32
      %mul3A_261 = arith.muli %add3A_259, %mul3A_260 : i32
      %get3A_262 = arith.constant 0 : index
      %get3A_263 = arith.index_cast %mul3A_261 : i32 to index
      %get3A_264 = vector.load %arg7[%get3A_262, %get3A_263] : memref<1x32768xi32, #tpu.memory_space<vmem>>, vector<1x1024xi32>
      %get3A_265 = vector.shape_cast %get3A_264 : vector<1x1024xi32> to vector<1024xi32>
      %broadcast_in_dim3A_266 = vector.shape_cast %get3A_265 : vector<1024xi32> to vector<1024x1xi32>
      %broadcast_in_dim3A_267 = vector.shape_cast %get3A_19 : vector<512xi32> to vector<1x512xi32>
      %eq3A = vector.broadcast %broadcast_in_dim3A_266 : vector<1024x1xi32> to vector<1024x512xi32>
      %eq3A_268 = vector.broadcast %broadcast_in_dim3A_267 : vector<1x512xi32> to vector<1024x512xi32>
      %eq3A_269 = arith.cmpi eq, %eq3A, %eq3A_268 : vector<1024x512xi32>
      %jit3A = arith.constant 0.000000e+00 : f32
      %jit3A_270 = arith.constant -1.000000e+30 : f32
      %broadcast_in_dim3A_271 = vector.broadcast %jit3A : f32 to vector<1024x512xf32>
      %broadcast_in_dim3A_272 = vector.broadcast %jit3A_270 : f32 to vector<1024x512xf32>
      %select_n3A = arith.select %eq3A_269, %broadcast_in_dim3A_271, %broadcast_in_dim3A_272 : vector<1024x512xi1>, vector<1024x512xf32>
      %get3A_273 = arith.index_cast %mul3A_261 : i32 to index
      %get3A_274 = arith.constant 0 : index
      %get3A_275 = vector.load %arg4[%get3A_273, %get3A_274] : memref<32768x128xbf16, #tpu.memory_space<vmem>>, vector<1024x16xbf16>
      %get3A_276 = arith.constant 0 : index
      %get3A_277 = arith.constant 0 : index
      %get3A_278 = vector.load %arg3[%get3A_276, %get3A_277] : memref<128x512xbf16, #tpu.memory_space<vmem>>, vector<16x512xbf16>
      %get3A_279 = arith.constant 0 : index
      %get3A_280 = arith.index_cast %mul3A_261 : i32 to index
      %get3A_281 = vector.load %arg5[%get3A_279, %get3A_280] : memref<128x32768xbf16, #tpu.memory_space<vmem>>, vector<16x1024xbf16>
      %dot_general3A_282 = arith.constant dense<0.000000e+00> : vector<1024x512xf32>
      %dot_general3A_283 = tpu.matmul %get3A_275, %get3A_278, %dot_general3A_282 {dimension_numbers = #tpu.dot_dimension_numbers<[1], [0], [0], [1], [0, 0, 1, 1], [], []>, transpose_lhs_hint = false} : vector<1024x16xbf16>, vector<16x512xbf16>, vector<1024x512xf32> -> vector<1024x512xf32>
      %add3A_284 = arith.addf %dot_general3A_283, %select_n3A : vector<1024x512xf32>
      %get3A_285 = arith.constant 0 : index
      %get3A_286 = arith.constant 0 : index
      %get3A_287 = arith.constant 0 : index
      %get3A_288 = vector.load %arg22[%get3A_285, %get3A_286, %get3A_287] : memref<8x1x512xf32, #tpu.memory_space<vmem>>, vector<1x1x512xf32>
      %get3A_289 = vector.shape_cast %get3A_288 : vector<1x1x512xf32> to vector<1x512xf32>
      %reduce_max3A = arith.constant dense<0xFF800000> : vector<512xf32>
      %reduce_max3A_290 = vector.multi_reduction <maximumf>, %add3A_284, %reduce_max3A [0] : vector<1024x512xf32> to vector<512xf32>
      %broadcast_in_dim3A_291 = vector.shape_cast %reduce_max3A_290 : vector<512xf32> to vector<1x512xf32>
      %max3A = arith.maximumf %get3A_289, %broadcast_in_dim3A_291 : vector<1x512xf32>
      %sub3A_292 = arith.subf %get3A_289, %max3A : vector<1x512xf32>
      %exp3A = math.exp %sub3A_292 : vector<1x512xf32>
      %sub3A_293 = vector.broadcast %max3A : vector<1x512xf32> to vector<1024x512xf32>
      %sub3A_294 = arith.subf %add3A_284, %sub3A_293 : vector<1024x512xf32>
      %exp3A_295 = math.exp %sub3A_294 : vector<1024x512xf32>
      %convert_element_type3A_296 = arith.truncf %exp3A_295 : vector<1024x512xf32> to vector<1024x512xbf16>
      %get3A_297 = arith.constant 0 : index
      %get3A_298 = arith.constant 0 : index
      %get3A_299 = arith.constant 0 : index
      %get3A_300 = vector.load %arg23[%get3A_297, %get3A_298, %get3A_299] : memref<8x1x512xf32, #tpu.memory_space<vmem>>, vector<1x1x512xf32>
      %get3A_301 = vector.shape_cast %get3A_300 : vector<1x1x512xf32> to vector<1x512xf32>
      %mul3A_302 = arith.mulf %get3A_301, %exp3A : vector<1x512xf32>
      %dot_general3A_303 = arith.constant dense<0.000000e+00> : vector<1x512xf32>
      %dot_general3A_304 = tpu.matmul %broadcast_in_dim3A_21, %convert_element_type3A_296, %dot_general3A_303 {dimension_numbers = #tpu.dot_dimension_numbers<[1], [0], [0], [1], [0, 0, 1, 1], [], []>, transpose_lhs_hint = false} : vector<1x1024xbf16>, vector<1024x512xbf16>, vector<1x512xf32> -> vector<1x512xf32>
      %add3A_305 = arith.addf %mul3A_302, %dot_general3A_304 : vector<1x512xf32>
      %swap3A_306 = arith.constant 0 : index
      %swap3A_307 = arith.constant 0 : index
      %swap3A_308 = arith.constant 0 : index
      %swap3A_309 = vector.load %arg23[%swap3A_306, %swap3A_307, %swap3A_308] : memref<8x1x512xf32, #tpu.memory_space<vmem>>, vector<1x1x512xf32>
      %swap3A_310 = vector.shape_cast %swap3A_309 : vector<1x1x512xf32> to vector<1x512xf32>
      %swap3A_311 = vector.shape_cast %add3A_305 : vector<1x512xf32> to vector<1x1x512xf32>
      tpu.vector_store %arg23[%swap3A_306, %swap3A_307, %swap3A_308], %swap3A_311 {strides = array<i32>} : memref<8x1x512xf32, #tpu.memory_space<vmem>>, vector<1x1x512xf32>,
      %get3A_312 = arith.constant 0 : index
      %get3A_313 = arith.constant 0 : index
      %get3A_314 = arith.constant 0 : index
      %get3A_315 = vector.load %arg24[%get3A_312, %get3A_313, %get3A_314] : memref<8x16x512xf32, #tpu.memory_space<vmem>>, vector<1x16x512xf32>
      %get3A_316 = vector.shape_cast %get3A_315 : vector<1x16x512xf32> to vector<16x512xf32>
      %mul3A_317 = vector.broadcast %exp3A : vector<1x512xf32> to vector<16x512xf32>
      %mul3A_318 = arith.mulf %get3A_316, %mul3A_317 : vector<16x512xf32>
      %dot_general3A_319 = arith.constant dense<0.000000e+00> : vector<16x512xf32>
      %dot_general3A_320 = tpu.matmul %get3A_281, %convert_element_type3A_296, %dot_general3A_319 {dimension_numbers = #tpu.dot_dimension_numbers<[1], [0], [0], [1], [0, 0, 1, 1], [], []>, transpose_lhs_hint = false} : vector<16x1024xbf16>, vector<1024x512xbf16>, vector<16x512xf32> -> vector<16x512xf32>
      %add3A_321 = arith.addf %mul3A_318, %dot_general3A_320 : vector<16x512xf32>
      %swap3A_322 = arith.constant 0 : index
      %swap3A_323 = arith.constant 0 : index
      %swap3A_324 = arith.constant 0 : index
      %swap3A_325 = vector.load %arg24[%swap3A_322, %swap3A_323, %swap3A_324] : memref<8x16x512xf32, #tpu.memory_space<vmem>>, vector<1x16x512xf32>
      %swap3A_326 = vector.shape_cast %swap3A_325 : vector<1x16x512xf32> to vector<16x512xf32>
      %swap3A_327 = vector.shape_cast %add3A_321 : vector<16x512xf32> to vector<1x16x512xf32>
      tpu.vector_store %arg24[%swap3A_322, %swap3A_323, %swap3A_324], %swap3A_327 {strides = array<i32>} : memref<8x16x512xf32, #tpu.memory_space<vmem>>, vector<1x16x512xf32>,
      %swap3A_328 = arith.constant 0 : index
      %swap3A_329 = arith.constant 0 : index
      %swap3A_330 = arith.constant 0 : index
      %swap3A_331 = vector.load %arg22[%swap3A_328, %swap3A_329, %swap3A_330] : memref<8x1x512xf32, #tpu.memory_space<vmem>>, vector<1x1x512xf32>
      %swap3A_332 = vector.shape_cast %swap3A_331 : vector<1x1x512xf32> to vector<1x512xf32>
      %swap3A_333 = vector.shape_cast %max3A : vector<1x512xf32> to vector<1x1x512xf32>
      tpu.vector_store %arg22[%swap3A_328, %swap3A_329, %swap3A_330], %swap3A_333 {strides = array<i32>} : memref<8x1x512xf32, #tpu.memory_space<vmem>>, vector<1x1x512xf32>,
      %get3A_334 = arith.index_cast %mul3A_261 : i32 to index
      %get3A_335 = arith.constant 16 : index
      %get3A_336 = vector.load %arg4[%get3A_334, %get3A_335] : memref<32768x128xbf16, #tpu.memory_space<vmem>>, vector<1024x16xbf16>
      %get3A_337 = arith.constant 16 : index
      %get3A_338 = arith.constant 0 : index
      %get3A_339 = vector.load %arg3[%get3A_337, %get3A_338] : memref<128x512xbf16, #tpu.memory_space<vmem>>, vector<16x512xbf16>
      %get3A_340 = arith.constant 16 : index
      %get3A_341 = arith.index_cast %mul3A_261 : i32 to index
      %get3A_342 = vector.load %arg5[%get3A_340, %get3A_341] : memref<128x32768xbf16, #tpu.memory_space<vmem>>, vector<16x1024xbf16>
      %dot_general3A_343 = arith.constant dense<0.000000e+00> : vector<1024x512xf32>
      %dot_general3A_344 = tpu.matmul %get3A_336, %get3A_339, %dot_general3A_343 {dimension_numbers = #tpu.dot_dimension_numbers<[1], [0], [0], [1], [0, 0, 1, 1], [], []>, transpose_lhs_hint = false} : vector<1024x16xbf16>, vector<16x512xbf16>, vector<1024x512xf32> -> vector<1024x512xf32>
      %add3A_345 = arith.addf %dot_general3A_344, %select_n3A : vector<1024x512xf32>
      %get3A_346 = arith.constant 1 : index
      %get3A_347 = arith.constant 0 : index
      %get3A_348 = arith.constant 0 : index
      %get3A_349 = vector.load %arg22[%get3A_346, %get3A_347, %get3A_348] : memref<8x1x512xf32, #tpu.memory_space<vmem>>, vector<1x1x512xf32>
      %get3A_350 = vector.shape_cast %get3A_349 : vector<1x1x512xf32> to vector<1x512xf32>
      %reduce_max3A_351 = arith.constant dense<0xFF800000> : vector<512xf32>
      %reduce_max3A_352 = vector.multi_reduction <maximumf>, %add3A_345, %reduce_max3A_351 [0] : vector<1024x512xf32> to vector<512xf32>
      %broadcast_in_dim3A_353 = vector.shape_cast %reduce_max3A_352 : vector<512xf32> to vector<1x512xf32>
      %max3A_354 = arith.maximumf %get3A_350, %broadcast_in_dim3A_353 : vector<1x512xf32>
      %sub3A_355 = arith.subf %get3A_350, %max3A_354 : vector<1x512xf32>
      %exp3A_356 = math.exp %sub3A_355 : vector<1x512xf32>
      %sub3A_357 = vector.broadcast %max3A_354 : vector<1x512xf32> to vector<1024x512xf32>
      %sub3A_358 = arith.subf %add3A_345, %sub3A_357 : vector<1024x512xf32>
      %exp3A_359 = math.exp %sub3A_358 : vector<1024x512xf32>
      %convert_element_type3A_360 = arith.truncf %exp3A_359 : vector<1024x512xf32> to vector<1024x512xbf16>
      %get3A_361 = arith.constant 1 : index
      %get3A_362 = arith.constant 0 : index
      %get3A_363 = arith.constant 0 : index
      %get3A_364 = vector.load %arg23[%get3A_361, %get3A_362, %get3A_363] : memref<8x1x512xf32, #tpu.memory_space<vmem>>, vector<1x1x512xf32>
      %get3A_365 = vector.shape_cast %get3A_364 : vector<1x1x512xf32> to vector<1x512xf32>
      %mul3A_366 = arith.mulf %get3A_365, %exp3A_356 : vector<1x512xf32>
      %dot_general3A_367 = arith.constant dense<0.000000e+00> : vector<1x512xf32>
      %dot_general3A_368 = tpu.matmul %broadcast_in_dim3A_21, %convert_element_type3A_360, %dot_general3A_367 {dimension_numbers = #tpu.dot_dimension_numbers<[1], [0], [0], [1], [0, 0, 1, 1], [], []>, transpose_lhs_hint = false} : vector<1x1024xbf16>, vector<1024x512xbf16>, vector<1x512xf32> -> vector<1x512xf32>
      %add3A_369 = arith.addf %mul3A_366, %dot_general3A_368 : vector<1x512xf32>
      %swap3A_370 = arith.constant 1 : index
      %swap3A_371 = arith.constant 0 : index
      %swap3A_372 = arith.constant 0 : index
      %swap3A_373 = vector.load %arg23[%swap3A_370, %swap3A_371, %swap3A_372] : memref<8x1x512xf32, #tpu.memory_space<vmem>>, vector<1x1x512xf32>
      %swap3A_374 = vector.shape_cast %swap3A_373 : vector<1x1x512xf32> to vector<1x512xf32>
      %swap3A_375 = vector.shape_cast %add3A_369 : vector<1x512xf32> to vector<1x1x512xf32>
      tpu.vector_store %arg23[%swap3A_370, %swap3A_371, %swap3A_372], %swap3A_375 {strides = array<i32>} : memref<8x1x512xf32, #tpu.memory_space<vmem>>, vector<1x1x512xf32>,
      %get3A_376 = arith.constant 1 : index
      %get3A_377 = arith.constant 0 : index
      %get3A_378 = arith.constant 0 : index
      %get3A_379 = vector.load %arg24[%get3A_376, %get3A_377, %get3A_378] : memref<8x16x512xf32, #tpu.memory_space<vmem>>, vector<1x16x512xf32>
      %get3A_380 = vector.shape_cast %get3A_379 : vector<1x16x512xf32> to vector<16x512xf32>
      %mul3A_381 = vector.broadcast %exp3A_356 : vector<1x512xf32> to vector<16x512xf32>
      %mul3A_382 = arith.mulf %get3A_380, %mul3A_381 : vector<16x512xf32>
      %dot_general3A_383 = arith.constant dense<0.000000e+00> : vector<16x512xf32>
      %dot_general3A_384 = tpu.matmul %get3A_342, %convert_element_type3A_360, %dot_general3A_383 {dimension_numbers = #tpu.dot_dimension_numbers<[1], [0], [0], [1], [0, 0, 1, 1], [], []>, transpose_lhs_hint = false} : vector<16x1024xbf16>, vector<1024x512xbf16>, vector<16x512xf32> -> vector<16x512xf32>
      %add3A_385 = arith.addf %mul3A_382, %dot_general3A_384 : vector<16x512xf32>
      %swap3A_386 = arith.constant 1 : index
      %swap3A_387 = arith.constant 0 : index
      %swap3A_388 = arith.constant 0 : index
      %swap3A_389 = vector.load %arg24[%swap3A_386, %swap3A_387, %swap3A_388] : memref<8x16x512xf32, #tpu.memory_space<vmem>>, vector<1x16x512xf32>
      %swap3A_390 = vector.shape_cast %swap3A_389 : vector<1x16x512xf32> to vector<16x512xf32>
      %swap3A_391 = vector.shape_cast %add3A_385 : vector<16x512xf32> to vector<1x16x512xf32>
      tpu.vector_store %arg24[%swap3A_386, %swap3A_387, %swap3A_388], %swap3A_391 {strides = array<i32>} : memref<8x16x512xf32, #tpu.memory_space<vmem>>, vector<1x16x512xf32>,
      %swap3A_392 = arith.constant 1 : index
      %swap3A_393 = arith.constant 0 : index
      %swap3A_394 = arith.constant 0 : index
      %swap3A_395 = vector.load %arg22[%swap3A_392, %swap3A_393, %swap3A_394] : memref<8x1x512xf32, #tpu.memory_space<vmem>>, vector<1x1x512xf32>
      %swap3A_396 = vector.shape_cast %swap3A_395 : vector<1x1x512xf32> to vector<1x512xf32>
      %swap3A_397 = vector.shape_cast %max3A_354 : vector<1x512xf32> to vector<1x1x512xf32>
      tpu.vector_store %arg22[%swap3A_392, %swap3A_393, %swap3A_394], %swap3A_397 {strides = array<i32>} : memref<8x1x512xf32, #tpu.memory_space<vmem>>, vector<1x1x512xf32>,
      %get3A_398 = arith.index_cast %mul3A_261 : i32 to index
      %get3A_399 = arith.constant 32 : index
      %get3A_400 = vector.load %arg4[%get3A_398, %get3A_399] : memref<32768x128xbf16, #tpu.memory_space<vmem>>, vector<1024x16xbf16>
      %get3A_401 = arith.constant 32 : index
      %get3A_402 = arith.constant 0 : index
      %get3A_403 = vector.load %arg3[%get3A_401, %get3A_402] : memref<128x512xbf16, #tpu.memory_space<vmem>>, vector<16x512xbf16>
      %get3A_404 = arith.constant 32 : index
      %get3A_405 = arith.index_cast %mul3A_261 : i32 to index
      %get3A_406 = vector.load %arg5[%get3A_404, %get3A_405] : memref<128x32768xbf16, #tpu.memory_space<vmem>>, vector<16x1024xbf16>
      %dot_general3A_407 = arith.constant dense<0.000000e+00> : vector<1024x512xf32>
      %dot_general3A_408 = tpu.matmul %get3A_400, %get3A_403, %dot_general3A_407 {dimension_numbers = #tpu.dot_dimension_numbers<[1], [0], [0], [1], [0, 0, 1, 1], [], []>, transpose_lhs_hint = false} : vector<1024x16xbf16>, vector<16x512xbf16>, vector<1024x512xf32> -> vector<1024x512xf32>
      %add3A_409 = arith.addf %dot_general3A_408, %select_n3A : vector<1024x512xf32>
      %get3A_410 = arith.constant 2 : index
      %get3A_411 = arith.constant 0 : index
      %get3A_412 = arith.constant 0 : index
      %get3A_413 = vector.load %arg22[%get3A_410, %get3A_411, %get3A_412] : memref<8x1x512xf32, #tpu.memory_space<vmem>>, vector<1x1x512xf32>
      %get3A_414 = vector.shape_cast %get3A_413 : vector<1x1x512xf32> to vector<1x512xf32>
      %reduce_max3A_415 = arith.constant dense<0xFF800000> : vector<512xf32>
      %reduce_max3A_416 = vector.multi_reduction <maximumf>, %add3A_409, %reduce_max3A_415 [0] : vector<1024x512xf32> to vector<512xf32>
      %broadcast_in_dim3A_417 = vector.shape_cast %reduce_max3A_416 : vector<512xf32> to vector<1x512xf32>
      %max3A_418 = arith.maximumf %get3A_414, %broadcast_in_dim3A_417 : vector<1x512xf32>
      %sub3A_419 = arith.subf %get3A_414, %max3A_418 : vector<1x512xf32>
      %exp3A_420 = math.exp %sub3A_419 : vector<1x512xf32>
      %sub3A_421 = vector.broadcast %max3A_418 : vector<1x512xf32> to vector<1024x512xf32>
      %sub3A_422 = arith.subf %add3A_409, %sub3A_421 : vector<1024x512xf32>
      %exp3A_423 = math.exp %sub3A_422 : vector<1024x512xf32>
      %convert_element_type3A_424 = arith.truncf %exp3A_423 : vector<1024x512xf32> to vector<1024x512xbf16>
      %get3A_425 = arith.constant 2 : index
      %get3A_426 = arith.constant 0 : index
      %get3A_427 = arith.constant 0 : index
      %get3A_428 = vector.load %arg23[%get3A_425, %get3A_426, %get3A_427] : memref<8x1x512xf32, #tpu.memory_space<vmem>>, vector<1x1x512xf32>
      %get3A_429 = vector.shape_cast %get3A_428 : vector<1x1x512xf32> to vector<1x512xf32>
      %mul3A_430 = arith.mulf %get3A_429, %exp3A_420 : vector<1x512xf32>
      %dot_general3A_431 = arith.constant dense<0.000000e+00> : vector<1x512xf32>
      %dot_general3A_432 = tpu.matmul %broadcast_in_dim3A_21, %convert_element_type3A_424, %dot_general3A_431 {dimension_numbers = #tpu.dot_dimension_numbers<[1], [0], [0], [1], [0, 0, 1, 1], [], []>, transpose_lhs_hint = false} : vector<1x1024xbf16>, vector<1024x512xbf16>, vector<1x512xf32> -> vector<1x512xf32>
      %add3A_433 = arith.addf %mul3A_430, %dot_general3A_432 : vector<1x512xf32>
      %swap3A_434 = arith.constant 2 : index
      %swap3A_435 = arith.constant 0 : index
      %swap3A_436 = arith.constant 0 : index
      %swap3A_437 = vector.load %arg23[%swap3A_434, %swap3A_435, %swap3A_436] : memref<8x1x512xf32, #tpu.memory_space<vmem>>, vector<1x1x512xf32>
      %swap3A_438 = vector.shape_cast %swap3A_437 : vector<1x1x512xf32> to vector<1x512xf32>
      %swap3A_439 = vector.shape_cast %add3A_433 : vector<1x512xf32> to vector<1x1x512xf32>
      tpu.vector_store %arg23[%swap3A_434, %swap3A_435, %swap3A_436], %swap3A_439 {strides = array<i32>} : memref<8x1x512xf32, #tpu.memory_space<vmem>>, vector<1x1x512xf32>,
      %get3A_440 = arith.constant 2 : index
      %get3A_441 = arith.constant 0 : index
      %get3A_442 = arith.constant 0 : index
      %get3A_443 = vector.load %arg24[%get3A_440, %get3A_441, %get3A_442] : memref<8x16x512xf32, #tpu.memory_space<vmem>>, vector<1x16x512xf32>
      %get3A_444 = vector.shape_cast %get3A_443 : vector<1x16x512xf32> to vector<16x512xf32>
      %mul3A_445 = vector.broadcast %exp3A_420 : vector<1x512xf32> to vector<16x512xf32>
      %mul3A_446 = arith.mulf %get3A_444, %mul3A_445 : vector<16x512xf32>
      %dot_general3A_447 = arith.constant dense<0.000000e+00> : vector<16x512xf32>
      %dot_general3A_448 = tpu.matmul %get3A_406, %convert_element_type3A_424, %dot_general3A_447 {dimension_numbers = #tpu.dot_dimension_numbers<[1], [0], [0], [1], [0, 0, 1, 1], [], []>, transpose_lhs_hint = false} : vector<16x1024xbf16>, vector<1024x512xbf16>, vector<16x512xf32> -> vector<16x512xf32>
      %add3A_449 = arith.addf %mul3A_446, %dot_general3A_448 : vector<16x512xf32>
      %swap3A_450 = arith.constant 2 : index
      %swap3A_451 = arith.constant 0 : index
      %swap3A_452 = arith.constant 0 : index
      %swap3A_453 = vector.load %arg24[%swap3A_450, %swap3A_451, %swap3A_452] : memref<8x16x512xf32, #tpu.memory_space<vmem>>, vector<1x16x512xf32>
      %swap3A_454 = vector.shape_cast %swap3A_453 : vector<1x16x512xf32> to vector<16x512xf32>
      %swap3A_455 = vector.shape_cast %add3A_449 : vector<16x512xf32> to vector<1x16x512xf32>
      tpu.vector_store %arg24[%swap3A_450, %swap3A_451, %swap3A_452], %swap3A_455 {strides = array<i32>} : memref<8x16x512xf32, #tpu.memory_space<vmem>>, vector<1x16x512xf32>,
      %swap3A_456 = arith.constant 2 : index
      %swap3A_457 = arith.constant 0 : index
      %swap3A_458 = arith.constant 0 : index
      %swap3A_459 = vector.load %arg22[%swap3A_456, %swap3A_457, %swap3A_458] : memref<8x1x512xf32, #tpu.memory_space<vmem>>, vector<1x1x512xf32>
      %swap3A_460 = vector.shape_cast %swap3A_459 : vector<1x1x512xf32> to vector<1x512xf32>
      %swap3A_461 = vector.shape_cast %max3A_418 : vector<1x512xf32> to vector<1x1x512xf32>
      tpu.vector_store %arg22[%swap3A_456, %swap3A_457, %swap3A_458], %swap3A_461 {strides = array<i32>} : memref<8x1x512xf32, #tpu.memory_space<vmem>>, vector<1x1x512xf32>,
      %get3A_462 = arith.index_cast %mul3A_261 : i32 to index
      %get3A_463 = arith.constant 48 : index
      %get3A_464 = vector.load %arg4[%get3A_462, %get3A_463] : memref<32768x128xbf16, #tpu.memory_space<vmem>>, vector<1024x16xbf16>
      %get3A_465 = arith.constant 48 : index
      %get3A_466 = arith.constant 0 : index
      %get3A_467 = vector.load %arg3[%get3A_465, %get3A_466] : memref<128x512xbf16, #tpu.memory_space<vmem>>, vector<16x512xbf16>
      %get3A_468 = arith.constant 48 : index
      %get3A_469 = arith.index_cast %mul3A_261 : i32 to index
      %get3A_470 = vector.load %arg5[%get3A_468, %get3A_469] : memref<128x32768xbf16, #tpu.memory_space<vmem>>, vector<16x1024xbf16>
      %dot_general3A_471 = arith.constant dense<0.000000e+00> : vector<1024x512xf32>
      %dot_general3A_472 = tpu.matmul %get3A_464, %get3A_467, %dot_general3A_471 {dimension_numbers = #tpu.dot_dimension_numbers<[1], [0], [0], [1], [0, 0, 1, 1], [], []>, transpose_lhs_hint = false} : vector<1024x16xbf16>, vector<16x512xbf16>, vector<1024x512xf32> -> vector<1024x512xf32>
      %add3A_473 = arith.addf %dot_general3A_472, %select_n3A : vector<1024x512xf32>
      %get3A_474 = arith.constant 3 : index
      %get3A_475 = arith.constant 0 : index
      %get3A_476 = arith.constant 0 : index
      %get3A_477 = vector.load %arg22[%get3A_474, %get3A_475, %get3A_476] : memref<8x1x512xf32, #tpu.memory_space<vmem>>, vector<1x1x512xf32>
      %get3A_478 = vector.shape_cast %get3A_477 : vector<1x1x512xf32> to vector<1x512xf32>
      %reduce_max3A_479 = arith.constant dense<0xFF800000> : vector<512xf32>
      %reduce_max3A_480 = vector.multi_reduction <maximumf>, %add3A_473, %reduce_max3A_479 [0] : vector<1024x512xf32> to vector<512xf32>
      %broadcast_in_dim3A_481 = vector.shape_cast %reduce_max3A_480 : vector<512xf32> to vector<1x512xf32>
      %max3A_482 = arith.maximumf %get3A_478, %broadcast_in_dim3A_481 : vector<1x512xf32>
      %sub3A_483 = arith.subf %get3A_478, %max3A_482 : vector<1x512xf32>
      %exp3A_484 = math.exp %sub3A_483 : vector<1x512xf32>
      %sub3A_485 = vector.broadcast %max3A_482 : vector<1x512xf32> to vector<1024x512xf32>
      %sub3A_486 = arith.subf %add3A_473, %sub3A_485 : vector<1024x512xf32>
      %exp3A_487 = math.exp %sub3A_486 : vector<1024x512xf32>
      %convert_element_type3A_488 = arith.truncf %exp3A_487 : vector<1024x512xf32> to vector<1024x512xbf16>
      %get3A_489 = arith.constant 3 : index
      %get3A_490 = arith.constant 0 : index
      %get3A_491 = arith.constant 0 : index
      %get3A_492 = vector.load %arg23[%get3A_489, %get3A_490, %get3A_491] : memref<8x1x512xf32, #tpu.memory_space<vmem>>, vector<1x1x512xf32>
      %get3A_493 = vector.shape_cast %get3A_492 : vector<1x1x512xf32> to vector<1x512xf32>
      %mul3A_494 = arith.mulf %get3A_493, %exp3A_484 : vector<1x512xf32>
      %dot_general3A_495 = arith.constant dense<0.000000e+00> : vector<1x512xf32>
      %dot_general3A_496 = tpu.matmul %broadcast_in_dim3A_21, %convert_element_type3A_488, %dot_general3A_495 {dimension_numbers = #tpu.dot_dimension_numbers<[1], [0], [0], [1], [0, 0, 1, 1], [], []>, transpose_lhs_hint = false} : vector<1x1024xbf16>, vector<1024x512xbf16>, vector<1x512xf32> -> vector<1x512xf32>
      %add3A_497 = arith.addf %mul3A_494, %dot_general3A_496 : vector<1x512xf32>
      %swap3A_498 = arith.constant 3 : index
      %swap3A_499 = arith.constant 0 : index
      %swap3A_500 = arith.constant 0 : index
      %swap3A_501 = vector.load %arg23[%swap3A_498, %swap3A_499, %swap3A_500] : memref<8x1x512xf32, #tpu.memory_space<vmem>>, vector<1x1x512xf32>
      %swap3A_502 = vector.shape_cast %swap3A_501 : vector<1x1x512xf32> to vector<1x512xf32>
      %swap3A_503 = vector.shape_cast %add3A_497 : vector<1x512xf32> to vector<1x1x512xf32>
      tpu.vector_store %arg23[%swap3A_498, %swap3A_499, %swap3A_500], %swap3A_503 {strides = array<i32>} : memref<8x1x512xf32, #tpu.memory_space<vmem>>, vector<1x1x512xf32>,
      %get3A_504 = arith.constant 3 : index
      %get3A_505 = arith.constant 0 : index
      %get3A_506 = arith.constant 0 : index
      %get3A_507 = vector.load %arg24[%get3A_504, %get3A_505, %get3A_506] : memref<8x16x512xf32, #tpu.memory_space<vmem>>, vector<1x16x512xf32>
      %get3A_508 = vector.shape_cast %get3A_507 : vector<1x16x512xf32> to vector<16x512xf32>
      %mul3A_509 = vector.broadcast %exp3A_484 : vector<1x512xf32> to vector<16x512xf32>
      %mul3A_510 = arith.mulf %get3A_508, %mul3A_509 : vector<16x512xf32>
      %dot_general3A_511 = arith.constant dense<0.000000e+00> : vector<16x512xf32>
      %dot_general3A_512 = tpu.matmul %get3A_470, %convert_element_type3A_488, %dot_general3A_511 {dimension_numbers = #tpu.dot_dimension_numbers<[1], [0], [0], [1], [0, 0, 1, 1], [], []>, transpose_lhs_hint = false} : vector<16x1024xbf16>, vector<1024x512xbf16>, vector<16x512xf32> -> vector<16x512xf32>
      %add3A_513 = arith.addf %mul3A_510, %dot_general3A_512 : vector<16x512xf32>
      %swap3A_514 = arith.constant 3 : index
      %swap3A_515 = arith.constant 0 : index
      %swap3A_516 = arith.constant 0 : index
      %swap3A_517 = vector.load %arg24[%swap3A_514, %swap3A_515, %swap3A_516] : memref<8x16x512xf32, #tpu.memory_space<vmem>>, vector<1x16x512xf32>
      %swap3A_518 = vector.shape_cast %swap3A_517 : vector<1x16x512xf32> to vector<16x512xf32>
      %swap3A_519 = vector.shape_cast %add3A_513 : vector<16x512xf32> to vector<1x16x512xf32>
      tpu.vector_store %arg24[%swap3A_514, %swap3A_515, %swap3A_516], %swap3A_519 {strides = array<i32>} : memref<8x16x512xf32, #tpu.memory_space<vmem>>, vector<1x16x512xf32>,
      %swap3A_520 = arith.constant 3 : index
      %swap3A_521 = arith.constant 0 : index
      %swap3A_522 = arith.constant 0 : index
      %swap3A_523 = vector.load %arg22[%swap3A_520, %swap3A_521, %swap3A_522] : memref<8x1x512xf32, #tpu.memory_space<vmem>>, vector<1x1x512xf32>
      %swap3A_524 = vector.shape_cast %swap3A_523 : vector<1x1x512xf32> to vector<1x512xf32>
      %swap3A_525 = vector.shape_cast %max3A_482 : vector<1x512xf32> to vector<1x1x512xf32>
      tpu.vector_store %arg22[%swap3A_520, %swap3A_521, %swap3A_522], %swap3A_525 {strides = array<i32>} : memref<8x1x512xf32, #tpu.memory_space<vmem>>, vector<1x1x512xf32>,
      %get3A_526 = arith.index_cast %mul3A_261 : i32 to index
      %get3A_527 = arith.constant 64 : index
      %get3A_528 = vector.load %arg4[%get3A_526, %get3A_527] : memref<32768x128xbf16, #tpu.memory_space<vmem>>, vector<1024x16xbf16>
      %get3A_529 = arith.constant 64 : index
      %get3A_530 = arith.constant 0 : index
      %get3A_531 = vector.load %arg3[%get3A_529, %get3A_530] : memref<128x512xbf16, #tpu.memory_space<vmem>>, vector<16x512xbf16>
      %get3A_532 = arith.constant 64 : index
      %get3A_533 = arith.index_cast %mul3A_261 : i32 to index
      %get3A_534 = vector.load %arg5[%get3A_532, %get3A_533] : memref<128x32768xbf16, #tpu.memory_space<vmem>>, vector<16x1024xbf16>
      %dot_general3A_535 = arith.constant dense<0.000000e+00> : vector<1024x512xf32>
      %dot_general3A_536 = tpu.matmul %get3A_528, %get3A_531, %dot_general3A_535 {dimension_numbers = #tpu.dot_dimension_numbers<[1], [0], [0], [1], [0, 0, 1, 1], [], []>, transpose_lhs_hint = false} : vector<1024x16xbf16>, vector<16x512xbf16>, vector<1024x512xf32> -> vector<1024x512xf32>
      %add3A_537 = arith.addf %dot_general3A_536, %select_n3A : vector<1024x512xf32>
      %get3A_538 = arith.constant 4 : index
      %get3A_539 = arith.constant 0 : index
      %get3A_540 = arith.constant 0 : index
      %get3A_541 = vector.load %arg22[%get3A_538, %get3A_539, %get3A_540] : memref<8x1x512xf32, #tpu.memory_space<vmem>>, vector<1x1x512xf32>
      %get3A_542 = vector.shape_cast %get3A_541 : vector<1x1x512xf32> to vector<1x512xf32>
      %reduce_max3A_543 = arith.constant dense<0xFF800000> : vector<512xf32>
      %reduce_max3A_544 = vector.multi_reduction <maximumf>, %add3A_537, %reduce_max3A_543 [0] : vector<1024x512xf32> to vector<512xf32>
      %broadcast_in_dim3A_545 = vector.shape_cast %reduce_max3A_544 : vector<512xf32> to vector<1x512xf32>
      %max3A_546 = arith.maximumf %get3A_542, %broadcast_in_dim3A_545 : vector<1x512xf32>
      %sub3A_547 = arith.subf %get3A_542, %max3A_546 : vector<1x512xf32>
      %exp3A_548 = math.exp %sub3A_547 : vector<1x512xf32>
      %sub3A_549 = vector.broadcast %max3A_546 : vector<1x512xf32> to vector<1024x512xf32>
      %sub3A_550 = arith.subf %add3A_537, %sub3A_549 : vector<1024x512xf32>
      %exp3A_551 = math.exp %sub3A_550 : vector<1024x512xf32>
      %convert_element_type3A_552 = arith.truncf %exp3A_551 : vector<1024x512xf32> to vector<1024x512xbf16>
      %get3A_553 = arith.constant 4 : index
      %get3A_554 = arith.constant 0 : index
      %get3A_555 = arith.constant 0 : index
      %get3A_556 = vector.load %arg23[%get3A_553, %get3A_554, %get3A_555] : memref<8x1x512xf32, #tpu.memory_space<vmem>>, vector<1x1x512xf32>
      %get3A_557 = vector.shape_cast %get3A_556 : vector<1x1x512xf32> to vector<1x512xf32>
      %mul3A_558 = arith.mulf %get3A_557, %exp3A_548 : vector<1x512xf32>
      %dot_general3A_559 = arith.constant dense<0.000000e+00> : vector<1x512xf32>
      %dot_general3A_560 = tpu.matmul %broadcast_in_dim3A_21, %convert_element_type3A_552, %dot_general3A_559 {dimension_numbers = #tpu.dot_dimension_numbers<[1], [0], [0], [1], [0, 0, 1, 1], [], []>, transpose_lhs_hint = false} : vector<1x1024xbf16>, vector<1024x512xbf16>, vector<1x512xf32> -> vector<1x512xf32>
      %add3A_561 = arith.addf %mul3A_558, %dot_general3A_560 : vector<1x512xf32>
      %swap3A_562 = arith.constant 4 : index
      %swap3A_563 = arith.constant 0 : index
      %swap3A_564 = arith.constant 0 : index
      %swap3A_565 = vector.load %arg23[%swap3A_562, %swap3A_563, %swap3A_564] : memref<8x1x512xf32, #tpu.memory_space<vmem>>, vector<1x1x512xf32>
      %swap3A_566 = vector.shape_cast %swap3A_565 : vector<1x1x512xf32> to vector<1x512xf32>
      %swap3A_567 = vector.shape_cast %add3A_561 : vector<1x512xf32> to vector<1x1x512xf32>
      tpu.vector_store %arg23[%swap3A_562, %swap3A_563, %swap3A_564], %swap3A_567 {strides = array<i32>} : memref<8x1x512xf32, #tpu.memory_space<vmem>>, vector<1x1x512xf32>,
      %get3A_568 = arith.constant 4 : index
      %get3A_569 = arith.constant 0 : index
      %get3A_570 = arith.constant 0 : index
      %get3A_571 = vector.load %arg24[%get3A_568, %get3A_569, %get3A_570] : memref<8x16x512xf32, #tpu.memory_space<vmem>>, vector<1x16x512xf32>
      %get3A_572 = vector.shape_cast %get3A_571 : vector<1x16x512xf32> to vector<16x512xf32>
      %mul3A_573 = vector.broadcast %exp3A_548 : vector<1x512xf32> to vector<16x512xf32>
      %mul3A_574 = arith.mulf %get3A_572, %mul3A_573 : vector<16x512xf32>
      %dot_general3A_575 = arith.constant dense<0.000000e+00> : vector<16x512xf32>
      %dot_general3A_576 = tpu.matmul %get3A_534, %convert_element_type3A_552, %dot_general3A_575 {dimension_numbers = #tpu.dot_dimension_numbers<[1], [0], [0], [1], [0, 0, 1, 1], [], []>, transpose_lhs_hint = false} : vector<16x1024xbf16>, vector<1024x512xbf16>, vector<16x512xf32> -> vector<16x512xf32>
      %add3A_577 = arith.addf %mul3A_574, %dot_general3A_576 : vector<16x512xf32>
      %swap3A_578 = arith.constant 4 : index
      %swap3A_579 = arith.constant 0 : index
      %swap3A_580 = arith.constant 0 : index
      %swap3A_581 = vector.load %arg24[%swap3A_578, %swap3A_579, %swap3A_580] : memref<8x16x512xf32, #tpu.memory_space<vmem>>, vector<1x16x512xf32>
      %swap3A_582 = vector.shape_cast %swap3A_581 : vector<1x16x512xf32> to vector<16x512xf32>
      %swap3A_583 = vector.shape_cast %add3A_577 : vector<16x512xf32> to vector<1x16x512xf32>
      tpu.vector_store %arg24[%swap3A_578, %swap3A_579, %swap3A_580], %swap3A_583 {strides = array<i32>} : memref<8x16x512xf32, #tpu.memory_space<vmem>>, vector<1x16x512xf32>,
      %swap3A_584 = arith.constant 4 : index
      %swap3A_585 = arith.constant 0 : index
      %swap3A_586 = arith.constant 0 : index
      %swap3A_587 = vector.load %arg22[%swap3A_584, %swap3A_585, %swap3A_586] : memref<8x1x512xf32, #tpu.memory_space<vmem>>, vector<1x1x512xf32>
      %swap3A_588 = vector.shape_cast %swap3A_587 : vector<1x1x512xf32> to vector<1x512xf32>
      %swap3A_589 = vector.shape_cast %max3A_546 : vector<1x512xf32> to vector<1x1x512xf32>
      tpu.vector_store %arg22[%swap3A_584, %swap3A_585, %swap3A_586], %swap3A_589 {strides = array<i32>} : memref<8x1x512xf32, #tpu.memory_space<vmem>>, vector<1x1x512xf32>,
      %get3A_590 = arith.index_cast %mul3A_261 : i32 to index
      %get3A_591 = arith.constant 80 : index
      %get3A_592 = vector.load %arg4[%get3A_590, %get3A_591] : memref<32768x128xbf16, #tpu.memory_space<vmem>>, vector<1024x16xbf16>
      %get3A_593 = arith.constant 80 : index
      %get3A_594 = arith.constant 0 : index
      %get3A_595 = vector.load %arg3[%get3A_593, %get3A_594] : memref<128x512xbf16, #tpu.memory_space<vmem>>, vector<16x512xbf16>
      %get3A_596 = arith.constant 80 : index
      %get3A_597 = arith.index_cast %mul3A_261 : i32 to index
      %get3A_598 = vector.load %arg5[%get3A_596, %get3A_597] : memref<128x32768xbf16, #tpu.memory_space<vmem>>, vector<16x1024xbf16>
      %dot_general3A_599 = arith.constant dense<0.000000e+00> : vector<1024x512xf32>
      %dot_general3A_600 = tpu.matmul %get3A_592, %get3A_595, %dot_general3A_599 {dimension_numbers = #tpu.dot_dimension_numbers<[1], [0], [0], [1], [0, 0, 1, 1], [], []>, transpose_lhs_hint = false} : vector<1024x16xbf16>, vector<16x512xbf16>, vector<1024x512xf32> -> vector<1024x512xf32>
      %add3A_601 = arith.addf %dot_general3A_600, %select_n3A : vector<1024x512xf32>
      %get3A_602 = arith.constant 5 : index
      %get3A_603 = arith.constant 0 : index
      %get3A_604 = arith.constant 0 : index
      %get3A_605 = vector.load %arg22[%get3A_602, %get3A_603, %get3A_604] : memref<8x1x512xf32, #tpu.memory_space<vmem>>, vector<1x1x512xf32>
      %get3A_606 = vector.shape_cast %get3A_605 : vector<1x1x512xf32> to vector<1x512xf32>
      %reduce_max3A_607 = arith.constant dense<0xFF800000> : vector<512xf32>
      %reduce_max3A_608 = vector.multi_reduction <maximumf>, %add3A_601, %reduce_max3A_607 [0] : vector<1024x512xf32> to vector<512xf32>
      %broadcast_in_dim3A_609 = vector.shape_cast %reduce_max3A_608 : vector<512xf32> to vector<1x512xf32>
      %max3A_610 = arith.maximumf %get3A_606, %broadcast_in_dim3A_609 : vector<1x512xf32>
      %sub3A_611 = arith.subf %get3A_606, %max3A_610 : vector<1x512xf32>
      %exp3A_612 = math.exp %sub3A_611 : vector<1x512xf32>
      %sub3A_613 = vector.broadcast %max3A_610 : vector<1x512xf32> to vector<1024x512xf32>
      %sub3A_614 = arith.subf %add3A_601, %sub3A_613 : vector<1024x512xf32>
      %exp3A_615 = math.exp %sub3A_614 : vector<1024x512xf32>
      %convert_element_type3A_616 = arith.truncf %exp3A_615 : vector<1024x512xf32> to vector<1024x512xbf16>
      %get3A_617 = arith.constant 5 : index
      %get3A_618 = arith.constant 0 : index
      %get3A_619 = arith.constant 0 : index
      %get3A_620 = vector.load %arg23[%get3A_617, %get3A_618, %get3A_619] : memref<8x1x512xf32, #tpu.memory_space<vmem>>, vector<1x1x512xf32>
      %get3A_621 = vector.shape_cast %get3A_620 : vector<1x1x512xf32> to vector<1x512xf32>
      %mul3A_622 = arith.mulf %get3A_621, %exp3A_612 : vector<1x512xf32>
      %dot_general3A_623 = arith.constant dense<0.000000e+00> : vector<1x512xf32>
      %dot_general3A_624 = tpu.matmul %broadcast_in_dim3A_21, %convert_element_type3A_616, %dot_general3A_623 {dimension_numbers = #tpu.dot_dimension_numbers<[1], [0], [0], [1], [0, 0, 1, 1], [], []>, transpose_lhs_hint = false} : vector<1x1024xbf16>, vector<1024x512xbf16>, vector<1x512xf32> -> vector<1x512xf32>
      %add3A_625 = arith.addf %mul3A_622, %dot_general3A_624 : vector<1x512xf32>
      %swap3A_626 = arith.constant 5 : index
      %swap3A_627 = arith.constant 0 : index
      %swap3A_628 = arith.constant 0 : index
      %swap3A_629 = vector.load %arg23[%swap3A_626, %swap3A_627, %swap3A_628] : memref<8x1x512xf32, #tpu.memory_space<vmem>>, vector<1x1x512xf32>
      %swap3A_630 = vector.shape_cast %swap3A_629 : vector<1x1x512xf32> to vector<1x512xf32>
      %swap3A_631 = vector.shape_cast %add3A_625 : vector<1x512xf32> to vector<1x1x512xf32>
      tpu.vector_store %arg23[%swap3A_626, %swap3A_627, %swap3A_628], %swap3A_631 {strides = array<i32>} : memref<8x1x512xf32, #tpu.memory_space<vmem>>, vector<1x1x512xf32>,
      %get3A_632 = arith.constant 5 : index
      %get3A_633 = arith.constant 0 : index
      %get3A_634 = arith.constant 0 : index
      %get3A_635 = vector.load %arg24[%get3A_632, %get3A_633, %get3A_634] : memref<8x16x512xf32, #tpu.memory_space<vmem>>, vector<1x16x512xf32>
      %get3A_636 = vector.shape_cast %get3A_635 : vector<1x16x512xf32> to vector<16x512xf32>
      %mul3A_637 = vector.broadcast %exp3A_612 : vector<1x512xf32> to vector<16x512xf32>
      %mul3A_638 = arith.mulf %get3A_636, %mul3A_637 : vector<16x512xf32>
      %dot_general3A_639 = arith.constant dense<0.000000e+00> : vector<16x512xf32>
      %dot_general3A_640 = tpu.matmul %get3A_598, %convert_element_type3A_616, %dot_general3A_639 {dimension_numbers = #tpu.dot_dimension_numbers<[1], [0], [0], [1], [0, 0, 1, 1], [], []>, transpose_lhs_hint = false} : vector<16x1024xbf16>, vector<1024x512xbf16>, vector<16x512xf32> -> vector<16x512xf32>
      %add3A_641 = arith.addf %mul3A_638, %dot_general3A_640 : vector<16x512xf32>
      %swap3A_642 = arith.constant 5 : index
      %swap3A_643 = arith.constant 0 : index
      %swap3A_644 = arith.constant 0 : index
      %swap3A_645 = vector.load %arg24[%swap3A_642, %swap3A_643, %swap3A_644] : memref<8x16x512xf32, #tpu.memory_space<vmem>>, vector<1x16x512xf32>
      %swap3A_646 = vector.shape_cast %swap3A_645 : vector<1x16x512xf32> to vector<16x512xf32>
      %swap3A_647 = vector.shape_cast %add3A_641 : vector<16x512xf32> to vector<1x16x512xf32>
      tpu.vector_store %arg24[%swap3A_642, %swap3A_643, %swap3A_644], %swap3A_647 {strides = array<i32>} : memref<8x16x512xf32, #tpu.memory_space<vmem>>, vector<1x16x512xf32>,
      %swap3A_648 = arith.constant 5 : index
      %swap3A_649 = arith.constant 0 : index
      %swap3A_650 = arith.constant 0 : index
      %swap3A_651 = vector.load %arg22[%swap3A_648, %swap3A_649, %swap3A_650] : memref<8x1x512xf32, #tpu.memory_space<vmem>>, vector<1x1x512xf32>
      %swap3A_652 = vector.shape_cast %swap3A_651 : vector<1x1x512xf32> to vector<1x512xf32>
      %swap3A_653 = vector.shape_cast %max3A_610 : vector<1x512xf32> to vector<1x1x512xf32>
      tpu.vector_store %arg22[%swap3A_648, %swap3A_649, %swap3A_650], %swap3A_653 {strides = array<i32>} : memref<8x1x512xf32, #tpu.memory_space<vmem>>, vector<1x1x512xf32>,
      %get3A_654 = arith.index_cast %mul3A_261 : i32 to index
      %get3A_655 = arith.constant 96 : index
      %get3A_656 = vector.load %arg4[%get3A_654, %get3A_655] : memref<32768x128xbf16, #tpu.memory_space<vmem>>, vector<1024x16xbf16>
      %get3A_657 = arith.constant 96 : index
      %get3A_658 = arith.constant 0 : index
      %get3A_659 = vector.load %arg3[%get3A_657, %get3A_658] : memref<128x512xbf16, #tpu.memory_space<vmem>>, vector<16x512xbf16>
      %get3A_660 = arith.constant 96 : index
      %get3A_661 = arith.index_cast %mul3A_261 : i32 to index
      %get3A_662 = vector.load %arg5[%get3A_660, %get3A_661] : memref<128x32768xbf16, #tpu.memory_space<vmem>>, vector<16x1024xbf16>
      %dot_general3A_663 = arith.constant dense<0.000000e+00> : vector<1024x512xf32>
      %dot_general3A_664 = tpu.matmul %get3A_656, %get3A_659, %dot_general3A_663 {dimension_numbers = #tpu.dot_dimension_numbers<[1], [0], [0], [1], [0, 0, 1, 1], [], []>, transpose_lhs_hint = false} : vector<1024x16xbf16>, vector<16x512xbf16>, vector<1024x512xf32> -> vector<1024x512xf32>
      %add3A_665 = arith.addf %dot_general3A_664, %select_n3A : vector<1024x512xf32>
      %get3A_666 = arith.constant 6 : index
      %get3A_667 = arith.constant 0 : index
      %get3A_668 = arith.constant 0 : index
      %get3A_669 = vector.load %arg22[%get3A_666, %get3A_667, %get3A_668] : memref<8x1x512xf32, #tpu.memory_space<vmem>>, vector<1x1x512xf32>
      %get3A_670 = vector.shape_cast %get3A_669 : vector<1x1x512xf32> to vector<1x512xf32>
      %reduce_max3A_671 = arith.constant dense<0xFF800000> : vector<512xf32>
      %reduce_max3A_672 = vector.multi_reduction <maximumf>, %add3A_665, %reduce_max3A_671 [0] : vector<1024x512xf32> to vector<512xf32>
      %broadcast_in_dim3A_673 = vector.shape_cast %reduce_max3A_672 : vector<512xf32> to vector<1x512xf32>
      %max3A_674 = arith.maximumf %get3A_670, %broadcast_in_dim3A_673 : vector<1x512xf32>
      %sub3A_675 = arith.subf %get3A_670, %max3A_674 : vector<1x512xf32>
      %exp3A_676 = math.exp %sub3A_675 : vector<1x512xf32>
      %sub3A_677 = vector.broadcast %max3A_674 : vector<1x512xf32> to vector<1024x512xf32>
      %sub3A_678 = arith.subf %add3A_665, %sub3A_677 : vector<1024x512xf32>
      %exp3A_679 = math.exp %sub3A_678 : vector<1024x512xf32>
      %convert_element_type3A_680 = arith.truncf %exp3A_679 : vector<1024x512xf32> to vector<1024x512xbf16>
      %get3A_681 = arith.constant 6 : index
      %get3A_682 = arith.constant 0 : index
      %get3A_683 = arith.constant 0 : index
      %get3A_684 = vector.load %arg23[%get3A_681, %get3A_682, %get3A_683] : memref<8x1x512xf32, #tpu.memory_space<vmem>>, vector<1x1x512xf32>
      %get3A_685 = vector.shape_cast %get3A_684 : vector<1x1x512xf32> to vector<1x512xf32>
      %mul3A_686 = arith.mulf %get3A_685, %exp3A_676 : vector<1x512xf32>
      %dot_general3A_687 = arith.constant dense<0.000000e+00> : vector<1x512xf32>
      %dot_general3A_688 = tpu.matmul %broadcast_in_dim3A_21, %convert_element_type3A_680, %dot_general3A_687 {dimension_numbers = #tpu.dot_dimension_numbers<[1], [0], [0], [1], [0, 0, 1, 1], [], []>, transpose_lhs_hint = false} : vector<1x1024xbf16>, vector<1024x512xbf16>, vector<1x512xf32> -> vector<1x512xf32>
      %add3A_689 = arith.addf %mul3A_686, %dot_general3A_688 : vector<1x512xf32>
      %swap3A_690 = arith.constant 6 : index
      %swap3A_691 = arith.constant 0 : index
      %swap3A_692 = arith.constant 0 : index
      %swap3A_693 = vector.load %arg23[%swap3A_690, %swap3A_691, %swap3A_692] : memref<8x1x512xf32, #tpu.memory_space<vmem>>, vector<1x1x512xf32>
      %swap3A_694 = vector.shape_cast %swap3A_693 : vector<1x1x512xf32> to vector<1x512xf32>
      %swap3A_695 = vector.shape_cast %add3A_689 : vector<1x512xf32> to vector<1x1x512xf32>
      tpu.vector_store %arg23[%swap3A_690, %swap3A_691, %swap3A_692], %swap3A_695 {strides = array<i32>} : memref<8x1x512xf32, #tpu.memory_space<vmem>>, vector<1x1x512xf32>,
      %get3A_696 = arith.constant 6 : index
      %get3A_697 = arith.constant 0 : index
      %get3A_698 = arith.constant 0 : index
      %get3A_699 = vector.load %arg24[%get3A_696, %get3A_697, %get3A_698] : memref<8x16x512xf32, #tpu.memory_space<vmem>>, vector<1x16x512xf32>
      %get3A_700 = vector.shape_cast %get3A_699 : vector<1x16x512xf32> to vector<16x512xf32>
      %mul3A_701 = vector.broadcast %exp3A_676 : vector<1x512xf32> to vector<16x512xf32>
      %mul3A_702 = arith.mulf %get3A_700, %mul3A_701 : vector<16x512xf32>
      %dot_general3A_703 = arith.constant dense<0.000000e+00> : vector<16x512xf32>
      %dot_general3A_704 = tpu.matmul %get3A_662, %convert_element_type3A_680, %dot_general3A_703 {dimension_numbers = #tpu.dot_dimension_numbers<[1], [0], [0], [1], [0, 0, 1, 1], [], []>, transpose_lhs_hint = false} : vector<16x1024xbf16>, vector<1024x512xbf16>, vector<16x512xf32> -> vector<16x512xf32>
      %add3A_705 = arith.addf %mul3A_702, %dot_general3A_704 : vector<16x512xf32>
      %swap3A_706 = arith.constant 6 : index
      %swap3A_707 = arith.constant 0 : index
      %swap3A_708 = arith.constant 0 : index
      %swap3A_709 = vector.load %arg24[%swap3A_706, %swap3A_707, %swap3A_708] : memref<8x16x512xf32, #tpu.memory_space<vmem>>, vector<1x16x512xf32>
      %swap3A_710 = vector.shape_cast %swap3A_709 : vector<1x16x512xf32> to vector<16x512xf32>
      %swap3A_711 = vector.shape_cast %add3A_705 : vector<16x512xf32> to vector<1x16x512xf32>
      tpu.vector_store %arg24[%swap3A_706, %swap3A_707, %swap3A_708], %swap3A_711 {strides = array<i32>} : memref<8x16x512xf32, #tpu.memory_space<vmem>>, vector<1x16x512xf32>,
      %swap3A_712 = arith.constant 6 : index
      %swap3A_713 = arith.constant 0 : index
      %swap3A_714 = arith.constant 0 : index
      %swap3A_715 = vector.load %arg22[%swap3A_712, %swap3A_713, %swap3A_714] : memref<8x1x512xf32, #tpu.memory_space<vmem>>, vector<1x1x512xf32>
      %swap3A_716 = vector.shape_cast %swap3A_715 : vector<1x1x512xf32> to vector<1x512xf32>
      %swap3A_717 = vector.shape_cast %max3A_674 : vector<1x512xf32> to vector<1x1x512xf32>
      tpu.vector_store %arg22[%swap3A_712, %swap3A_713, %swap3A_714], %swap3A_717 {strides = array<i32>} : memref<8x1x512xf32, #tpu.memory_space<vmem>>, vector<1x1x512xf32>,
      %get3A_718 = arith.index_cast %mul3A_261 : i32 to index
      %get3A_719 = arith.constant 112 : index
      %get3A_720 = vector.load %arg4[%get3A_718, %get3A_719] : memref<32768x128xbf16, #tpu.memory_space<vmem>>, vector<1024x16xbf16>
      %get3A_721 = arith.constant 112 : index
      %get3A_722 = arith.constant 0 : index
      %get3A_723 = vector.load %arg3[%get3A_721, %get3A_722] : memref<128x512xbf16, #tpu.memory_space<vmem>>, vector<16x512xbf16>
      %get3A_724 = arith.constant 112 : index
      %get3A_725 = arith.index_cast %mul3A_261 : i32 to index
      %get3A_726 = vector.load %arg5[%get3A_724, %get3A_725] : memref<128x32768xbf16, #tpu.memory_space<vmem>>, vector<16x1024xbf16>
      %dot_general3A_727 = arith.constant dense<0.000000e+00> : vector<1024x512xf32>
      %dot_general3A_728 = tpu.matmul %get3A_720, %get3A_723, %dot_general3A_727 {dimension_numbers = #tpu.dot_dimension_numbers<[1], [0], [0], [1], [0, 0, 1, 1], [], []>, transpose_lhs_hint = false} : vector<1024x16xbf16>, vector<16x512xbf16>, vector<1024x512xf32> -> vector<1024x512xf32>
      %add3A_729 = arith.addf %dot_general3A_728, %select_n3A : vector<1024x512xf32>
      %get3A_730 = arith.constant 7 : index
      %get3A_731 = arith.constant 0 : index
      %get3A_732 = arith.constant 0 : index
      %get3A_733 = vector.load %arg22[%get3A_730, %get3A_731, %get3A_732] : memref<8x1x512xf32, #tpu.memory_space<vmem>>, vector<1x1x512xf32>
      %get3A_734 = vector.shape_cast %get3A_733 : vector<1x1x512xf32> to vector<1x512xf32>
      %reduce_max3A_735 = arith.constant dense<0xFF800000> : vector<512xf32>
      %reduce_max3A_736 = vector.multi_reduction <maximumf>, %add3A_729, %reduce_max3A_735 [0] : vector<1024x512xf32> to vector<512xf32>
      %broadcast_in_dim3A_737 = vector.shape_cast %reduce_max3A_736 : vector<512xf32> to vector<1x512xf32>
      %max3A_738 = arith.maximumf %get3A_734, %broadcast_in_dim3A_737 : vector<1x512xf32>
      %sub3A_739 = arith.subf %get3A_734, %max3A_738 : vector<1x512xf32>
      %exp3A_740 = math.exp %sub3A_739 : vector<1x512xf32>
      %sub3A_741 = vector.broadcast %max3A_738 : vector<1x512xf32> to vector<1024x512xf32>
      %sub3A_742 = arith.subf %add3A_729, %sub3A_741 : vector<1024x512xf32>
      %exp3A_743 = math.exp %sub3A_742 : vector<1024x512xf32>
      %convert_element_type3A_744 = arith.truncf %exp3A_743 : vector<1024x512xf32> to vector<1024x512xbf16>
      %get3A_745 = arith.constant 7 : index
      %get3A_746 = arith.constant 0 : index
      %get3A_747 = arith.constant 0 : index
      %get3A_748 = vector.load %arg23[%get3A_745, %get3A_746, %get3A_747] : memref<8x1x512xf32, #tpu.memory_space<vmem>>, vector<1x1x512xf32>
      %get3A_749 = vector.shape_cast %get3A_748 : vector<1x1x512xf32> to vector<1x512xf32>
      %mul3A_750 = arith.mulf %get3A_749, %exp3A_740 : vector<1x512xf32>
      %dot_general3A_751 = arith.constant dense<0.000000e+00> : vector<1x512xf32>
      %dot_general3A_752 = tpu.matmul %broadcast_in_dim3A_21, %convert_element_type3A_744, %dot_general3A_751 {dimension_numbers = #tpu.dot_dimension_numbers<[1], [0], [0], [1], [0, 0, 1, 1], [], []>, transpose_lhs_hint = false} : vector<1x1024xbf16>, vector<1024x512xbf16>, vector<1x512xf32> -> vector<1x512xf32>
      %add3A_753 = arith.addf %mul3A_750, %dot_general3A_752 : vector<1x512xf32>
      %swap3A_754 = arith.constant 7 : index
      %swap3A_755 = arith.constant 0 : index
      %swap3A_756 = arith.constant 0 : index
      %swap3A_757 = vector.load %arg23[%swap3A_754, %swap3A_755, %swap3A_756] : memref<8x1x512xf32, #tpu.memory_space<vmem>>, vector<1x1x512xf32>
      %swap3A_758 = vector.shape_cast %swap3A_757 : vector<1x1x512xf32> to vector<1x512xf32>
      %swap3A_759 = vector.shape_cast %add3A_753 : vector<1x512xf32> to vector<1x1x512xf32>
      tpu.vector_store %arg23[%swap3A_754, %swap3A_755, %swap3A_756], %swap3A_759 {strides = array<i32>} : memref<8x1x512xf32, #tpu.memory_space<vmem>>, vector<1x1x512xf32>,
      %get3A_760 = arith.constant 7 : index
      %get3A_761 = arith.constant 0 : index
      %get3A_762 = arith.constant 0 : index
      %get3A_763 = vector.load %arg24[%get3A_760, %get3A_761, %get3A_762] : memref<8x16x512xf32, #tpu.memory_space<vmem>>, vector<1x16x512xf32>
      %get3A_764 = vector.shape_cast %get3A_763 : vector<1x16x512xf32> to vector<16x512xf32>
      %mul3A_765 = vector.broadcast %exp3A_740 : vector<1x512xf32> to vector<16x512xf32>
      %mul3A_766 = arith.mulf %get3A_764, %mul3A_765 : vector<16x512xf32>
      %dot_general3A_767 = arith.constant dense<0.000000e+00> : vector<16x512xf32>
      %dot_general3A_768 = tpu.matmul %get3A_726, %convert_element_type3A_744, %dot_general3A_767 {dimension_numbers = #tpu.dot_dimension_numbers<[1], [0], [0], [1], [0, 0, 1, 1], [], []>, transpose_lhs_hint = false} : vector<16x1024xbf16>, vector<1024x512xbf16>, vector<16x512xf32> -> vector<16x512xf32>
      %add3A_769 = arith.addf %mul3A_766, %dot_general3A_768 : vector<16x512xf32>
      %swap3A_770 = arith.constant 7 : index
      %swap3A_771 = arith.constant 0 : index
      %swap3A_772 = arith.constant 0 : index
      %swap3A_773 = vector.load %arg24[%swap3A_770, %swap3A_771, %swap3A_772] : memref<8x16x512xf32, #tpu.memory_space<vmem>>, vector<1x16x512xf32>
      %swap3A_774 = vector.shape_cast %swap3A_773 : vector<1x16x512xf32> to vector<16x512xf32>
      %swap3A_775 = vector.shape_cast %add3A_769 : vector<16x512xf32> to vector<1x16x512xf32>
      tpu.vector_store %arg24[%swap3A_770, %swap3A_771, %swap3A_772], %swap3A_775 {strides = array<i32>} : memref<8x16x512xf32, #tpu.memory_space<vmem>>, vector<1x16x512xf32>,
      %swap3A_776 = arith.constant 7 : index
      %swap3A_777 = arith.constant 0 : index
      %swap3A_778 = arith.constant 0 : index
      %swap3A_779 = vector.load %arg22[%swap3A_776, %swap3A_777, %swap3A_778] : memref<8x1x512xf32, #tpu.memory_space<vmem>>, vector<1x1x512xf32>
      %swap3A_780 = vector.shape_cast %swap3A_779 : vector<1x1x512xf32> to vector<1x512xf32>
      %swap3A_781 = vector.shape_cast %max3A_738 : vector<1x512xf32> to vector<1x1x512xf32>
      tpu.vector_store %arg22[%swap3A_776, %swap3A_777, %swap3A_778], %swap3A_781 {strides = array<i32>} : memref<8x1x512xf32, #tpu.memory_space<vmem>>, vector<1x1x512xf32>,
    }
    %while3A_34 = arith.constant 1 : i32
    scf.for %while3A_258 = %while3A_32 to %while3A_28 step %while3A_34  : i32 {
      %add3A_259 = arith.addi %get3A_23, %while3A_258 : i32
      %mul3A_260 = arith.constant 1024 : i32
      %mul3A_261 = arith.muli %add3A_259, %mul3A_260 : i32
      %get3A_262 = arith.constant 0 : index
      %get3A_263 = arith.index_cast %mul3A_261 : i32 to index
      %get3A_264 = vector.load %arg7[%get3A_262, %get3A_263] : memref<1x32768xi32, #tpu.memory_space<vmem>>, vector<1x1024xi32>
      %get3A_265 = vector.shape_cast %get3A_264 : vector<1x1024xi32> to vector<1024xi32>
      %broadcast_in_dim3A_266 = vector.shape_cast %get3A_265 : vector<1024xi32> to vector<1024x1xi32>
      %broadcast_in_dim3A_267 = vector.shape_cast %get3A_19 : vector<512xi32> to vector<1x512xi32>
      %eq3A = vector.broadcast %broadcast_in_dim3A_266 : vector<1024x1xi32> to vector<1024x512xi32>
      %eq3A_268 = vector.broadcast %broadcast_in_dim3A_267 : vector<1x512xi32> to vector<1024x512xi32>
      %eq3A_269 = arith.cmpi eq, %eq3A, %eq3A_268 : vector<1024x512xi32>
      %jit3A = arith.constant 0.000000e+00 : f32
      %jit3A_270 = arith.constant -1.000000e+30 : f32
      %broadcast_in_dim3A_271 = vector.broadcast %jit3A : f32 to vector<1024x512xf32>
      %broadcast_in_dim3A_272 = vector.broadcast %jit3A_270 : f32 to vector<1024x512xf32>
      %select_n3A = arith.select %eq3A_269, %broadcast_in_dim3A_271, %broadcast_in_dim3A_272 : vector<1024x512xi1>, vector<1024x512xf32>
      %get3A_273 = arith.index_cast %mul3A_261 : i32 to index
      %get3A_274 = arith.constant 0 : index
      %get3A_275 = vector.load %arg4[%get3A_273, %get3A_274] : memref<32768x128xbf16, #tpu.memory_space<vmem>>, vector<1024x16xbf16>
      %get3A_276 = arith.constant 0 : index
      %get3A_277 = arith.constant 0 : index
      %get3A_278 = vector.load %arg3[%get3A_276, %get3A_277] : memref<128x512xbf16, #tpu.memory_space<vmem>>, vector<16x512xbf16>
      %get3A_279 = arith.constant 0 : index
      %get3A_280 = arith.index_cast %mul3A_261 : i32 to index
      %get3A_281 = vector.load %arg5[%get3A_279, %get3A_280] : memref<128x32768xbf16, #tpu.memory_space<vmem>>, vector<16x1024xbf16>
      %dot_general3A_282 = arith.constant dense<0.000000e+00> : vector<1024x512xf32>
      %dot_general3A_283 = tpu.matmul %get3A_275, %get3A_278, %dot_general3A_282 {dimension_numbers = #tpu.dot_dimension_numbers<[1], [0], [0], [1], [0, 0, 1, 1], [], []>, transpose_lhs_hint = false} : vector<1024x16xbf16>, vector<16x512xbf16>, vector<1024x512xf32> -> vector<1024x512xf32>
      %add3A_284 = arith.addf %dot_general3A_283, %select_n3A : vector<1024x512xf32>
      %get3A_285 = arith.constant 0 : index
      %get3A_286 = arith.constant 0 : index
      %get3A_287 = arith.constant 0 : index
      %get3A_288 = vector.load %arg22[%get3A_285, %get3A_286, %get3A_287] : memref<8x1x512xf32, #tpu.memory_space<vmem>>, vector<1x1x512xf32>
      %get3A_289 = vector.shape_cast %get3A_288 : vector<1x1x512xf32> to vector<1x512xf32>
      %reduce_max3A = arith.constant dense<0xFF800000> : vector<512xf32>
      %reduce_max3A_290 = vector.multi_reduction <maximumf>, %add3A_284, %reduce_max3A [0] : vector<1024x512xf32> to vector<512xf32>
      %broadcast_in_dim3A_291 = vector.shape_cast %reduce_max3A_290 : vector<512xf32> to vector<1x512xf32>
      %max3A = arith.maximumf %get3A_289, %broadcast_in_dim3A_291 : vector<1x512xf32>
      %sub3A_292 = arith.subf %get3A_289, %max3A : vector<1x512xf32>
      %exp3A = math.exp %sub3A_292 : vector<1x512xf32>
      %sub3A_293 = vector.broadcast %max3A : vector<1x512xf32> to vector<1024x512xf32>
      %sub3A_294 = arith.subf %add3A_284, %sub3A_293 : vector<1024x512xf32>
      %exp3A_295 = math.exp %sub3A_294 : vector<1024x512xf32>
      %convert_element_type3A_296 = arith.truncf %exp3A_295 : vector<1024x512xf32> to vector<1024x512xbf16>
      %get3A_297 = arith.constant 0 : index
      %get3A_298 = arith.constant 0 : index
      %get3A_299 = arith.constant 0 : index
      %get3A_300 = vector.load %arg23[%get3A_297, %get3A_298, %get3A_299] : memref<8x1x512xf32, #tpu.memory_space<vmem>>, vector<1x1x512xf32>
      %get3A_301 = vector.shape_cast %get3A_300 : vector<1x1x512xf32> to vector<1x512xf32>
      %mul3A_302 = arith.mulf %get3A_301, %exp3A : vector<1x512xf32>
      %dot_general3A_303 = arith.constant dense<0.000000e+00> : vector<1x512xf32>
      %dot_general3A_304 = tpu.matmul %broadcast_in_dim3A_21, %convert_element_type3A_296, %dot_general3A_303 {dimension_numbers = #tpu.dot_dimension_numbers<[1], [0], [0], [1], [0, 0, 1, 1], [], []>, transpose_lhs_hint = false} : vector<1x1024xbf16>, vector<1024x512xbf16>, vector<1x512xf32> -> vector<1x512xf32>
      %add3A_305 = arith.addf %mul3A_302, %dot_general3A_304 : vector<1x512xf32>
      %swap3A_306 = arith.constant 0 : index
      %swap3A_307 = arith.constant 0 : index
      %swap3A_308 = arith.constant 0 : index
      %swap3A_309 = vector.load %arg23[%swap3A_306, %swap3A_307, %swap3A_308] : memref<8x1x512xf32, #tpu.memory_space<vmem>>, vector<1x1x512xf32>
      %swap3A_310 = vector.shape_cast %swap3A_309 : vector<1x1x512xf32> to vector<1x512xf32>
      %swap3A_311 = vector.shape_cast %add3A_305 : vector<1x512xf32> to vector<1x1x512xf32>
      tpu.vector_store %arg23[%swap3A_306, %swap3A_307, %swap3A_308], %swap3A_311 {strides = array<i32>} : memref<8x1x512xf32, #tpu.memory_space<vmem>>, vector<1x1x512xf32>,
      %get3A_312 = arith.constant 0 : index
      %get3A_313 = arith.constant 0 : index
      %get3A_314 = arith.constant 0 : index
      %get3A_315 = vector.load %arg24[%get3A_312, %get3A_313, %get3A_314] : memref<8x16x512xf32, #tpu.memory_space<vmem>>, vector<1x16x512xf32>
      %get3A_316 = vector.shape_cast %get3A_315 : vector<1x16x512xf32> to vector<16x512xf32>
      %mul3A_317 = vector.broadcast %exp3A : vector<1x512xf32> to vector<16x512xf32>
      %mul3A_318 = arith.mulf %get3A_316, %mul3A_317 : vector<16x512xf32>
      %dot_general3A_319 = arith.constant dense<0.000000e+00> : vector<16x512xf32>
      %dot_general3A_320 = tpu.matmul %get3A_281, %convert_element_type3A_296, %dot_general3A_319 {dimension_numbers = #tpu.dot_dimension_numbers<[1], [0], [0], [1], [0, 0, 1, 1], [], []>, transpose_lhs_hint = false} : vector<16x1024xbf16>, vector<1024x512xbf16>, vector<16x512xf32> -> vector<16x512xf32>
      %add3A_321 = arith.addf %mul3A_318, %dot_general3A_320 : vector<16x512xf32>
      %swap3A_322 = arith.constant 0 : index
      %swap3A_323 = arith.constant 0 : index
      %swap3A_324 = arith.constant 0 : index
      %swap3A_325 = vector.load %arg24[%swap3A_322, %swap3A_323, %swap3A_324] : memref<8x16x512xf32, #tpu.memory_space<vmem>>, vector<1x16x512xf32>
      %swap3A_326 = vector.shape_cast %swap3A_325 : vector<1x16x512xf32> to vector<16x512xf32>
      %swap3A_327 = vector.shape_cast %add3A_321 : vector<16x512xf32> to vector<1x16x512xf32>
      tpu.vector_store %arg24[%swap3A_322, %swap3A_323, %swap3A_324], %swap3A_327 {strides = array<i32>} : memref<8x16x512xf32, #tpu.memory_space<vmem>>, vector<1x16x512xf32>,
      %swap3A_328 = arith.constant 0 : index
      %swap3A_329 = arith.constant 0 : index
      %swap3A_330 = arith.constant 0 : index
      %swap3A_331 = vector.load %arg22[%swap3A_328, %swap3A_329, %swap3A_330] : memref<8x1x512xf32, #tpu.memory_space<vmem>>, vector<1x1x512xf32>
      %swap3A_332 = vector.shape_cast %swap3A_331 : vector<1x1x512xf32> to vector<1x512xf32>
      %swap3A_333 = vector.shape_cast %max3A : vector<1x512xf32> to vector<1x1x512xf32>
      tpu.vector_store %arg22[%swap3A_328, %swap3A_329, %swap3A_330], %swap3A_333 {strides = array<i32>} : memref<8x1x512xf32, #tpu.memory_space<vmem>>, vector<1x1x512xf32>,
      %get3A_334 = arith.index_cast %mul3A_261 : i32 to index
      %get3A_335 = arith.constant 16 : index
      %get3A_336 = vector.load %arg4[%get3A_334, %get3A_335] : memref<32768x128xbf16, #tpu.memory_space<vmem>>, vector<1024x16xbf16>
      %get3A_337 = arith.constant 16 : index
      %get3A_338 = arith.constant 0 : index
      %get3A_339 = vector.load %arg3[%get3A_337, %get3A_338] : memref<128x512xbf16, #tpu.memory_space<vmem>>, vector<16x512xbf16>
      %get3A_340 = arith.constant 16 : index
      %get3A_341 = arith.index_cast %mul3A_261 : i32 to index
      %get3A_342 = vector.load %arg5[%get3A_340, %get3A_341] : memref<128x32768xbf16, #tpu.memory_space<vmem>>, vector<16x1024xbf16>
      %dot_general3A_343 = arith.constant dense<0.000000e+00> : vector<1024x512xf32>
      %dot_general3A_344 = tpu.matmul %get3A_336, %get3A_339, %dot_general3A_343 {dimension_numbers = #tpu.dot_dimension_numbers<[1], [0], [0], [1], [0, 0, 1, 1], [], []>, transpose_lhs_hint = false} : vector<1024x16xbf16>, vector<16x512xbf16>, vector<1024x512xf32> -> vector<1024x512xf32>
      %add3A_345 = arith.addf %dot_general3A_344, %select_n3A : vector<1024x512xf32>
      %get3A_346 = arith.constant 1 : index
      %get3A_347 = arith.constant 0 : index
      %get3A_348 = arith.constant 0 : index
      %get3A_349 = vector.load %arg22[%get3A_346, %get3A_347, %get3A_348] : memref<8x1x512xf32, #tpu.memory_space<vmem>>, vector<1x1x512xf32>
      %get3A_350 = vector.shape_cast %get3A_349 : vector<1x1x512xf32> to vector<1x512xf32>
      %reduce_max3A_351 = arith.constant dense<0xFF800000> : vector<512xf32>
      %reduce_max3A_352 = vector.multi_reduction <maximumf>, %add3A_345, %reduce_max3A_351 [0] : vector<1024x512xf32> to vector<512xf32>
      %broadcast_in_dim3A_353 = vector.shape_cast %reduce_max3A_352 : vector<512xf32> to vector<1x512xf32>
      %max3A_354 = arith.maximumf %get3A_350, %broadcast_in_dim3A_353 : vector<1x512xf32>
      %sub3A_355 = arith.subf %get3A_350, %max3A_354 : vector<1x512xf32>
      %exp3A_356 = math.exp %sub3A_355 : vector<1x512xf32>
      %sub3A_357 = vector.broadcast %max3A_354 : vector<1x512xf32> to vector<1024x512xf32>
      %sub3A_358 = arith.subf %add3A_345, %sub3A_357 : vector<1024x512xf32>
      %exp3A_359 = math.exp %sub3A_358 : vector<1024x512xf32>
      %convert_element_type3A_360 = arith.truncf %exp3A_359 : vector<1024x512xf32> to vector<1024x512xbf16>
      %get3A_361 = arith.constant 1 : index
      %get3A_362 = arith.constant 0 : index
      %get3A_363 = arith.constant 0 : index
      %get3A_364 = vector.load %arg23[%get3A_361, %get3A_362, %get3A_363] : memref<8x1x512xf32, #tpu.memory_space<vmem>>, vector<1x1x512xf32>
      %get3A_365 = vector.shape_cast %get3A_364 : vector<1x1x512xf32> to vector<1x512xf32>
      %mul3A_366 = arith.mulf %get3A_365, %exp3A_356 : vector<1x512xf32>
      %dot_general3A_367 = arith.constant dense<0.000000e+00> : vector<1x512xf32>
      %dot_general3A_368 = tpu.matmul %broadcast_in_dim3A_21, %convert_element_type3A_360, %dot_general3A_367 {dimension_numbers = #tpu.dot_dimension_numbers<[1], [0], [0], [1], [0, 0, 1, 1], [], []>, transpose_lhs_hint = false} : vector<1x1024xbf16>, vector<1024x512xbf16>, vector<1x512xf32> -> vector<1x512xf32>
      %add3A_369 = arith.addf %mul3A_366, %dot_general3A_368 : vector<1x512xf32>
      %swap3A_370 = arith.constant 1 : index
      %swap3A_371 = arith.constant 0 : index
      %swap3A_372 = arith.constant 0 : index
      %swap3A_373 = vector.load %arg23[%swap3A_370, %swap3A_371, %swap3A_372] : memref<8x1x512xf32, #tpu.memory_space<vmem>>, vector<1x1x512xf32>
      %swap3A_374 = vector.shape_cast %swap3A_373 : vector<1x1x512xf32> to vector<1x512xf32>
      %swap3A_375 = vector.shape_cast %add3A_369 : vector<1x512xf32> to vector<1x1x512xf32>
      tpu.vector_store %arg23[%swap3A_370, %swap3A_371, %swap3A_372], %swap3A_375 {strides = array<i32>} : memref<8x1x512xf32, #tpu.memory_space<vmem>>, vector<1x1x512xf32>,
      %get3A_376 = arith.constant 1 : index
      %get3A_377 = arith.constant 0 : index
      %get3A_378 = arith.constant 0 : index
      %get3A_379 = vector.load %arg24[%get3A_376, %get3A_377, %get3A_378] : memref<8x16x512xf32, #tpu.memory_space<vmem>>, vector<1x16x512xf32>
      %get3A_380 = vector.shape_cast %get3A_379 : vector<1x16x512xf32> to vector<16x512xf32>
      %mul3A_381 = vector.broadcast %exp3A_356 : vector<1x512xf32> to vector<16x512xf32>
      %mul3A_382 = arith.mulf %get3A_380, %mul3A_381 : vector<16x512xf32>
      %dot_general3A_383 = arith.constant dense<0.000000e+00> : vector<16x512xf32>
      %dot_general3A_384 = tpu.matmul %get3A_342, %convert_element_type3A_360, %dot_general3A_383 {dimension_numbers = #tpu.dot_dimension_numbers<[1], [0], [0], [1], [0, 0, 1, 1], [], []>, transpose_lhs_hint = false} : vector<16x1024xbf16>, vector<1024x512xbf16>, vector<16x512xf32> -> vector<16x512xf32>
      %add3A_385 = arith.addf %mul3A_382, %dot_general3A_384 : vector<16x512xf32>
      %swap3A_386 = arith.constant 1 : index
      %swap3A_387 = arith.constant 0 : index
      %swap3A_388 = arith.constant 0 : index
      %swap3A_389 = vector.load %arg24[%swap3A_386, %swap3A_387, %swap3A_388] : memref<8x16x512xf32, #tpu.memory_space<vmem>>, vector<1x16x512xf32>
      %swap3A_390 = vector.shape_cast %swap3A_389 : vector<1x16x512xf32> to vector<16x512xf32>
      %swap3A_391 = vector.shape_cast %add3A_385 : vector<16x512xf32> to vector<1x16x512xf32>
      tpu.vector_store %arg24[%swap3A_386, %swap3A_387, %swap3A_388], %swap3A_391 {strides = array<i32>} : memref<8x16x512xf32, #tpu.memory_space<vmem>>, vector<1x16x512xf32>,
      %swap3A_392 = arith.constant 1 : index
      %swap3A_393 = arith.constant 0 : index
      %swap3A_394 = arith.constant 0 : index
      %swap3A_395 = vector.load %arg22[%swap3A_392, %swap3A_393, %swap3A_394] : memref<8x1x512xf32, #tpu.memory_space<vmem>>, vector<1x1x512xf32>
      %swap3A_396 = vector.shape_cast %swap3A_395 : vector<1x1x512xf32> to vector<1x512xf32>
      %swap3A_397 = vector.shape_cast %max3A_354 : vector<1x512xf32> to vector<1x1x512xf32>
      tpu.vector_store %arg22[%swap3A_392, %swap3A_393, %swap3A_394], %swap3A_397 {strides = array<i32>} : memref<8x1x512xf32, #tpu.memory_space<vmem>>, vector<1x1x512xf32>,
      %get3A_398 = arith.index_cast %mul3A_261 : i32 to index
      %get3A_399 = arith.constant 32 : index
      %get3A_400 = vector.load %arg4[%get3A_398, %get3A_399] : memref<32768x128xbf16, #tpu.memory_space<vmem>>, vector<1024x16xbf16>
      %get3A_401 = arith.constant 32 : index
      %get3A_402 = arith.constant 0 : index
      %get3A_403 = vector.load %arg3[%get3A_401, %get3A_402] : memref<128x512xbf16, #tpu.memory_space<vmem>>, vector<16x512xbf16>
      %get3A_404 = arith.constant 32 : index
      %get3A_405 = arith.index_cast %mul3A_261 : i32 to index
      %get3A_406 = vector.load %arg5[%get3A_404, %get3A_405] : memref<128x32768xbf16, #tpu.memory_space<vmem>>, vector<16x1024xbf16>
      %dot_general3A_407 = arith.constant dense<0.000000e+00> : vector<1024x512xf32>
      %dot_general3A_408 = tpu.matmul %get3A_400, %get3A_403, %dot_general3A_407 {dimension_numbers = #tpu.dot_dimension_numbers<[1], [0], [0], [1], [0, 0, 1, 1], [], []>, transpose_lhs_hint = false} : vector<1024x16xbf16>, vector<16x512xbf16>, vector<1024x512xf32> -> vector<1024x512xf32>
      %add3A_409 = arith.addf %dot_general3A_408, %select_n3A : vector<1024x512xf32>
      %get3A_410 = arith.constant 2 : index
      %get3A_411 = arith.constant 0 : index
      %get3A_412 = arith.constant 0 : index
      %get3A_413 = vector.load %arg22[%get3A_410, %get3A_411, %get3A_412] : memref<8x1x512xf32, #tpu.memory_space<vmem>>, vector<1x1x512xf32>
      %get3A_414 = vector.shape_cast %get3A_413 : vector<1x1x512xf32> to vector<1x512xf32>
      %reduce_max3A_415 = arith.constant dense<0xFF800000> : vector<512xf32>
      %reduce_max3A_416 = vector.multi_reduction <maximumf>, %add3A_409, %reduce_max3A_415 [0] : vector<1024x512xf32> to vector<512xf32>
      %broadcast_in_dim3A_417 = vector.shape_cast %reduce_max3A_416 : vector<512xf32> to vector<1x512xf32>
      %max3A_418 = arith.maximumf %get3A_414, %broadcast_in_dim3A_417 : vector<1x512xf32>
      %sub3A_419 = arith.subf %get3A_414, %max3A_418 : vector<1x512xf32>
      %exp3A_420 = math.exp %sub3A_419 : vector<1x512xf32>
      %sub3A_421 = vector.broadcast %max3A_418 : vector<1x512xf32> to vector<1024x512xf32>
      %sub3A_422 = arith.subf %add3A_409, %sub3A_421 : vector<1024x512xf32>
      %exp3A_423 = math.exp %sub3A_422 : vector<1024x512xf32>
      %convert_element_type3A_424 = arith.truncf %exp3A_423 : vector<1024x512xf32> to vector<1024x512xbf16>
      %get3A_425 = arith.constant 2 : index
      %get3A_426 = arith.constant 0 : index
      %get3A_427 = arith.constant 0 : index
      %get3A_428 = vector.load %arg23[%get3A_425, %get3A_426, %get3A_427] : memref<8x1x512xf32, #tpu.memory_space<vmem>>, vector<1x1x512xf32>
      %get3A_429 = vector.shape_cast %get3A_428 : vector<1x1x512xf32> to vector<1x512xf32>
      %mul3A_430 = arith.mulf %get3A_429, %exp3A_420 : vector<1x512xf32>
      %dot_general3A_431 = arith.constant dense<0.000000e+00> : vector<1x512xf32>
      %dot_general3A_432 = tpu.matmul %broadcast_in_dim3A_21, %convert_element_type3A_424, %dot_general3A_431 {dimension_numbers = #tpu.dot_dimension_numbers<[1], [0], [0], [1], [0, 0, 1, 1], [], []>, transpose_lhs_hint = false} : vector<1x1024xbf16>, vector<1024x512xbf16>, vector<1x512xf32> -> vector<1x512xf32>
      %add3A_433 = arith.addf %mul3A_430, %dot_general3A_432 : vector<1x512xf32>
      %swap3A_434 = arith.constant 2 : index
      %swap3A_435 = arith.constant 0 : index
      %swap3A_436 = arith.constant 0 : index
      %swap3A_437 = vector.load %arg23[%swap3A_434, %swap3A_435, %swap3A_436] : memref<8x1x512xf32, #tpu.memory_space<vmem>>, vector<1x1x512xf32>
      %swap3A_438 = vector.shape_cast %swap3A_437 : vector<1x1x512xf32> to vector<1x512xf32>
      %swap3A_439 = vector.shape_cast %add3A_433 : vector<1x512xf32> to vector<1x1x512xf32>
      tpu.vector_store %arg23[%swap3A_434, %swap3A_435, %swap3A_436], %swap3A_439 {strides = array<i32>} : memref<8x1x512xf32, #tpu.memory_space<vmem>>, vector<1x1x512xf32>,
      %get3A_440 = arith.constant 2 : index
      %get3A_441 = arith.constant 0 : index
      %get3A_442 = arith.constant 0 : index
      %get3A_443 = vector.load %arg24[%get3A_440, %get3A_441, %get3A_442] : memref<8x16x512xf32, #tpu.memory_space<vmem>>, vector<1x16x512xf32>
      %get3A_444 = vector.shape_cast %get3A_443 : vector<1x16x512xf32> to vector<16x512xf32>
      %mul3A_445 = vector.broadcast %exp3A_420 : vector<1x512xf32> to vector<16x512xf32>
      %mul3A_446 = arith.mulf %get3A_444, %mul3A_445 : vector<16x512xf32>
      %dot_general3A_447 = arith.constant dense<0.000000e+00> : vector<16x512xf32>
      %dot_general3A_448 = tpu.matmul %get3A_406, %convert_element_type3A_424, %dot_general3A_447 {dimension_numbers = #tpu.dot_dimension_numbers<[1], [0], [0], [1], [0, 0, 1, 1], [], []>, transpose_lhs_hint = false} : vector<16x1024xbf16>, vector<1024x512xbf16>, vector<16x512xf32> -> vector<16x512xf32>
      %add3A_449 = arith.addf %mul3A_446, %dot_general3A_448 : vector<16x512xf32>
      %swap3A_450 = arith.constant 2 : index
      %swap3A_451 = arith.constant 0 : index
      %swap3A_452 = arith.constant 0 : index
      %swap3A_453 = vector.load %arg24[%swap3A_450, %swap3A_451, %swap3A_452] : memref<8x16x512xf32, #tpu.memory_space<vmem>>, vector<1x16x512xf32>
      %swap3A_454 = vector.shape_cast %swap3A_453 : vector<1x16x512xf32> to vector<16x512xf32>
      %swap3A_455 = vector.shape_cast %add3A_449 : vector<16x512xf32> to vector<1x16x512xf32>
      tpu.vector_store %arg24[%swap3A_450, %swap3A_451, %swap3A_452], %swap3A_455 {strides = array<i32>} : memref<8x16x512xf32, #tpu.memory_space<vmem>>, vector<1x16x512xf32>,
      %swap3A_456 = arith.constant 2 : index
      %swap3A_457 = arith.constant 0 : index
      %swap3A_458 = arith.constant 0 : index
      %swap3A_459 = vector.load %arg22[%swap3A_456, %swap3A_457, %swap3A_458] : memref<8x1x512xf32, #tpu.memory_space<vmem>>, vector<1x1x512xf32>
      %swap3A_460 = vector.shape_cast %swap3A_459 : vector<1x1x512xf32> to vector<1x512xf32>
      %swap3A_461 = vector.shape_cast %max3A_418 : vector<1x512xf32> to vector<1x1x512xf32>
      tpu.vector_store %arg22[%swap3A_456, %swap3A_457, %swap3A_458], %swap3A_461 {strides = array<i32>} : memref<8x1x512xf32, #tpu.memory_space<vmem>>, vector<1x1x512xf32>,
      %get3A_462 = arith.index_cast %mul3A_261 : i32 to index
      %get3A_463 = arith.constant 48 : index
      %get3A_464 = vector.load %arg4[%get3A_462, %get3A_463] : memref<32768x128xbf16, #tpu.memory_space<vmem>>, vector<1024x16xbf16>
      %get3A_465 = arith.constant 48 : index
      %get3A_466 = arith.constant 0 : index
      %get3A_467 = vector.load %arg3[%get3A_465, %get3A_466] : memref<128x512xbf16, #tpu.memory_space<vmem>>, vector<16x512xbf16>
      %get3A_468 = arith.constant 48 : index
      %get3A_469 = arith.index_cast %mul3A_261 : i32 to index
      %get3A_470 = vector.load %arg5[%get3A_468, %get3A_469] : memref<128x32768xbf16, #tpu.memory_space<vmem>>, vector<16x1024xbf16>
      %dot_general3A_471 = arith.constant dense<0.000000e+00> : vector<1024x512xf32>
      %dot_general3A_472 = tpu.matmul %get3A_464, %get3A_467, %dot_general3A_471 {dimension_numbers = #tpu.dot_dimension_numbers<[1], [0], [0], [1], [0, 0, 1, 1], [], []>, transpose_lhs_hint = false} : vector<1024x16xbf16>, vector<16x512xbf16>, vector<1024x512xf32> -> vector<1024x512xf32>
      %add3A_473 = arith.addf %dot_general3A_472, %select_n3A : vector<1024x512xf32>
      %get3A_474 = arith.constant 3 : index
      %get3A_475 = arith.constant 0 : index
      %get3A_476 = arith.constant 0 : index
      %get3A_477 = vector.load %arg22[%get3A_474, %get3A_475, %get3A_476] : memref<8x1x512xf32, #tpu.memory_space<vmem>>, vector<1x1x512xf32>
      %get3A_478 = vector.shape_cast %get3A_477 : vector<1x1x512xf32> to vector<1x512xf32>
      %reduce_max3A_479 = arith.constant dense<0xFF800000> : vector<512xf32>
      %reduce_max3A_480 = vector.multi_reduction <maximumf>, %add3A_473, %reduce_max3A_479 [0] : vector<1024x512xf32> to vector<512xf32>
      %broadcast_in_dim3A_481 = vector.shape_cast %reduce_max3A_480 : vector<512xf32> to vector<1x512xf32>
      %max3A_482 = arith.maximumf %get3A_478, %broadcast_in_dim3A_481 : vector<1x512xf32>
      %sub3A_483 = arith.subf %get3A_478, %max3A_482 : vector<1x512xf32>
      %exp3A_484 = math.exp %sub3A_483 : vector<1x512xf32>
      %sub3A_485 = vector.broadcast %max3A_482 : vector<1x512xf32> to vector<1024x512xf32>
      %sub3A_486 = arith.subf %add3A_473, %sub3A_485 : vector<1024x512xf32>
      %exp3A_487 = math.exp %sub3A_486 : vector<1024x512xf32>
      %convert_element_type3A_488 = arith.truncf %exp3A_487 : vector<1024x512xf32> to vector<1024x512xbf16>
      %get3A_489 = arith.constant 3 : index
      %get3A_490 = arith.constant 0 : index
      %get3A_491 = arith.constant 0 : index
      %get3A_492 = vector.load %arg23[%get3A_489, %get3A_490, %get3A_491] : memref<8x1x512xf32, #tpu.memory_space<vmem>>, vector<1x1x512xf32>
      %get3A_493 = vector.shape_cast %get3A_492 : vector<1x1x512xf32> to vector<1x512xf32>
      %mul3A_494 = arith.mulf %get3A_493, %exp3A_484 : vector<1x512xf32>
      %dot_general3A_495 = arith.constant dense<0.000000e+00> : vector<1x512xf32>
      %dot_general3A_496 = tpu.matmul %broadcast_in_dim3A_21, %convert_element_type3A_488, %dot_general3A_495 {dimension_numbers = #tpu.dot_dimension_numbers<[1], [0], [0], [1], [0, 0, 1, 1], [], []>, transpose_lhs_hint = false} : vector<1x1024xbf16>, vector<1024x512xbf16>, vector<1x512xf32> -> vector<1x512xf32>
      %add3A_497 = arith.addf %mul3A_494, %dot_general3A_496 : vector<1x512xf32>
      %swap3A_498 = arith.constant 3 : index
      %swap3A_499 = arith.constant 0 : index
      %swap3A_500 = arith.constant 0 : index
      %swap3A_501 = vector.load %arg23[%swap3A_498, %swap3A_499, %swap3A_500] : memref<8x1x512xf32, #tpu.memory_space<vmem>>, vector<1x1x512xf32>
      %swap3A_502 = vector.shape_cast %swap3A_501 : vector<1x1x512xf32> to vector<1x512xf32>
      %swap3A_503 = vector.shape_cast %add3A_497 : vector<1x512xf32> to vector<1x1x512xf32>
      tpu.vector_store %arg23[%swap3A_498, %swap3A_499, %swap3A_500], %swap3A_503 {strides = array<i32>} : memref<8x1x512xf32, #tpu.memory_space<vmem>>, vector<1x1x512xf32>,
      %get3A_504 = arith.constant 3 : index
      %get3A_505 = arith.constant 0 : index
      %get3A_506 = arith.constant 0 : index
      %get3A_507 = vector.load %arg24[%get3A_504, %get3A_505, %get3A_506] : memref<8x16x512xf32, #tpu.memory_space<vmem>>, vector<1x16x512xf32>
      %get3A_508 = vector.shape_cast %get3A_507 : vector<1x16x512xf32> to vector<16x512xf32>
      %mul3A_509 = vector.broadcast %exp3A_484 : vector<1x512xf32> to vector<16x512xf32>
      %mul3A_510 = arith.mulf %get3A_508, %mul3A_509 : vector<16x512xf32>
      %dot_general3A_511 = arith.constant dense<0.000000e+00> : vector<16x512xf32>
      %dot_general3A_512 = tpu.matmul %get3A_470, %convert_element_type3A_488, %dot_general3A_511 {dimension_numbers = #tpu.dot_dimension_numbers<[1], [0], [0], [1], [0, 0, 1, 1], [], []>, transpose_lhs_hint = false} : vector<16x1024xbf16>, vector<1024x512xbf16>, vector<16x512xf32> -> vector<16x512xf32>
      %add3A_513 = arith.addf %mul3A_510, %dot_general3A_512 : vector<16x512xf32>
      %swap3A_514 = arith.constant 3 : index
      %swap3A_515 = arith.constant 0 : index
      %swap3A_516 = arith.constant 0 : index
      %swap3A_517 = vector.load %arg24[%swap3A_514, %swap3A_515, %swap3A_516] : memref<8x16x512xf32, #tpu.memory_space<vmem>>, vector<1x16x512xf32>
      %swap3A_518 = vector.shape_cast %swap3A_517 : vector<1x16x512xf32> to vector<16x512xf32>
      %swap3A_519 = vector.shape_cast %add3A_513 : vector<16x512xf32> to vector<1x16x512xf32>
      tpu.vector_store %arg24[%swap3A_514, %swap3A_515, %swap3A_516], %swap3A_519 {strides = array<i32>} : memref<8x16x512xf32, #tpu.memory_space<vmem>>, vector<1x16x512xf32>,
      %swap3A_520 = arith.constant 3 : index
      %swap3A_521 = arith.constant 0 : index
      %swap3A_522 = arith.constant 0 : index
      %swap3A_523 = vector.load %arg22[%swap3A_520, %swap3A_521, %swap3A_522] : memref<8x1x512xf32, #tpu.memory_space<vmem>>, vector<1x1x512xf32>
      %swap3A_524 = vector.shape_cast %swap3A_523 : vector<1x1x512xf32> to vector<1x512xf32>
      %swap3A_525 = vector.shape_cast %max3A_482 : vector<1x512xf32> to vector<1x1x512xf32>
      tpu.vector_store %arg22[%swap3A_520, %swap3A_521, %swap3A_522], %swap3A_525 {strides = array<i32>} : memref<8x1x512xf32, #tpu.memory_space<vmem>>, vector<1x1x512xf32>,
      %get3A_526 = arith.index_cast %mul3A_261 : i32 to index
      %get3A_527 = arith.constant 64 : index
      %get3A_528 = vector.load %arg4[%get3A_526, %get3A_527] : memref<32768x128xbf16, #tpu.memory_space<vmem>>, vector<1024x16xbf16>
      %get3A_529 = arith.constant 64 : index
      %get3A_530 = arith.constant 0 : index
      %get3A_531 = vector.load %arg3[%get3A_529, %get3A_530] : memref<128x512xbf16, #tpu.memory_space<vmem>>, vector<16x512xbf16>
      %get3A_532 = arith.constant 64 : index
      %get3A_533 = arith.index_cast %mul3A_261 : i32 to index
      %get3A_534 = vector.load %arg5[%get3A_532, %get3A_533] : memref<128x32768xbf16, #tpu.memory_space<vmem>>, vector<16x1024xbf16>
      %dot_general3A_535 = arith.constant dense<0.000000e+00> : vector<1024x512xf32>
      %dot_general3A_536 = tpu.matmul %get3A_528, %get3A_531, %dot_general3A_535 {dimension_numbers = #tpu.dot_dimension_numbers<[1], [0], [0], [1], [0, 0, 1, 1], [], []>, transpose_lhs_hint = false} : vector<1024x16xbf16>, vector<16x512xbf16>, vector<1024x512xf32> -> vector<1024x512xf32>
      %add3A_537 = arith.addf %dot_general3A_536, %select_n3A : vector<1024x512xf32>
      %get3A_538 = arith.constant 4 : index
      %get3A_539 = arith.constant 0 : index
      %get3A_540 = arith.constant 0 : index
      %get3A_541 = vector.load %arg22[%get3A_538, %get3A_539, %get3A_540] : memref<8x1x512xf32, #tpu.memory_space<vmem>>, vector<1x1x512xf32>
      %get3A_542 = vector.shape_cast %get3A_541 : vector<1x1x512xf32> to vector<1x512xf32>
      %reduce_max3A_543 = arith.constant dense<0xFF800000> : vector<512xf32>
      %reduce_max3A_544 = vector.multi_reduction <maximumf>, %add3A_537, %reduce_max3A_543 [0] : vector<1024x512xf32> to vector<512xf32>
      %broadcast_in_dim3A_545 = vector.shape_cast %reduce_max3A_544 : vector<512xf32> to vector<1x512xf32>
      %max3A_546 = arith.maximumf %get3A_542, %broadcast_in_dim3A_545 : vector<1x512xf32>
      %sub3A_547 = arith.subf %get3A_542, %max3A_546 : vector<1x512xf32>
      %exp3A_548 = math.exp %sub3A_547 : vector<1x512xf32>
      %sub3A_549 = vector.broadcast %max3A_546 : vector<1x512xf32> to vector<1024x512xf32>
      %sub3A_550 = arith.subf %add3A_537, %sub3A_549 : vector<1024x512xf32>
      %exp3A_551 = math.exp %sub3A_550 : vector<1024x512xf32>
      %convert_element_type3A_552 = arith.truncf %exp3A_551 : vector<1024x512xf32> to vector<1024x512xbf16>
      %get3A_553 = arith.constant 4 : index
      %get3A_554 = arith.constant 0 : index
      %get3A_555 = arith.constant 0 : index
      %get3A_556 = vector.load %arg23[%get3A_553, %get3A_554, %get3A_555] : memref<8x1x512xf32, #tpu.memory_space<vmem>>, vector<1x1x512xf32>
      %get3A_557 = vector.shape_cast %get3A_556 : vector<1x1x512xf32> to vector<1x512xf32>
      %mul3A_558 = arith.mulf %get3A_557, %exp3A_548 : vector<1x512xf32>
      %dot_general3A_559 = arith.constant dense<0.000000e+00> : vector<1x512xf32>
      %dot_general3A_560 = tpu.matmul %broadcast_in_dim3A_21, %convert_element_type3A_552, %dot_general3A_559 {dimension_numbers = #tpu.dot_dimension_numbers<[1], [0], [0], [1], [0, 0, 1, 1], [], []>, transpose_lhs_hint = false} : vector<1x1024xbf16>, vector<1024x512xbf16>, vector<1x512xf32> -> vector<1x512xf32>
      %add3A_561 = arith.addf %mul3A_558, %dot_general3A_560 : vector<1x512xf32>
      %swap3A_562 = arith.constant 4 : index
      %swap3A_563 = arith.constant 0 : index
      %swap3A_564 = arith.constant 0 : index
      %swap3A_565 = vector.load %arg23[%swap3A_562, %swap3A_563, %swap3A_564] : memref<8x1x512xf32, #tpu.memory_space<vmem>>, vector<1x1x512xf32>
      %swap3A_566 = vector.shape_cast %swap3A_565 : vector<1x1x512xf32> to vector<1x512xf32>
      %swap3A_567 = vector.shape_cast %add3A_561 : vector<1x512xf32> to vector<1x1x512xf32>
      tpu.vector_store %arg23[%swap3A_562, %swap3A_563, %swap3A_564], %swap3A_567 {strides = array<i32>} : memref<8x1x512xf32, #tpu.memory_space<vmem>>, vector<1x1x512xf32>,
      %get3A_568 = arith.constant 4 : index
      %get3A_569 = arith.constant 0 : index
      %get3A_570 = arith.constant 0 : index
      %get3A_571 = vector.load %arg24[%get3A_568, %get3A_569, %get3A_570] : memref<8x16x512xf32, #tpu.memory_space<vmem>>, vector<1x16x512xf32>
      %get3A_572 = vector.shape_cast %get3A_571 : vector<1x16x512xf32> to vector<16x512xf32>
      %mul3A_573 = vector.broadcast %exp3A_548 : vector<1x512xf32> to vector<16x512xf32>
      %mul3A_574 = arith.mulf %get3A_572, %mul3A_573 : vector<16x512xf32>
      %dot_general3A_575 = arith.constant dense<0.000000e+00> : vector<16x512xf32>
      %dot_general3A_576 = tpu.matmul %get3A_534, %convert_element_type3A_552, %dot_general3A_575 {dimension_numbers = #tpu.dot_dimension_numbers<[1], [0], [0], [1], [0, 0, 1, 1], [], []>, transpose_lhs_hint = false} : vector<16x1024xbf16>, vector<1024x512xbf16>, vector<16x512xf32> -> vector<16x512xf32>
      %add3A_577 = arith.addf %mul3A_574, %dot_general3A_576 : vector<16x512xf32>
      %swap3A_578 = arith.constant 4 : index
      %swap3A_579 = arith.constant 0 : index
      %swap3A_580 = arith.constant 0 : index
      %swap3A_581 = vector.load %arg24[%swap3A_578, %swap3A_579, %swap3A_580] : memref<8x16x512xf32, #tpu.memory_space<vmem>>, vector<1x16x512xf32>
      %swap3A_582 = vector.shape_cast %swap3A_581 : vector<1x16x512xf32> to vector<16x512xf32>
      %swap3A_583 = vector.shape_cast %add3A_577 : vector<16x512xf32> to vector<1x16x512xf32>
      tpu.vector_store %arg24[%swap3A_578, %swap3A_579, %swap3A_580], %swap3A_583 {strides = array<i32>} : memref<8x16x512xf32, #tpu.memory_space<vmem>>, vector<1x16x512xf32>,
      %swap3A_584 = arith.constant 4 : index
      %swap3A_585 = arith.constant 0 : index
      %swap3A_586 = arith.constant 0 : index
      %swap3A_587 = vector.load %arg22[%swap3A_584, %swap3A_585, %swap3A_586] : memref<8x1x512xf32, #tpu.memory_space<vmem>>, vector<1x1x512xf32>
      %swap3A_588 = vector.shape_cast %swap3A_587 : vector<1x1x512xf32> to vector<1x512xf32>
      %swap3A_589 = vector.shape_cast %max3A_546 : vector<1x512xf32> to vector<1x1x512xf32>
      tpu.vector_store %arg22[%swap3A_584, %swap3A_585, %swap3A_586], %swap3A_589 {strides = array<i32>} : memref<8x1x512xf32, #tpu.memory_space<vmem>>, vector<1x1x512xf32>,
      %get3A_590 = arith.index_cast %mul3A_261 : i32 to index
      %get3A_591 = arith.constant 80 : index
      %get3A_592 = vector.load %arg4[%get3A_590, %get3A_591] : memref<32768x128xbf16, #tpu.memory_space<vmem>>, vector<1024x16xbf16>
      %get3A_593 = arith.constant 80 : index
      %get3A_594 = arith.constant 0 : index
      %get3A_595 = vector.load %arg3[%get3A_593, %get3A_594] : memref<128x512xbf16, #tpu.memory_space<vmem>>, vector<16x512xbf16>
      %get3A_596 = arith.constant 80 : index
      %get3A_597 = arith.index_cast %mul3A_261 : i32 to index
      %get3A_598 = vector.load %arg5[%get3A_596, %get3A_597] : memref<128x32768xbf16, #tpu.memory_space<vmem>>, vector<16x1024xbf16>
      %dot_general3A_599 = arith.constant dense<0.000000e+00> : vector<1024x512xf32>
      %dot_general3A_600 = tpu.matmul %get3A_592, %get3A_595, %dot_general3A_599 {dimension_numbers = #tpu.dot_dimension_numbers<[1], [0], [0], [1], [0, 0, 1, 1], [], []>, transpose_lhs_hint = false} : vector<1024x16xbf16>, vector<16x512xbf16>, vector<1024x512xf32> -> vector<1024x512xf32>
      %add3A_601 = arith.addf %dot_general3A_600, %select_n3A : vector<1024x512xf32>
      %get3A_602 = arith.constant 5 : index
      %get3A_603 = arith.constant 0 : index
      %get3A_604 = arith.constant 0 : index
      %get3A_605 = vector.load %arg22[%get3A_602, %get3A_603, %get3A_604] : memref<8x1x512xf32, #tpu.memory_space<vmem>>, vector<1x1x512xf32>
      %get3A_606 = vector.shape_cast %get3A_605 : vector<1x1x512xf32> to vector<1x512xf32>
      %reduce_max3A_607 = arith.constant dense<0xFF800000> : vector<512xf32>
      %reduce_max3A_608 = vector.multi_reduction <maximumf>, %add3A_601, %reduce_max3A_607 [0] : vector<1024x512xf32> to vector<512xf32>
      %broadcast_in_dim3A_609 = vector.shape_cast %reduce_max3A_608 : vector<512xf32> to vector<1x512xf32>
      %max3A_610 = arith.maximumf %get3A_606, %broadcast_in_dim3A_609 : vector<1x512xf32>
      %sub3A_611 = arith.subf %get3A_606, %max3A_610 : vector<1x512xf32>
      %exp3A_612 = math.exp %sub3A_611 : vector<1x512xf32>
      %sub3A_613 = vector.broadcast %max3A_610 : vector<1x512xf32> to vector<1024x512xf32>
      %sub3A_614 = arith.subf %add3A_601, %sub3A_613 : vector<1024x512xf32>
      %exp3A_615 = math.exp %sub3A_614 : vector<1024x512xf32>
      %convert_element_type3A_616 = arith.truncf %exp3A_615 : vector<1024x512xf32> to vector<1024x512xbf16>
      %get3A_617 = arith.constant 5 : index
      %get3A_618 = arith.constant 0 : index
      %get3A_619 = arith.constant 0 : index
      %get3A_620 = vector.load %arg23[%get3A_617, %get3A_618, %get3A_619] : memref<8x1x512xf32, #tpu.memory_space<vmem>>, vector<1x1x512xf32>
      %get3A_621 = vector.shape_cast %get3A_620 : vector<1x1x512xf32> to vector<1x512xf32>
      %mul3A_622 = arith.mulf %get3A_621, %exp3A_612 : vector<1x512xf32>
      %dot_general3A_623 = arith.constant dense<0.000000e+00> : vector<1x512xf32>
      %dot_general3A_624 = tpu.matmul %broadcast_in_dim3A_21, %convert_element_type3A_616, %dot_general3A_623 {dimension_numbers = #tpu.dot_dimension_numbers<[1], [0], [0], [1], [0, 0, 1, 1], [], []>, transpose_lhs_hint = false} : vector<1x1024xbf16>, vector<1024x512xbf16>, vector<1x512xf32> -> vector<1x512xf32>
      %add3A_625 = arith.addf %mul3A_622, %dot_general3A_624 : vector<1x512xf32>
      %swap3A_626 = arith.constant 5 : index
      %swap3A_627 = arith.constant 0 : index
      %swap3A_628 = arith.constant 0 : index
      %swap3A_629 = vector.load %arg23[%swap3A_626, %swap3A_627, %swap3A_628] : memref<8x1x512xf32, #tpu.memory_space<vmem>>, vector<1x1x512xf32>
      %swap3A_630 = vector.shape_cast %swap3A_629 : vector<1x1x512xf32> to vector<1x512xf32>
      %swap3A_631 = vector.shape_cast %add3A_625 : vector<1x512xf32> to vector<1x1x512xf32>
      tpu.vector_store %arg23[%swap3A_626, %swap3A_627, %swap3A_628], %swap3A_631 {strides = array<i32>} : memref<8x1x512xf32, #tpu.memory_space<vmem>>, vector<1x1x512xf32>,
      %get3A_632 = arith.constant 5 : index
      %get3A_633 = arith.constant 0 : index
      %get3A_634 = arith.constant 0 : index
      %get3A_635 = vector.load %arg24[%get3A_632, %get3A_633, %get3A_634] : memref<8x16x512xf32, #tpu.memory_space<vmem>>, vector<1x16x512xf32>
      %get3A_636 = vector.shape_cast %get3A_635 : vector<1x16x512xf32> to vector<16x512xf32>
      %mul3A_637 = vector.broadcast %exp3A_612 : vector<1x512xf32> to vector<16x512xf32>
      %mul3A_638 = arith.mulf %get3A_636, %mul3A_637 : vector<16x512xf32>
      %dot_general3A_639 = arith.constant dense<0.000000e+00> : vector<16x512xf32>
      %dot_general3A_640 = tpu.matmul %get3A_598, %convert_element_type3A_616, %dot_general3A_639 {dimension_numbers = #tpu.dot_dimension_numbers<[1], [0], [0], [1], [0, 0, 1, 1], [], []>, transpose_lhs_hint = false} : vector<16x1024xbf16>, vector<1024x512xbf16>, vector<16x512xf32> -> vector<16x512xf32>
      %add3A_641 = arith.addf %mul3A_638, %dot_general3A_640 : vector<16x512xf32>
      %swap3A_642 = arith.constant 5 : index
      %swap3A_643 = arith.constant 0 : index
      %swap3A_644 = arith.constant 0 : index
      %swap3A_645 = vector.load %arg24[%swap3A_642, %swap3A_643, %swap3A_644] : memref<8x16x512xf32, #tpu.memory_space<vmem>>, vector<1x16x512xf32>
      %swap3A_646 = vector.shape_cast %swap3A_645 : vector<1x16x512xf32> to vector<16x512xf32>
      %swap3A_647 = vector.shape_cast %add3A_641 : vector<16x512xf32> to vector<1x16x512xf32>
      tpu.vector_store %arg24[%swap3A_642, %swap3A_643, %swap3A_644], %swap3A_647 {strides = array<i32>} : memref<8x16x512xf32, #tpu.memory_space<vmem>>, vector<1x16x512xf32>,
      %swap3A_648 = arith.constant 5 : index
      %swap3A_649 = arith.constant 0 : index
      %swap3A_650 = arith.constant 0 : index
      %swap3A_651 = vector.load %arg22[%swap3A_648, %swap3A_649, %swap3A_650] : memref<8x1x512xf32, #tpu.memory_space<vmem>>, vector<1x1x512xf32>
      %swap3A_652 = vector.shape_cast %swap3A_651 : vector<1x1x512xf32> to vector<1x512xf32>
      %swap3A_653 = vector.shape_cast %max3A_610 : vector<1x512xf32> to vector<1x1x512xf32>
      tpu.vector_store %arg22[%swap3A_648, %swap3A_649, %swap3A_650], %swap3A_653 {strides = array<i32>} : memref<8x1x512xf32, #tpu.memory_space<vmem>>, vector<1x1x512xf32>,
      %get3A_654 = arith.index_cast %mul3A_261 : i32 to index
      %get3A_655 = arith.constant 96 : index
      %get3A_656 = vector.load %arg4[%get3A_654, %get3A_655] : memref<32768x128xbf16, #tpu.memory_space<vmem>>, vector<1024x16xbf16>
      %get3A_657 = arith.constant 96 : index
      %get3A_658 = arith.constant 0 : index
      %get3A_659 = vector.load %arg3[%get3A_657, %get3A_658] : memref<128x512xbf16, #tpu.memory_space<vmem>>, vector<16x512xbf16>
      %get3A_660 = arith.constant 96 : index
      %get3A_661 = arith.index_cast %mul3A_261 : i32 to index
      %get3A_662 = vector.load %arg5[%get3A_660, %get3A_661] : memref<128x32768xbf16, #tpu.memory_space<vmem>>, vector<16x1024xbf16>
      %dot_general3A_663 = arith.constant dense<0.000000e+00> : vector<1024x512xf32>
      %dot_general3A_664 = tpu.matmul %get3A_656, %get3A_659, %dot_general3A_663 {dimension_numbers = #tpu.dot_dimension_numbers<[1], [0], [0], [1], [0, 0, 1, 1], [], []>, transpose_lhs_hint = false} : vector<1024x16xbf16>, vector<16x512xbf16>, vector<1024x512xf32> -> vector<1024x512xf32>
      %add3A_665 = arith.addf %dot_general3A_664, %select_n3A : vector<1024x512xf32>
      %get3A_666 = arith.constant 6 : index
      %get3A_667 = arith.constant 0 : index
      %get3A_668 = arith.constant 0 : index
      %get3A_669 = vector.load %arg22[%get3A_666, %get3A_667, %get3A_668] : memref<8x1x512xf32, #tpu.memory_space<vmem>>, vector<1x1x512xf32>
      %get3A_670 = vector.shape_cast %get3A_669 : vector<1x1x512xf32> to vector<1x512xf32>
      %reduce_max3A_671 = arith.constant dense<0xFF800000> : vector<512xf32>
      %reduce_max3A_672 = vector.multi_reduction <maximumf>, %add3A_665, %reduce_max3A_671 [0] : vector<1024x512xf32> to vector<512xf32>
      %broadcast_in_dim3A_673 = vector.shape_cast %reduce_max3A_672 : vector<512xf32> to vector<1x512xf32>
      %max3A_674 = arith.maximumf %get3A_670, %broadcast_in_dim3A_673 : vector<1x512xf32>
      %sub3A_675 = arith.subf %get3A_670, %max3A_674 : vector<1x512xf32>
      %exp3A_676 = math.exp %sub3A_675 : vector<1x512xf32>
      %sub3A_677 = vector.broadcast %max3A_674 : vector<1x512xf32> to vector<1024x512xf32>
      %sub3A_678 = arith.subf %add3A_665, %sub3A_677 : vector<1024x512xf32>
      %exp3A_679 = math.exp %sub3A_678 : vector<1024x512xf32>
      %convert_element_type3A_680 = arith.truncf %exp3A_679 : vector<1024x512xf32> to vector<1024x512xbf16>
      %get3A_681 = arith.constant 6 : index
      %get3A_682 = arith.constant 0 : index
      %get3A_683 = arith.constant 0 : index
      %get3A_684 = vector.load %arg23[%get3A_681, %get3A_682, %get3A_683] : memref<8x1x512xf32, #tpu.memory_space<vmem>>, vector<1x1x512xf32>
      %get3A_685 = vector.shape_cast %get3A_684 : vector<1x1x512xf32> to vector<1x512xf32>
      %mul3A_686 = arith.mulf %get3A_685, %exp3A_676 : vector<1x512xf32>
      %dot_general3A_687 = arith.constant dense<0.000000e+00> : vector<1x512xf32>
      %dot_general3A_688 = tpu.matmul %broadcast_in_dim3A_21, %convert_element_type3A_680, %dot_general3A_687 {dimension_numbers = #tpu.dot_dimension_numbers<[1], [0], [0], [1], [0, 0, 1, 1], [], []>, transpose_lhs_hint = false} : vector<1x1024xbf16>, vector<1024x512xbf16>, vector<1x512xf32> -> vector<1x512xf32>
      %add3A_689 = arith.addf %mul3A_686, %dot_general3A_688 : vector<1x512xf32>
      %swap3A_690 = arith.constant 6 : index
      %swap3A_691 = arith.constant 0 : index
      %swap3A_692 = arith.constant 0 : index
      %swap3A_693 = vector.load %arg23[%swap3A_690, %swap3A_691, %swap3A_692] : memref<8x1x512xf32, #tpu.memory_space<vmem>>, vector<1x1x512xf32>
      %swap3A_694 = vector.shape_cast %swap3A_693 : vector<1x1x512xf32> to vector<1x512xf32>
      %swap3A_695 = vector.shape_cast %add3A_689 : vector<1x512xf32> to vector<1x1x512xf32>
      tpu.vector_store %arg23[%swap3A_690, %swap3A_691, %swap3A_692], %swap3A_695 {strides = array<i32>} : memref<8x1x512xf32, #tpu.memory_space<vmem>>, vector<1x1x512xf32>,
      %get3A_696 = arith.constant 6 : index
      %get3A_697 = arith.constant 0 : index
      %get3A_698 = arith.constant 0 : index
      %get3A_699 = vector.load %arg24[%get3A_696, %get3A_697, %get3A_698] : memref<8x16x512xf32, #tpu.memory_space<vmem>>, vector<1x16x512xf32>
      %get3A_700 = vector.shape_cast %get3A_699 : vector<1x16x512xf32> to vector<16x512xf32>
      %mul3A_701 = vector.broadcast %exp3A_676 : vector<1x512xf32> to vector<16x512xf32>
      %mul3A_702 = arith.mulf %get3A_700, %mul3A_701 : vector<16x512xf32>
      %dot_general3A_703 = arith.constant dense<0.000000e+00> : vector<16x512xf32>
      %dot_general3A_704 = tpu.matmul %get3A_662, %convert_element_type3A_680, %dot_general3A_703 {dimension_numbers = #tpu.dot_dimension_numbers<[1], [0], [0], [1], [0, 0, 1, 1], [], []>, transpose_lhs_hint = false} : vector<16x1024xbf16>, vector<1024x512xbf16>, vector<16x512xf32> -> vector<16x512xf32>
      %add3A_705 = arith.addf %mul3A_702, %dot_general3A_704 : vector<16x512xf32>
      %swap3A_706 = arith.constant 6 : index
      %swap3A_707 = arith.constant 0 : index
      %swap3A_708 = arith.constant 0 : index
      %swap3A_709 = vector.load %arg24[%swap3A_706, %swap3A_707, %swap3A_708] : memref<8x16x512xf32, #tpu.memory_space<vmem>>, vector<1x16x512xf32>
      %swap3A_710 = vector.shape_cast %swap3A_709 : vector<1x16x512xf32> to vector<16x512xf32>
      %swap3A_711 = vector.shape_cast %add3A_705 : vector<16x512xf32> to vector<1x16x512xf32>
      tpu.vector_store %arg24[%swap3A_706, %swap3A_707, %swap3A_708], %swap3A_711 {strides = array<i32>} : memref<8x16x512xf32, #tpu.memory_space<vmem>>, vector<1x16x512xf32>,
      %swap3A_712 = arith.constant 6 : index
      %swap3A_713 = arith.constant 0 : index
      %swap3A_714 = arith.constant 0 : index
      %swap3A_715 = vector.load %arg22[%swap3A_712, %swap3A_713, %swap3A_714] : memref<8x1x512xf32, #tpu.memory_space<vmem>>, vector<1x1x512xf32>
      %swap3A_716 = vector.shape_cast %swap3A_715 : vector<1x1x512xf32> to vector<1x512xf32>
      %swap3A_717 = vector.shape_cast %max3A_674 : vector<1x512xf32> to vector<1x1x512xf32>
      tpu.vector_store %arg22[%swap3A_712, %swap3A_713, %swap3A_714], %swap3A_717 {strides = array<i32>} : memref<8x1x512xf32, #tpu.memory_space<vmem>>, vector<1x1x512xf32>,
      %get3A_718 = arith.index_cast %mul3A_261 : i32 to index
      %get3A_719 = arith.constant 112 : index
      %get3A_720 = vector.load %arg4[%get3A_718, %get3A_719] : memref<32768x128xbf16, #tpu.memory_space<vmem>>, vector<1024x16xbf16>
      %get3A_721 = arith.constant 112 : index
      %get3A_722 = arith.constant 0 : index
      %get3A_723 = vector.load %arg3[%get3A_721, %get3A_722] : memref<128x512xbf16, #tpu.memory_space<vmem>>, vector<16x512xbf16>
      %get3A_724 = arith.constant 112 : index
      %get3A_725 = arith.index_cast %mul3A_261 : i32 to index
      %get3A_726 = vector.load %arg5[%get3A_724, %get3A_725] : memref<128x32768xbf16, #tpu.memory_space<vmem>>, vector<16x1024xbf16>
      %dot_general3A_727 = arith.constant dense<0.000000e+00> : vector<1024x512xf32>
      %dot_general3A_728 = tpu.matmul %get3A_720, %get3A_723, %dot_general3A_727 {dimension_numbers = #tpu.dot_dimension_numbers<[1], [0], [0], [1], [0, 0, 1, 1], [], []>, transpose_lhs_hint = false} : vector<1024x16xbf16>, vector<16x512xbf16>, vector<1024x512xf32> -> vector<1024x512xf32>
      %add3A_729 = arith.addf %dot_general3A_728, %select_n3A : vector<1024x512xf32>
      %get3A_730 = arith.constant 7 : index
      %get3A_731 = arith.constant 0 : index
      %get3A_732 = arith.constant 0 : index
      %get3A_733 = vector.load %arg22[%get3A_730, %get3A_731, %get3A_732] : memref<8x1x512xf32, #tpu.memory_space<vmem>>, vector<1x1x512xf32>
      %get3A_734 = vector.shape_cast %get3A_733 : vector<1x1x512xf32> to vector<1x512xf32>
      %reduce_max3A_735 = arith.constant dense<0xFF800000> : vector<512xf32>
      %reduce_max3A_736 = vector.multi_reduction <maximumf>, %add3A_729, %reduce_max3A_735 [0] : vector<1024x512xf32> to vector<512xf32>
      %broadcast_in_dim3A_737 = vector.shape_cast %reduce_max3A_736 : vector<512xf32> to vector<1x512xf32>
      %max3A_738 = arith.maximumf %get3A_734, %broadcast_in_dim3A_737 : vector<1x512xf32>
      %sub3A_739 = arith.subf %get3A_734, %max3A_738 : vector<1x512xf32>
      %exp3A_740 = math.exp %sub3A_739 : vector<1x512xf32>
      %sub3A_741 = vector.broadcast %max3A_738 : vector<1x512xf32> to vector<1024x512xf32>
      %sub3A_742 = arith.subf %add3A_729, %sub3A_741 : vector<1024x512xf32>
      %exp3A_743 = math.exp %sub3A_742 : vector<1024x512xf32>
      %convert_element_type3A_744 = arith.truncf %exp3A_743 : vector<1024x512xf32> to vector<1024x512xbf16>
      %get3A_745 = arith.constant 7 : index
      %get3A_746 = arith.constant 0 : index
      %get3A_747 = arith.constant 0 : index
      %get3A_748 = vector.load %arg23[%get3A_745, %get3A_746, %get3A_747] : memref<8x1x512xf32, #tpu.memory_space<vmem>>, vector<1x1x512xf32>
      %get3A_749 = vector.shape_cast %get3A_748 : vector<1x1x512xf32> to vector<1x512xf32>
      %mul3A_750 = arith.mulf %get3A_749, %exp3A_740 : vector<1x512xf32>
      %dot_general3A_751 = arith.constant dense<0.000000e+00> : vector<1x512xf32>
      %dot_general3A_752 = tpu.matmul %broadcast_in_dim3A_21, %convert_element_type3A_744, %dot_general3A_751 {dimension_numbers = #tpu.dot_dimension_numbers<[1], [0], [0], [1], [0, 0, 1, 1], [], []>, transpose_lhs_hint = false} : vector<1x1024xbf16>, vector<1024x512xbf16>, vector<1x512xf32> -> vector<1x512xf32>
      %add3A_753 = arith.addf %mul3A_750, %dot_general3A_752 : vector<1x512xf32>
      %swap3A_754 = arith.constant 7 : index
      %swap3A_755 = arith.constant 0 : index
      %swap3A_756 = arith.constant 0 : index
      %swap3A_757 = vector.load %arg23[%swap3A_754, %swap3A_755, %swap3A_756] : memref<8x1x512xf32, #tpu.memory_space<vmem>>, vector<1x1x512xf32>
      %swap3A_758 = vector.shape_cast %swap3A_757 : vector<1x1x512xf32> to vector<1x512xf32>
      %swap3A_759 = vector.shape_cast %add3A_753 : vector<1x512xf32> to vector<1x1x512xf32>
      tpu.vector_store %arg23[%swap3A_754, %swap3A_755, %swap3A_756], %swap3A_759 {strides = array<i32>} : memref<8x1x512xf32, #tpu.memory_space<vmem>>, vector<1x1x512xf32>,
      %get3A_760 = arith.constant 7 : index
      %get3A_761 = arith.constant 0 : index
      %get3A_762 = arith.constant 0 : index
      %get3A_763 = vector.load %arg24[%get3A_760, %get3A_761, %get3A_762] : memref<8x16x512xf32, #tpu.memory_space<vmem>>, vector<1x16x512xf32>
      %get3A_764 = vector.shape_cast %get3A_763 : vector<1x16x512xf32> to vector<16x512xf32>
      %mul3A_765 = vector.broadcast %exp3A_740 : vector<1x512xf32> to vector<16x512xf32>
      %mul3A_766 = arith.mulf %get3A_764, %mul3A_765 : vector<16x512xf32>
      %dot_general3A_767 = arith.constant dense<0.000000e+00> : vector<16x512xf32>
      %dot_general3A_768 = tpu.matmul %get3A_726, %convert_element_type3A_744, %dot_general3A_767 {dimension_numbers = #tpu.dot_dimension_numbers<[1], [0], [0], [1], [0, 0, 1, 1], [], []>, transpose_lhs_hint = false} : vector<16x1024xbf16>, vector<1024x512xbf16>, vector<16x512xf32> -> vector<16x512xf32>
      %add3A_769 = arith.addf %mul3A_766, %dot_general3A_768 : vector<16x512xf32>
      %swap3A_770 = arith.constant 7 : index
      %swap3A_771 = arith.constant 0 : index
      %swap3A_772 = arith.constant 0 : index
      %swap3A_773 = vector.load %arg24[%swap3A_770, %swap3A_771, %swap3A_772] : memref<8x16x512xf32, #tpu.memory_space<vmem>>, vector<1x16x512xf32>
      %swap3A_774 = vector.shape_cast %swap3A_773 : vector<1x16x512xf32> to vector<16x512xf32>
      %swap3A_775 = vector.shape_cast %add3A_769 : vector<16x512xf32> to vector<1x16x512xf32>
      tpu.vector_store %arg24[%swap3A_770, %swap3A_771, %swap3A_772], %swap3A_775 {strides = array<i32>} : memref<8x16x512xf32, #tpu.memory_space<vmem>>, vector<1x16x512xf32>,
      %swap3A_776 = arith.constant 7 : index
      %swap3A_777 = arith.constant 0 : index
      %swap3A_778 = arith.constant 0 : index
      %swap3A_779 = vector.load %arg22[%swap3A_776, %swap3A_777, %swap3A_778] : memref<8x1x512xf32, #tpu.memory_space<vmem>>, vector<1x1x512xf32>
      %swap3A_780 = vector.shape_cast %swap3A_779 : vector<1x1x512xf32> to vector<1x512xf32>
      %swap3A_781 = vector.shape_cast %max3A_738 : vector<1x512xf32> to vector<1x1x512xf32>
      tpu.vector_store %arg22[%swap3A_776, %swap3A_777, %swap3A_778], %swap3A_781 {strides = array<i32>} : memref<8x1x512xf32, #tpu.memory_space<vmem>>, vector<1x1x512xf32>,
    }
    %get3A_35 = arith.constant 0 : index
    %get3A_36 = arith.constant 0 : index
    %get3A_37 = arith.constant 0 : index
    %get3A_38 = vector.load %arg24[%get3A_35, %get3A_36, %get3A_37] : memref<8x16x512xf32, #tpu.memory_space<vmem>>, vector<1x16x512xf32>
    %get3A_39 = vector.shape_cast %get3A_38 : vector<1x16x512xf32> to vector<16x512xf32>
    %get3A_40 = arith.constant 0 : index
    %get3A_41 = arith.constant 0 : index
    %get3A_42 = arith.constant 0 : index
    %get3A_43 = vector.load %arg23[%get3A_40, %get3A_41, %get3A_42] : memref<8x1x512xf32, #tpu.memory_space<vmem>>, vector<1x1x512xf32>
    %get3A_44 = vector.shape_cast %get3A_43 : vector<1x1x512xf32> to vector<1x512xf32>
    %div3A = vector.broadcast %get3A_44 : vector<1x512xf32> to vector<16x512xf32>
    %div3A_45 = arith.divf %get3A_39, %div3A : vector<16x512xf32>
    %get3A_46 = arith.constant 1 : index
    %get3A_47 = arith.constant 0 : index
    %get3A_48 = arith.constant 0 : index
    %get3A_49 = vector.load %arg24[%get3A_46, %get3A_47, %get3A_48] : memref<8x16x512xf32, #tpu.memory_space<vmem>>, vector<1x16x512xf32>
    %get3A_50 = vector.shape_cast %get3A_49 : vector<1x16x512xf32> to vector<16x512xf32>
    %get3A_51 = arith.constant 1 : index
    %get3A_52 = arith.constant 0 : index
    %get3A_53 = arith.constant 0 : index
    %get3A_54 = vector.load %arg23[%get3A_51, %get3A_52, %get3A_53] : memref<8x1x512xf32, #tpu.memory_space<vmem>>, vector<1x1x512xf32>
    %get3A_55 = vector.shape_cast %get3A_54 : vector<1x1x512xf32> to vector<1x512xf32>
    %div3A_56 = vector.broadcast %get3A_55 : vector<1x512xf32> to vector<16x512xf32>
    %div3A_57 = arith.divf %get3A_50, %div3A_56 : vector<16x512xf32>
    %get3A_58 = arith.constant 2 : index
    %get3A_59 = arith.constant 0 : index
    %get3A_60 = arith.constant 0 : index
    %get3A_61 = vector.load %arg24[%get3A_58, %get3A_59, %get3A_60] : memref<8x16x512xf32, #tpu.memory_space<vmem>>, vector<1x16x512xf32>
    %get3A_62 = vector.shape_cast %get3A_61 : vector<1x16x512xf32> to vector<16x512xf32>
    %get3A_63 = arith.constant 2 : index
    %get3A_64 = arith.constant 0 : index
    %get3A_65 = arith.constant 0 : index
    %get3A_66 = vector.load %arg23[%get3A_63, %get3A_64, %get3A_65] : memref<8x1x512xf32, #tpu.memory_space<vmem>>, vector<1x1x512xf32>
    %get3A_67 = vector.shape_cast %get3A_66 : vector<1x1x512xf32> to vector<1x512xf32>
    %div3A_68 = vector.broadcast %get3A_67 : vector<1x512xf32> to vector<16x512xf32>
    %div3A_69 = arith.divf %get3A_62, %div3A_68 : vector<16x512xf32>
    %get3A_70 = arith.constant 3 : index
    %get3A_71 = arith.constant 0 : index
    %get3A_72 = arith.constant 0 : index
    %get3A_73 = vector.load %arg24[%get3A_70, %get3A_71, %get3A_72] : memref<8x16x512xf32, #tpu.memory_space<vmem>>, vector<1x16x512xf32>
    %get3A_74 = vector.shape_cast %get3A_73 : vector<1x16x512xf32> to vector<16x512xf32>
    %get3A_75 = arith.constant 3 : index
    %get3A_76 = arith.constant 0 : index
    %get3A_77 = arith.constant 0 : index
    %get3A_78 = vector.load %arg23[%get3A_75, %get3A_76, %get3A_77] : memref<8x1x512xf32, #tpu.memory_space<vmem>>, vector<1x1x512xf32>
    %get3A_79 = vector.shape_cast %get3A_78 : vector<1x1x512xf32> to vector<1x512xf32>
    %div3A_80 = vector.broadcast %get3A_79 : vector<1x512xf32> to vector<16x512xf32>
    %div3A_81 = arith.divf %get3A_74, %div3A_80 : vector<16x512xf32>
    %get3A_82 = arith.constant 4 : index
    %get3A_83 = arith.constant 0 : index
    %get3A_84 = arith.constant 0 : index
    %get3A_85 = vector.load %arg24[%get3A_82, %get3A_83, %get3A_84] : memref<8x16x512xf32, #tpu.memory_space<vmem>>, vector<1x16x512xf32>
    %get3A_86 = vector.shape_cast %get3A_85 : vector<1x16x512xf32> to vector<16x512xf32>
    %get3A_87 = arith.constant 4 : index
    %get3A_88 = arith.constant 0 : index
    %get3A_89 = arith.constant 0 : index
    %get3A_90 = vector.load %arg23[%get3A_87, %get3A_88, %get3A_89] : memref<8x1x512xf32, #tpu.memory_space<vmem>>, vector<1x1x512xf32>
    %get3A_91 = vector.shape_cast %get3A_90 : vector<1x1x512xf32> to vector<1x512xf32>
    %div3A_92 = vector.broadcast %get3A_91 : vector<1x512xf32> to vector<16x512xf32>
    %div3A_93 = arith.divf %get3A_86, %div3A_92 : vector<16x512xf32>
    %get3A_94 = arith.constant 5 : index
    %get3A_95 = arith.constant 0 : index
    %get3A_96 = arith.constant 0 : index
    %get3A_97 = vector.load %arg24[%get3A_94, %get3A_95, %get3A_96] : memref<8x16x512xf32, #tpu.memory_space<vmem>>, vector<1x16x512xf32>
    %get3A_98 = vector.shape_cast %get3A_97 : vector<1x16x512xf32> to vector<16x512xf32>
    %get3A_99 = arith.constant 5 : index
    %get3A_100 = arith.constant 0 : index
    %get3A_101 = arith.constant 0 : index
    %get3A_102 = vector.load %arg23[%get3A_99, %get3A_100, %get3A_101] : memref<8x1x512xf32, #tpu.memory_space<vmem>>, vector<1x1x512xf32>
    %get3A_103 = vector.shape_cast %get3A_102 : vector<1x1x512xf32> to vector<1x512xf32>
    %div3A_104 = vector.broadcast %get3A_103 : vector<1x512xf32> to vector<16x512xf32>
    %div3A_105 = arith.divf %get3A_98, %div3A_104 : vector<16x512xf32>
    %get3A_106 = arith.constant 6 : index
    %get3A_107 = arith.constant 0 : index
    %get3A_108 = arith.constant 0 : index
    %get3A_109 = vector.load %arg24[%get3A_106, %get3A_107, %get3A_108] : memref<8x16x512xf32, #tpu.memory_space<vmem>>, vector<1x16x512xf32>
    %get3A_110 = vector.shape_cast %get3A_109 : vector<1x16x512xf32> to vector<16x512xf32>
    %get3A_111 = arith.constant 6 : index
    %get3A_112 = arith.constant 0 : index
    %get3A_113 = arith.constant 0 : index
    %get3A_114 = vector.load %arg23[%get3A_111, %get3A_112, %get3A_113] : memref<8x1x512xf32, #tpu.memory_space<vmem>>, vector<1x1x512xf32>
    %get3A_115 = vector.shape_cast %get3A_114 : vector<1x1x512xf32> to vector<1x512xf32>
    %div3A_116 = vector.broadcast %get3A_115 : vector<1x512xf32> to vector<16x512xf32>
    %div3A_117 = arith.divf %get3A_110, %div3A_116 : vector<16x512xf32>
    %get3A_118 = arith.constant 7 : index
    %get3A_119 = arith.constant 0 : index
    %get3A_120 = arith.constant 0 : index
    %get3A_121 = vector.load %arg24[%get3A_118, %get3A_119, %get3A_120] : memref<8x16x512xf32, #tpu.memory_space<vmem>>, vector<1x16x512xf32>
    %get3A_122 = vector.shape_cast %get3A_121 : vector<1x16x512xf32> to vector<16x512xf32>
    %get3A_123 = arith.constant 7 : index
    %get3A_124 = arith.constant 0 : index
    %get3A_125 = arith.constant 0 : index
    %get3A_126 = vector.load %arg23[%get3A_123, %get3A_124, %get3A_125] : memref<8x1x512xf32, #tpu.memory_space<vmem>>, vector<1x1x512xf32>
    %get3A_127 = vector.shape_cast %get3A_126 : vector<1x1x512xf32> to vector<1x512xf32>
    %div3A_128 = vector.broadcast %get3A_127 : vector<1x512xf32> to vector<16x512xf32>
    %div3A_129 = arith.divf %get3A_122, %div3A_128 : vector<16x512xf32>
    %concatenate3A = tpu.concatenate %div3A_45, %div3A_57, %div3A_69, %div3A_81, %div3A_93, %div3A_105, %div3A_117, %div3A_129 in 0 : vector<16x512xf32>, vector<16x512xf32>, vector<16x512xf32>, vector<16x512xf32>, vector<16x512xf32>, vector<16x512xf32>, vector<16x512xf32>, vector<16x512xf32> -> vector<128x512xf32>
    %transpose3A = tpu.transpose %concatenate3A, [1, 0] : vector<128x512xf32> -> vector<512x128xf32>
    %convert_element_type3A = arith.truncf %transpose3A : vector<512x128xf32> to vector<512x128xbf16>
    %get3A_130 = arith.constant 0 : index
    %get3A_131 = arith.constant 0 : index
    %get3A_132 = vector.load %arg9[%get3A_130, %get3A_131] : memref<128x128xf32, #tpu.memory_space<vmem>>, vector<128x128xf32>
    %convert_element_type3A_133 = arith.truncf %get3A_132 : vector<128x128xf32> to vector<128x128xbf16>
    %dot_general3A = arith.constant dense<0.000000e+00> : vector<512x128xf32>
    %dot_general3A_134 = tpu.matmul %convert_element_type3A, %convert_element_type3A_133, %dot_general3A {dimension_numbers = #tpu.dot_dimension_numbers<[1], [0], [0], [1], [0, 0, 1, 1], [], []>, transpose_lhs_hint = false} : vector<512x128xbf16>, vector<128x128xbf16>, vector<512x128xf32> -> vector<512x128xf32>
    %get3A_135 = arith.constant 0 : index
    %get3A_136 = arith.constant 0 : index
    %get3A_137 = vector.load %arg10[%get3A_135, %get3A_136] : memref<1x128xf32, #tpu.memory_space<vmem>>, vector<1x128xf32>
    %add3A = vector.broadcast %get3A_137 : vector<1x128xf32> to vector<512x128xf32>
    %add3A_138 = arith.addf %dot_general3A_134, %add3A : vector<512x128xf32>
    %get3A_139 = arith.constant 0 : index
    %get3A_140 = arith.constant 0 : index
    %get3A_141 = vector.load %arg8[%get3A_139, %get3A_140] : memref<512x128xf32, #tpu.memory_space<vmem>>, vector<512x128xf32>
    %add3A_142 = arith.addf %add3A_138, %get3A_141 : vector<512x128xf32>
    %get3A_143 = arith.constant 0 : index
    %get3A_144 = arith.constant 0 : index
    %get3A_145 = vector.load %arg11[%get3A_143, %get3A_144] : memref<1x128xf32, #tpu.memory_space<vmem>>, vector<1x128xf32>
    %get3A_146 = arith.constant 0 : index
    %get3A_147 = arith.constant 0 : index
    %get3A_148 = vector.load %arg12[%get3A_146, %get3A_147] : memref<1x128xf32, #tpu.memory_space<vmem>>, vector<1x128xf32>
    %reduce_sum3A = arith.constant dense<0.000000e+00> : vector<512xf32>
    %reduce_sum3A_149 = vector.multi_reduction <add>, %add3A_142, %reduce_sum3A [1] : vector<512x128xf32> to vector<512xf32>
    %broadcast_in_dim3A_150 = vector.shape_cast %reduce_sum3A_149 : vector<512xf32> to vector<512x1xf32>
    %div3A_151 = arith.constant 1.280000e+02 : f32
    %div3A_152 = vector.broadcast %div3A_151 : f32 to vector<512x1xf32>
    %div3A_153 = arith.divf %broadcast_in_dim3A_150, %div3A_152 : vector<512x1xf32>
    %sub3A = vector.broadcast %div3A_153 : vector<512x1xf32> to vector<512x128xf32>
    %sub3A_154 = arith.subf %add3A_142, %sub3A : vector<512x128xf32>
    %integer_pow3A = arith.mulf %sub3A_154, %sub3A_154 : vector<512x128xf32>
    %reduce_sum3A_155 = arith.constant dense<0.000000e+00> : vector<512xf32>
    %reduce_sum3A_156 = vector.multi_reduction <add>, %integer_pow3A, %reduce_sum3A_155 [1] : vector<512x128xf32> to vector<512xf32>
    %broadcast_in_dim3A_157 = vector.shape_cast %reduce_sum3A_156 : vector<512xf32> to vector<512x1xf32>
    %div3A_158 = arith.constant 1.280000e+02 : f32
    %div3A_159 = vector.broadcast %div3A_158 : f32 to vector<512x1xf32>
    %div3A_160 = arith.divf %broadcast_in_dim3A_157, %div3A_159 : vector<512x1xf32>
    %sub3A_161 = vector.broadcast %div3A_153 : vector<512x1xf32> to vector<512x128xf32>
    %sub3A_162 = arith.subf %add3A_142, %sub3A_161 : vector<512x128xf32>
    %add3A_163 = arith.constant 9.99999974E-6 : f32
    %add3A_164 = vector.broadcast %add3A_163 : f32 to vector<512x1xf32>
    %add3A_165 = arith.addf %div3A_160, %add3A_164 : vector<512x1xf32>
    %rsqrt3A = math.rsqrt %add3A_165 : vector<512x1xf32>
    %mul3A = vector.broadcast %rsqrt3A : vector<512x1xf32> to vector<512x128xf32>
    %mul3A_166 = arith.mulf %sub3A_162, %mul3A : vector<512x128xf32>
    %mul3A_167 = vector.broadcast %get3A_145 : vector<1x128xf32> to vector<512x128xf32>
    %mul3A_168 = arith.mulf %mul3A_166, %mul3A_167 : vector<512x128xf32>
    %add3A_169 = vector.broadcast %get3A_148 : vector<1x128xf32> to vector<512x128xf32>
    %add3A_170 = arith.addf %mul3A_168, %add3A_169 : vector<512x128xf32>
    %convert_element_type3A_171 = arith.truncf %add3A_170 : vector<512x128xf32> to vector<512x128xbf16>
    %get3A_172 = arith.constant 0 : index
    %get3A_173 = arith.constant 0 : index
    %get3A_174 = vector.load %arg13[%get3A_172, %get3A_173] : memref<128x512xf32, #tpu.memory_space<vmem>>, vector<128x512xf32>
    %convert_element_type3A_175 = arith.truncf %get3A_174 : vector<128x512xf32> to vector<128x512xbf16>
    %dot_general3A_176 = arith.constant dense<0.000000e+00> : vector<512x512xf32>
    %dot_general3A_177 = tpu.matmul %convert_element_type3A_171, %convert_element_type3A_175, %dot_general3A_176 {dimension_numbers = #tpu.dot_dimension_numbers<[1], [0], [0], [1], [0, 0, 1, 1], [], []>, transpose_lhs_hint = false} : vector<512x128xbf16>, vector<128x512xbf16>, vector<512x512xf32> -> vector<512x512xf32>
    %logistic3A = arith.negf %dot_general3A_177 : vector<512x512xf32>
    %logistic3A_178 = math.exp %logistic3A : vector<512x512xf32>
    %logistic3A_179 = arith.constant 1.000000e+00 : f32
    %logistic3A_180 = vector.broadcast %logistic3A_179 : f32 to vector<512x512xf32>
    %logistic3A_181 = arith.addf %logistic3A_180, %logistic3A_178 : vector<512x512xf32>
    %logistic3A_182 = arith.divf %logistic3A_180, %logistic3A_181 : vector<512x512xf32>
    %mul3A_183 = arith.mulf %dot_general3A_177, %logistic3A_182 : vector<512x512xf32>
    %convert_element_type3A_184 = arith.truncf %mul3A_183 : vector<512x512xf32> to vector<512x512xbf16>
    %get3A_185 = arith.constant 0 : index
    %get3A_186 = arith.constant 0 : index
    %get3A_187 = vector.load %arg14[%get3A_185, %get3A_186] : memref<512x128xf32, #tpu.memory_space<vmem>>, vector<512x128xf32>
    %convert_element_type3A_188 = arith.truncf %get3A_187 : vector<512x128xf32> to vector<512x128xbf16>
    %dot_general3A_189 = arith.constant dense<0.000000e+00> : vector<512x128xf32>
    %dot_general3A_190 = tpu.matmul %convert_element_type3A_184, %convert_element_type3A_188, %dot_general3A_189 {dimension_numbers = #tpu.dot_dimension_numbers<[1], [0], [0], [1], [0, 0, 1, 1], [], []>, transpose_lhs_hint = false} : vector<512x512xbf16>, vector<512x128xbf16>, vector<512x128xf32> -> vector<512x128xf32>
    %get3A_191 = arith.constant 0 : index
    %get3A_192 = arith.constant 0 : index
    %get3A_193 = vector.load %arg15[%get3A_191, %get3A_192] : memref<1x128xf32, #tpu.memory_space<vmem>>, vector<1x128xf32>
    %add3A_194 = vector.broadcast %get3A_193 : vector<1x128xf32> to vector<512x128xf32>
    %add3A_195 = arith.addf %dot_general3A_190, %add3A_194 : vector<512x128xf32>
    %mul3A_196 = arith.constant 2.000000e+00 : f32
    %mul3A_197 = vector.broadcast %mul3A_196 : f32 to vector<512x128xf32>
    %mul3A_198 = arith.mulf %mul3A_197, %add3A_142 : vector<512x128xf32>
    %add3A_199 = arith.addf %add3A_195, %mul3A_198 : vector<512x128xf32>
    %get3A_200 = arith.constant 0 : index
    %get3A_201 = arith.constant 0 : index
    %get3A_202 = vector.load %arg16[%get3A_200, %get3A_201] : memref<1x128xf32, #tpu.memory_space<vmem>>, vector<1x128xf32>
    %get3A_203 = arith.constant 0 : index
    %get3A_204 = arith.constant 0 : index
    %get3A_205 = vector.load %arg17[%get3A_203, %get3A_204] : memref<1x128xf32, #tpu.memory_space<vmem>>, vector<1x128xf32>
    %reduce_sum3A_206 = arith.constant dense<0.000000e+00> : vector<512xf32>
    %reduce_sum3A_207 = vector.multi_reduction <add>, %add3A_199, %reduce_sum3A_206 [1] : vector<512x128xf32> to vector<512xf32>
    %broadcast_in_dim3A_208 = vector.shape_cast %reduce_sum3A_207 : vector<512xf32> to vector<512x1xf32>
    %div3A_209 = arith.constant 1.280000e+02 : f32
    %div3A_210 = vector.broadcast %div3A_209 : f32 to vector<512x1xf32>
    %div3A_211 = arith.divf %broadcast_in_dim3A_208, %div3A_210 : vector<512x1xf32>
    %sub3A_212 = vector.broadcast %div3A_211 : vector<512x1xf32> to vector<512x128xf32>
    %sub3A_213 = arith.subf %add3A_199, %sub3A_212 : vector<512x128xf32>
    %integer_pow3A_214 = arith.mulf %sub3A_213, %sub3A_213 : vector<512x128xf32>
    %reduce_sum3A_215 = arith.constant dense<0.000000e+00> : vector<512xf32>
    %reduce_sum3A_216 = vector.multi_reduction <add>, %integer_pow3A_214, %reduce_sum3A_215 [1] : vector<512x128xf32> to vector<512xf32>
    %broadcast_in_dim3A_217 = vector.shape_cast %reduce_sum3A_216 : vector<512xf32> to vector<512x1xf32>
    %div3A_218 = arith.constant 1.280000e+02 : f32
    %div3A_219 = vector.broadcast %div3A_218 : f32 to vector<512x1xf32>
    %div3A_220 = arith.divf %broadcast_in_dim3A_217, %div3A_219 : vector<512x1xf32>
    %sub3A_221 = vector.broadcast %div3A_211 : vector<512x1xf32> to vector<512x128xf32>
    %sub3A_222 = arith.subf %add3A_199, %sub3A_221 : vector<512x128xf32>
    %add3A_223 = arith.constant 9.99999974E-6 : f32
    %add3A_224 = vector.broadcast %add3A_223 : f32 to vector<512x1xf32>
    %add3A_225 = arith.addf %div3A_220, %add3A_224 : vector<512x1xf32>
    %rsqrt3A_226 = math.rsqrt %add3A_225 : vector<512x1xf32>
    %mul3A_227 = vector.broadcast %rsqrt3A_226 : vector<512x1xf32> to vector<512x128xf32>
    %mul3A_228 = arith.mulf %sub3A_222, %mul3A_227 : vector<512x128xf32>
    %mul3A_229 = vector.broadcast %get3A_202 : vector<1x128xf32> to vector<512x128xf32>
    %mul3A_230 = arith.mulf %mul3A_228, %mul3A_229 : vector<512x128xf32>
    %add3A_231 = vector.broadcast %get3A_205 : vector<1x128xf32> to vector<512x128xf32>
    %add3A_232 = arith.addf %mul3A_230, %add3A_231 : vector<512x128xf32>
    %get3A_233 = arith.constant 0 : index
    %get3A_234 = arith.constant 0 : index
    %get3A_235 = vector.load %arg18[%get3A_233, %get3A_234] : memref<128x512xf32, #tpu.memory_space<vmem>>, vector<128x512xf32>
    %dot_general3A_236 = arith.constant dense<0.000000e+00> : vector<512x512xf32>
    %dot_general3A_237 = tpu.matmul %add3A_232, %get3A_235, %dot_general3A_236 {dimension_numbers = #tpu.dot_dimension_numbers<[1], [0], [0], [1], [0, 0, 1, 1], [], []>, transpose_lhs_hint = false} : vector<512x128xf32>, vector<128x512xf32>, vector<512x512xf32> -> vector<512x512xf32>
    %logistic3A_238 = arith.negf %dot_general3A_237 : vector<512x512xf32>
    %logistic3A_239 = math.exp %logistic3A_238 : vector<512x512xf32>
    %logistic3A_240 = arith.constant 1.000000e+00 : f32
    %logistic3A_241 = vector.broadcast %logistic3A_240 : f32 to vector<512x512xf32>
    %logistic3A_242 = arith.addf %logistic3A_241, %logistic3A_239 : vector<512x512xf32>
    %logistic3A_243 = arith.divf %logistic3A_241, %logistic3A_242 : vector<512x512xf32>
    %mul3A_244 = arith.mulf %dot_general3A_237, %logistic3A_243 : vector<512x512xf32>
    %get3A_245 = arith.constant 0 : index
    %get3A_246 = arith.constant 0 : index
    %get3A_247 = vector.load %arg19[%get3A_245, %get3A_246] : memref<512x1xf32, #tpu.memory_space<vmem>>, vector<512x1xf32>
    %dot_general3A_248 = arith.constant dense<0.000000e+00> : vector<512x1xf32>
    %dot_general3A_249 = tpu.matmul %mul3A_244, %get3A_247, %dot_general3A_248 {dimension_numbers = #tpu.dot_dimension_numbers<[1], [0], [0], [1], [0, 0, 1, 1], [], []>, transpose_lhs_hint = false} : vector<512x512xf32>, vector<512x1xf32>, vector<512x1xf32> -> vector<512x1xf32>
    %get3A_250 = arith.constant 0 : index
    %get3A_251 = arith.constant 0 : index
    %get3A_252 = vector.load %arg20[%get3A_250, %get3A_251] : memref<1x1xf32, #tpu.memory_space<vmem>>, vector<1x1xf32>
    %add3A_253 = vector.broadcast %get3A_252 : vector<1x1xf32> to vector<512x1xf32>
    %add3A_254 = arith.addf %dot_general3A_249, %add3A_253 : vector<512x1xf32>
    %swap3A_255 = arith.constant 0 : index
    %swap3A_256 = arith.constant 0 : index
    %swap3A_257 = vector.load %arg21[%swap3A_255, %swap3A_256] : memref<512x1xf32, #tpu.memory_space<vmem>>, vector<512x1xf32>
    tpu.vector_store %arg21[%swap3A_255, %swap3A_256], %add3A_254 {strides = array<i32>} : memref<512x1xf32, #tpu.memory_space<vmem>>, vector<512x1xf32>,
    return
  }
  func.func @transform_0(%arg0: i32, %arg1: memref<64xi32, #tpu.memory_space<smem>>, %arg2: memref<64xi32, #tpu.memory_space<smem>>) -> (i32, i32) {
    %c0_i32 = arith.constant 0 : i32
    %c0_i32_0 = arith.constant 0 : i32
    return %c0_i32, %arg0 : i32, i32
  }
  func.func @transform_1(%arg0: i32, %arg1: memref<64xi32, #tpu.memory_space<smem>>, %arg2: memref<64xi32, #tpu.memory_space<smem>>) -> (i32, i32) {
    %c0_i32 = arith.constant 0 : i32
    %c0_i32_0 = arith.constant 0 : i32
    %c0_i32_1 = arith.constant 0 : i32
    return %c0_i32, %c0_i32_0 : i32, i32
  }
  func.func @transform_2(%arg0: i32, %arg1: memref<64xi32, #tpu.memory_space<smem>>, %arg2: memref<64xi32, #tpu.memory_space<smem>>) -> (i32, i32) {
    %c0_i32 = arith.constant 0 : i32
    %c0_i32_0 = arith.constant 0 : i32
    %c0_i32_1 = arith.constant 0 : i32
    return %c0_i32, %c0_i32_0 : i32, i32
  }
  func.func @transform_3(%arg0: i32, %arg1: memref<64xi32, #tpu.memory_space<smem>>, %arg2: memref<64xi32, #tpu.memory_space<smem>>) -> (i32, i32, i32) {
    %c0_i32 = arith.constant 0 : i32
    %c0_i32_0 = arith.constant 0 : i32
    %c0_i32_1 = arith.constant 0 : i32
    return %arg0, %c0_i32, %c0_i32_0 : i32, i32, i32
  }
  func.func @transform_4(%arg0: i32, %arg1: memref<64xi32, #tpu.memory_space<smem>>, %arg2: memref<64xi32, #tpu.memory_space<smem>>) -> (i32, i32) {
    %c0_i32 = arith.constant 0 : i32
    %c0_i32_0 = arith.constant 0 : i32
    %c0_i32_1 = arith.constant 0 : i32
    return %c0_i32, %c0_i32_0 : i32, i32
  }
  func.func @transform_5(%arg0: i32, %arg1: memref<64xi32, #tpu.memory_space<smem>>, %arg2: memref<64xi32, #tpu.memory_space<smem>>) -> (i32, i32) {
    %c0_i32 = arith.constant 0 : i32
    %c0_i32_0 = arith.constant 0 : i32
    return %arg0, %c0_i32 : i32, i32
  }
  func.func @transform_6(%arg0: i32, %arg1: memref<64xi32, #tpu.memory_space<smem>>, %arg2: memref<64xi32, #tpu.memory_space<smem>>) -> (i32, i32) {
    %c0_i32 = arith.constant 0 : i32
    %c0_i32_0 = arith.constant 0 : i32
    %c0_i32_1 = arith.constant 0 : i32
    return %c0_i32, %c0_i32_0 : i32, i32
  }
  func.func @transform_7(%arg0: i32, %arg1: memref<64xi32, #tpu.memory_space<smem>>, %arg2: memref<64xi32, #tpu.memory_space<smem>>) -> (i32, i32) {
    %c0_i32 = arith.constant 0 : i32
    %c0_i32_0 = arith.constant 0 : i32
    %c0_i32_1 = arith.constant 0 : i32
    return %c0_i32, %c0_i32_0 : i32, i32
  }
  func.func @transform_8(%arg0: i32, %arg1: memref<64xi32, #tpu.memory_space<smem>>, %arg2: memref<64xi32, #tpu.memory_space<smem>>) -> (i32, i32) {
    %c0_i32 = arith.constant 0 : i32
    %c0_i32_0 = arith.constant 0 : i32
    %c0_i32_1 = arith.constant 0 : i32
    return %c0_i32, %c0_i32_0 : i32, i32
  }
  func.func @transform_9(%arg0: i32, %arg1: memref<64xi32, #tpu.memory_space<smem>>, %arg2: memref<64xi32, #tpu.memory_space<smem>>) -> (i32, i32) {
    %c0_i32 = arith.constant 0 : i32
    %c0_i32_0 = arith.constant 0 : i32
    %c0_i32_1 = arith.constant 0 : i32
    return %c0_i32, %c0_i32_0 : i32, i32
  }
  func.func @transform_10(%arg0: i32, %arg1: memref<64xi32, #tpu.memory_space<smem>>, %arg2: memref<64xi32, #tpu.memory_space<smem>>) -> (i32, i32) {
    %c0_i32 = arith.constant 0 : i32
    %c0_i32_0 = arith.constant 0 : i32
    %c0_i32_1 = arith.constant 0 : i32
    return %c0_i32, %c0_i32_0 : i32, i32
  }
  func.func @transform_11(%arg0: i32, %arg1: memref<64xi32, #tpu.memory_space<smem>>, %arg2: memref<64xi32, #tpu.memory_space<smem>>) -> (i32, i32) {
    %c0_i32 = arith.constant 0 : i32
    %c0_i32_0 = arith.constant 0 : i32
    %c0_i32_1 = arith.constant 0 : i32
    return %c0_i32, %c0_i32_0 : i32, i32
  }
  func.func @transform_12(%arg0: i32, %arg1: memref<64xi32, #tpu.memory_space<smem>>, %arg2: memref<64xi32, #tpu.memory_space<smem>>) -> (i32, i32) {
    %c0_i32 = arith.constant 0 : i32
    %c0_i32_0 = arith.constant 0 : i32
    %c0_i32_1 = arith.constant 0 : i32
    return %c0_i32, %c0_i32_0 : i32, i32
  }
  func.func @transform_13(%arg0: i32, %arg1: memref<64xi32, #tpu.memory_space<smem>>, %arg2: memref<64xi32, #tpu.memory_space<smem>>) -> (i32, i32) {
    %c0_i32 = arith.constant 0 : i32
    %c0_i32_0 = arith.constant 0 : i32
    %c0_i32_1 = arith.constant 0 : i32
    return %c0_i32, %c0_i32_0 : i32, i32
  }
  func.func @transform_14(%arg0: i32, %arg1: memref<64xi32, #tpu.memory_space<smem>>, %arg2: memref<64xi32, #tpu.memory_space<smem>>) -> (i32, i32) {
    %c0_i32 = arith.constant 0 : i32
    %c0_i32_0 = arith.constant 0 : i32
    %c0_i32_1 = arith.constant 0 : i32
    return %c0_i32, %c0_i32_0 : i32, i32
  }
  func.func @transform_15(%arg0: i32, %arg1: memref<64xi32, #tpu.memory_space<smem>>, %arg2: memref<64xi32, #tpu.memory_space<smem>>) -> (i32, i32) {
    %c0_i32 = arith.constant 0 : i32
    %c0_i32_0 = arith.constant 0 : i32
    %c0_i32_1 = arith.constant 0 : i32
    return %c0_i32, %c0_i32_0 : i32, i32
  }
  func.func @transform_16(%arg0: i32, %arg1: memref<64xi32, #tpu.memory_space<smem>>, %arg2: memref<64xi32, #tpu.memory_space<smem>>) -> (i32, i32) {
    %c0_i32 = arith.constant 0 : i32
    %c0_i32_0 = arith.constant 0 : i32
    %c0_i32_1 = arith.constant 0 : i32
    return %c0_i32, %c0_i32_0 : i32, i32
  }
  func.func @transform_17(%arg0: i32, %arg1: memref<64xi32, #tpu.memory_space<smem>>, %arg2: memref<64xi32, #tpu.memory_space<smem>>) -> (i32, i32) {
    %c0_i32 = arith.constant 0 : i32
    %c0_i32_0 = arith.constant 0 : i32
    %c0_i32_1 = arith.constant 0 : i32
    return %c0_i32, %c0_i32_0 : i32, i32
  }
  func.func @transform_18(%arg0: i32, %arg1: memref<64xi32, #tpu.memory_space<smem>>, %arg2: memref<64xi32, #tpu.memory_space<smem>>) -> (i32, i32) {
    %c0_i32 = arith.constant 0 : i32
    %c0_i32_0 = arith.constant 0 : i32
    return %arg0, %c0_i32 : i32, i32
  }
}

</mosaic_0001>

<sc_bundles>
// kernel: kernel.7.cloned.1.call-start
scs
__scs_entry_jumppad:
0x0: {  	(pc) =	sbr.rel $0x88, $3  }
0x1: {  	(tag) =	ssettag $0x0;
	lr =	simm.s32 $0x1  }
0x2: {  	[smem:$0x3F76] =	sst lr;
	_ =	strace $0xD0000000  }
0x3: {  	_ = 	snop  }
0x4: {  	_ = 	snop  }
0x5: {  	_ = 	snop  }
0x6: {  	_ = 	snop  }
0x7: {  	_ = 	snop  }
__scs_overlays_trampoline_lowered:
0x8: {  	[smem:$0x3F85] =	sst s0  }
0x9: {  	[smem:$0x3F86] =	sst s1  }
0xa: {  	[smem:$0x3F87] =	sst s2  }
0xb: {  	[smem:$0x3F88] =	sst s3  }
0xc: {  	[smem:$0x3F89] =	sst s4  }
0xd: {  	[smem:$0x3F8A] =	sst s5  }
0xe: {  	[smem:$0x3F8B] =	sst s6  }
0xf: {  	[smem:$0x3F8C] =	sst s7  }
0x10: {  	[smem:$0x3F8D] =	sst s8  }
0x11: {  	[smem:$0x3F8E] =	sst s9;
	s0 =	simm.s32 @!p0 $0x0  }
0x12: {  	s1 =	sld [smem:$0x3F74];
	s0 =	simm.s32 @p0 $0x1  }
0x13: {  	[smem:$0x3F8F] =	sst s0;
	s0 =	simm.s32 @!p1 $0x0  }
0x14: {  	s2 =	sld [smem:$0x3F73];
	s0 =	simm.s32 @p1 $0x1  }
0x15: {  	[smem:$0x3F90] =	sst s0;
	s0 =	simm.s32 @!p2 $0x0  }
0x16: {  	s3 =	sld [smem:$0x3FDB];
	s0 =	simm.s32 @p2 $0x1  }
0x17: {  	s4 =	simm.s32 $0x1BF5;
	[smem:$0x3F92] =	sst s0  }
0x18: {  	s0 =	sld [smem:$0x3F75];
	_ =	swait.ge [sflag:s4], $0x0  }
0x19: {  	s7 =	sld [smem:$0x3F76]  }
0x1a: {  	s8 =	sadd.s32 $0xFFFFE003, lr  }
0x1b: {  	s9 =	sadd.s32 $0xFFFFFEF7, lr;
	s5 =	simm.s32 $0xFFFFFFFF;
	p2 =	slt.u32 s8, $0xFFFFF086  }
0x1c: {  	p1 =	slt.u32 s9, $0xF7A;
	s5 =	simm.s32 @!p2 $0x0  }
0x1d: {  	s5 =	simm.s32 @p1 $0x1;
	p0 =	seq.s32 s7, s2  }
0x1e: {  	s7 =	smul.u32 @!p0 $0xF7A, s2;
	p2 =	seq.s32 @!p0 s5, $0x0  }
0x1f: {  	s9 =	smul.u32 $0xF7A, s1;
	s8 =	simm.s32 @!p0 $0x1BF5;
	p2 =	por !p2, p0  }
0x20: {  	[sflag:s8] =	ssyncset.s32 @!p0 $0xFFFFF086;
	s6 =	sadd.s32 @!p0 s3, s7;
	s7 =	simm.s32 @!p0 $0x108  }
0x21: {  	s3 =	sadd.s32 s3, s9;
	s6 =	sadd.s32 @!p0 $0x88, s6;
	s7 =	simm.s32 @p2 $0x1082  }
0x22: {  	[simem:s7], [sflag:s8] =	dma.local @!p0 [hbm:s6], $0xF7A  }
0x23: {  	s9 =	sor.u32 $0xD0000000, s2;
	s6 =	simm.s32 $0x108;
	_ =	swait.ge @!p0 [sflag:s8], $0x0  }
0x24: {  	s3 =	sadd.s32 $0x88, s3;
	s6 =	simm.s32 @!p1 $0x1082;
	[sflag:s4] =	ssyncset.s32 $0xFFFFF086  }
0x25: {  	[simem:s6], [sflag:s4] =	dma.local [hbm:s3], $0xF7A  }
0x26: {  	[smem:$0x3F76] =	sst s1;
	(tag) =	ssettag s2;
	_ =	strace s9  }
0x27: {  	s1 =	sld [smem:$0x3F86]  }
0x28: {  	s2 =	sld [smem:$0x3F87]  }
0x29: {  	s4 =	sld [smem:$0x3F89]  }
0x2a: {  	p0 =	seq.s32 s5, $0x0;
	s5 =	sld [smem:$0x3F8A]  }
0x2b: {  	s6 =	sld [smem:$0x3F8B]  }
0x2c: {  	s7 =	sld [smem:$0x3F8C]  }
0x2d: {  	s3 =	simm.s32 $0x108;
	s8 =	sld [smem:$0x3F8D]  }
0x2e: {  	s3 =	simm.s32 @!p0 $0x1082;
	s9 =	sld [smem:$0x3F8E]  }
0x2f: {  	lr =	sadd.s32 s0, s3;
	s0 =	sld [smem:$0x3F85]  }
0x30: {  	s3 =	sld [smem:$0x3F88]  }
0x31: {  	[smem:$0x3F91] =	sst s10  }
0x32: {  	s10 =	sld [smem:$0x3F8F];
	_ =	sdelay $0x3  }
0x33: {  	p0 =	seq.s32 s10, $0x1;
	s10 =	sld [smem:$0x3F91];
	_ =	sdelay $0x3  }
0x34: {  	[smem:$0x3F91] =	sst s10  }
0x35: {  	s10 =	sld [smem:$0x3F90];
	_ =	sdelay $0x3  }
0x36: {  	p1 =	seq.s32 s10, $0x1;
	s10 =	sld [smem:$0x3F91];
	_ =	sdelay $0x3  }
0x37: {  	[smem:$0x3F91] =	sst s10  }
0x38: {  	s10 =	sld [smem:$0x3F92]  }
0x39: {  	_ = 	snop;
	(pc) =	sbr.ind lr, $3  }
0x3a: {  	_ = 	snop  }
0x3b: {  	_ = 	snop  }
0x3c: {  	p2 =	seq.s32 s10, $0x1;
	s10 =	sld [smem:$0x3F91]  }
0x3d: {  	_ =	shalt  }
0x3e: {  	_ =	shalt  }
0x3f: {  	_ =	shalt  }
0x40: {  	_ =	shalt  }
0x41: {  	_ =	shalt  }
0x42: {  	_ =	shalt  }
0x43: {  	_ =	shalt  }
0x44: {  	_ =	shalt  }
0x45: {  	_ =	shalt  }
0x46: {  	_ =	shalt  }
0x47: {  	_ =	shalt  }
0x48: {  	_ =	shalt  }
0x49: {  	_ =	shalt  }
0x4a: {  	_ =	shalt  }
0x4b: {  	_ =	shalt  }
0x4c: {  	_ =	shalt  }
0x4d: {  	_ =	shalt  }
0x4e: {  	_ =	shalt  }
0x4f: {  	_ =	shalt  }
0x50: {  	_ =	shalt  }
0x51: {  	_ =	shalt  }
0x52: {  	_ =	shalt  }
0x53: {  	_ =	shalt  }
0x54: {  	_ =	shalt  }
0x55: {  	_ =	shalt  }
0x56: {  	_ =	shalt  }
0x57: {  	_ =	shalt  }
0x58: {  	_ =	shalt  }
0x59: {  	_ =	shalt  }
0x5a: {  	_ =	shalt  }
0x5b: {  	_ =	shalt  }
0x5c: {  	_ =	shalt  }
0x5d: {  	_ =	shalt  }
0x5e: {  	_ =	shalt  }
0x5f: {  	_ =	shalt  }
0x60: {  	_ =	shalt  }
0x61: {  	_ =	shalt  }
0x62: {  	_ =	shalt  }
0x63: {  	_ =	shalt  }
0x64: {  	_ =	shalt  }
0x65: {  	_ =	shalt  }
0x66: {  	_ =	shalt  }
0x67: {  	_ =	shalt  }
0x68: {  	_ =	shalt  }
0x69: {  	_ =	shalt  }
0x6a: {  	_ =	shalt  }
0x6b: {  	_ =	shalt  }
0x6c: {  	_ =	shalt  }
0x6d: {  	_ =	shalt  }
0x6e: {  	_ =	shalt  }
0x6f: {  	_ =	shalt  }
0x70: {  	_ =	shalt  }
0x71: {  	_ =	shalt  }
0x72: {  	_ =	shalt  }
0x73: {  	_ =	shalt  }
0x74: {  	_ =	shalt  }
0x75: {  	_ =	shalt  }
0x76: {  	_ =	shalt  }
0x77: {  	_ =	shalt  }
0x78: {  	_ =	shalt  }
0x79: {  	_ =	shalt  }
0x7a: {  	_ =	shalt  }
0x7b: {  	_ =	shalt  }
0x7c: {  	_ =	shalt  }
0x7d: {  	_ =	shalt  }
0x7e: {  	_ =	shalt  }
0x7f: {  	_ =	shalt  }
0x80: {  	_ =	shalt  }
0x81: {  	_ =	shalt  }
0x82: {  	_ =	shalt  }
0x83: {  	_ =	shalt  }
0x84: {  	_ =	shalt  }
0x85: {  	_ =	shalt  }
0x86: {  	_ =	shalt  }
0x87: {  	_ =	shalt  }
.Lfunc_end0:
.L_simem_size_0:
called_computation_lowered:
.L_overlay_start_0:
0x88: {  	s2 =	sld [smem:$0x3FD9]  }
0x89: {  	s3 =	sld [smem:$0x3FFE];
	_ =	sdelay $0x1  }
0x8a: {  	s1 =	srdreg.scid  }
0x8b: {  	s0 =	sand.u32 $0x1, s1  }
0x8c: {  	s17 =	sshll.u32 s0, $0xA;
	s2 =	sadd.s32 s3, s2  }
0x8d: {  	s2 =	sadd.s32 s2, s17  }
0x8e: {  	[smem:$0x3F9D] =	sst s2  }
0x8f: {  	_ = 	snop  }
0x90: {  	s2 =	sld [smem:$0x3FC8];
	(tm) =	ssettm $0x1  }
0x91: {  	s18 =	sld [smem:$0x3FFB];
	_ =	sdelay $0x3  }
0x92: {  	_ =	strace s18  }
0x93: {  	s3 =	sld [smem:$0x3FFC];
	_ =	sdelay $0x3  }
0x94: {  	_ =	strace s3  }
0x95: {  	s3 =	sld [smem:$0x3FFD];
	_ =	sdelay $0x3  }
0x96: {  	_ =	strace s3  }
0x97: {  	_ =	strace $0x8FFFFFFF  }
0x98: {  	s19 =	sld [smem:$0x3FDB];
	_ =	sdelay $0x1  }
0x99: {  	s4 =	simm.s32 $_scs_section_size  }
0x9a: {  	s5 =	simm.s32 $_size__tile_overlayer_lowered;
	s6 =	simm.s32 $_tile_overlayer_lowered  }
0x9b: {  	s22 =	simm.s32 $0x1BFF;
	s21 =	sshll.u32 s6, $0x1;
	s3 =	sadd.s32 s4, s19  }
0x9c: {  	s7 =	simm.s32 $0x0;
	s20 =	sshll.u32 s5, $0x1;
	s5 =	sadd.s32 s21, s3  }
0x9d: {  	[timem:s7], [sflag:s22] =	dma.local [hbm:s5], s20  }
0x9e: {  	_ =	swait.ge [sflag:s22], s20  }
0x9f: {  	s4 =	ssub.s32 $0x0, s20;
	[sflag:s22] =	ssyncset.done $0x0  }
0xa0: {  	[sflag:s22] =	ssyncadd.s32 s4;
	_ =	sdelay $0x1  }
0xa1: {  	s23 =	simm.s32 $0x1B8B  }
0xa2: {  	_ =	swait.ge [sflag:s23], $0x1  }
0xa3: {  	[sflag:s23] =	ssyncset.done $0x0  }
0xa4: {  	s25 =	simm.s32 $0x1B8E;
	s24 =	sld [smem:$0x3FFE];
	[sflag:s23] =	ssyncadd.s32 $0xFFFFFFFF  }
0xa5: {  	s26 =	simm.s32 $execute0_lowered;
	[smem:$0x3FD2] =	sst s25  }
0xa6: {  	s5 =	sshll.u32 s26, $0x1;
	_ =	strace $0x80000046;
	[dreg:$0x1] =	wrdreg $0xFFFFFFFF  }
0xa7: {  	s28 =	simm.s32 $_size_execute0_lowered;
	s3 =	sadd.s32 s3, s5;
	[dreg:$0x0] =	wrdreg $0x0  }
0xa8: {  	s5 =	sshll.u32 s28, $0x1;
	[dreg:$0x2] =	wrdreg s3  }
0xa9: {  	[dreg:$0x3] =	wrdreg s5  }
0xaa: {  	[dreg:$0x4] =	wrdreg $0xC0  }
0xab: {  	_ =	task [dreg:s7], $0x5FFFF  }
0xac: {  	[dreg:$0x1] =	wrdreg $0xFFFFFFFF  }
0xad: {  	[dreg:$0x0] =	wrdreg $0x60  }
0xae: {  	[dreg:$0x2] =	wrdreg s2  }
0xaf: {  	[dreg:$0x3] =	wrdreg s24  }
0xb0: {  	[dreg:$0x4] =	wrdreg $0x9  }
0xb1: {  	_ =	task.clear_ibuf [dreg:s7], $0x5FFFF;
	_ =	strace $0x90000046  }
0xb2: {  	s29 =	simm.s32 $0x9;
	_ =	strace $0x80000048  }
0xb3: {  	_ =	swait.ge [sflag:s29], $0x1  }
0xb4: {  	[sflag:s29] =	ssyncadd.s32 $0xFFFFFFFF  }
0xb5: {  	_ =	strace $0x90000048  }
0xb6: {  	_ =	sfence  }
0xb7: {  	s30 =	sld [smem:$0x0];
	_ =	sdelay $0x2  }
0xb8: {  	s31 =	sshll.u32 s1, $0xD;
	s1 =	sshrl.u32 s1, $0x2  }
0xb9: {  	s3 =	sand.u32 $0x4000, s31;
	s1 =	sadd.s32 s1, s30  }
0xba: {  	s0 =	sor.u32 s3, s0;
	s1 =	sshll.u32 s1, $0x11  }
0xbb: {  	s0 =	sor.u32 s1, s0  }
0xbc: {  	s0 =	sadd.s32 $0x8F2B, s0  }
0xbd: {  	[sflag:s0] =	ssyncadd.remote.s32 $0x1  }
0xbe: {  	_ =	sfence.sel $0xFFFF  }
0xbf: {  	[dreg:$0x0] =	wrdreg $0xFFFFFFFF;
	(pc) =	sbr.abs _section_cstart, $3  }
0xc0: {  	[dreg:$0x1] =	wrdreg $0xFFFFFFFF  }
0xc1: {  	_ =	task.clear_ibuf [dreg:s7], $0x2FFFF;
	_ =	strace $0x9FFFFFFF  }
0xc2: {  	(tm) =	ssettm $0x7FFFFFFF  }
0xc3: {  	_ =	shalt  }
tec
execute0_lowered:
.L_overlay_start_1:
0x0: {  	(tag) =	ssettag $0x1  }
0x1: {  	s0 =	srdreg.scid  }
0x2: {  	s3 =	sand.u32 $0x1, s0;
	s0 =	stileid.u32  }
0x3: {  	s5 =	sshll.u32 s0, $0x1;
	s6 =	ssub.s32 $0x0, s3  }
0x4: {  	p0 =	sne.s32 s5, s6  }
.Ltmp0:
0x5: {  	_ = 	snop;
	(pc) =	sbr.rel @p0 .LBB2_3-.Ltmp0, $4  }
0x6: {  	_ = 	snop  }
0x7: {  	s2 =	rddreg [dreg:$0x0]  }
0x8: {  	s4 =	rddreg [dreg:$0x1]  }
0x9: {  	s1 =	rddreg [dreg:$0x2];
	_ =	strace $0x80000047  }
0xa: {  	v0 =	vlaneseq.u32  }
0xb: {  	v1 =	vmul.u32 $0x200, v0  }
0xc: {  	s3 =	ssub.s32 $0x2, s3;
	v2 =	vimm.s32 $0x4000;
	v3 =	vimm.s32 $0x0;
	s6 =	simm.s32 $0x0;
	s7 =	simm.s32 $0x1  }
0xd: {  	v4 =	vimm.s32 $0x2000;
	s8 =	simm.s32 $0x8000;
	s9 =	simm.s32 $0x8080;
	s5 =	sshrl.u32 s3, $0x1;
	v5 =	vadd.s32 $0x1, v0;
	v6 =	vor.u32 $0x1FF, v1  }
0xe: {  	s10 =	simm.s32 $0x2;
	s11 =	simm.s32 $0x80C0;
	s5 =	ssub.s32 s3, s5;
	v7 =	vor.u32 $0x2000, v1;
	v8 =	vor.u32 $0x21FF, v1;
	v9 =	vor.u32 $0x4000, v1  }
0xf: {  	s3 =	sadd.s32 $0x5400, s4;
	s4 =	sadd.s32 $0x5600, s4;
	s5 =	smax.u32 s5, $0x1;
	v10 =	vor.u32 $0x41FF, v1;
	v11 =	vor.u32 $0x6000, v1;
	v12 =	vor.u32 $0x61FF, v1  }
.LBB2_2:
0x10: {  	[tilespmem:s6], [sflag:$0x1] =	stream.linear.gather [hbm4b:s2+s6], $0x8000, $0x38;
	[tilespmem:$0x8100] =	vst v63  }
0x11: {  	_ =	swait.ge [sflag:s7], $0x8000  }
0x12: {  	[sflag:s7] =	ssyncset.done $0x0  }
0x13: {  	[sflag:s7] =	ssyncadd.s32 $0xFFFF8000  }
0x14: {  	v13 =	vld.idx.msk [tilespmem:v2+s6+$0x0], $0xffff;
	_ =	sdelay $0x4  }
0x15: {  	vm0 =	vlt.s32 v13, v0  }
0x16: {  	v13 =	vsel vm0, $0x6000, v4;
	_ =	sdelay $0x4  }
0x17: {  	v14 =	vld.idx.msk [tilespmem:v13+s6+$0x0], $0xffff;
	_ =	sdelay $0x4  }
0x18: {  	v15 =	vsel vm0, $0x8000, v2;
	vm1 =	vlt.s32 v14, v0  }
0x19: {  	v16 =	vor.u32 $0x1, v13;
	v14 =	vsel vm0, $0x4001, v3;
	v13 =	vsel vm1, v15, v13  }
0x1a: {  	v14 =	vsel vm1, v16, v14;
	v15 =	vadd.s32 $0xFFFFFFFF, v13  }
0x1b: {  	v16 =	vxor.u32 v15, v14  }
0x1c: {  	v15 =	vor.u32 v15, v14;
	v16 =	vshrl.u32 v16, $0x1  }
0x1d: {  	v15 =	vsub.s32 v15, v16;
	_ =	sdelay $0x4  }
0x1e: {  	v16 =	vld.idx.msk [tilespmem:v15+s6+$0x0], $0xffff;
	_ =	sdelay $0x4  }
0x1f: {  	v59 =	vor.u32 $0x1, v15;
	vm10 =	vlt.s32 v16, v0  }
0x20: {  	v14 =	vsel vm10, v59, v14;
	v13 =	vsel vm10, v13, v15  }
0x21: {  	v15 =	vxor.u32 v13, v14  }
0x22: {  	v16 =	vand.u32 v13, v14;
	v15 =	vshrl.u32 v15, $0x1  }
0x23: {  	v15 =	vadd.s32 v15, v16;
	_ =	sdelay $0x4  }
0x24: {  	v16 =	vld.idx.msk [tilespmem:v15+s6+$0x0], $0xffff;
	_ =	sdelay $0x4  }
0x25: {  	v60 =	vadd.s32 $0x1, v15;
	vm11 =	vlt.s32 v16, v0  }
0x26: {  	v14 =	vsel vm11, v60, v14;
	v13 =	vsel vm11, v13, v15  }
0x27: {  	v15 =	vadd.s32 v13, v14  }
0x28: {  	v15 =	vshrl.u32 v15, $0x1;
	_ =	sdelay $0x4  }
0x29: {  	v61 =	vld.idx.msk [tilespmem:v15+s6+$0x0], $0xffff;
	_ =	sdelay $0x4  }
0x2a: {  	v62 =	vadd.s32 $0x1, v15;
	vm12 =	vlt.s32 v61, v0  }
0x2b: {  	v14 =	vsel vm12, v62, v14;
	v13 =	vsel vm12, v13, v15  }
0x2c: {  	v15 =	vadd.s32 v13, v14  }
0x2d: {  	v15 =	vshrl.u32 v15, $0x1;
	_ =	sdelay $0x4  }
0x2e: {  	v63 =	vld.idx.msk [tilespmem:v15+s6+$0x0], $0xffff;
	_ =	sdelay $0x4  }
0x2f: {  	v20 =	vadd.s32 $0x1, v15;
	vm13 =	vlt.s32 v63, v0  }
0x30: {  	v14 =	vsel vm13, v20, v14;
	v13 =	vsel vm13, v13, v15  }
0x31: {  	v15 =	vadd.s32 v13, v14  }
0x32: {  	v15 =	vshrl.u32 v15, $0x1;
	_ =	sdelay $0x4  }
0x33: {  	v21 =	vld.idx.msk [tilespmem:v15+s6+$0x0], $0xffff;
	_ =	sdelay $0x4  }
0x34: {  	v22 =	vadd.s32 $0x1, v15;
	vm14 =	vlt.s32 v21, v0  }
0x35: {  	v14 =	vsel vm14, v22, v14;
	v13 =	vsel vm14, v13, v15  }
0x36: {  	v15 =	vadd.s32 v13, v14  }
0x37: {  	v15 =	vshrl.u32 v15, $0x1;
	_ =	sdelay $0x4  }
0x38: {  	v23 =	vld.idx.msk [tilespmem:v15+s6+$0x0], $0xffff;
	_ =	sdelay $0x4  }
0x39: {  	v24 =	vadd.s32 $0x1, v15;
	vm15 =	vlt.s32 v23, v0  }
0x3a: {  	v14 =	vsel vm15, v24, v14;
	v13 =	vsel vm15, v13, v15  }
0x3b: {  	v15 =	vadd.s32 v13, v14  }
0x3c: {  	v15 =	vshrl.u32 v15, $0x1;
	_ =	sdelay $0x4  }
0x3d: {  	v25 =	vld.idx.msk [tilespmem:v15+s6+$0x0], $0xffff;
	_ =	sdelay $0x4  }
0x3e: {  	v26 =	vadd.s32 $0x1, v15;
	vm4 =	vlt.s32 v25, v0  }
0x3f: {  	v14 =	vsel vm4, v26, v14;
	v13 =	vsel vm4, v13, v15  }
0x40: {  	v15 =	vadd.s32 v13, v14  }
0x41: {  	v15 =	vshrl.u32 v15, $0x1;
	_ =	sdelay $0x4  }
0x42: {  	v27 =	vld.idx.msk [tilespmem:v15+s6+$0x0], $0xffff;
	_ =	sdelay $0x4  }
0x43: {  	v28 =	vadd.s32 $0x1, v15;
	vm5 =	vlt.s32 v27, v0  }
0x44: {  	v14 =	vsel vm5, v28, v14;
	v13 =	vsel vm5, v13, v15  }
0x45: {  	v15 =	vadd.s32 v13, v14  }
0x46: {  	v15 =	vshrl.u32 v15, $0x1;
	_ =	sdelay $0x4  }
0x47: {  	v29 =	vld.idx.msk [tilespmem:v15+s6+$0x0], $0xffff;
	_ =	sdelay $0x4  }
0x48: {  	v30 =	vadd.s32 $0x1, v15;
	vm6 =	vlt.s32 v29, v0  }
0x49: {  	v14 =	vsel vm6, v30, v14;
	v13 =	vsel vm6, v13, v15  }
0x4a: {  	v15 =	vadd.s32 v13, v14  }
0x4b: {  	v15 =	vshrl.u32 v15, $0x1;
	_ =	sdelay $0x4  }
0x4c: {  	v31 =	vld.idx.msk [tilespmem:v15+s6+$0x0], $0xffff;
	_ =	sdelay $0x4  }
0x4d: {  	v32 =	vadd.s32 $0x1, v15;
	vm7 =	vlt.s32 v31, v0  }
0x4e: {  	v14 =	vsel vm7, v32, v14;
	v13 =	vsel vm7, v13, v15  }
0x4f: {  	v15 =	vadd.s32 v13, v14  }
0x50: {  	v15 =	vshrl.u32 v15, $0x1;
	_ =	sdelay $0x4  }
0x51: {  	v33 =	vld.idx.msk [tilespmem:v15+s6+$0x0], $0xffff;
	_ =	sdelay $0x4  }
0x52: {  	v34 =	vadd.s32 $0x1, v15;
	vm8 =	vlt.s32 v33, v0  }
0x53: {  	v14 =	vsel vm8, v34, v14;
	v13 =	vsel vm8, v13, v15  }
0x54: {  	v15 =	vadd.s32 v13, v14  }
0x55: {  	v15 =	vshrl.u32 v15, $0x1;
	_ =	sdelay $0x4  }
0x56: {  	v35 =	vld.idx.msk [tilespmem:v15+s6+$0x0], $0xffff;
	_ =	sdelay $0x4  }
0x57: {  	v36 =	vadd.s32 $0x1, v15;
	vm9 =	vlt.s32 v35, v0  }
0x58: {  	v14 =	vsel vm9, v36, v14;
	v13 =	vsel vm9, v13, v15  }
0x59: {  	v15 =	vadd.s32 v13, v14  }
0x5a: {  	v15 =	vshrl.u32 v15, $0x1;
	_ =	sdelay $0x4  }
0x5b: {  	v37 =	vld.idx.msk [tilespmem:v15+s6+$0x0], $0xffff;
	_ =	sdelay $0x4  }
0x5c: {  	v38 =	vadd.s32 $0x1, v15;
	vm10 =	vlt.s32 v37, v0  }
0x5d: {  	v14 =	vsel vm10, v38, v14;
	v13 =	vsel vm10, v13, v15  }
0x5e: {  	v13 =	vadd.s32 v13, v14  }
0x5f: {  	v13 =	vshrl.u32 v13, $0x1  }
0x60: {  	v13 =	vmin.u32 v13, $0x7FFF;
	_ =	sdelay $0x4  }
0x61: {  	v15 =	vld.idx.msk [tilespmem:v13+s6+$0x0], $0xffff;
	_ =	sdelay $0x4  }
0x62: {  	v13 =	vadd.s32 $0x1, v13;
	vm11 =	vlt.s32 v15, v0  }
0x63: {  	v13 =	vsel vm11, v13, v14  }
0x64: {  	[tilespmem:$0x8000] =	vst v13  }
0x65: {  	v13 =	vld.idx.msk [tilespmem:v2+s6+$0x0], $0xffff;
	_ =	sdelay $0x4  }
0x66: {  	vm12 =	vlt.s32 v13, v5  }
0x67: {  	v13 =	vsel vm12, $0x6000, v4;
	_ =	sdelay $0x4  }
0x68: {  	v14 =	vld.idx.msk [tilespmem:v13+s6+$0x0], $0xffff;
	_ =	sdelay $0x4  }
0x69: {  	v15 =	vsel vm12, $0x8000, v2;
	vm13 =	vlt.s32 v14, v5  }
0x6a: {  	v39 =	vor.u32 $0x1, v13;
	v14 =	vsel vm12, $0x4001, v3;
	v13 =	vsel vm13, v15, v13  }
0x6b: {  	v14 =	vsel vm13, v39, v14;
	v15 =	vadd.s32 $0xFFFFFFFF, v13  }
0x6c: {  	v16 =	vxor.u32 v15, v14  }
0x6d: {  	v15 =	vor.u32 v15, v14;
	v16 =	vshrl.u32 v16, $0x1  }
0x6e: {  	v15 =	vsub.s32 v15, v16;
	_ =	sdelay $0x4  }
0x6f: {  	v16 =	vld.idx.msk [tilespmem:v15+s6+$0x0], $0xffff;
	_ =	sdelay $0x4  }
0x70: {  	v40 =	vor.u32 $0x1, v15;
	vm14 =	vlt.s32 v16, v5  }
0x71: {  	v14 =	vsel vm14, v40, v14;
	v13 =	vsel vm14, v13, v15  }
0x72: {  	v15 =	vxor.u32 v13, v14  }
0x73: {  	v16 =	vand.u32 v13, v14;
	v15 =	vshrl.u32 v15, $0x1  }
0x74: {  	v15 =	vadd.s32 v15, v16;
	_ =	sdelay $0x4  }
0x75: {  	v16 =	vld.idx.msk [tilespmem:v15+s6+$0x0], $0xffff;
	_ =	sdelay $0x4  }
0x76: {  	v41 =	vadd.s32 $0x1, v15;
	vm15 =	vlt.s32 v16, v5  }
0x77: {  	v14 =	vsel vm15, v41, v14;
	v13 =	vsel vm15, v13, v15  }
0x78: {  	v15 =	vadd.s32 v13, v14  }
0x79: {  	v15 =	vshrl.u32 v15, $0x1;
	_ =	sdelay $0x4  }
0x7a: {  	v42 =	vld.idx.msk [tilespmem:v15+s6+$0x0], $0xffff;
	_ =	sdelay $0x4  }
0x7b: {  	v43 =	vadd.s32 $0x1, v15;
	vm4 =	vlt.s32 v42, v5  }
0x7c: {  	v14 =	vsel vm4, v43, v14;
	v13 =	vsel vm4, v13, v15  }
0x7d: {  	v15 =	vadd.s32 v13, v14  }
0x7e: {  	v15 =	vshrl.u32 v15, $0x1;
	_ =	sdelay $0x4  }
0x7f: {  	v44 =	vld.idx.msk [tilespmem:v15+s6+$0x0], $0xffff;
	_ =	sdelay $0x4  }
0x80: {  	v45 =	vadd.s32 $0x1, v15;
	vm5 =	vlt.s32 v44, v5  }
0x81: {  	v14 =	vsel vm5, v45, v14;
	v13 =	vsel vm5, v13, v15  }
0x82: {  	v15 =	vadd.s32 v13, v14  }
0x83: {  	v15 =	vshrl.u32 v15, $0x1;
	_ =	sdelay $0x4  }
0x84: {  	v46 =	vld.idx.msk [tilespmem:v15+s6+$0x0], $0xffff;
	_ =	sdelay $0x4  }
0x85: {  	v47 =	vadd.s32 $0x1, v15;
	vm6 =	vlt.s32 v46, v5  }
0x86: {  	v14 =	vsel vm6, v47, v14;
	v13 =	vsel vm6, v13, v15  }
0x87: {  	v15 =	vadd.s32 v13, v14  }
0x88: {  	v15 =	vshrl.u32 v15, $0x1;
	_ =	sdelay $0x4  }
0x89: {  	v48 =	vld.idx.msk [tilespmem:v15+s6+$0x0], $0xffff;
	_ =	sdelay $0x4  }
0x8a: {  	v49 =	vadd.s32 $0x1, v15;
	vm7 =	vlt.s32 v48, v5  }
0x8b: {  	v14 =	vsel vm7, v49, v14;
	v13 =	vsel vm7, v13, v15  }
0x8c: {  	v15 =	vadd.s32 v13, v14  }
0x8d: {  	v15 =	vshrl.u32 v15, $0x1;
	_ =	sdelay $0x4  }
0x8e: {  	v50 =	vld.idx.msk [tilespmem:v15+s6+$0x0], $0xffff;
	_ =	sdelay $0x4  }
0x8f: {  	v51 =	vadd.s32 $0x1, v15;
	vm8 =	vlt.s32 v50, v5  }
0x90: {  	v14 =	vsel vm8, v51, v14;
	v13 =	vsel vm8, v13, v15  }
0x91: {  	v15 =	vadd.s32 v13, v14  }
0x92: {  	v15 =	vshrl.u32 v15, $0x1;
	_ =	sdelay $0x4  }
0x93: {  	v52 =	vld.idx.msk [tilespmem:v15+s6+$0x0], $0xffff;
	_ =	sdelay $0x4  }
0x94: {  	v53 =	vadd.s32 $0x1, v15;
	vm9 =	vlt.s32 v52, v5  }
0x95: {  	v14 =	vsel vm9, v53, v14;
	v13 =	vsel vm9, v13, v15  }
0x96: {  	v15 =	vadd.s32 v13, v14  }
0x97: {  	v15 =	vshrl.u32 v15, $0x1;
	_ =	sdelay $0x4  }
0x98: {  	v54 =	vld.idx.msk [tilespmem:v15+s6+$0x0], $0xffff;
	_ =	sdelay $0x4  }
0x99: {  	v55 =	vadd.s32 $0x1, v15;
	vm10 =	vlt.s32 v54, v5  }
0x9a: {  	v14 =	vsel vm10, v55, v14;
	v13 =	vsel vm10, v13, v15  }
0x9b: {  	v15 =	vadd.s32 v13, v14  }
0x9c: {  	v15 =	vshrl.u32 v15, $0x1;
	_ =	sdelay $0x4  }
0x9d: {  	v56 =	vld.idx.msk [tilespmem:v15+s6+$0x0], $0xffff;
	_ =	sdelay $0x4  }
0x9e: {  	v57 =	vadd.s32 $0x1, v15;
	vm11 =	vlt.s32 v56, v5  }
0x9f: {  	v14 =	vsel vm11, v57, v14;
	v13 =	vsel vm11, v13, v15  }
0xa0: {  	v15 =	vadd.s32 v13, v14  }
0xa1: {  	v15 =	vshrl.u32 v15, $0x1;
	_ =	sdelay $0x4  }
0xa2: {  	v58 =	vld.idx.msk [tilespmem:v15+s6+$0x0], $0xffff;
	_ =	sdelay $0x4  }
0xa3: {  	v59 =	vadd.s32 $0x1, v15;
	vm12 =	vlt.s32 v58, v5  }
0xa4: {  	v14 =	vsel vm12, v59, v14;
	v13 =	vsel vm12, v13, v15  }
0xa5: {  	v15 =	vadd.s32 v13, v14  }
0xa6: {  	v15 =	vshrl.u32 v15, $0x1;
	_ =	sdelay $0x4  }
0xa7: {  	v60 =	vld.idx.msk [tilespmem:v15+s6+$0x0], $0xffff;
	_ =	sdelay $0x4  }
0xa8: {  	v61 =	vadd.s32 $0x1, v15;
	vm13 =	vlt.s32 v60, v5  }
0xa9: {  	v14 =	vsel vm13, v61, v14;
	v13 =	vsel vm13, v13, v15  }
0xaa: {  	v15 =	vadd.s32 v13, v14  }
0xab: {  	v15 =	vshrl.u32 v15, $0x1;
	_ =	sdelay $0x4  }
0xac: {  	v62 =	vld.idx.msk [tilespmem:v15+s6+$0x0], $0xffff;
	_ =	sdelay $0x4  }
0xad: {  	v63 =	vadd.s32 $0x1, v15;
	vm14 =	vlt.s32 v62, v5  }
0xae: {  	v14 =	vsel vm14, v63, v14;
	v13 =	vsel vm14, v13, v15  }
0xaf: {  	v13 =	vadd.s32 v13, v14  }
0xb0: {  	v13 =	vshrl.u32 v13, $0x1  }
0xb1: {  	v13 =	vmin.u32 v13, $0x7FFF;
	_ =	sdelay $0x4  }
0xb2: {  	v15 =	vld.idx.msk [tilespmem:v13+s6+$0x0], $0xffff;
	_ =	sdelay $0x4  }
0xb3: {  	v13 =	vadd.s32 $0x1, v13;
	vm15 =	vlt.s32 v15, v5  }
0xb4: {  	v13 =	vsel vm15, v13, v14  }
0xb5: {  	[tilespmem:$0x8010] =	vst v13  }
0xb6: {  	v13 =	vld.idx.msk [tilespmem:v6+s6+$0x0], $0xffff;
	_ =	sdelay $0x2  }
0xb7: {  	v14 =	vld.idx.msk [tilespmem:v1+s6+$0x0], $0xffff;
	_ =	sdelay $0x1  }
0xb8: {  	v13 =	vadd.s32 $0x10, v13;
	_ =	sdelay $0x4  }
0xb9: {  	v13 =	vld.idx.msk [tilespmem:v13+s8+$0x0], $0xffff  }
0xba: {  	v14 =	vld.idx.msk [tilespmem:v14+s8+$0x0], $0xffff;
	_ =	sdelay $0x3  }
0xbb: {  	v13 =	vadd.s32 $0xFFFFFFFF, v13  }
0xbc: {  	v14 =	vshrl.u32 v14, $0xA;
	v13 =	vshrl.u32 v13, $0xA  }
0xbd: {  	v13 =	vsub.s32 v13, v14  }
0xbe: {  	[tilespmem:$0x8080] =	vst v14;
	v13 =	vadd.s32 $0x1, v13  }
0xbf: {  	[tilespmem:$0x80C0] =	vst v13  }
0xc0: {  	v13 =	vld.idx.msk [tilespmem:v8+s6+$0x0], $0xffff;
	_ =	sdelay $0x2  }
0xc1: {  	v14 =	vld.idx.msk [tilespmem:v7+s6+$0x0], $0xffff;
	_ =	sdelay $0x1  }
0xc2: {  	v13 =	vadd.s32 $0x10, v13;
	_ =	sdelay $0x4  }
0xc3: {  	v13 =	vld.idx.msk [tilespmem:v13+s8+$0x0], $0xffff  }
0xc4: {  	v14 =	vld.idx.msk [tilespmem:v14+s8+$0x0], $0xffff;
	_ =	sdelay $0x3  }
0xc5: {  	v13 =	vadd.s32 $0xFFFFFFFF, v13  }
0xc6: {  	v14 =	vshrl.u32 v14, $0xA;
	v13 =	vshrl.u32 v13, $0xA  }
0xc7: {  	v13 =	vsub.s32 v13, v14  }
0xc8: {  	[tilespmem:$0x8090] =	vst v14;
	v13 =	vadd.s32 $0x1, v13  }
0xc9: {  	[tilespmem:$0x80D0] =	vst v13  }
0xca: {  	v13 =	vld.idx.msk [tilespmem:v10+s6+$0x0], $0xffff;
	_ =	sdelay $0x2  }
0xcb: {  	v14 =	vld.idx.msk [tilespmem:v9+s6+$0x0], $0xffff;
	_ =	sdelay $0x1  }
0xcc: {  	v13 =	vadd.s32 $0x10, v13;
	_ =	sdelay $0x4  }
0xcd: {  	v13 =	vld.idx.msk [tilespmem:v13+s8+$0x0], $0xffff  }
0xce: {  	v14 =	vld.idx.msk [tilespmem:v14+s8+$0x0], $0xffff;
	_ =	sdelay $0x3  }
0xcf: {  	v13 =	vadd.s32 $0xFFFFFFFF, v13  }
0xd0: {  	v14 =	vshrl.u32 v14, $0xA;
	v13 =	vshrl.u32 v13, $0xA  }
0xd1: {  	v13 =	vsub.s32 v13, v14  }
0xd2: {  	[tilespmem:$0x80A0] =	vst v14;
	v13 =	vadd.s32 $0x1, v13  }
0xd3: {  	[tilespmem:$0x80E0] =	vst v13  }
0xd4: {  	v13 =	vld.idx.msk [tilespmem:v12+s6+$0x0], $0xffff;
	_ =	sdelay $0x2  }
0xd5: {  	v14 =	vld.idx.msk [tilespmem:v11+s6+$0x0], $0xffff;
	_ =	sdelay $0x1  }
0xd6: {  	v13 =	vadd.s32 $0x10, v13;
	_ =	sdelay $0x4  }
0xd7: {  	v13 =	vld.idx.msk [tilespmem:v13+s8+$0x0], $0xffff  }
0xd8: {  	v14 =	vld.idx.msk [tilespmem:v14+s8+$0x0], $0xffff;
	_ =	sdelay $0x3  }
0xd9: {  	v13 =	vadd.s32 $0xFFFFFFFF, v13  }
0xda: {  	v14 =	vshrl.u32 v14, $0xA;
	v13 =	vshrl.u32 v13, $0xA  }
0xdb: {  	v13 =	vsub.s32 v13, v14  }
0xdc: {  	[tilespmem:$0x80B0] =	vst v14;
	v13 =	vadd.s32 $0x1, v13  }
0xdd: {  	[tilespmem:$0x80F0] =	vst v13  }
0xde: {  	[hbm4b:s3+s6] =	stream.linear.scatter [tilespmem:s9], [sflag:$0x2], $0x40, $0x38;
	[tilespmem:$0x8100] =	vst v63  }
0xdf: {  	_ =	swait.ge [sflag:s10], $0x40  }
0xe0: {  	p0 =	sne.s32 s5, $0x1;
	[sflag:s10] =	ssyncset.done $0x0  }
.Ltmp1:
0xe1: {  	[sflag:s10] =	ssyncadd.s32 $0xFFFFFFC0;
	(pc) =	sbr.rel @p0 .LBB2_2-.Ltmp1, $4  }
0xe2: {  	[hbm4b:s4+s6] =	stream.linear.scatter [tilespmem:s11], [sflag:$0x2], $0x40, $0x38;
	[tilespmem:$0x8100] =	vst v63  }
0xe3: {  	_ =	swait.ge [sflag:s10], $0x40  }
0xe4: {  	[sflag:s10] =	ssyncset.done $0x0  }
0xe5: {  	s5 =	sadd.s32 $0xFFFFFFFF, s5;
	[sflag:s10] =	ssyncadd.s32 $0xFFFFFFC0  }
.LBB2_3:
0xe6: {  	_ =	sfence.sel $0x180000  }
0xe7: {  	[bflag:$0x0] =	sbarrier.arrive $0xFFFF  }
0xe8: {  	p0 =	sne.s32 s0, $0x0;
	_ =	strace $0x90000047  }
0xe9: {  	s0 =	sadd.s32 @!p0 $0x100000, s1;
	[bflag:$0x2] =	sbarrier.arrive $0xFFFF  }
0xea: {  	[sflag:s0] =	ssyncadd.tile.s32 @!p0 $0x1;
	_ =	shalt  }
.Lfunc_end2:
_tile_overlayer_lowered:
.L_overlay_start_2:
0xeb: {  	(tag) =	ssettag $0x2  }
0xec: {  	s0 =	rddreg [dreg:$0x0];
	s2 =	stileid.u32  }
0xed: {  	s1 =	rddreg [dreg:$0x1];
	p0 =	sne.s32 s2, $0x0  }
0xee: {  	s3 =	rddreg [dreg:$0x2];
	[bflag:$0x3] =	sbarrier.arrive $0xFFFF;
	s2 =	simm.s32 @!p0 $0x1C02  }
0xef: {  	[timem:s3], [sflag:s2] =	dma.local @!p0 [hbm:s0], s1  }
0xf0: {  	s0 =	simm.s32 @!p0 $0x2  }
0xf1: {  	_ =	swait.ge @!p0 [sflag:s0], s1  }
0xf2: {  	s1 =	ssub.s32 @!p0 $0x0, s1;
	[sflag:s0] =	ssyncset.done @!p0 $0x0  }
0xf3: {  	[sflag:s0] =	ssyncadd.s32 @!p0 s1  }
0xf4: {  	[bflag:$0x3] =	sbarrier.arrive $0xFFFF  }
0xf5: {  	_ =	shalt  }

</sc_bundles>
